<compile_context>
chip_gen: v7x
topology: tpu7x:2x2x1
jax: 0.10.2.dev20260603
libtpu: 0.0.44.dev20260713+nightly
codegen_flags: <defaults>
</compile_context>

<pallas_src>
import functools

import jax
import jax.numpy as jnp
from jax import lax
from jax.experimental import pallas as pl
from jax.experimental.pallas import tpu as pltpu
from jax.experimental.pallas import tpu_sc as plsc

N = 100000
E = 1600000

NT = 100352
TC_BLK = 2048
TC_GRID = NT // TC_BLK
TP16 = NT * 16 // 128
TP32 = NT * 32 // 128
PB16 = TC_BLK * 16 // 128
PB32 = TC_BLK * 32 // 128

NSC = 2
NTILE = 16
ROWS_PER_TILE = NT // NTILE
CHUNK = 128
K = 6
NCH = E // CHUNK
BULK = 12480
TAIL = NCH - BULK
C_T1 = BULK // NTILE
G1 = C_T1 // K
C_T2 = BULK // (NSC * NTILE)
G2 = C_T2 // K

_mesh = plsc.VectorSubcoreMesh(core_axis_name="c", subcore_axis_name="s")

_SC_SCRATCH = [
    pltpu.VMEM((2, K, CHUNK), jnp.int32),
    pltpu.VMEM((2, K, CHUNK), jnp.int32),
    pltpu.VMEM((2, K, CHUNK, 16), jnp.float32),
    pltpu.VMEM((CHUNK, 16), jnp.float32),
    pltpu.VMEM_SHARED((NT, 16), jnp.float32),
    pltpu.SemaphoreType.DMA,
    pltpu.SemaphoreType.DMA,
]

_SC_OUT = [jax.ShapeDtypeStruct((NT, 16), jnp.float32),
           jax.ShapeDtypeStruct((NT, 16), jnp.float32)]



def _sc_zero_acc(acc, zbuf, s):
    def zb(i, carry):
        zbuf[i, :] = jnp.zeros((16,), jnp.float32)
        return carry
    lax.fori_loop(0, CHUNK, zb, 0)
    base = s * ROWS_PER_TILE

    def zacc(i, carry):
        pltpu.sync_copy(zbuf, acc.at[pl.ds(base + i * CHUNK, CHUNK)])
        return carry
    lax.fori_loop(0, ROWS_PER_TILE // CHUNK, zacc, 0)


def _sc_writeout(acc, out_a, out_b, c, s):
    sl = pl.ds(s * ROWS_PER_TILE, ROWS_PER_TILE)

    @pl.when(c == 0)
    def _():
        pltpu.sync_copy(acc.at[sl], out_a.at[sl])

    @pl.when(c != 0)
    def _():
        pltpu.sync_copy(acc.at[sl], out_b.at[sl])


def _sc_segment_sum(fire_gathers, gather_one, drain_tab, e3, acc,
                    sidx, didx, rows, gsem, ssem,
                    chunk0, ngroups, tail0, ntail, tail_stride):
    def load_idx(g, b):
        ch0 = chunk0 + g * K
        pltpu.sync_copy(e3.at[pl.ds(ch0, K)], sidx.at[b])
        pltpu.sync_copy(e3.at[pl.ds(NCH + ch0, K)], didx.at[b])

    def drain(b, sem):
        for j in range(K):
            pltpu.make_async_copy(
                drain_tab.at[pl.ds(0, CHUNK)], rows.at[b, j], sem).wait()

    def fire_scatters(b):
        for j in range(K):
            pltpu.async_copy(rows.at[b, j], acc.at[didx.at[b, j]], ssem,
                             add=True)

    load_idx(0, 0)
    fire_gathers(0)

    def grp(g, carry):
        b = lax.rem(g, 2)
        nb = lax.rem(g + 1, 2)

        @pl.when(g + 1 < ngroups)
        def _():
            load_idx(g + 1, nb)
        drain(b, gsem)
        fire_scatters(b)

        @pl.when(g + 1 < ngroups)
        def _():
            fire_gathers(nb)
        drain(b, ssem)
        return carry
    lax.fori_loop(0, ngroups, grp, 0)

    def tl(k, carry):
        ch = tail0 + tail_stride * k
        pltpu.sync_copy(e3.at[pl.ds(ch, 1)], sidx.at[0, pl.ds(0, 1)])
        pltpu.sync_copy(e3.at[pl.ds(NCH + ch, 1)], didx.at[0, pl.ds(0, 1)])
        gather_one()
        pltpu.sync_copy(rows.at[0, 0], acc.at[didx.at[0, 0]], add=True)
        return carry
    lax.fori_loop(0, ntail, tl, 0)


@functools.partial(
    pl.kernel,
    out_type=_SC_OUT,
    mesh=_mesh,
    scratch_types=_SC_SCRATCH,
    compiler_params=pltpu.CompilerParams(use_tc_tiling_on_sc=False),
)
def _sc_layer1(tab_a, tab_b, e3, out_a, out_b,
               sidx, didx, rows, zbuf, acc, gsem, ssem):
    c = lax.axis_index("c")
    s = lax.axis_index("s")
    _sc_zero_acc(acc, zbuf, s)
    plsc.subcore_barrier()

    def fire_gathers(b):
        for j in range(K):
            @pl.when(c == 0)
            def _():
                pltpu.async_copy(tab_a.at[sidx.at[b, j]], rows.at[b, j], gsem)

            @pl.when(c != 0)
            def _():
                pltpu.async_copy(tab_b.at[sidx.at[b, j]], rows.at[b, j], gsem)

    def gather_one():
        @pl.when(c == 0)
        def _():
            pltpu.async_copy(tab_a.at[sidx.at[0, 0]], rows.at[0, 0],
                             gsem).wait()

        @pl.when(c != 0)
        def _():
            pltpu.async_copy(tab_b.at[sidx.at[0, 0]], rows.at[0, 0],
                             gsem).wait()

    ntail = jnp.where(s < TAIL - NTILE, 2, 1)
    _sc_segment_sum(fire_gathers, gather_one, tab_a, e3, acc,
                    sidx, didx, rows, gsem, ssem,
                    chunk0=s * C_T1, ngroups=G1,
                    tail0=BULK + s, ntail=ntail, tail_stride=NTILE)

    plsc.subcore_barrier()
    _sc_writeout(acc, out_a, out_b, c, s)


@functools.partial(
    pl.kernel,
    out_type=_SC_OUT,
    mesh=_mesh,
    scratch_types=_SC_SCRATCH,
    compiler_params=pltpu.CompilerParams(use_tc_tiling_on_sc=False),
)
def _sc_layer2(tab, e3, out_a, out_b,
               sidx, didx, rows, zbuf, acc, gsem, ssem):
    c = lax.axis_index("c")
    s = lax.axis_index("s")
    wid = c * NTILE + s
    _sc_zero_acc(acc, zbuf, s)
    plsc.subcore_barrier()

    def fire_gathers(b):
        for j in range(K):
            pltpu.async_copy(tab.at[sidx.at[b, j]], rows.at[b, j], gsem)

    def gather_one():
        pltpu.async_copy(tab.at[sidx.at[0, 0]], rows.at[0, 0], gsem).wait()

    ntail = jnp.where(wid < TAIL, 1, 0)
    _sc_segment_sum(fire_gathers, gather_one, tab, e3, acc,
                    sidx, didx, rows, gsem, ssem,
                    chunk0=wid * C_T2, ngroups=G2,
                    tail0=BULK + wid, ntail=ntail,
                    tail_stride=NSC * NTILE)

    plsc.subcore_barrier()
    _sc_writeout(acc, out_a, out_b, c, s)



def _tc_a_body(xr_ref, sel_ref, wa_ref, wb_ref, v_ref,
               ha_ref, hb_ref, ra_ref, rb_ref):
    xr = xr_ref[...]
    xa = jnp.dot(xr, sel_ref[0], preferred_element_type=jnp.float32)
    xb = jnp.dot(xr, sel_ref[1], preferred_element_type=jnp.float32)
    outs = [ha_ref, hb_ref, ra_ref, rb_ref]
    for i in range(4):
        outs[i][...] = (
            jnp.dot(xa, wa_ref[i], preferred_element_type=jnp.float32)
            + jnp.dot(xb, wb_ref[i], preferred_element_type=jnp.float32)
            + v_ref[i:i + 1, :])


def _tc_b_body(a_ref, b_ref, ra_ref, rb_ref, s5_ref, w2_ref, b2_ref,
               h2_ref, r2_ref):
    a = a_ref[...]
    b = b_ref[...]
    recip = 1.0 / jnp.maximum(
        jnp.dot(b, s5_ref[...], preferred_element_type=jnp.float32), 1.0)
    y1a = jnp.maximum(a * recip + ra_ref[...], 0.0)
    y1b = jnp.maximum(b * recip + rb_ref[...], 0.0)
    h2_ref[...] = (
        jnp.dot(y1a, w2_ref[0], preferred_element_type=jnp.float32)
        + jnp.dot(y1b, w2_ref[1], preferred_element_type=jnp.float32))
    r2_ref[...] = (
        jnp.dot(y1a, w2_ref[2], preferred_element_type=jnp.float32)
        + jnp.dot(y1b, w2_ref[3], preferred_element_type=jnp.float32)
        + b2_ref[...])


def _tc_c_body(a_ref, b_ref, r2_ref, cb_ref, s5_ref, out_ref):
    recip = 1.0 / jnp.maximum(
        jnp.dot(cb_ref[...], s5_ref[...], preferred_element_type=jnp.float32),
        1.0)
    out_ref[...] = jnp.maximum(
        (a_ref[...] + b_ref[...]) * recip + r2_ref[...], 0.0)


def _pk_spec():
    return pl.BlockSpec((PB16, 128), lambda i: (i, 0))


def _full_spec(*dims):
    nd = len(dims)
    return pl.BlockSpec(dims, lambda i: (0,) * nd)


def _pad16(m, rows=16):
    return jnp.zeros((rows, 16), jnp.float32).at[:m.shape[0], :m.shape[1]].set(m)


def kernel(x, edge_index, W_l1, W_r1, b1, W_l2, W_r2, b2):
    f32 = jnp.float32
    t16 = jax.ShapeDtypeStruct((TP16, 128), f32)
    eye8 = jnp.eye(8, dtype=f32)

    def bd(m):
        return jnp.kron(eye8, _pad16(m))

    e3 = edge_index.reshape(2 * NCH, CHUNK)

    xr = x.reshape(N // 8, 256)
    sel = jnp.stack([
        jnp.kron(eye8, jnp.zeros((32, 16), f32).at[:16, :].set(jnp.eye(16))),
        jnp.kron(eye8, jnp.zeros((32, 16), f32).at[16:, :].set(jnp.eye(16)))])

    wa = jnp.stack([bd(W_l1[:16, :16]), bd(W_l1[:16, 16:21]),
                    bd(W_r1[:16, :16]), bd(W_r1[:16, 16:21])])
    wb = jnp.stack([bd(W_l1[16:, :16]), bd(W_l1[16:, 16:21]),
                    bd(W_r1[16:, :16]), bd(W_r1[16:, 16:21])])
    c5 = jnp.tile(jnp.zeros((16,), f32).at[5].set(1.0), 8)
    v = jnp.stack([jnp.zeros((128,), f32), c5,
                   jnp.tile(b1[:16], 8),
                   jnp.tile(jnp.zeros((16,), f32).at[:5].set(b1[16:]), 8)])
    s5 = jnp.kron(eye8, jnp.zeros((16, 16), f32).at[5, :].set(1.0))
    w2 = jnp.stack([bd(W_l2[:16, :]), bd(W_l2[16:, :]),
                    bd(W_r2[:16, :]), bd(W_r2[16:, :])])
    b2row = jnp.tile(jnp.zeros((16,), f32).at[:10].set(b2), 8).reshape(1, 128)

    h1a, h1b, r1a, r1b = pl.pallas_call(
        _tc_a_body,
        grid=(TC_GRID,),
        in_specs=[pl.BlockSpec((PB16, 256), lambda i: (i, 0)),
                  _full_spec(2, 256, 128), _full_spec(4, 128, 128),
                  _full_spec(4, 128, 128), _full_spec(4, 128)],
        out_specs=[_pk_spec()] * 4,
        out_shape=[t16] * 4,
    )(xr, sel, wa, wb, v)

    agg1a, agg1b = _sc_layer1(h1a.reshape(NT, 16), h1b.reshape(NT, 16), e3)

    h2, r2 = pl.pallas_call(
        _tc_b_body,
        grid=(TC_GRID,),
        in_specs=[_pk_spec(), _pk_spec(), _pk_spec(), _pk_spec(),
                  _full_spec(128, 128), _full_spec(4, 128, 128),
                  _full_spec(1, 128)],
        out_specs=[_pk_spec(), _pk_spec()],
        out_shape=[t16, t16],
    )(agg1a.reshape(TP16, 128), agg1b.reshape(TP16, 128), r1a, r1b,
      s5, w2, b2row)

    agg2a, agg2b = _sc_layer2(h2.reshape(NT, 16), e3)

    outp = pl.pallas_call(
        _tc_c_body,
        grid=(TC_GRID,),
        in_specs=[_pk_spec(), _pk_spec(), _pk_spec(), _pk_spec(),
                  _full_spec(128, 128)],
        out_specs=_pk_spec(),
        out_shape=t16,
    )(agg2a.reshape(TP16, 128), agg2b.reshape(TP16, 128), r2,
      agg1b.reshape(TP16, 128), s5)

    return outp[:N * 16 // 128].reshape(N, 16)[:, :10]

# --- scband reference (transcript-rebuilt; emitter-appended) ---
"""Pipeline reference for scband-graph-net-17368847745176 (READ-ONLY COPY).

The authoritative reference and input builder live on the scoring server;
editing this copy changes nothing except your own understanding.
"""

import jax, jax.numpy as jnp
import numpy as np

N = 100000
E = 1600000
PLANES = [32, 21, 10]


def setup_inputs(seed: int = 0) -> dict:
    key = jax.random.key(seed)
    ks = jax.random.split(key, 10)
    x = jax.random.normal(ks[0], (N, PLANES[0]), dtype=jnp.float32)
    edge_index = jax.random.randint(ks[1], (2, E), 0, N, dtype=jnp.int32)
    # SAGEConv layer 1: 32 -> 21 (lin_l for aggregated neighbors, lin_r for root)
    W_l1 = jax.random.normal(ks[2], (PLANES[0], PLANES[1]), dtype=jnp.float32) * (1.0 / np.sqrt(PLANES[0]))
    W_r1 = jax.random.normal(ks[3], (PLANES[0], PLANES[1]), dtype=jnp.float32) * (1.0 / np.sqrt(PLANES[0]))
    b1 = jnp.zeros((PLANES[1],), dtype=jnp.float32)
    # SAGEConv layer 2: 21 -> 10
    W_l2 = jax.random.normal(ks[4], (PLANES[1], PLANES[2]), dtype=jnp.float32) * (1.0 / np.sqrt(PLANES[1]))
    W_r2 = jax.random.normal(ks[5], (PLANES[1], PLANES[2]), dtype=jnp.float32) * (1.0 / np.sqrt(PLANES[1]))
    b2 = jnp.zeros((PLANES[2],), dtype=jnp.float32)
    return {"x": x, "edge_index": edge_index, "W_l1": W_l1, "W_r1": W_r1, "b1": b1,
            "W_l2": W_l2, "W_r2": W_r2, "b2": b2}


def _sage_layer(x, edge_index, W_l, W_r, b):
    # PyG SAGEConv with mean aggregation: out = lin_l(mean_j x_j) + lin_r(x_i) + b
    src = edge_index[0]
    dst = edge_index[1]
    msgs = jnp.take(x, src, axis=0)                       # gather  [E, d]
    summed = jax.ops.segment_sum(msgs, dst, num_segments=N)  # scatter-add [N, d]
    ones = jnp.ones((edge_index.shape[1], 1), dtype=x.dtype)
    cnt = jax.ops.segment_sum(ones, dst, num_segments=N)
    mean = summed / jnp.maximum(cnt, 1.0)
    return mean @ W_l + x @ W_r + b


def reference(x, edge_index, W_l1, W_r1, b1, W_l2, W_r2, b2):
    # GraphNet forward: stack of GraphLayer(SAGEConv) each followed by ReLU;
    # n_lin == 0 so no global pooling / linear head.
    x = jax.nn.relu(_sage_layer(x, edge_index, W_l1, W_r1, b1))
    x = jax.nn.relu(_sage_layer(x, edge_index, W_l2, W_r2, b2))
    return x

if __name__ == "__main__":
    import jax
    _d = setup_inputs()
    print(jax.jit(kernel)(*tuple(_d.values())))

</pallas_src>

<mosaic_0001>
#map = affine_map<(d0, d1) -> (0, 0)>
module attributes {stable_mosaic.version = 14 : i64} {
  func.func @_sc_layer2(%arg0: i32, %arg1: i32, %arg2: memref<100352x16xf32, #tpu.memory_space<hbm>>, %arg3: memref<25000x128xi32, #tpu.memory_space<hbm>>, %arg4: memref<100352x16xf32, #tpu.memory_space<hbm>>, %arg5: memref<100352x16xf32, #tpu.memory_space<hbm>>, %arg6: memref<2x6x128xi32, #tpu.memory_space<vmem>>, %arg7: memref<2x6x128xi32, #tpu.memory_space<vmem>>, %arg8: memref<2x6x128x16xf32, #tpu.memory_space<vmem>>, %arg9: memref<128x16xf32, #tpu.memory_space<vmem>>, %arg10: memref<100352x16xf32, #tpu.memory_space<vmem_shared>>, %arg11: memref<!tpu.dma_semaphore, #tpu.memory_space<semaphore_mem>>, %arg12: memref<!tpu.dma_semaphore, #tpu.memory_space<semaphore_mem>>) attributes {dimension_semantics = [#tpu.dimension_semantics<core_parallel>, #tpu.dimension_semantics<subcore_parallel>], iteration_bounds = array<i64: 2, 16>, scalar_prefetch = 0 : i64, scratch_operands = 7 : i64, tpu.core_type = #tpu.core_type<sc_vector_subcore>, window_params = [{transform_indices = #map}, {transform_indices = #map}, {transform_indices = #map}, {transform_indices = #map}]} {
    %mul3A = arith.constant 16 : i32
    %mul3A_0 = arith.muli %arg0, %mul3A : i32
    %add3A = arith.addi %mul3A_0, %arg1 : i32
    %scan3A = arith.constant 0 : i32
    %scan3A_1 = arith.constant 0 : i32
    %scan3A_2 = arith.constant 128 : i32
    %scan3A_3 = arith.addi %scan3A_1, %scan3A_2 : i32
    %scan3A_4 = arith.constant 1 : i32
    scf.for %scan3A_132 = %scan3A_1 to %scan3A_3 step %scan3A_4  : i32 {
      %broadcast_in_dim3A = arith.constant 0.000000e+00 : f32
      %broadcast_in_dim3A_133 = vector.broadcast %broadcast_in_dim3A : f32 to vector<16xf32>
      %swap3A = arith.index_cast %scan3A_132 : i32 to index
      %swap3A_134 = arith.constant 0 : index
      %swap3A_135 = tpu.vector_load %arg9[%swap3A, %swap3A_134] {strides = array<i32>} : memref<128x16xf32, #tpu.memory_space<vmem>>, vector<1x16xf32>,
      %swap3A_136 = vector.shape_cast %swap3A_135 : vector<1x16xf32> to vector<16xf32>
      %swap3A_137 = vector.shape_cast %broadcast_in_dim3A_133 : vector<16xf32> to vector<1x16xf32>
      tpu.vector_store %arg9[%swap3A, %swap3A_134], %swap3A_137 {strides = array<i32>} : memref<128x16xf32, #tpu.memory_space<vmem>>, vector<1x16xf32>,
    }
    %scan3A_5 = arith.constant 128 : i32
    %mul3A_6 = arith.constant 6272 : i32
    %mul3A_7 = arith.muli %arg1, %mul3A_6 : i32
    %scan3A_8 = arith.constant 0 : i32
    %scan3A_9 = arith.constant 0 : i32
    %scan3A_10 = arith.constant 49 : i32
    %scan3A_11 = arith.addi %scan3A_9, %scan3A_10 : i32
    %scan3A_12 = arith.constant 1 : i32
    scf.for %scan3A_132 = %scan3A_9 to %scan3A_11 step %scan3A_12  : i32 {
      %mul3A_133 = arith.constant 128 : i32
      %mul3A_134 = arith.muli %scan3A_132, %mul3A_133 : i32
      %add3A_135 = arith.addi %mul3A_7, %mul3A_134 : i32
      "tpu.region"() ({
        %run_scoped3A_136 = tpu.sem_alloc : memref<!tpu.dma_semaphore, #tpu.memory_space<semaphore_mem>>
        %dma_start3A_137 = arith.constant 0 : i32
        %dma_start3A_138 = tpu.memref_slice %arg10[%add3A_135, %dma_start3A_137] : memref<100352x16xf32, #tpu.memory_space<vmem_shared>> -> memref<128x16xf32, #tpu.memory_space<vmem_shared>>
        %dma_start3A_139 = arith.constant 0 : i32
        %dma_start3A_140 = tpu.memref_slice %arg10[%add3A_135, %dma_start3A_139] : memref<100352x16xf32, #tpu.memory_space<vmem_shared>> -> memref<128x16xf32, #tpu.memory_space<vmem_shared>>
        tpu.enqueue_dma source(%arg9 : memref<128x16xf32, #tpu.memory_space<vmem>>) target(%dma_start3A_140 : memref<128x16xf32, #tpu.memory_space<vmem_shared>>) target_semaphore(%run_scoped3A_136 : memref<!tpu.dma_semaphore, #tpu.memory_space<semaphore_mem>>)
        %dma_wait3A = arith.constant 0 : i32
        %dma_wait3A_141 = tpu.memref_slice %arg10[%add3A_135, %dma_wait3A] : memref<100352x16xf32, #tpu.memory_space<vmem_shared>> -> memref<128x16xf32, #tpu.memory_space<vmem_shared>>
        %dma_wait3A_142 = arith.constant 0 : i32
        %dma_wait3A_143 = tpu.memref_slice %arg10[%add3A_135, %dma_wait3A_142] : memref<100352x16xf32, #tpu.memory_space<vmem_shared>> -> memref<128x16xf32, #tpu.memory_space<vmem_shared>>
        tpu.wait_dma2 semaphore(%run_scoped3A_136 : memref<!tpu.dma_semaphore, #tpu.memory_space<semaphore_mem>>) src(%arg9 : memref<128x16xf32, #tpu.memory_space<vmem>>) dst(%dma_wait3A_143 : memref<128x16xf32, #tpu.memory_space<vmem_shared>>)
        tpu.yield
      }) : () -> ()
    }
    %scan3A_13 = arith.constant 49 : i32
    %barrier3A = arith.constant 0 : index
    tpu.barrier barrier_id(%barrier3A)
    %lt3A = arith.constant 20 : i32
    %lt3A_14 = arith.cmpi slt, %add3A, %lt3A : i32
    %jit3A = arith.constant 1 : i32
    %jit3A_15 = arith.constant 0 : i32
    %select_n3A = arith.select %lt3A_14, %jit3A, %jit3A_15 : i32
    %mul3A_16 = arith.constant 390 : i32
    %mul3A_17 = arith.muli %add3A, %mul3A_16 : i32
    %add3A_18 = arith.constant 12480 : i32
    %add3A_19 = arith.addi %add3A_18, %add3A : i32
    %add3A_20 = arith.constant 0 : i32
    %add3A_21 = arith.addi %mul3A_17, %add3A_20 : i32
    %run_scoped3A = arith.constant 0 : i32
    "tpu.region"() ({
      %run_scoped3A_132 = tpu.sem_alloc : memref<!tpu.dma_semaphore, #tpu.memory_space<semaphore_mem>>
      %dma_start3A_133 = arith.constant 0 : i32
      %dma_start3A_134 = arith.constant 0 : i32
      %dma_start3A_135 = tpu.memref_slice %arg6[%run_scoped3A, %dma_start3A_133, %dma_start3A_134] : memref<2x6x128xi32, #tpu.memory_space<vmem>> -> memref<1x6x128xi32, #tpu.memory_space<vmem>>
      %dma_start3A_136 = tpu.memref_squeeze %dma_start3A_135 : memref<1x6x128xi32, #tpu.memory_space<vmem>> -> memref<6x128xi32, #tpu.memory_space<vmem>>
      %dma_start3A_137 = arith.constant 0 : i32
      %dma_start3A_138 = tpu.memref_slice %arg3[%add3A_21, %dma_start3A_137] : memref<25000x128xi32, #tpu.memory_space<hbm>> -> memref<6x128xi32, #tpu.memory_space<hbm>>
      %dma_start3A_139 = arith.constant 0 : i32
      %dma_start3A_140 = arith.constant 0 : i32
      %dma_start3A_141 = tpu.memref_slice %arg6[%run_scoped3A, %dma_start3A_139, %dma_start3A_140] : memref<2x6x128xi32, #tpu.memory_space<vmem>> -> memref<1x6x128xi32, #tpu.memory_space<vmem>>
      %dma_start3A_142 = tpu.memref_squeeze %dma_start3A_141 : memref<1x6x128xi32, #tpu.memory_space<vmem>> -> memref<6x128xi32, #tpu.memory_space<vmem>>
      %dma_start3A_143 = arith.constant 0 : i32
      %dma_start3A_144 = tpu.memref_slice %arg3[%add3A_21, %dma_start3A_143] : memref<25000x128xi32, #tpu.memory_space<hbm>> -> memref<6x128xi32, #tpu.memory_space<hbm>>
      tpu.enqueue_dma source(%dma_start3A_144 : memref<6x128xi32, #tpu.memory_space<hbm>>) target(%dma_start3A_142 : memref<6x128xi32, #tpu.memory_space<vmem>>) target_semaphore(%run_scoped3A_132 : memref<!tpu.dma_semaphore, #tpu.memory_space<semaphore_mem>>)
      %dma_wait3A = arith.constant 0 : i32
      %dma_wait3A_145 = arith.constant 0 : i32
      %dma_wait3A_146 = tpu.memref_slice %arg6[%run_scoped3A, %dma_wait3A, %dma_wait3A_145] : memref<2x6x128xi32, #tpu.memory_space<vmem>> -> memref<1x6x128xi32, #tpu.memory_space<vmem>>
      %dma_wait3A_147 = tpu.memref_squeeze %dma_wait3A_146 : memref<1x6x128xi32, #tpu.memory_space<vmem>> -> memref<6x128xi32, #tpu.memory_space<vmem>>
      %dma_wait3A_148 = arith.constant 0 : i32
      %dma_wait3A_149 = tpu.memref_slice %arg3[%add3A_21, %dma_wait3A_148] : memref<25000x128xi32, #tpu.memory_space<hbm>> -> memref<6x128xi32, #tpu.memory_space<hbm>>
      %dma_wait3A_150 = arith.constant 0 : i32
      %dma_wait3A_151 = arith.constant 0 : i32
      %dma_wait3A_152 = tpu.memref_slice %arg6[%run_scoped3A, %dma_wait3A_150, %dma_wait3A_151] : memref<2x6x128xi32, #tpu.memory_space<vmem>> -> memref<1x6x128xi32, #tpu.memory_space<vmem>>
      %dma_wait3A_153 = tpu.memref_squeeze %dma_wait3A_152 : memref<1x6x128xi32, #tpu.memory_space<vmem>> -> memref<6x128xi32, #tpu.memory_space<vmem>>
      %dma_wait3A_154 = arith.constant 0 : i32
      %dma_wait3A_155 = tpu.memref_slice %arg3[%add3A_21, %dma_wait3A_154] : memref<25000x128xi32, #tpu.memory_space<hbm>> -> memref<6x128xi32, #tpu.memory_space<hbm>>
      tpu.wait_dma2 semaphore(%run_scoped3A_132 : memref<!tpu.dma_semaphore, #tpu.memory_space<semaphore_mem>>) src(%dma_wait3A_155 : memref<6x128xi32, #tpu.memory_space<hbm>>) dst(%dma_wait3A_153 : memref<6x128xi32, #tpu.memory_space<vmem>>)
      tpu.yield
    }) : () -> ()
    %add3A_22 = arith.constant 12500 : i32
    %add3A_23 = arith.addi %add3A_22, %add3A_21 : i32
    %run_scoped3A_24 = arith.constant 0 : i32
    "tpu.region"() ({
      %run_scoped3A_132 = tpu.sem_alloc : memref<!tpu.dma_semaphore, #tpu.memory_space<semaphore_mem>>
      %dma_start3A_133 = arith.constant 0 : i32
      %dma_start3A_134 = arith.constant 0 : i32
      %dma_start3A_135 = tpu.memref_slice %arg7[%run_scoped3A_24, %dma_start3A_133, %dma_start3A_134] : memref<2x6x128xi32, #tpu.memory_space<vmem>> -> memref<1x6x128xi32, #tpu.memory_space<vmem>>
      %dma_start3A_136 = tpu.memref_squeeze %dma_start3A_135 : memref<1x6x128xi32, #tpu.memory_space<vmem>> -> memref<6x128xi32, #tpu.memory_space<vmem>>
      %dma_start3A_137 = arith.constant 0 : i32
      %dma_start3A_138 = tpu.memref_slice %arg3[%add3A_23, %dma_start3A_137] : memref<25000x128xi32, #tpu.memory_space<hbm>> -> memref<6x128xi32, #tpu.memory_space<hbm>>
      %dma_start3A_139 = arith.constant 0 : i32
      %dma_start3A_140 = arith.constant 0 : i32
      %dma_start3A_141 = tpu.memref_slice %arg7[%run_scoped3A_24, %dma_start3A_139, %dma_start3A_140] : memref<2x6x128xi32, #tpu.memory_space<vmem>> -> memref<1x6x128xi32, #tpu.memory_space<vmem>>
      %dma_start3A_142 = tpu.memref_squeeze %dma_start3A_141 : memref<1x6x128xi32, #tpu.memory_space<vmem>> -> memref<6x128xi32, #tpu.memory_space<vmem>>
      %dma_start3A_143 = arith.constant 0 : i32
      %dma_start3A_144 = tpu.memref_slice %arg3[%add3A_23, %dma_start3A_143] : memref<25000x128xi32, #tpu.memory_space<hbm>> -> memref<6x128xi32, #tpu.memory_space<hbm>>
      tpu.enqueue_dma source(%dma_start3A_144 : memref<6x128xi32, #tpu.memory_space<hbm>>) target(%dma_start3A_142 : memref<6x128xi32, #tpu.memory_space<vmem>>) target_semaphore(%run_scoped3A_132 : memref<!tpu.dma_semaphore, #tpu.memory_space<semaphore_mem>>)
      %dma_wait3A = arith.constant 0 : i32
      %dma_wait3A_145 = arith.constant 0 : i32
      %dma_wait3A_146 = tpu.memref_slice %arg7[%run_scoped3A_24, %dma_wait3A, %dma_wait3A_145] : memref<2x6x128xi32, #tpu.memory_space<vmem>> -> memref<1x6x128xi32, #tpu.memory_space<vmem>>
      %dma_wait3A_147 = tpu.memref_squeeze %dma_wait3A_146 : memref<1x6x128xi32, #tpu.memory_space<vmem>> -> memref<6x128xi32, #tpu.memory_space<vmem>>
      %dma_wait3A_148 = arith.constant 0 : i32
      %dma_wait3A_149 = tpu.memref_slice %arg3[%add3A_23, %dma_wait3A_148] : memref<25000x128xi32, #tpu.memory_space<hbm>> -> memref<6x128xi32, #tpu.memory_space<hbm>>
      %dma_wait3A_150 = arith.constant 0 : i32
      %dma_wait3A_151 = arith.constant 0 : i32
      %dma_wait3A_152 = tpu.memref_slice %arg7[%run_scoped3A_24, %dma_wait3A_150, %dma_wait3A_151] : memref<2x6x128xi32, #tpu.memory_space<vmem>> -> memref<1x6x128xi32, #tpu.memory_space<vmem>>
      %dma_wait3A_153 = tpu.memref_squeeze %dma_wait3A_152 : memref<1x6x128xi32, #tpu.memory_space<vmem>> -> memref<6x128xi32, #tpu.memory_space<vmem>>
      %dma_wait3A_154 = arith.constant 0 : i32
      %dma_wait3A_155 = tpu.memref_slice %arg3[%add3A_23, %dma_wait3A_154] : memref<25000x128xi32, #tpu.memory_space<hbm>> -> memref<6x128xi32, #tpu.memory_space<hbm>>
      tpu.wait_dma2 semaphore(%run_scoped3A_132 : memref<!tpu.dma_semaphore, #tpu.memory_space<semaphore_mem>>) src(%dma_wait3A_155 : memref<6x128xi32, #tpu.memory_space<hbm>>) dst(%dma_wait3A_153 : memref<6x128xi32, #tpu.memory_space<vmem>>)
      tpu.yield
    }) : () -> ()
    %dma_start3A = arith.constant 0 : i32
    %dma_start3A_25 = arith.constant 0 : i32
    %dma_start3A_26 = arith.constant 0 : i32
    %dma_start3A_27 = arith.constant 0 : i32
    %dma_start3A_28 = arith.constant 0 : i32
    %dma_start3A_29 = arith.constant 0 : i32
    %dma_start3A_30 = tpu.memref_slice %arg8[%dma_start3A_26, %dma_start3A_27, %dma_start3A_28, %dma_start3A_29] : memref<2x6x128x16xf32, #tpu.memory_space<vmem>> -> memref<1x1x128x16xf32, #tpu.memory_space<vmem>>
    %dma_start3A_31 = tpu.memref_squeeze %dma_start3A_30 : memref<1x1x128x16xf32, #tpu.memory_space<vmem>> -> memref<128x16xf32, #tpu.memory_space<vmem>>
    %dma_start3A_32 = arith.constant 0 : i32
    %dma_start3A_33 = tpu.memref_slice %arg6[%dma_start3A, %dma_start3A_25, %dma_start3A_32] : memref<2x6x128xi32, #tpu.memory_space<vmem>> -> memref<1x1x128xi32, #tpu.memory_space<vmem>>
    %dma_start3A_34 = tpu.memref_squeeze %dma_start3A_33 : memref<1x1x128xi32, #tpu.memory_space<vmem>> -> memref<128xi32, #tpu.memory_space<vmem>>
    %dma_start3A_35 = arith.constant 0 : i32
    %dma_start3A_36 = arith.constant 0 : i32
    %dma_start3A_37 = tpu.memref_slice %arg2[%dma_start3A_35, %dma_start3A_36] : memref<100352x16xf32, #tpu.memory_space<hbm>> -> memref<100352x16xf32, #tpu.memory_space<hbm>>
    tpu.enqueue_indirect_dma source(%dma_start3A_37 : memref<100352x16xf32, #tpu.memory_space<hbm>>) target(%dma_start3A_31 : memref<128x16xf32, #tpu.memory_space<vmem>>) offsets(%dma_start3A_34 : memref<128xi32, #tpu.memory_space<vmem>>) semaphore(%arg11 : memref<!tpu.dma_semaphore, #tpu.memory_space<semaphore_mem>>)
    %dma_start3A_38 = arith.constant 0 : i32
    %dma_start3A_39 = arith.constant 1 : i32
    %dma_start3A_40 = arith.constant 0 : i32
    %dma_start3A_41 = arith.constant 1 : i32
    %dma_start3A_42 = arith.constant 0 : i32
    %dma_start3A_43 = arith.constant 0 : i32
    %dma_start3A_44 = tpu.memref_slice %arg8[%dma_start3A_40, %dma_start3A_41, %dma_start3A_42, %dma_start3A_43] : memref<2x6x128x16xf32, #tpu.memory_space<vmem>> -> memref<1x1x128x16xf32, #tpu.memory_space<vmem>>
    %dma_start3A_45 = tpu.memref_squeeze %dma_start3A_44 : memref<1x1x128x16xf32, #tpu.memory_space<vmem>> -> memref<128x16xf32, #tpu.memory_space<vmem>>
    %dma_start3A_46 = arith.constant 0 : i32
    %dma_start3A_47 = tpu.memref_slice %arg6[%dma_start3A_38, %dma_start3A_39, %dma_start3A_46] : memref<2x6x128xi32, #tpu.memory_space<vmem>> -> memref<1x1x128xi32, #tpu.memory_space<vmem>>
    %dma_start3A_48 = tpu.memref_squeeze %dma_start3A_47 : memref<1x1x128xi32, #tpu.memory_space<vmem>> -> memref<128xi32, #tpu.memory_space<vmem>>
    %dma_start3A_49 = arith.constant 0 : i32
    %dma_start3A_50 = arith.constant 0 : i32
    %dma_start3A_51 = tpu.memref_slice %arg2[%dma_start3A_49, %dma_start3A_50] : memref<100352x16xf32, #tpu.memory_space<hbm>> -> memref<100352x16xf32, #tpu.memory_space<hbm>>
    tpu.enqueue_indirect_dma source(%dma_start3A_51 : memref<100352x16xf32, #tpu.memory_space<hbm>>) target(%dma_start3A_45 : memref<128x16xf32, #tpu.memory_space<vmem>>) offsets(%dma_start3A_48 : memref<128xi32, #tpu.memory_space<vmem>>) semaphore(%arg11 : memref<!tpu.dma_semaphore, #tpu.memory_space<semaphore_mem>>)
    %dma_start3A_52 = arith.constant 0 : i32
    %dma_start3A_53 = arith.constant 2 : i32
    %dma_start3A_54 = arith.constant 0 : i32
    %dma_start3A_55 = arith.constant 2 : i32
    %dma_start3A_56 = arith.constant 0 : i32
    %dma_start3A_57 = arith.constant 0 : i32
    %dma_start3A_58 = tpu.memref_slice %arg8[%dma_start3A_54, %dma_start3A_55, %dma_start3A_56, %dma_start3A_57] : memref<2x6x128x16xf32, #tpu.memory_space<vmem>> -> memref<1x1x128x16xf32, #tpu.memory_space<vmem>>
    %dma_start3A_59 = tpu.memref_squeeze %dma_start3A_58 : memref<1x1x128x16xf32, #tpu.memory_space<vmem>> -> memref<128x16xf32, #tpu.memory_space<vmem>>
    %dma_start3A_60 = arith.constant 0 : i32
    %dma_start3A_61 = tpu.memref_slice %arg6[%dma_start3A_52, %dma_start3A_53, %dma_start3A_60] : memref<2x6x128xi32, #tpu.memory_space<vmem>> -> memref<1x1x128xi32, #tpu.memory_space<vmem>>
    %dma_start3A_62 = tpu.memref_squeeze %dma_start3A_61 : memref<1x1x128xi32, #tpu.memory_space<vmem>> -> memref<128xi32, #tpu.memory_space<vmem>>
    %dma_start3A_63 = arith.constant 0 : i32
    %dma_start3A_64 = arith.constant 0 : i32
    %dma_start3A_65 = tpu.memref_slice %arg2[%dma_start3A_63, %dma_start3A_64] : memref<100352x16xf32, #tpu.memory_space<hbm>> -> memref<100352x16xf32, #tpu.memory_space<hbm>>
    tpu.enqueue_indirect_dma source(%dma_start3A_65 : memref<100352x16xf32, #tpu.memory_space<hbm>>) target(%dma_start3A_59 : memref<128x16xf32, #tpu.memory_space<vmem>>) offsets(%dma_start3A_62 : memref<128xi32, #tpu.memory_space<vmem>>) semaphore(%arg11 : memref<!tpu.dma_semaphore, #tpu.memory_space<semaphore_mem>>)
    %dma_start3A_66 = arith.constant 0 : i32
    %dma_start3A_67 = arith.constant 3 : i32
    %dma_start3A_68 = arith.constant 0 : i32
    %dma_start3A_69 = arith.constant 3 : i32
    %dma_start3A_70 = arith.constant 0 : i32
    %dma_start3A_71 = arith.constant 0 : i32
    %dma_start3A_72 = tpu.memref_slice %arg8[%dma_start3A_68, %dma_start3A_69, %dma_start3A_70, %dma_start3A_71] : memref<2x6x128x16xf32, #tpu.memory_space<vmem>> -> memref<1x1x128x16xf32, #tpu.memory_space<vmem>>
    %dma_start3A_73 = tpu.memref_squeeze %dma_start3A_72 : memref<1x1x128x16xf32, #tpu.memory_space<vmem>> -> memref<128x16xf32, #tpu.memory_space<vmem>>
    %dma_start3A_74 = arith.constant 0 : i32
    %dma_start3A_75 = tpu.memref_slice %arg6[%dma_start3A_66, %dma_start3A_67, %dma_start3A_74] : memref<2x6x128xi32, #tpu.memory_space<vmem>> -> memref<1x1x128xi32, #tpu.memory_space<vmem>>
    %dma_start3A_76 = tpu.memref_squeeze %dma_start3A_75 : memref<1x1x128xi32, #tpu.memory_space<vmem>> -> memref<128xi32, #tpu.memory_space<vmem>>
    %dma_start3A_77 = arith.constant 0 : i32
    %dma_start3A_78 = arith.constant 0 : i32
    %dma_start3A_79 = tpu.memref_slice %arg2[%dma_start3A_77, %dma_start3A_78] : memref<100352x16xf32, #tpu.memory_space<hbm>> -> memref<100352x16xf32, #tpu.memory_space<hbm>>
    tpu.enqueue_indirect_dma source(%dma_start3A_79 : memref<100352x16xf32, #tpu.memory_space<hbm>>) target(%dma_start3A_73 : memref<128x16xf32, #tpu.memory_space<vmem>>) offsets(%dma_start3A_76 : memref<128xi32, #tpu.memory_space<vmem>>) semaphore(%arg11 : memref<!tpu.dma_semaphore, #tpu.memory_space<semaphore_mem>>)
    %dma_start3A_80 = arith.constant 0 : i32
    %dma_start3A_81 = arith.constant 4 : i32
    %dma_start3A_82 = arith.constant 0 : i32
    %dma_start3A_83 = arith.constant 4 : i32
    %dma_start3A_84 = arith.constant 0 : i32
    %dma_start3A_85 = arith.constant 0 : i32
    %dma_start3A_86 = tpu.memref_slice %arg8[%dma_start3A_82, %dma_start3A_83, %dma_start3A_84, %dma_start3A_85] : memref<2x6x128x16xf32, #tpu.memory_space<vmem>> -> memref<1x1x128x16xf32, #tpu.memory_space<vmem>>
    %dma_start3A_87 = tpu.memref_squeeze %dma_start3A_86 : memref<1x1x128x16xf32, #tpu.memory_space<vmem>> -> memref<128x16xf32, #tpu.memory_space<vmem>>
    %dma_start3A_88 = arith.constant 0 : i32
    %dma_start3A_89 = tpu.memref_slice %arg6[%dma_start3A_80, %dma_start3A_81, %dma_start3A_88] : memref<2x6x128xi32, #tpu.memory_space<vmem>> -> memref<1x1x128xi32, #tpu.memory_space<vmem>>
    %dma_start3A_90 = tpu.memref_squeeze %dma_start3A_89 : memref<1x1x128xi32, #tpu.memory_space<vmem>> -> memref<128xi32, #tpu.memory_space<vmem>>
    %dma_start3A_91 = arith.constant 0 : i32
    %dma_start3A_92 = arith.constant 0 : i32
    %dma_start3A_93 = tpu.memref_slice %arg2[%dma_start3A_91, %dma_start3A_92] : memref<100352x16xf32, #tpu.memory_space<hbm>> -> memref<100352x16xf32, #tpu.memory_space<hbm>>
    tpu.enqueue_indirect_dma source(%dma_start3A_93 : memref<100352x16xf32, #tpu.memory_space<hbm>>) target(%dma_start3A_87 : memref<128x16xf32, #tpu.memory_space<vmem>>) offsets(%dma_start3A_90 : memref<128xi32, #tpu.memory_space<vmem>>) semaphore(%arg11 : memref<!tpu.dma_semaphore, #tpu.memory_space<semaphore_mem>>)
    %dma_start3A_94 = arith.constant 0 : i32
    %dma_start3A_95 = arith.constant 5 : i32
    %dma_start3A_96 = arith.constant 0 : i32
    %dma_start3A_97 = arith.constant 5 : i32
    %dma_start3A_98 = arith.constant 0 : i32
    %dma_start3A_99 = arith.constant 0 : i32
    %dma_start3A_100 = tpu.memref_slice %arg8[%dma_start3A_96, %dma_start3A_97, %dma_start3A_98, %dma_start3A_99] : memref<2x6x128x16xf32, #tpu.memory_space<vmem>> -> memref<1x1x128x16xf32, #tpu.memory_space<vmem>>
    %dma_start3A_101 = tpu.memref_squeeze %dma_start3A_100 : memref<1x1x128x16xf32, #tpu.memory_space<vmem>> -> memref<128x16xf32, #tpu.memory_space<vmem>>
    %dma_start3A_102 = arith.constant 0 : i32
    %dma_start3A_103 = tpu.memref_slice %arg6[%dma_start3A_94, %dma_start3A_95, %dma_start3A_102] : memref<2x6x128xi32, #tpu.memory_space<vmem>> -> memref<1x1x128xi32, #tpu.memory_space<vmem>>
    %dma_start3A_104 = tpu.memref_squeeze %dma_start3A_103 : memref<1x1x128xi32, #tpu.memory_space<vmem>> -> memref<128xi32, #tpu.memory_space<vmem>>
    %dma_start3A_105 = arith.constant 0 : i32
    %dma_start3A_106 = arith.constant 0 : i32
    %dma_start3A_107 = tpu.memref_slice %arg2[%dma_start3A_105, %dma_start3A_106] : memref<100352x16xf32, #tpu.memory_space<hbm>> -> memref<100352x16xf32, #tpu.memory_space<hbm>>
    tpu.enqueue_indirect_dma source(%dma_start3A_107 : memref<100352x16xf32, #tpu.memory_space<hbm>>) target(%dma_start3A_101 : memref<128x16xf32, #tpu.memory_space<vmem>>) offsets(%dma_start3A_104 : memref<128xi32, #tpu.memory_space<vmem>>) semaphore(%arg11 : memref<!tpu.dma_semaphore, #tpu.memory_space<semaphore_mem>>)
    %scan3A_108 = arith.constant 0 : i32
    %scan3A_109 = arith.constant 0 : i32
    %scan3A_110 = arith.constant 65 : i32
    %scan3A_111 = arith.addi %scan3A_109, %scan3A_110 : i32
    %scan3A_112 = arith.constant 1 : i32
    scf.for %scan3A_132 = %scan3A_109 to %scan3A_111 step %scan3A_112  : i32 {
      %rem3A = arith.constant 2 : i32
      %rem3A_133 = arith.remsi %scan3A_132, %rem3A : i32
      %add3A_134 = arith.constant 1 : i32
      %add3A_135 = arith.addi %scan3A_132, %add3A_134 : i32
      %rem3A_136 = arith.constant 2 : i32
      %rem3A_137 = arith.remsi %add3A_135, %rem3A_136 : i32
      %add3A_138 = arith.constant 1 : i32
      %add3A_139 = arith.addi %scan3A_132, %add3A_138 : i32
      %lt3A_140 = arith.constant 65 : i32
      %lt3A_141 = arith.cmpi slt, %add3A_139, %lt3A_140 : i32
      %convert_element_type3A_142 = arith.extui %lt3A_141 : i1 to i32
      %cond3A_143 = arith.constant 0 : i32
      %cond3A_144 = arith.cmpi ne, %convert_element_type3A_142, %cond3A_143 : i32
      scf.if %cond3A_144 {
        %add3A_403 = arith.constant 1 : i32
        %add3A_404 = arith.addi %scan3A_132, %add3A_403 : i32
        %mul3A_405 = arith.constant 6 : i32
        %mul3A_406 = arith.muli %add3A_404, %mul3A_405 : i32
        %add3A_407 = arith.addi %mul3A_17, %mul3A_406 : i32
        "tpu.region"() ({
          %run_scoped3A_410 = tpu.sem_alloc : memref<!tpu.dma_semaphore, #tpu.memory_space<semaphore_mem>>
          %dma_start3A_411 = arith.constant 0 : i32
          %dma_start3A_412 = arith.constant 0 : i32
          %dma_start3A_413 = tpu.memref_slice %arg6[%rem3A_137, %dma_start3A_411, %dma_start3A_412] : memref<2x6x128xi32, #tpu.memory_space<vmem>> -> memref<1x6x128xi32, #tpu.memory_space<vmem>>
          %dma_start3A_414 = tpu.memref_squeeze %dma_start3A_413 : memref<1x6x128xi32, #tpu.memory_space<vmem>> -> memref<6x128xi32, #tpu.memory_space<vmem>>
          %dma_start3A_415 = arith.constant 0 : i32
          %dma_start3A_416 = tpu.memref_slice %arg3[%add3A_407, %dma_start3A_415] : memref<25000x128xi32, #tpu.memory_space<hbm>> -> memref<6x128xi32, #tpu.memory_space<hbm>>
          %dma_start3A_417 = arith.constant 0 : i32
          %dma_start3A_418 = arith.constant 0 : i32
          %dma_start3A_419 = tpu.memref_slice %arg6[%rem3A_137, %dma_start3A_417, %dma_start3A_418] : memref<2x6x128xi32, #tpu.memory_space<vmem>> -> memref<1x6x128xi32, #tpu.memory_space<vmem>>
          %dma_start3A_420 = tpu.memref_squeeze %dma_start3A_419 : memref<1x6x128xi32, #tpu.memory_space<vmem>> -> memref<6x128xi32, #tpu.memory_space<vmem>>
          %dma_start3A_421 = arith.constant 0 : i32
          %dma_start3A_422 = tpu.memref_slice %arg3[%add3A_407, %dma_start3A_421] : memref<25000x128xi32, #tpu.memory_space<hbm>> -> memref<6x128xi32, #tpu.memory_space<hbm>>
          tpu.enqueue_dma source(%dma_start3A_422 : memref<6x128xi32, #tpu.memory_space<hbm>>) target(%dma_start3A_420 : memref<6x128xi32, #tpu.memory_space<vmem>>) target_semaphore(%run_scoped3A_410 : memref<!tpu.dma_semaphore, #tpu.memory_space<semaphore_mem>>)
          %dma_wait3A_423 = arith.constant 0 : i32
          %dma_wait3A_424 = arith.constant 0 : i32
          %dma_wait3A_425 = tpu.memref_slice %arg6[%rem3A_137, %dma_wait3A_423, %dma_wait3A_424] : memref<2x6x128xi32, #tpu.memory_space<vmem>> -> memref<1x6x128xi32, #tpu.memory_space<vmem>>
          %dma_wait3A_426 = tpu.memref_squeeze %dma_wait3A_425 : memref<1x6x128xi32, #tpu.memory_space<vmem>> -> memref<6x128xi32, #tpu.memory_space<vmem>>
          %dma_wait3A_427 = arith.constant 0 : i32
          %dma_wait3A_428 = tpu.memref_slice %arg3[%add3A_407, %dma_wait3A_427] : memref<25000x128xi32, #tpu.memory_space<hbm>> -> memref<6x128xi32, #tpu.memory_space<hbm>>
          %dma_wait3A_429 = arith.constant 0 : i32
          %dma_wait3A_430 = arith.constant 0 : i32
          %dma_wait3A_431 = tpu.memref_slice %arg6[%rem3A_137, %dma_wait3A_429, %dma_wait3A_430] : memref<2x6x128xi32, #tpu.memory_space<vmem>> -> memref<1x6x128xi32, #tpu.memory_space<vmem>>
          %dma_wait3A_432 = tpu.memref_squeeze %dma_wait3A_431 : memref<1x6x128xi32, #tpu.memory_space<vmem>> -> memref<6x128xi32, #tpu.memory_space<vmem>>
          %dma_wait3A_433 = arith.constant 0 : i32
          %dma_wait3A_434 = tpu.memref_slice %arg3[%add3A_407, %dma_wait3A_433] : memref<25000x128xi32, #tpu.memory_space<hbm>> -> memref<6x128xi32, #tpu.memory_space<hbm>>
          tpu.wait_dma2 semaphore(%run_scoped3A_410 : memref<!tpu.dma_semaphore, #tpu.memory_space<semaphore_mem>>) src(%dma_wait3A_434 : memref<6x128xi32, #tpu.memory_space<hbm>>) dst(%dma_wait3A_432 : memref<6x128xi32, #tpu.memory_space<vmem>>)
          tpu.yield
        }) : () -> ()
        %add3A_408 = arith.constant 12500 : i32
        %add3A_409 = arith.addi %add3A_408, %add3A_407 : i32
        "tpu.region"() ({
          %run_scoped3A_410 = tpu.sem_alloc : memref<!tpu.dma_semaphore, #tpu.memory_space<semaphore_mem>>
          %dma_start3A_411 = arith.constant 0 : i32
          %dma_start3A_412 = arith.constant 0 : i32
          %dma_start3A_413 = tpu.memref_slice %arg7[%rem3A_137, %dma_start3A_411, %dma_start3A_412] : memref<2x6x128xi32, #tpu.memory_space<vmem>> -> memref<1x6x128xi32, #tpu.memory_space<vmem>>
          %dma_start3A_414 = tpu.memref_squeeze %dma_start3A_413 : memref<1x6x128xi32, #tpu.memory_space<vmem>> -> memref<6x128xi32, #tpu.memory_space<vmem>>
          %dma_start3A_415 = arith.constant 0 : i32
          %dma_start3A_416 = tpu.memref_slice %arg3[%add3A_409, %dma_start3A_415] : memref<25000x128xi32, #tpu.memory_space<hbm>> -> memref<6x128xi32, #tpu.memory_space<hbm>>
          %dma_start3A_417 = arith.constant 0 : i32
          %dma_start3A_418 = arith.constant 0 : i32
          %dma_start3A_419 = tpu.memref_slice %arg7[%rem3A_137, %dma_start3A_417, %dma_start3A_418] : memref<2x6x128xi32, #tpu.memory_space<vmem>> -> memref<1x6x128xi32, #tpu.memory_space<vmem>>
          %dma_start3A_420 = tpu.memref_squeeze %dma_start3A_419 : memref<1x6x128xi32, #tpu.memory_space<vmem>> -> memref<6x128xi32, #tpu.memory_space<vmem>>
          %dma_start3A_421 = arith.constant 0 : i32
          %dma_start3A_422 = tpu.memref_slice %arg3[%add3A_409, %dma_start3A_421] : memref<25000x128xi32, #tpu.memory_space<hbm>> -> memref<6x128xi32, #tpu.memory_space<hbm>>
          tpu.enqueue_dma source(%dma_start3A_422 : memref<6x128xi32, #tpu.memory_space<hbm>>) target(%dma_start3A_420 : memref<6x128xi32, #tpu.memory_space<vmem>>) target_semaphore(%run_scoped3A_410 : memref<!tpu.dma_semaphore, #tpu.memory_space<semaphore_mem>>)
          %dma_wait3A_423 = arith.constant 0 : i32
          %dma_wait3A_424 = arith.constant 0 : i32
          %dma_wait3A_425 = tpu.memref_slice %arg7[%rem3A_137, %dma_wait3A_423, %dma_wait3A_424] : memref<2x6x128xi32, #tpu.memory_space<vmem>> -> memref<1x6x128xi32, #tpu.memory_space<vmem>>
          %dma_wait3A_426 = tpu.memref_squeeze %dma_wait3A_425 : memref<1x6x128xi32, #tpu.memory_space<vmem>> -> memref<6x128xi32, #tpu.memory_space<vmem>>
          %dma_wait3A_427 = arith.constant 0 : i32
          %dma_wait3A_428 = tpu.memref_slice %arg3[%add3A_409, %dma_wait3A_427] : memref<25000x128xi32, #tpu.memory_space<hbm>> -> memref<6x128xi32, #tpu.memory_space<hbm>>
          %dma_wait3A_429 = arith.constant 0 : i32
          %dma_wait3A_430 = arith.constant 0 : i32
          %dma_wait3A_431 = tpu.memref_slice %arg7[%rem3A_137, %dma_wait3A_429, %dma_wait3A_430] : memref<2x6x128xi32, #tpu.memory_space<vmem>> -> memref<1x6x128xi32, #tpu.memory_space<vmem>>
          %dma_wait3A_432 = tpu.memref_squeeze %dma_wait3A_431 : memref<1x6x128xi32, #tpu.memory_space<vmem>> -> memref<6x128xi32, #tpu.memory_space<vmem>>
          %dma_wait3A_433 = arith.constant 0 : i32
          %dma_wait3A_434 = tpu.memref_slice %arg3[%add3A_409, %dma_wait3A_433] : memref<25000x128xi32, #tpu.memory_space<hbm>> -> memref<6x128xi32, #tpu.memory_space<hbm>>
          tpu.wait_dma2 semaphore(%run_scoped3A_410 : memref<!tpu.dma_semaphore, #tpu.memory_space<semaphore_mem>>) src(%dma_wait3A_434 : memref<6x128xi32, #tpu.memory_space<hbm>>) dst(%dma_wait3A_432 : memref<6x128xi32, #tpu.memory_space<vmem>>)
          tpu.yield
        }) : () -> ()
      } else {
      }
      %dma_wait3A = arith.constant 0 : i32
      %dma_wait3A_145 = arith.constant 0 : i32
      %dma_wait3A_146 = arith.constant 0 : i32
      %dma_wait3A_147 = tpu.memref_slice %arg8[%rem3A_133, %dma_wait3A, %dma_wait3A_145, %dma_wait3A_146] : memref<2x6x128x16xf32, #tpu.memory_space<vmem>> -> memref<1x1x128x16xf32, #tpu.memory_space<vmem>>
      %dma_wait3A_148 = tpu.memref_squeeze %dma_wait3A_147 : memref<1x1x128x16xf32, #tpu.memory_space<vmem>> -> memref<128x16xf32, #tpu.memory_space<vmem>>
      %dma_wait3A_149 = arith.constant 0 : i32
      %dma_wait3A_150 = arith.constant 0 : i32
      %dma_wait3A_151 = tpu.memref_slice %arg2[%dma_wait3A_149, %dma_wait3A_150] : memref<100352x16xf32, #tpu.memory_space<hbm>> -> memref<128x16xf32, #tpu.memory_space<hbm>>
      %dma_wait3A_152 = arith.constant 0 : i32
      %dma_wait3A_153 = arith.constant 0 : i32
      %dma_wait3A_154 = tpu.memref_slice %arg8[%rem3A_133, %dma_wait3A, %dma_wait3A_152, %dma_wait3A_153] : memref<2x6x128x16xf32, #tpu.memory_space<vmem>> -> memref<1x1x128x16xf32, #tpu.memory_space<vmem>>
      %dma_wait3A_155 = tpu.memref_squeeze %dma_wait3A_154 : memref<1x1x128x16xf32, #tpu.memory_space<vmem>> -> memref<128x16xf32, #tpu.memory_space<vmem>>
      %dma_wait3A_156 = arith.constant 0 : i32
      %dma_wait3A_157 = arith.constant 0 : i32
      %dma_wait3A_158 = tpu.memref_slice %arg2[%dma_wait3A_156, %dma_wait3A_157] : memref<100352x16xf32, #tpu.memory_space<hbm>> -> memref<128x16xf32, #tpu.memory_space<hbm>>
      tpu.wait_dma2 semaphore(%arg11 : memref<!tpu.dma_semaphore, #tpu.memory_space<semaphore_mem>>) src(%dma_wait3A_158 : memref<128x16xf32, #tpu.memory_space<hbm>>) dst(%dma_wait3A_155 : memref<128x16xf32, #tpu.memory_space<vmem>>)
      %dma_wait3A_159 = arith.constant 1 : i32
      %dma_wait3A_160 = arith.constant 0 : i32
      %dma_wait3A_161 = arith.constant 0 : i32
      %dma_wait3A_162 = tpu.memref_slice %arg8[%rem3A_133, %dma_wait3A_159, %dma_wait3A_160, %dma_wait3A_161] : memref<2x6x128x16xf32, #tpu.memory_space<vmem>> -> memref<1x1x128x16xf32, #tpu.memory_space<vmem>>
      %dma_wait3A_163 = tpu.memref_squeeze %dma_wait3A_162 : memref<1x1x128x16xf32, #tpu.memory_space<vmem>> -> memref<128x16xf32, #tpu.memory_space<vmem>>
      %dma_wait3A_164 = arith.constant 0 : i32
      %dma_wait3A_165 = arith.constant 0 : i32
      %dma_wait3A_166 = tpu.memref_slice %arg2[%dma_wait3A_164, %dma_wait3A_165] : memref<100352x16xf32, #tpu.memory_space<hbm>> -> memref<128x16xf32, #tpu.memory_space<hbm>>
      %dma_wait3A_167 = arith.constant 0 : i32
      %dma_wait3A_168 = arith.constant 0 : i32
      %dma_wait3A_169 = tpu.memref_slice %arg8[%rem3A_133, %dma_wait3A_159, %dma_wait3A_167, %dma_wait3A_168] : memref<2x6x128x16xf32, #tpu.memory_space<vmem>> -> memref<1x1x128x16xf32, #tpu.memory_space<vmem>>
      %dma_wait3A_170 = tpu.memref_squeeze %dma_wait3A_169 : memref<1x1x128x16xf32, #tpu.memory_space<vmem>> -> memref<128x16xf32, #tpu.memory_space<vmem>>
      %dma_wait3A_171 = arith.constant 0 : i32
      %dma_wait3A_172 = arith.constant 0 : i32
      %dma_wait3A_173 = tpu.memref_slice %arg2[%dma_wait3A_171, %dma_wait3A_172] : memref<100352x16xf32, #tpu.memory_space<hbm>> -> memref<128x16xf32, #tpu.memory_space<hbm>>
      tpu.wait_dma2 semaphore(%arg11 : memref<!tpu.dma_semaphore, #tpu.memory_space<semaphore_mem>>) src(%dma_wait3A_173 : memref<128x16xf32, #tpu.memory_space<hbm>>) dst(%dma_wait3A_170 : memref<128x16xf32, #tpu.memory_space<vmem>>)
      %dma_wait3A_174 = arith.constant 2 : i32
      %dma_wait3A_175 = arith.constant 0 : i32
      %dma_wait3A_176 = arith.constant 0 : i32
      %dma_wait3A_177 = tpu.memref_slice %arg8[%rem3A_133, %dma_wait3A_174, %dma_wait3A_175, %dma_wait3A_176] : memref<2x6x128x16xf32, #tpu.memory_space<vmem>> -> memref<1x1x128x16xf32, #tpu.memory_space<vmem>>
      %dma_wait3A_178 = tpu.memref_squeeze %dma_wait3A_177 : memref<1x1x128x16xf32, #tpu.memory_space<vmem>> -> memref<128x16xf32, #tpu.memory_space<vmem>>
      %dma_wait3A_179 = arith.constant 0 : i32
      %dma_wait3A_180 = arith.constant 0 : i32
      %dma_wait3A_181 = tpu.memref_slice %arg2[%dma_wait3A_179, %dma_wait3A_180] : memref<100352x16xf32, #tpu.memory_space<hbm>> -> memref<128x16xf32, #tpu.memory_space<hbm>>
      %dma_wait3A_182 = arith.constant 0 : i32
      %dma_wait3A_183 = arith.constant 0 : i32
      %dma_wait3A_184 = tpu.memref_slice %arg8[%rem3A_133, %dma_wait3A_174, %dma_wait3A_182, %dma_wait3A_183] : memref<2x6x128x16xf32, #tpu.memory_space<vmem>> -> memref<1x1x128x16xf32, #tpu.memory_space<vmem>>
      %dma_wait3A_185 = tpu.memref_squeeze %dma_wait3A_184 : memref<1x1x128x16xf32, #tpu.memory_space<vmem>> -> memref<128x16xf32, #tpu.memory_space<vmem>>
      %dma_wait3A_186 = arith.constant 0 : i32
      %dma_wait3A_187 = arith.constant 0 : i32
      %dma_wait3A_188 = tpu.memref_slice %arg2[%dma_wait3A_186, %dma_wait3A_187] : memref<100352x16xf32, #tpu.memory_space<hbm>> -> memref<128x16xf32, #tpu.memory_space<hbm>>
      tpu.wait_dma2 semaphore(%arg11 : memref<!tpu.dma_semaphore, #tpu.memory_space<semaphore_mem>>) src(%dma_wait3A_188 : memref<128x16xf32, #tpu.memory_space<hbm>>) dst(%dma_wait3A_185 : memref<128x16xf32, #tpu.memory_space<vmem>>)
      %dma_wait3A_189 = arith.constant 3 : i32
      %dma_wait3A_190 = arith.constant 0 : i32
      %dma_wait3A_191 = arith.constant 0 : i32
      %dma_wait3A_192 = tpu.memref_slice %arg8[%rem3A_133, %dma_wait3A_189, %dma_wait3A_190, %dma_wait3A_191] : memref<2x6x128x16xf32, #tpu.memory_space<vmem>> -> memref<1x1x128x16xf32, #tpu.memory_space<vmem>>
      %dma_wait3A_193 = tpu.memref_squeeze %dma_wait3A_192 : memref<1x1x128x16xf32, #tpu.memory_space<vmem>> -> memref<128x16xf32, #tpu.memory_space<vmem>>
      %dma_wait3A_194 = arith.constant 0 : i32
      %dma_wait3A_195 = arith.constant 0 : i32
      %dma_wait3A_196 = tpu.memref_slice %arg2[%dma_wait3A_194, %dma_wait3A_195] : memref<100352x16xf32, #tpu.memory_space<hbm>> -> memref<128x16xf32, #tpu.memory_space<hbm>>
      %dma_wait3A_197 = arith.constant 0 : i32
      %dma_wait3A_198 = arith.constant 0 : i32
      %dma_wait3A_199 = tpu.memref_slice %arg8[%rem3A_133, %dma_wait3A_189, %dma_wait3A_197, %dma_wait3A_198] : memref<2x6x128x16xf32, #tpu.memory_space<vmem>> -> memref<1x1x128x16xf32, #tpu.memory_space<vmem>>
      %dma_wait3A_200 = tpu.memref_squeeze %dma_wait3A_199 : memref<1x1x128x16xf32, #tpu.memory_space<vmem>> -> memref<128x16xf32, #tpu.memory_space<vmem>>
      %dma_wait3A_201 = arith.constant 0 : i32
      %dma_wait3A_202 = arith.constant 0 : i32
      %dma_wait3A_203 = tpu.memref_slice %arg2[%dma_wait3A_201, %dma_wait3A_202] : memref<100352x16xf32, #tpu.memory_space<hbm>> -> memref<128x16xf32, #tpu.memory_space<hbm>>
      tpu.wait_dma2 semaphore(%arg11 : memref<!tpu.dma_semaphore, #tpu.memory_space<semaphore_mem>>) src(%dma_wait3A_203 : memref<128x16xf32, #tpu.memory_space<hbm>>) dst(%dma_wait3A_200 : memref<128x16xf32, #tpu.memory_space<vmem>>)
      %dma_wait3A_204 = arith.constant 4 : i32
      %dma_wait3A_205 = arith.constant 0 : i32
      %dma_wait3A_206 = arith.constant 0 : i32
      %dma_wait3A_207 = tpu.memref_slice %arg8[%rem3A_133, %dma_wait3A_204, %dma_wait3A_205, %dma_wait3A_206] : memref<2x6x128x16xf32, #tpu.memory_space<vmem>> -> memref<1x1x128x16xf32, #tpu.memory_space<vmem>>
      %dma_wait3A_208 = tpu.memref_squeeze %dma_wait3A_207 : memref<1x1x128x16xf32, #tpu.memory_space<vmem>> -> memref<128x16xf32, #tpu.memory_space<vmem>>
      %dma_wait3A_209 = arith.constant 0 : i32
      %dma_wait3A_210 = arith.constant 0 : i32
      %dma_wait3A_211 = tpu.memref_slice %arg2[%dma_wait3A_209, %dma_wait3A_210] : memref<100352x16xf32, #tpu.memory_space<hbm>> -> memref<128x16xf32, #tpu.memory_space<hbm>>
      %dma_wait3A_212 = arith.constant 0 : i32
      %dma_wait3A_213 = arith.constant 0 : i32
      %dma_wait3A_214 = tpu.memref_slice %arg8[%rem3A_133, %dma_wait3A_204, %dma_wait3A_212, %dma_wait3A_213] : memref<2x6x128x16xf32, #tpu.memory_space<vmem>> -> memref<1x1x128x16xf32, #tpu.memory_space<vmem>>
      %dma_wait3A_215 = tpu.memref_squeeze %dma_wait3A_214 : memref<1x1x128x16xf32, #tpu.memory_space<vmem>> -> memref<128x16xf32, #tpu.memory_space<vmem>>
      %dma_wait3A_216 = arith.constant 0 : i32
      %dma_wait3A_217 = arith.constant 0 : i32
      %dma_wait3A_218 = tpu.memref_slice %arg2[%dma_wait3A_216, %dma_wait3A_217] : memref<100352x16xf32, #tpu.memory_space<hbm>> -> memref<128x16xf32, #tpu.memory_space<hbm>>
      tpu.wait_dma2 semaphore(%arg11 : memref<!tpu.dma_semaphore, #tpu.memory_space<semaphore_mem>>) src(%dma_wait3A_218 : memref<128x16xf32, #tpu.memory_space<hbm>>) dst(%dma_wait3A_215 : memref<128x16xf32, #tpu.memory_space<vmem>>)
      %dma_wait3A_219 = arith.constant 5 : i32
      %dma_wait3A_220 = arith.constant 0 : i32
      %dma_wait3A_221 = arith.constant 0 : i32
      %dma_wait3A_222 = tpu.memref_slice %arg8[%rem3A_133, %dma_wait3A_219, %dma_wait3A_220, %dma_wait3A_221] : memref<2x6x128x16xf32, #tpu.memory_space<vmem>> -> memref<1x1x128x16xf32, #tpu.memory_space<vmem>>
      %dma_wait3A_223 = tpu.memref_squeeze %dma_wait3A_222 : memref<1x1x128x16xf32, #tpu.memory_space<vmem>> -> memref<128x16xf32, #tpu.memory_space<vmem>>
      %dma_wait3A_224 = arith.constant 0 : i32
      %dma_wait3A_225 = arith.constant 0 : i32
      %dma_wait3A_226 = tpu.memref_slice %arg2[%dma_wait3A_224, %dma_wait3A_225] : memref<100352x16xf32, #tpu.memory_space<hbm>> -> memref<128x16xf32, #tpu.memory_space<hbm>>
      %dma_wait3A_227 = arith.constant 0 : i32
      %dma_wait3A_228 = arith.constant 0 : i32
      %dma_wait3A_229 = tpu.memref_slice %arg8[%rem3A_133, %dma_wait3A_219, %dma_wait3A_227, %dma_wait3A_228] : memref<2x6x128x16xf32, #tpu.memory_space<vmem>> -> memref<1x1x128x16xf32, #tpu.memory_space<vmem>>
      %dma_wait3A_230 = tpu.memref_squeeze %dma_wait3A_229 : memref<1x1x128x16xf32, #tpu.memory_space<vmem>> -> memref<128x16xf32, #tpu.memory_space<vmem>>
      %dma_wait3A_231 = arith.constant 0 : i32
      %dma_wait3A_232 = arith.constant 0 : i32
      %dma_wait3A_233 = tpu.memref_slice %arg2[%dma_wait3A_231, %dma_wait3A_232] : memref<100352x16xf32, #tpu.memory_space<hbm>> -> memref<128x16xf32, #tpu.memory_space<hbm>>
      tpu.wait_dma2 semaphore(%arg11 : memref<!tpu.dma_semaphore, #tpu.memory_space<semaphore_mem>>) src(%dma_wait3A_233 : memref<128x16xf32, #tpu.memory_space<hbm>>) dst(%dma_wait3A_230 : memref<128x16xf32, #tpu.memory_space<vmem>>)
      %dma_start3A_234 = arith.constant 0 : i32
      %dma_start3A_235 = arith.constant 0 : i32
      %dma_start3A_236 = arith.constant 0 : i32
      %dma_start3A_237 = arith.constant 0 : i32
      %dma_start3A_238 = tpu.memref_slice %arg8[%rem3A_133, %dma_start3A_234, %dma_start3A_236, %dma_start3A_237] : memref<2x6x128x16xf32, #tpu.memory_space<vmem>> -> memref<1x1x128x16xf32, #tpu.memory_space<vmem>>
      %dma_start3A_239 = tpu.memref_squeeze %dma_start3A_238 : memref<1x1x128x16xf32, #tpu.memory_space<vmem>> -> memref<128x16xf32, #tpu.memory_space<vmem>>
      %dma_start3A_240 = arith.constant 0 : i32
      %dma_start3A_241 = tpu.memref_slice %arg7[%rem3A_133, %dma_start3A_235, %dma_start3A_240] : memref<2x6x128xi32, #tpu.memory_space<vmem>> -> memref<1x1x128xi32, #tpu.memory_space<vmem>>
      %dma_start3A_242 = tpu.memref_squeeze %dma_start3A_241 : memref<1x1x128xi32, #tpu.memory_space<vmem>> -> memref<128xi32, #tpu.memory_space<vmem>>
      %dma_start3A_243 = arith.constant 0 : i32
      %dma_start3A_244 = arith.constant 0 : i32
      %dma_start3A_245 = tpu.memref_slice %arg10[%dma_start3A_243, %dma_start3A_244] : memref<100352x16xf32, #tpu.memory_space<vmem_shared>> -> memref<100352x16xf32, #tpu.memory_space<vmem_shared>>
      tpu.enqueue_indirect_dma source(%dma_start3A_239 : memref<128x16xf32, #tpu.memory_space<vmem>>) target(%dma_start3A_245 : memref<100352x16xf32, #tpu.memory_space<vmem_shared>>) offsets(%dma_start3A_242 : memref<128xi32, #tpu.memory_space<vmem>>) semaphore(%arg12 : memref<!tpu.dma_semaphore, #tpu.memory_space<semaphore_mem>>) {add = true}
      %dma_start3A_246 = arith.constant 1 : i32
      %dma_start3A_247 = arith.constant 1 : i32
      %dma_start3A_248 = arith.constant 0 : i32
      %dma_start3A_249 = arith.constant 0 : i32
      %dma_start3A_250 = tpu.memref_slice %arg8[%rem3A_133, %dma_start3A_246, %dma_start3A_248, %dma_start3A_249] : memref<2x6x128x16xf32, #tpu.memory_space<vmem>> -> memref<1x1x128x16xf32, #tpu.memory_space<vmem>>
      %dma_start3A_251 = tpu.memref_squeeze %dma_start3A_250 : memref<1x1x128x16xf32, #tpu.memory_space<vmem>> -> memref<128x16xf32, #tpu.memory_space<vmem>>
      %dma_start3A_252 = arith.constant 0 : i32
      %dma_start3A_253 = tpu.memref_slice %arg7[%rem3A_133, %dma_start3A_247, %dma_start3A_252] : memref<2x6x128xi32, #tpu.memory_space<vmem>> -> memref<1x1x128xi32, #tpu.memory_space<vmem>>
      %dma_start3A_254 = tpu.memref_squeeze %dma_start3A_253 : memref<1x1x128xi32, #tpu.memory_space<vmem>> -> memref<128xi32, #tpu.memory_space<vmem>>
      %dma_start3A_255 = arith.constant 0 : i32
      %dma_start3A_256 = arith.constant 0 : i32
      %dma_start3A_257 = tpu.memref_slice %arg10[%dma_start3A_255, %dma_start3A_256] : memref<100352x16xf32, #tpu.memory_space<vmem_shared>> -> memref<100352x16xf32, #tpu.memory_space<vmem_shared>>
      tpu.enqueue_indirect_dma source(%dma_start3A_251 : memref<128x16xf32, #tpu.memory_space<vmem>>) target(%dma_start3A_257 : memref<100352x16xf32, #tpu.memory_space<vmem_shared>>) offsets(%dma_start3A_254 : memref<128xi32, #tpu.memory_space<vmem>>) semaphore(%arg12 : memref<!tpu.dma_semaphore, #tpu.memory_space<semaphore_mem>>) {add = true}
      %dma_start3A_258 = arith.constant 2 : i32
      %dma_start3A_259 = arith.constant 2 : i32
      %dma_start3A_260 = arith.constant 0 : i32
      %dma_start3A_261 = arith.constant 0 : i32
      %dma_start3A_262 = tpu.memref_slice %arg8[%rem3A_133, %dma_start3A_258, %dma_start3A_260, %dma_start3A_261] : memref<2x6x128x16xf32, #tpu.memory_space<vmem>> -> memref<1x1x128x16xf32, #tpu.memory_space<vmem>>
      %dma_start3A_263 = tpu.memref_squeeze %dma_start3A_262 : memref<1x1x128x16xf32, #tpu.memory_space<vmem>> -> memref<128x16xf32, #tpu.memory_space<vmem>>
      %dma_start3A_264 = arith.constant 0 : i32
      %dma_start3A_265 = tpu.memref_slice %arg7[%rem3A_133, %dma_start3A_259, %dma_start3A_264] : memref<2x6x128xi32, #tpu.memory_space<vmem>> -> memref<1x1x128xi32, #tpu.memory_space<vmem>>
      %dma_start3A_266 = tpu.memref_squeeze %dma_start3A_265 : memref<1x1x128xi32, #tpu.memory_space<vmem>> -> memref<128xi32, #tpu.memory_space<vmem>>
      %dma_start3A_267 = arith.constant 0 : i32
      %dma_start3A_268 = arith.constant 0 : i32
      %dma_start3A_269 = tpu.memref_slice %arg10[%dma_start3A_267, %dma_start3A_268] : memref<100352x16xf32, #tpu.memory_space<vmem_shared>> -> memref<100352x16xf32, #tpu.memory_space<vmem_shared>>
      tpu.enqueue_indirect_dma source(%dma_start3A_263 : memref<128x16xf32, #tpu.memory_space<vmem>>) target(%dma_start3A_269 : memref<100352x16xf32, #tpu.memory_space<vmem_shared>>) offsets(%dma_start3A_266 : memref<128xi32, #tpu.memory_space<vmem>>) semaphore(%arg12 : memref<!tpu.dma_semaphore, #tpu.memory_space<semaphore_mem>>) {add = true}
      %dma_start3A_270 = arith.constant 3 : i32
      %dma_start3A_271 = arith.constant 3 : i32
      %dma_start3A_272 = arith.constant 0 : i32
      %dma_start3A_273 = arith.constant 0 : i32
      %dma_start3A_274 = tpu.memref_slice %arg8[%rem3A_133, %dma_start3A_270, %dma_start3A_272, %dma_start3A_273] : memref<2x6x128x16xf32, #tpu.memory_space<vmem>> -> memref<1x1x128x16xf32, #tpu.memory_space<vmem>>
      %dma_start3A_275 = tpu.memref_squeeze %dma_start3A_274 : memref<1x1x128x16xf32, #tpu.memory_space<vmem>> -> memref<128x16xf32, #tpu.memory_space<vmem>>
      %dma_start3A_276 = arith.constant 0 : i32
      %dma_start3A_277 = tpu.memref_slice %arg7[%rem3A_133, %dma_start3A_271, %dma_start3A_276] : memref<2x6x128xi32, #tpu.memory_space<vmem>> -> memref<1x1x128xi32, #tpu.memory_space<vmem>>
      %dma_start3A_278 = tpu.memref_squeeze %dma_start3A_277 : memref<1x1x128xi32, #tpu.memory_space<vmem>> -> memref<128xi32, #tpu.memory_space<vmem>>
      %dma_start3A_279 = arith.constant 0 : i32
      %dma_start3A_280 = arith.constant 0 : i32
      %dma_start3A_281 = tpu.memref_slice %arg10[%dma_start3A_279, %dma_start3A_280] : memref<100352x16xf32, #tpu.memory_space<vmem_shared>> -> memref<100352x16xf32, #tpu.memory_space<vmem_shared>>
      tpu.enqueue_indirect_dma source(%dma_start3A_275 : memref<128x16xf32, #tpu.memory_space<vmem>>) target(%dma_start3A_281 : memref<100352x16xf32, #tpu.memory_space<vmem_shared>>) offsets(%dma_start3A_278 : memref<128xi32, #tpu.memory_space<vmem>>) semaphore(%arg12 : memref<!tpu.dma_semaphore, #tpu.memory_space<semaphore_mem>>) {add = true}
      %dma_start3A_282 = arith.constant 4 : i32
      %dma_start3A_283 = arith.constant 4 : i32
      %dma_start3A_284 = arith.constant 0 : i32
      %dma_start3A_285 = arith.constant 0 : i32
      %dma_start3A_286 = tpu.memref_slice %arg8[%rem3A_133, %dma_start3A_282, %dma_start3A_284, %dma_start3A_285] : memref<2x6x128x16xf32, #tpu.memory_space<vmem>> -> memref<1x1x128x16xf32, #tpu.memory_space<vmem>>
      %dma_start3A_287 = tpu.memref_squeeze %dma_start3A_286 : memref<1x1x128x16xf32, #tpu.memory_space<vmem>> -> memref<128x16xf32, #tpu.memory_space<vmem>>
      %dma_start3A_288 = arith.constant 0 : i32
      %dma_start3A_289 = tpu.memref_slice %arg7[%rem3A_133, %dma_start3A_283, %dma_start3A_288] : memref<2x6x128xi32, #tpu.memory_space<vmem>> -> memref<1x1x128xi32, #tpu.memory_space<vmem>>
      %dma_start3A_290 = tpu.memref_squeeze %dma_start3A_289 : memref<1x1x128xi32, #tpu.memory_space<vmem>> -> memref<128xi32, #tpu.memory_space<vmem>>
      %dma_start3A_291 = arith.constant 0 : i32
      %dma_start3A_292 = arith.constant 0 : i32
      %dma_start3A_293 = tpu.memref_slice %arg10[%dma_start3A_291, %dma_start3A_292] : memref<100352x16xf32, #tpu.memory_space<vmem_shared>> -> memref<100352x16xf32, #tpu.memory_space<vmem_shared>>
      tpu.enqueue_indirect_dma source(%dma_start3A_287 : memref<128x16xf32, #tpu.memory_space<vmem>>) target(%dma_start3A_293 : memref<100352x16xf32, #tpu.memory_space<vmem_shared>>) offsets(%dma_start3A_290 : memref<128xi32, #tpu.memory_space<vmem>>) semaphore(%arg12 : memref<!tpu.dma_semaphore, #tpu.memory_space<semaphore_mem>>) {add = true}
      %dma_start3A_294 = arith.constant 5 : i32
      %dma_start3A_295 = arith.constant 5 : i32
      %dma_start3A_296 = arith.constant 0 : i32
      %dma_start3A_297 = arith.constant 0 : i32
      %dma_start3A_298 = tpu.memref_slice %arg8[%rem3A_133, %dma_start3A_294, %dma_start3A_296, %dma_start3A_297] : memref<2x6x128x16xf32, #tpu.memory_space<vmem>> -> memref<1x1x128x16xf32, #tpu.memory_space<vmem>>
      %dma_start3A_299 = tpu.memref_squeeze %dma_start3A_298 : memref<1x1x128x16xf32, #tpu.memory_space<vmem>> -> memref<128x16xf32, #tpu.memory_space<vmem>>
      %dma_start3A_300 = arith.constant 0 : i32
      %dma_start3A_301 = tpu.memref_slice %arg7[%rem3A_133, %dma_start3A_295, %dma_start3A_300] : memref<2x6x128xi32, #tpu.memory_space<vmem>> -> memref<1x1x128xi32, #tpu.memory_space<vmem>>
      %dma_start3A_302 = tpu.memref_squeeze %dma_start3A_301 : memref<1x1x128xi32, #tpu.memory_space<vmem>> -> memref<128xi32, #tpu.memory_space<vmem>>
      %dma_start3A_303 = arith.constant 0 : i32
      %dma_start3A_304 = arith.constant 0 : i32
      %dma_start3A_305 = tpu.memref_slice %arg10[%dma_start3A_303, %dma_start3A_304] : memref<100352x16xf32, #tpu.memory_space<vmem_shared>> -> memref<100352x16xf32, #tpu.memory_space<vmem_shared>>
      tpu.enqueue_indirect_dma source(%dma_start3A_299 : memref<128x16xf32, #tpu.memory_space<vmem>>) target(%dma_start3A_305 : memref<100352x16xf32, #tpu.memory_space<vmem_shared>>) offsets(%dma_start3A_302 : memref<128xi32, #tpu.memory_space<vmem>>) semaphore(%arg12 : memref<!tpu.dma_semaphore, #tpu.memory_space<semaphore_mem>>) {add = true}
      %add3A_306 = arith.constant 1 : i32
      %add3A_307 = arith.addi %scan3A_132, %add3A_306 : i32
      %lt3A_308 = arith.constant 65 : i32
      %lt3A_309 = arith.cmpi slt, %add3A_307, %lt3A_308 : i32
      %convert_element_type3A_310 = arith.extui %lt3A_309 : i1 to i32
      %cond3A_311 = arith.constant 0 : i32
      %cond3A_312 = arith.cmpi ne, %convert_element_type3A_310, %cond3A_311 : i32
      scf.if %cond3A_312 {
        %dma_start3A_403 = arith.constant 0 : i32
        %dma_start3A_404 = arith.constant 0 : i32
        %dma_start3A_405 = arith.constant 0 : i32
        %dma_start3A_406 = arith.constant 0 : i32
        %dma_start3A_407 = tpu.memref_slice %arg8[%rem3A_137, %dma_start3A_404, %dma_start3A_405, %dma_start3A_406] : memref<2x6x128x16xf32, #tpu.memory_space<vmem>> -> memref<1x1x128x16xf32, #tpu.memory_space<vmem>>
        %dma_start3A_408 = tpu.memref_squeeze %dma_start3A_407 : memref<1x1x128x16xf32, #tpu.memory_space<vmem>> -> memref<128x16xf32, #tpu.memory_space<vmem>>
        %dma_start3A_409 = arith.constant 0 : i32
        %dma_start3A_410 = tpu.memref_slice %arg6[%rem3A_137, %dma_start3A_403, %dma_start3A_409] : memref<2x6x128xi32, #tpu.memory_space<vmem>> -> memref<1x1x128xi32, #tpu.memory_space<vmem>>
        %dma_start3A_411 = tpu.memref_squeeze %dma_start3A_410 : memref<1x1x128xi32, #tpu.memory_space<vmem>> -> memref<128xi32, #tpu.memory_space<vmem>>
        %dma_start3A_412 = arith.constant 0 : i32
        %dma_start3A_413 = arith.constant 0 : i32
        %dma_start3A_414 = tpu.memref_slice %arg2[%dma_start3A_412, %dma_start3A_413] : memref<100352x16xf32, #tpu.memory_space<hbm>> -> memref<100352x16xf32, #tpu.memory_space<hbm>>
        tpu.enqueue_indirect_dma source(%dma_start3A_414 : memref<100352x16xf32, #tpu.memory_space<hbm>>) target(%dma_start3A_408 : memref<128x16xf32, #tpu.memory_space<vmem>>) offsets(%dma_start3A_411 : memref<128xi32, #tpu.memory_space<vmem>>) semaphore(%arg11 : memref<!tpu.dma_semaphore, #tpu.memory_space<semaphore_mem>>)
        %dma_start3A_415 = arith.constant 1 : i32
        %dma_start3A_416 = arith.constant 1 : i32
        %dma_start3A_417 = arith.constant 0 : i32
        %dma_start3A_418 = arith.constant 0 : i32
        %dma_start3A_419 = tpu.memref_slice %arg8[%rem3A_137, %dma_start3A_416, %dma_start3A_417, %dma_start3A_418] : memref<2x6x128x16xf32, #tpu.memory_space<vmem>> -> memref<1x1x128x16xf32, #tpu.memory_space<vmem>>
        %dma_start3A_420 = tpu.memref_squeeze %dma_start3A_419 : memref<1x1x128x16xf32, #tpu.memory_space<vmem>> -> memref<128x16xf32, #tpu.memory_space<vmem>>
        %dma_start3A_421 = arith.constant 0 : i32
        %dma_start3A_422 = tpu.memref_slice %arg6[%rem3A_137, %dma_start3A_415, %dma_start3A_421] : memref<2x6x128xi32, #tpu.memory_space<vmem>> -> memref<1x1x128xi32, #tpu.memory_space<vmem>>
        %dma_start3A_423 = tpu.memref_squeeze %dma_start3A_422 : memref<1x1x128xi32, #tpu.memory_space<vmem>> -> memref<128xi32, #tpu.memory_space<vmem>>
        %dma_start3A_424 = arith.constant 0 : i32
        %dma_start3A_425 = arith.constant 0 : i32
        %dma_start3A_426 = tpu.memref_slice %arg2[%dma_start3A_424, %dma_start3A_425] : memref<100352x16xf32, #tpu.memory_space<hbm>> -> memref<100352x16xf32, #tpu.memory_space<hbm>>
        tpu.enqueue_indirect_dma source(%dma_start3A_426 : memref<100352x16xf32, #tpu.memory_space<hbm>>) target(%dma_start3A_420 : memref<128x16xf32, #tpu.memory_space<vmem>>) offsets(%dma_start3A_423 : memref<128xi32, #tpu.memory_space<vmem>>) semaphore(%arg11 : memref<!tpu.dma_semaphore, #tpu.memory_space<semaphore_mem>>)
        %dma_start3A_427 = arith.constant 2 : i32
        %dma_start3A_428 = arith.constant 2 : i32
        %dma_start3A_429 = arith.constant 0 : i32
        %dma_start3A_430 = arith.constant 0 : i32
        %dma_start3A_431 = tpu.memref_slice %arg8[%rem3A_137, %dma_start3A_428, %dma_start3A_429, %dma_start3A_430] : memref<2x6x128x16xf32, #tpu.memory_space<vmem>> -> memref<1x1x128x16xf32, #tpu.memory_space<vmem>>
        %dma_start3A_432 = tpu.memref_squeeze %dma_start3A_431 : memref<1x1x128x16xf32, #tpu.memory_space<vmem>> -> memref<128x16xf32, #tpu.memory_space<vmem>>
        %dma_start3A_433 = arith.constant 0 : i32
        %dma_start3A_434 = tpu.memref_slice %arg6[%rem3A_137, %dma_start3A_427, %dma_start3A_433] : memref<2x6x128xi32, #tpu.memory_space<vmem>> -> memref<1x1x128xi32, #tpu.memory_space<vmem>>
        %dma_start3A_435 = tpu.memref_squeeze %dma_start3A_434 : memref<1x1x128xi32, #tpu.memory_space<vmem>> -> memref<128xi32, #tpu.memory_space<vmem>>
        %dma_start3A_436 = arith.constant 0 : i32
        %dma_start3A_437 = arith.constant 0 : i32
        %dma_start3A_438 = tpu.memref_slice %arg2[%dma_start3A_436, %dma_start3A_437] : memref<100352x16xf32, #tpu.memory_space<hbm>> -> memref<100352x16xf32, #tpu.memory_space<hbm>>
        tpu.enqueue_indirect_dma source(%dma_start3A_438 : memref<100352x16xf32, #tpu.memory_space<hbm>>) target(%dma_start3A_432 : memref<128x16xf32, #tpu.memory_space<vmem>>) offsets(%dma_start3A_435 : memref<128xi32, #tpu.memory_space<vmem>>) semaphore(%arg11 : memref<!tpu.dma_semaphore, #tpu.memory_space<semaphore_mem>>)
        %dma_start3A_439 = arith.constant 3 : i32
        %dma_start3A_440 = arith.constant 3 : i32
        %dma_start3A_441 = arith.constant 0 : i32
        %dma_start3A_442 = arith.constant 0 : i32
        %dma_start3A_443 = tpu.memref_slice %arg8[%rem3A_137, %dma_start3A_440, %dma_start3A_441, %dma_start3A_442] : memref<2x6x128x16xf32, #tpu.memory_space<vmem>> -> memref<1x1x128x16xf32, #tpu.memory_space<vmem>>
        %dma_start3A_444 = tpu.memref_squeeze %dma_start3A_443 : memref<1x1x128x16xf32, #tpu.memory_space<vmem>> -> memref<128x16xf32, #tpu.memory_space<vmem>>
        %dma_start3A_445 = arith.constant 0 : i32
        %dma_start3A_446 = tpu.memref_slice %arg6[%rem3A_137, %dma_start3A_439, %dma_start3A_445] : memref<2x6x128xi32, #tpu.memory_space<vmem>> -> memref<1x1x128xi32, #tpu.memory_space<vmem>>
        %dma_start3A_447 = tpu.memref_squeeze %dma_start3A_446 : memref<1x1x128xi32, #tpu.memory_space<vmem>> -> memref<128xi32, #tpu.memory_space<vmem>>
        %dma_start3A_448 = arith.constant 0 : i32
        %dma_start3A_449 = arith.constant 0 : i32
        %dma_start3A_450 = tpu.memref_slice %arg2[%dma_start3A_448, %dma_start3A_449] : memref<100352x16xf32, #tpu.memory_space<hbm>> -> memref<100352x16xf32, #tpu.memory_space<hbm>>
        tpu.enqueue_indirect_dma source(%dma_start3A_450 : memref<100352x16xf32, #tpu.memory_space<hbm>>) target(%dma_start3A_444 : memref<128x16xf32, #tpu.memory_space<vmem>>) offsets(%dma_start3A_447 : memref<128xi32, #tpu.memory_space<vmem>>) semaphore(%arg11 : memref<!tpu.dma_semaphore, #tpu.memory_space<semaphore_mem>>)
        %dma_start3A_451 = arith.constant 4 : i32
        %dma_start3A_452 = arith.constant 4 : i32
        %dma_start3A_453 = arith.constant 0 : i32
        %dma_start3A_454 = arith.constant 0 : i32
        %dma_start3A_455 = tpu.memref_slice %arg8[%rem3A_137, %dma_start3A_452, %dma_start3A_453, %dma_start3A_454] : memref<2x6x128x16xf32, #tpu.memory_space<vmem>> -> memref<1x1x128x16xf32, #tpu.memory_space<vmem>>
        %dma_start3A_456 = tpu.memref_squeeze %dma_start3A_455 : memref<1x1x128x16xf32, #tpu.memory_space<vmem>> -> memref<128x16xf32, #tpu.memory_space<vmem>>
        %dma_start3A_457 = arith.constant 0 : i32
        %dma_start3A_458 = tpu.memref_slice %arg6[%rem3A_137, %dma_start3A_451, %dma_start3A_457] : memref<2x6x128xi32, #tpu.memory_space<vmem>> -> memref<1x1x128xi32, #tpu.memory_space<vmem>>
        %dma_start3A_459 = tpu.memref_squeeze %dma_start3A_458 : memref<1x1x128xi32, #tpu.memory_space<vmem>> -> memref<128xi32, #tpu.memory_space<vmem>>
        %dma_start3A_460 = arith.constant 0 : i32
        %dma_start3A_461 = arith.constant 0 : i32
        %dma_start3A_462 = tpu.memref_slice %arg2[%dma_start3A_460, %dma_start3A_461] : memref<100352x16xf32, #tpu.memory_space<hbm>> -> memref<100352x16xf32, #tpu.memory_space<hbm>>
        tpu.enqueue_indirect_dma source(%dma_start3A_462 : memref<100352x16xf32, #tpu.memory_space<hbm>>) target(%dma_start3A_456 : memref<128x16xf32, #tpu.memory_space<vmem>>) offsets(%dma_start3A_459 : memref<128xi32, #tpu.memory_space<vmem>>) semaphore(%arg11 : memref<!tpu.dma_semaphore, #tpu.memory_space<semaphore_mem>>)
        %dma_start3A_463 = arith.constant 5 : i32
        %dma_start3A_464 = arith.constant 5 : i32
        %dma_start3A_465 = arith.constant 0 : i32
        %dma_start3A_466 = arith.constant 0 : i32
        %dma_start3A_467 = tpu.memref_slice %arg8[%rem3A_137, %dma_start3A_464, %dma_start3A_465, %dma_start3A_466] : memref<2x6x128x16xf32, #tpu.memory_space<vmem>> -> memref<1x1x128x16xf32, #tpu.memory_space<vmem>>
        %dma_start3A_468 = tpu.memref_squeeze %dma_start3A_467 : memref<1x1x128x16xf32, #tpu.memory_space<vmem>> -> memref<128x16xf32, #tpu.memory_space<vmem>>
        %dma_start3A_469 = arith.constant 0 : i32
        %dma_start3A_470 = tpu.memref_slice %arg6[%rem3A_137, %dma_start3A_463, %dma_start3A_469] : memref<2x6x128xi32, #tpu.memory_space<vmem>> -> memref<1x1x128xi32, #tpu.memory_space<vmem>>
        %dma_start3A_471 = tpu.memref_squeeze %dma_start3A_470 : memref<1x1x128xi32, #tpu.memory_space<vmem>> -> memref<128xi32, #tpu.memory_space<vmem>>
        %dma_start3A_472 = arith.constant 0 : i32
        %dma_start3A_473 = arith.constant 0 : i32
        %dma_start3A_474 = tpu.memref_slice %arg2[%dma_start3A_472, %dma_start3A_473] : memref<100352x16xf32, #tpu.memory_space<hbm>> -> memref<100352x16xf32, #tpu.memory_space<hbm>>
        tpu.enqueue_indirect_dma source(%dma_start3A_474 : memref<100352x16xf32, #tpu.memory_space<hbm>>) target(%dma_start3A_468 : memref<128x16xf32, #tpu.memory_space<vmem>>) offsets(%dma_start3A_471 : memref<128xi32, #tpu.memory_space<vmem>>) semaphore(%arg11 : memref<!tpu.dma_semaphore, #tpu.memory_space<semaphore_mem>>)
      } else {
      }
      %dma_wait3A_313 = arith.constant 0 : i32
      %dma_wait3A_314 = arith.constant 0 : i32
      %dma_wait3A_315 = arith.constant 0 : i32
      %dma_wait3A_316 = tpu.memref_slice %arg8[%rem3A_133, %dma_wait3A_313, %dma_wait3A_314, %dma_wait3A_315] : memref<2x6x128x16xf32, #tpu.memory_space<vmem>> -> memref<1x1x128x16xf32, #tpu.memory_space<vmem>>
      %dma_wait3A_317 = tpu.memref_squeeze %dma_wait3A_316 : memref<1x1x128x16xf32, #tpu.memory_space<vmem>> -> memref<128x16xf32, #tpu.memory_space<vmem>>
      %dma_wait3A_318 = arith.constant 0 : i32
      %dma_wait3A_319 = arith.constant 0 : i32
      %dma_wait3A_320 = tpu.memref_slice %arg2[%dma_wait3A_318, %dma_wait3A_319] : memref<100352x16xf32, #tpu.memory_space<hbm>> -> memref<128x16xf32, #tpu.memory_space<hbm>>
      %dma_wait3A_321 = arith.constant 0 : i32
      %dma_wait3A_322 = arith.constant 0 : i32
      %dma_wait3A_323 = tpu.memref_slice %arg8[%rem3A_133, %dma_wait3A_313, %dma_wait3A_321, %dma_wait3A_322] : memref<2x6x128x16xf32, #tpu.memory_space<vmem>> -> memref<1x1x128x16xf32, #tpu.memory_space<vmem>>
      %dma_wait3A_324 = tpu.memref_squeeze %dma_wait3A_323 : memref<1x1x128x16xf32, #tpu.memory_space<vmem>> -> memref<128x16xf32, #tpu.memory_space<vmem>>
      %dma_wait3A_325 = arith.constant 0 : i32
      %dma_wait3A_326 = arith.constant 0 : i32
      %dma_wait3A_327 = tpu.memref_slice %arg2[%dma_wait3A_325, %dma_wait3A_326] : memref<100352x16xf32, #tpu.memory_space<hbm>> -> memref<128x16xf32, #tpu.memory_space<hbm>>
      tpu.wait_dma2 semaphore(%arg12 : memref<!tpu.dma_semaphore, #tpu.memory_space<semaphore_mem>>) src(%dma_wait3A_327 : memref<128x16xf32, #tpu.memory_space<hbm>>) dst(%dma_wait3A_324 : memref<128x16xf32, #tpu.memory_space<vmem>>)
      %dma_wait3A_328 = arith.constant 1 : i32
      %dma_wait3A_329 = arith.constant 0 : i32
      %dma_wait3A_330 = arith.constant 0 : i32
      %dma_wait3A_331 = tpu.memref_slice %arg8[%rem3A_133, %dma_wait3A_328, %dma_wait3A_329, %dma_wait3A_330] : memref<2x6x128x16xf32, #tpu.memory_space<vmem>> -> memref<1x1x128x16xf32, #tpu.memory_space<vmem>>
      %dma_wait3A_332 = tpu.memref_squeeze %dma_wait3A_331 : memref<1x1x128x16xf32, #tpu.memory_space<vmem>> -> memref<128x16xf32, #tpu.memory_space<vmem>>
      %dma_wait3A_333 = arith.constant 0 : i32
      %dma_wait3A_334 = arith.constant 0 : i32
      %dma_wait3A_335 = tpu.memref_slice %arg2[%dma_wait3A_333, %dma_wait3A_334] : memref<100352x16xf32, #tpu.memory_space<hbm>> -> memref<128x16xf32, #tpu.memory_space<hbm>>
      %dma_wait3A_336 = arith.constant 0 : i32
      %dma_wait3A_337 = arith.constant 0 : i32
      %dma_wait3A_338 = tpu.memref_slice %arg8[%rem3A_133, %dma_wait3A_328, %dma_wait3A_336, %dma_wait3A_337] : memref<2x6x128x16xf32, #tpu.memory_space<vmem>> -> memref<1x1x128x16xf32, #tpu.memory_space<vmem>>
      %dma_wait3A_339 = tpu.memref_squeeze %dma_wait3A_338 : memref<1x1x128x16xf32, #tpu.memory_space<vmem>> -> memref<128x16xf32, #tpu.memory_space<vmem>>
      %dma_wait3A_340 = arith.constant 0 : i32
      %dma_wait3A_341 = arith.constant 0 : i32
      %dma_wait3A_342 = tpu.memref_slice %arg2[%dma_wait3A_340, %dma_wait3A_341] : memref<100352x16xf32, #tpu.memory_space<hbm>> -> memref<128x16xf32, #tpu.memory_space<hbm>>
      tpu.wait_dma2 semaphore(%arg12 : memref<!tpu.dma_semaphore, #tpu.memory_space<semaphore_mem>>) src(%dma_wait3A_342 : memref<128x16xf32, #tpu.memory_space<hbm>>) dst(%dma_wait3A_339 : memref<128x16xf32, #tpu.memory_space<vmem>>)
      %dma_wait3A_343 = arith.constant 2 : i32
      %dma_wait3A_344 = arith.constant 0 : i32
      %dma_wait3A_345 = arith.constant 0 : i32
      %dma_wait3A_346 = tpu.memref_slice %arg8[%rem3A_133, %dma_wait3A_343, %dma_wait3A_344, %dma_wait3A_345] : memref<2x6x128x16xf32, #tpu.memory_space<vmem>> -> memref<1x1x128x16xf32, #tpu.memory_space<vmem>>
      %dma_wait3A_347 = tpu.memref_squeeze %dma_wait3A_346 : memref<1x1x128x16xf32, #tpu.memory_space<vmem>> -> memref<128x16xf32, #tpu.memory_space<vmem>>
      %dma_wait3A_348 = arith.constant 0 : i32
      %dma_wait3A_349 = arith.constant 0 : i32
      %dma_wait3A_350 = tpu.memref_slice %arg2[%dma_wait3A_348, %dma_wait3A_349] : memref<100352x16xf32, #tpu.memory_space<hbm>> -> memref<128x16xf32, #tpu.memory_space<hbm>>
      %dma_wait3A_351 = arith.constant 0 : i32
      %dma_wait3A_352 = arith.constant 0 : i32
      %dma_wait3A_353 = tpu.memref_slice %arg8[%rem3A_133, %dma_wait3A_343, %dma_wait3A_351, %dma_wait3A_352] : memref<2x6x128x16xf32, #tpu.memory_space<vmem>> -> memref<1x1x128x16xf32, #tpu.memory_space<vmem>>
      %dma_wait3A_354 = tpu.memref_squeeze %dma_wait3A_353 : memref<1x1x128x16xf32, #tpu.memory_space<vmem>> -> memref<128x16xf32, #tpu.memory_space<vmem>>
      %dma_wait3A_355 = arith.constant 0 : i32
      %dma_wait3A_356 = arith.constant 0 : i32
      %dma_wait3A_357 = tpu.memref_slice %arg2[%dma_wait3A_355, %dma_wait3A_356] : memref<100352x16xf32, #tpu.memory_space<hbm>> -> memref<128x16xf32, #tpu.memory_space<hbm>>
      tpu.wait_dma2 semaphore(%arg12 : memref<!tpu.dma_semaphore, #tpu.memory_space<semaphore_mem>>) src(%dma_wait3A_357 : memref<128x16xf32, #tpu.memory_space<hbm>>) dst(%dma_wait3A_354 : memref<128x16xf32, #tpu.memory_space<vmem>>)
      %dma_wait3A_358 = arith.constant 3 : i32
      %dma_wait3A_359 = arith.constant 0 : i32
      %dma_wait3A_360 = arith.constant 0 : i32
      %dma_wait3A_361 = tpu.memref_slice %arg8[%rem3A_133, %dma_wait3A_358, %dma_wait3A_359, %dma_wait3A_360] : memref<2x6x128x16xf32, #tpu.memory_space<vmem>> -> memref<1x1x128x16xf32, #tpu.memory_space<vmem>>
      %dma_wait3A_362 = tpu.memref_squeeze %dma_wait3A_361 : memref<1x1x128x16xf32, #tpu.memory_space<vmem>> -> memref<128x16xf32, #tpu.memory_space<vmem>>
      %dma_wait3A_363 = arith.constant 0 : i32
      %dma_wait3A_364 = arith.constant 0 : i32
      %dma_wait3A_365 = tpu.memref_slice %arg2[%dma_wait3A_363, %dma_wait3A_364] : memref<100352x16xf32, #tpu.memory_space<hbm>> -> memref<128x16xf32, #tpu.memory_space<hbm>>
      %dma_wait3A_366 = arith.constant 0 : i32
      %dma_wait3A_367 = arith.constant 0 : i32
      %dma_wait3A_368 = tpu.memref_slice %arg8[%rem3A_133, %dma_wait3A_358, %dma_wait3A_366, %dma_wait3A_367] : memref<2x6x128x16xf32, #tpu.memory_space<vmem>> -> memref<1x1x128x16xf32, #tpu.memory_space<vmem>>
      %dma_wait3A_369 = tpu.memref_squeeze %dma_wait3A_368 : memref<1x1x128x16xf32, #tpu.memory_space<vmem>> -> memref<128x16xf32, #tpu.memory_space<vmem>>
      %dma_wait3A_370 = arith.constant 0 : i32
      %dma_wait3A_371 = arith.constant 0 : i32
      %dma_wait3A_372 = tpu.memref_slice %arg2[%dma_wait3A_370, %dma_wait3A_371] : memref<100352x16xf32, #tpu.memory_space<hbm>> -> memref<128x16xf32, #tpu.memory_space<hbm>>
      tpu.wait_dma2 semaphore(%arg12 : memref<!tpu.dma_semaphore, #tpu.memory_space<semaphore_mem>>) src(%dma_wait3A_372 : memref<128x16xf32, #tpu.memory_space<hbm>>) dst(%dma_wait3A_369 : memref<128x16xf32, #tpu.memory_space<vmem>>)
      %dma_wait3A_373 = arith.constant 4 : i32
      %dma_wait3A_374 = arith.constant 0 : i32
      %dma_wait3A_375 = arith.constant 0 : i32
      %dma_wait3A_376 = tpu.memref_slice %arg8[%rem3A_133, %dma_wait3A_373, %dma_wait3A_374, %dma_wait3A_375] : memref<2x6x128x16xf32, #tpu.memory_space<vmem>> -> memref<1x1x128x16xf32, #tpu.memory_space<vmem>>
      %dma_wait3A_377 = tpu.memref_squeeze %dma_wait3A_376 : memref<1x1x128x16xf32, #tpu.memory_space<vmem>> -> memref<128x16xf32, #tpu.memory_space<vmem>>
      %dma_wait3A_378 = arith.constant 0 : i32
      %dma_wait3A_379 = arith.constant 0 : i32
      %dma_wait3A_380 = tpu.memref_slice %arg2[%dma_wait3A_378, %dma_wait3A_379] : memref<100352x16xf32, #tpu.memory_space<hbm>> -> memref<128x16xf32, #tpu.memory_space<hbm>>
      %dma_wait3A_381 = arith.constant 0 : i32
      %dma_wait3A_382 = arith.constant 0 : i32
      %dma_wait3A_383 = tpu.memref_slice %arg8[%rem3A_133, %dma_wait3A_373, %dma_wait3A_381, %dma_wait3A_382] : memref<2x6x128x16xf32, #tpu.memory_space<vmem>> -> memref<1x1x128x16xf32, #tpu.memory_space<vmem>>
      %dma_wait3A_384 = tpu.memref_squeeze %dma_wait3A_383 : memref<1x1x128x16xf32, #tpu.memory_space<vmem>> -> memref<128x16xf32, #tpu.memory_space<vmem>>
      %dma_wait3A_385 = arith.constant 0 : i32
      %dma_wait3A_386 = arith.constant 0 : i32
      %dma_wait3A_387 = tpu.memref_slice %arg2[%dma_wait3A_385, %dma_wait3A_386] : memref<100352x16xf32, #tpu.memory_space<hbm>> -> memref<128x16xf32, #tpu.memory_space<hbm>>
      tpu.wait_dma2 semaphore(%arg12 : memref<!tpu.dma_semaphore, #tpu.memory_space<semaphore_mem>>) src(%dma_wait3A_387 : memref<128x16xf32, #tpu.memory_space<hbm>>) dst(%dma_wait3A_384 : memref<128x16xf32, #tpu.memory_space<vmem>>)
      %dma_wait3A_388 = arith.constant 5 : i32
      %dma_wait3A_389 = arith.constant 0 : i32
      %dma_wait3A_390 = arith.constant 0 : i32
      %dma_wait3A_391 = tpu.memref_slice %arg8[%rem3A_133, %dma_wait3A_388, %dma_wait3A_389, %dma_wait3A_390] : memref<2x6x128x16xf32, #tpu.memory_space<vmem>> -> memref<1x1x128x16xf32, #tpu.memory_space<vmem>>
      %dma_wait3A_392 = tpu.memref_squeeze %dma_wait3A_391 : memref<1x1x128x16xf32, #tpu.memory_space<vmem>> -> memref<128x16xf32, #tpu.memory_space<vmem>>
      %dma_wait3A_393 = arith.constant 0 : i32
      %dma_wait3A_394 = arith.constant 0 : i32
      %dma_wait3A_395 = tpu.memref_slice %arg2[%dma_wait3A_393, %dma_wait3A_394] : memref<100352x16xf32, #tpu.memory_space<hbm>> -> memref<128x16xf32, #tpu.memory_space<hbm>>
      %dma_wait3A_396 = arith.constant 0 : i32
      %dma_wait3A_397 = arith.constant 0 : i32
      %dma_wait3A_398 = tpu.memref_slice %arg8[%rem3A_133, %dma_wait3A_388, %dma_wait3A_396, %dma_wait3A_397] : memref<2x6x128x16xf32, #tpu.memory_space<vmem>> -> memref<1x1x128x16xf32, #tpu.memory_space<vmem>>
      %dma_wait3A_399 = tpu.memref_squeeze %dma_wait3A_398 : memref<1x1x128x16xf32, #tpu.memory_space<vmem>> -> memref<128x16xf32, #tpu.memory_space<vmem>>
      %dma_wait3A_400 = arith.constant 0 : i32
      %dma_wait3A_401 = arith.constant 0 : i32
      %dma_wait3A_402 = tpu.memref_slice %arg2[%dma_wait3A_400, %dma_wait3A_401] : memref<100352x16xf32, #tpu.memory_space<hbm>> -> memref<128x16xf32, #tpu.memory_space<hbm>>
      tpu.wait_dma2 semaphore(%arg12 : memref<!tpu.dma_semaphore, #tpu.memory_space<semaphore_mem>>) src(%dma_wait3A_402 : memref<128x16xf32, #tpu.memory_space<hbm>>) dst(%dma_wait3A_399 : memref<128x16xf32, #tpu.memory_space<vmem>>)
    }
    %scan3A_113 = arith.constant 65 : i32
    %while3A = arith.constant 0 : i32
    %while3A_114 = arith.constant 0 : i32
    %while3A_115 = arith.subi %select_n3A, %while3A_114 : i32
    %while3A_116 = arith.addi %while3A_114, %while3A_115 : i32
    %while3A_117 = arith.constant 1 : i32
    %while3A_118 = arith.divsi %while3A_115, %while3A_117 : i32
    %while3A_119 = arith.muli %while3A_118, %while3A_117 : i32
    %while3A_120 = arith.addi %while3A_114, %while3A_119 : i32
    %while3A_121 = arith.constant 1 : i32
    scf.for %while3A_132 = %while3A_114 to %while3A_120 step %while3A_121  : i32 {
      %mul3A_133 = arith.constant 32 : i32
      %mul3A_134 = arith.muli %mul3A_133, %while3A_132 : i32
      %add3A_135 = arith.addi %add3A_19, %mul3A_134 : i32
      %run_scoped3A_136 = arith.constant 0 : i32
      "tpu.region"() ({
        %run_scoped3A_171 = tpu.sem_alloc : memref<!tpu.dma_semaphore, #tpu.memory_space<semaphore_mem>>
        %dma_start3A_172 = arith.constant 0 : i32
        %dma_start3A_173 = arith.constant 0 : i32
        %dma_start3A_174 = tpu.memref_slice %arg6[%run_scoped3A_136, %dma_start3A_172, %dma_start3A_173] : memref<2x6x128xi32, #tpu.memory_space<vmem>> -> memref<1x1x128xi32, #tpu.memory_space<vmem>>
        %dma_start3A_175 = tpu.memref_squeeze %dma_start3A_174 : memref<1x1x128xi32, #tpu.memory_space<vmem>> -> memref<1x128xi32, #tpu.memory_space<vmem>>
        %dma_start3A_176 = arith.constant 0 : i32
        %dma_start3A_177 = tpu.memref_slice %arg3[%add3A_135, %dma_start3A_176] : memref<25000x128xi32, #tpu.memory_space<hbm>> -> memref<1x128xi32, #tpu.memory_space<hbm>>
        %dma_start3A_178 = arith.constant 0 : i32
        %dma_start3A_179 = arith.constant 0 : i32
        %dma_start3A_180 = tpu.memref_slice %arg6[%run_scoped3A_136, %dma_start3A_178, %dma_start3A_179] : memref<2x6x128xi32, #tpu.memory_space<vmem>> -> memref<1x1x128xi32, #tpu.memory_space<vmem>>
        %dma_start3A_181 = tpu.memref_squeeze %dma_start3A_180 : memref<1x1x128xi32, #tpu.memory_space<vmem>> -> memref<1x128xi32, #tpu.memory_space<vmem>>
        %dma_start3A_182 = arith.constant 0 : i32
        %dma_start3A_183 = tpu.memref_slice %arg3[%add3A_135, %dma_start3A_182] : memref<25000x128xi32, #tpu.memory_space<hbm>> -> memref<1x128xi32, #tpu.memory_space<hbm>>
        tpu.enqueue_dma source(%dma_start3A_183 : memref<1x128xi32, #tpu.memory_space<hbm>>) target(%dma_start3A_181 : memref<1x128xi32, #tpu.memory_space<vmem>>) target_semaphore(%run_scoped3A_171 : memref<!tpu.dma_semaphore, #tpu.memory_space<semaphore_mem>>)
        %dma_wait3A_184 = arith.constant 0 : i32
        %dma_wait3A_185 = arith.constant 0 : i32
        %dma_wait3A_186 = tpu.memref_slice %arg6[%run_scoped3A_136, %dma_wait3A_184, %dma_wait3A_185] : memref<2x6x128xi32, #tpu.memory_space<vmem>> -> memref<1x1x128xi32, #tpu.memory_space<vmem>>
        %dma_wait3A_187 = tpu.memref_squeeze %dma_wait3A_186 : memref<1x1x128xi32, #tpu.memory_space<vmem>> -> memref<1x128xi32, #tpu.memory_space<vmem>>
        %dma_wait3A_188 = arith.constant 0 : i32
        %dma_wait3A_189 = tpu.memref_slice %arg3[%add3A_135, %dma_wait3A_188] : memref<25000x128xi32, #tpu.memory_space<hbm>> -> memref<1x128xi32, #tpu.memory_space<hbm>>
        %dma_wait3A_190 = arith.constant 0 : i32
        %dma_wait3A_191 = arith.constant 0 : i32
        %dma_wait3A_192 = tpu.memref_slice %arg6[%run_scoped3A_136, %dma_wait3A_190, %dma_wait3A_191] : memref<2x6x128xi32, #tpu.memory_space<vmem>> -> memref<1x1x128xi32, #tpu.memory_space<vmem>>
        %dma_wait3A_193 = tpu.memref_squeeze %dma_wait3A_192 : memref<1x1x128xi32, #tpu.memory_space<vmem>> -> memref<1x128xi32, #tpu.memory_space<vmem>>
        %dma_wait3A_194 = arith.constant 0 : i32
        %dma_wait3A_195 = tpu.memref_slice %arg3[%add3A_135, %dma_wait3A_194] : memref<25000x128xi32, #tpu.memory_space<hbm>> -> memref<1x128xi32, #tpu.memory_space<hbm>>
        tpu.wait_dma2 semaphore(%run_scoped3A_171 : memref<!tpu.dma_semaphore, #tpu.memory_space<semaphore_mem>>) src(%dma_wait3A_195 : memref<1x128xi32, #tpu.memory_space<hbm>>) dst(%dma_wait3A_193 : memref<1x128xi32, #tpu.memory_space<vmem>>)
        tpu.yield
      }) : () -> ()
      %add3A_137 = arith.constant 12500 : i32
      %add3A_138 = arith.addi %add3A_137, %add3A_135 : i32
      %run_scoped3A_139 = arith.constant 0 : i32
      "tpu.region"() ({
        %run_scoped3A_171 = tpu.sem_alloc : memref<!tpu.dma_semaphore, #tpu.memory_space<semaphore_mem>>
        %dma_start3A_172 = arith.constant 0 : i32
        %dma_start3A_173 = arith.constant 0 : i32
        %dma_start3A_174 = tpu.memref_slice %arg7[%run_scoped3A_139, %dma_start3A_172, %dma_start3A_173] : memref<2x6x128xi32, #tpu.memory_space<vmem>> -> memref<1x1x128xi32, #tpu.memory_space<vmem>>
        %dma_start3A_175 = tpu.memref_squeeze %dma_start3A_174 : memref<1x1x128xi32, #tpu.memory_space<vmem>> -> memref<1x128xi32, #tpu.memory_space<vmem>>
        %dma_start3A_176 = arith.constant 0 : i32
        %dma_start3A_177 = tpu.memref_slice %arg3[%add3A_138, %dma_start3A_176] : memref<25000x128xi32, #tpu.memory_space<hbm>> -> memref<1x128xi32, #tpu.memory_space<hbm>>
        %dma_start3A_178 = arith.constant 0 : i32
        %dma_start3A_179 = arith.constant 0 : i32
        %dma_start3A_180 = tpu.memref_slice %arg7[%run_scoped3A_139, %dma_start3A_178, %dma_start3A_179] : memref<2x6x128xi32, #tpu.memory_space<vmem>> -> memref<1x1x128xi32, #tpu.memory_space<vmem>>
        %dma_start3A_181 = tpu.memref_squeeze %dma_start3A_180 : memref<1x1x128xi32, #tpu.memory_space<vmem>> -> memref<1x128xi32, #tpu.memory_space<vmem>>
        %dma_start3A_182 = arith.constant 0 : i32
        %dma_start3A_183 = tpu.memref_slice %arg3[%add3A_138, %dma_start3A_182] : memref<25000x128xi32, #tpu.memory_space<hbm>> -> memref<1x128xi32, #tpu.memory_space<hbm>>
        tpu.enqueue_dma source(%dma_start3A_183 : memref<1x128xi32, #tpu.memory_space<hbm>>) target(%dma_start3A_181 : memref<1x128xi32, #tpu.memory_space<vmem>>) target_semaphore(%run_scoped3A_171 : memref<!tpu.dma_semaphore, #tpu.memory_space<semaphore_mem>>)
        %dma_wait3A_184 = arith.constant 0 : i32
        %dma_wait3A_185 = arith.constant 0 : i32
        %dma_wait3A_186 = tpu.memref_slice %arg7[%run_scoped3A_139, %dma_wait3A_184, %dma_wait3A_185] : memref<2x6x128xi32, #tpu.memory_space<vmem>> -> memref<1x1x128xi32, #tpu.memory_space<vmem>>
        %dma_wait3A_187 = tpu.memref_squeeze %dma_wait3A_186 : memref<1x1x128xi32, #tpu.memory_space<vmem>> -> memref<1x128xi32, #tpu.memory_space<vmem>>
        %dma_wait3A_188 = arith.constant 0 : i32
        %dma_wait3A_189 = tpu.memref_slice %arg3[%add3A_138, %dma_wait3A_188] : memref<25000x128xi32, #tpu.memory_space<hbm>> -> memref<1x128xi32, #tpu.memory_space<hbm>>
        %dma_wait3A_190 = arith.constant 0 : i32
        %dma_wait3A_191 = arith.constant 0 : i32
        %dma_wait3A_192 = tpu.memref_slice %arg7[%run_scoped3A_139, %dma_wait3A_190, %dma_wait3A_191] : memref<2x6x128xi32, #tpu.memory_space<vmem>> -> memref<1x1x128xi32, #tpu.memory_space<vmem>>
        %dma_wait3A_193 = tpu.memref_squeeze %dma_wait3A_192 : memref<1x1x128xi32, #tpu.memory_space<vmem>> -> memref<1x128xi32, #tpu.memory_space<vmem>>
        %dma_wait3A_194 = arith.constant 0 : i32
        %dma_wait3A_195 = tpu.memref_slice %arg3[%add3A_138, %dma_wait3A_194] : memref<25000x128xi32, #tpu.memory_space<hbm>> -> memref<1x128xi32, #tpu.memory_space<hbm>>
        tpu.wait_dma2 semaphore(%run_scoped3A_171 : memref<!tpu.dma_semaphore, #tpu.memory_space<semaphore_mem>>) src(%dma_wait3A_195 : memref<1x128xi32, #tpu.memory_space<hbm>>) dst(%dma_wait3A_193 : memref<1x128xi32, #tpu.memory_space<vmem>>)
        tpu.yield
      }) : () -> ()
      %dma_start3A_140 = arith.constant 0 : i32
      %dma_start3A_141 = arith.constant 0 : i32
      %dma_start3A_142 = arith.constant 0 : i32
      %dma_start3A_143 = arith.constant 0 : i32
      %dma_start3A_144 = arith.constant 0 : i32
      %dma_start3A_145 = arith.constant 0 : i32
      %dma_start3A_146 = tpu.memref_slice %arg8[%dma_start3A_142, %dma_start3A_143, %dma_start3A_144, %dma_start3A_145] : memref<2x6x128x16xf32, #tpu.memory_space<vmem>> -> memref<1x1x128x16xf32, #tpu.memory_space<vmem>>
      %dma_start3A_147 = tpu.memref_squeeze %dma_start3A_146 : memref<1x1x128x16xf32, #tpu.memory_space<vmem>> -> memref<128x16xf32, #tpu.memory_space<vmem>>
      %dma_start3A_148 = arith.constant 0 : i32
      %dma_start3A_149 = tpu.memref_slice %arg6[%dma_start3A_140, %dma_start3A_141, %dma_start3A_148] : memref<2x6x128xi32, #tpu.memory_space<vmem>> -> memref<1x1x128xi32, #tpu.memory_space<vmem>>
      %dma_start3A_150 = tpu.memref_squeeze %dma_start3A_149 : memref<1x1x128xi32, #tpu.memory_space<vmem>> -> memref<128xi32, #tpu.memory_space<vmem>>
      %dma_start3A_151 = arith.constant 0 : i32
      %dma_start3A_152 = arith.constant 0 : i32
      %dma_start3A_153 = tpu.memref_slice %arg2[%dma_start3A_151, %dma_start3A_152] : memref<100352x16xf32, #tpu.memory_space<hbm>> -> memref<100352x16xf32, #tpu.memory_space<hbm>>
      tpu.enqueue_indirect_dma source(%dma_start3A_153 : memref<100352x16xf32, #tpu.memory_space<hbm>>) target(%dma_start3A_147 : memref<128x16xf32, #tpu.memory_space<vmem>>) offsets(%dma_start3A_150 : memref<128xi32, #tpu.memory_space<vmem>>) semaphore(%arg11 : memref<!tpu.dma_semaphore, #tpu.memory_space<semaphore_mem>>)
      %dma_wait3A = arith.constant 0 : i32
      %dma_wait3A_154 = arith.constant 0 : i32
      %dma_wait3A_155 = arith.constant 0 : i32
      %dma_wait3A_156 = arith.constant 0 : i32
      %dma_wait3A_157 = arith.constant 0 : i32
      %dma_wait3A_158 = arith.constant 0 : i32
      %dma_wait3A_159 = tpu.memref_slice %arg8[%dma_wait3A_155, %dma_wait3A_156, %dma_wait3A_157, %dma_wait3A_158] : memref<2x6x128x16xf32, #tpu.memory_space<vmem>> -> memref<1x1x128x16xf32, #tpu.memory_space<vmem>>
      %dma_wait3A_160 = tpu.memref_squeeze %dma_wait3A_159 : memref<1x1x128x16xf32, #tpu.memory_space<vmem>> -> memref<128x16xf32, #tpu.memory_space<vmem>>
      %dma_wait3A_161 = arith.constant 0 : i32
      %dma_wait3A_162 = tpu.memref_slice %arg6[%dma_wait3A, %dma_wait3A_154, %dma_wait3A_161] : memref<2x6x128xi32, #tpu.memory_space<vmem>> -> memref<1x1x128xi32, #tpu.memory_space<vmem>>
      %dma_wait3A_163 = tpu.memref_squeeze %dma_wait3A_162 : memref<1x1x128xi32, #tpu.memory_space<vmem>> -> memref<128xi32, #tpu.memory_space<vmem>>
      %dma_wait3A_164 = arith.constant 0 : i32
      %dma_wait3A_165 = arith.constant 0 : i32
      %dma_wait3A_166 = tpu.memref_slice %arg2[%dma_wait3A_164, %dma_wait3A_165] : memref<100352x16xf32, #tpu.memory_space<hbm>> -> memref<100352x16xf32, #tpu.memory_space<hbm>>
      tpu.wait_indirect_dma semaphore(%arg11 : memref<!tpu.dma_semaphore, #tpu.memory_space<semaphore_mem>>) src(%dma_wait3A_166 : memref<100352x16xf32, #tpu.memory_space<hbm>>) dst(%dma_wait3A_160 : memref<128x16xf32, #tpu.memory_space<vmem>>)
      %run_scoped3A_167 = arith.constant 0 : i32
      %run_scoped3A_168 = arith.constant 0 : i32
      %run_scoped3A_169 = arith.constant 0 : i32
      %run_scoped3A_170 = arith.constant 0 : i32
      "tpu.region"() ({
        %run_scoped3A_171 = tpu.sem_alloc : memref<!tpu.dma_semaphore, #tpu.memory_space<semaphore_mem>>
        %dma_start3A_172 = arith.constant 0 : i32
        %dma_start3A_173 = arith.constant 0 : i32
        %dma_start3A_174 = tpu.memref_slice %arg8[%run_scoped3A_167, %run_scoped3A_168, %dma_start3A_172, %dma_start3A_173] : memref<2x6x128x16xf32, #tpu.memory_space<vmem>> -> memref<1x1x128x16xf32, #tpu.memory_space<vmem>>
        %dma_start3A_175 = tpu.memref_squeeze %dma_start3A_174 : memref<1x1x128x16xf32, #tpu.memory_space<vmem>> -> memref<128x16xf32, #tpu.memory_space<vmem>>
        %dma_start3A_176 = arith.constant 0 : i32
        %dma_start3A_177 = tpu.memref_slice %arg7[%run_scoped3A_169, %run_scoped3A_170, %dma_start3A_176] : memref<2x6x128xi32, #tpu.memory_space<vmem>> -> memref<1x1x128xi32, #tpu.memory_space<vmem>>
        %dma_start3A_178 = tpu.memref_squeeze %dma_start3A_177 : memref<1x1x128xi32, #tpu.memory_space<vmem>> -> memref<128xi32, #tpu.memory_space<vmem>>
        %dma_start3A_179 = arith.constant 0 : i32
        %dma_start3A_180 = arith.constant 0 : i32
        %dma_start3A_181 = tpu.memref_slice %arg10[%dma_start3A_179, %dma_start3A_180] : memref<100352x16xf32, #tpu.memory_space<vmem_shared>> -> memref<100352x16xf32, #tpu.memory_space<vmem_shared>>
        tpu.enqueue_indirect_dma source(%dma_start3A_175 : memref<128x16xf32, #tpu.memory_space<vmem>>) target(%dma_start3A_181 : memref<100352x16xf32, #tpu.memory_space<vmem_shared>>) offsets(%dma_start3A_178 : memref<128xi32, #tpu.memory_space<vmem>>) semaphore(%run_scoped3A_171 : memref<!tpu.dma_semaphore, #tpu.memory_space<semaphore_mem>>) {add = true}
        %dma_wait3A_182 = arith.constant 0 : i32
        %dma_wait3A_183 = arith.constant 0 : i32
        %dma_wait3A_184 = tpu.memref_slice %arg8[%run_scoped3A_167, %run_scoped3A_168, %dma_wait3A_182, %dma_wait3A_183] : memref<2x6x128x16xf32, #tpu.memory_space<vmem>> -> memref<1x1x128x16xf32, #tpu.memory_space<vmem>>
        %dma_wait3A_185 = tpu.memref_squeeze %dma_wait3A_184 : memref<1x1x128x16xf32, #tpu.memory_space<vmem>> -> memref<128x16xf32, #tpu.memory_space<vmem>>
        %dma_wait3A_186 = arith.constant 0 : i32
        %dma_wait3A_187 = tpu.memref_slice %arg7[%run_scoped3A_169, %run_scoped3A_170, %dma_wait3A_186] : memref<2x6x128xi32, #tpu.memory_space<vmem>> -> memref<1x1x128xi32, #tpu.memory_space<vmem>>
        %dma_wait3A_188 = tpu.memref_squeeze %dma_wait3A_187 : memref<1x1x128xi32, #tpu.memory_space<vmem>> -> memref<128xi32, #tpu.memory_space<vmem>>
        %dma_wait3A_189 = arith.constant 0 : i32
        %dma_wait3A_190 = arith.constant 0 : i32
        %dma_wait3A_191 = tpu.memref_slice %arg10[%dma_wait3A_189, %dma_wait3A_190] : memref<100352x16xf32, #tpu.memory_space<vmem_shared>> -> memref<100352x16xf32, #tpu.memory_space<vmem_shared>>
        tpu.wait_indirect_dma semaphore(%run_scoped3A_171 : memref<!tpu.dma_semaphore, #tpu.memory_space<semaphore_mem>>) src(%dma_wait3A_185 : memref<128x16xf32, #tpu.memory_space<vmem>>) dst(%dma_wait3A_191 : memref<100352x16xf32, #tpu.memory_space<vmem_shared>>)
        tpu.yield
      }) : () -> ()
    }
    %while3A_122 = arith.constant 1 : i32
    scf.for %while3A_132 = %while3A_120 to %while3A_116 step %while3A_122  : i32 {
      %mul3A_133 = arith.constant 32 : i32
      %mul3A_134 = arith.muli %mul3A_133, %while3A_132 : i32
      %add3A_135 = arith.addi %add3A_19, %mul3A_134 : i32
      %run_scoped3A_136 = arith.constant 0 : i32
      "tpu.region"() ({
        %run_scoped3A_171 = tpu.sem_alloc : memref<!tpu.dma_semaphore, #tpu.memory_space<semaphore_mem>>
        %dma_start3A_172 = arith.constant 0 : i32
        %dma_start3A_173 = arith.constant 0 : i32
        %dma_start3A_174 = tpu.memref_slice %arg6[%run_scoped3A_136, %dma_start3A_172, %dma_start3A_173] : memref<2x6x128xi32, #tpu.memory_space<vmem>> -> memref<1x1x128xi32, #tpu.memory_space<vmem>>
        %dma_start3A_175 = tpu.memref_squeeze %dma_start3A_174 : memref<1x1x128xi32, #tpu.memory_space<vmem>> -> memref<1x128xi32, #tpu.memory_space<vmem>>
        %dma_start3A_176 = arith.constant 0 : i32
        %dma_start3A_177 = tpu.memref_slice %arg3[%add3A_135, %dma_start3A_176] : memref<25000x128xi32, #tpu.memory_space<hbm>> -> memref<1x128xi32, #tpu.memory_space<hbm>>
        %dma_start3A_178 = arith.constant 0 : i32
        %dma_start3A_179 = arith.constant 0 : i32
        %dma_start3A_180 = tpu.memref_slice %arg6[%run_scoped3A_136, %dma_start3A_178, %dma_start3A_179] : memref<2x6x128xi32, #tpu.memory_space<vmem>> -> memref<1x1x128xi32, #tpu.memory_space<vmem>>
        %dma_start3A_181 = tpu.memref_squeeze %dma_start3A_180 : memref<1x1x128xi32, #tpu.memory_space<vmem>> -> memref<1x128xi32, #tpu.memory_space<vmem>>
        %dma_start3A_182 = arith.constant 0 : i32
        %dma_start3A_183 = tpu.memref_slice %arg3[%add3A_135, %dma_start3A_182] : memref<25000x128xi32, #tpu.memory_space<hbm>> -> memref<1x128xi32, #tpu.memory_space<hbm>>
        tpu.enqueue_dma source(%dma_start3A_183 : memref<1x128xi32, #tpu.memory_space<hbm>>) target(%dma_start3A_181 : memref<1x128xi32, #tpu.memory_space<vmem>>) target_semaphore(%run_scoped3A_171 : memref<!tpu.dma_semaphore, #tpu.memory_space<semaphore_mem>>)
        %dma_wait3A_184 = arith.constant 0 : i32
        %dma_wait3A_185 = arith.constant 0 : i32
        %dma_wait3A_186 = tpu.memref_slice %arg6[%run_scoped3A_136, %dma_wait3A_184, %dma_wait3A_185] : memref<2x6x128xi32, #tpu.memory_space<vmem>> -> memref<1x1x128xi32, #tpu.memory_space<vmem>>
        %dma_wait3A_187 = tpu.memref_squeeze %dma_wait3A_186 : memref<1x1x128xi32, #tpu.memory_space<vmem>> -> memref<1x128xi32, #tpu.memory_space<vmem>>
        %dma_wait3A_188 = arith.constant 0 : i32
        %dma_wait3A_189 = tpu.memref_slice %arg3[%add3A_135, %dma_wait3A_188] : memref<25000x128xi32, #tpu.memory_space<hbm>> -> memref<1x128xi32, #tpu.memory_space<hbm>>
        %dma_wait3A_190 = arith.constant 0 : i32
        %dma_wait3A_191 = arith.constant 0 : i32
        %dma_wait3A_192 = tpu.memref_slice %arg6[%run_scoped3A_136, %dma_wait3A_190, %dma_wait3A_191] : memref<2x6x128xi32, #tpu.memory_space<vmem>> -> memref<1x1x128xi32, #tpu.memory_space<vmem>>
        %dma_wait3A_193 = tpu.memref_squeeze %dma_wait3A_192 : memref<1x1x128xi32, #tpu.memory_space<vmem>> -> memref<1x128xi32, #tpu.memory_space<vmem>>
        %dma_wait3A_194 = arith.constant 0 : i32
        %dma_wait3A_195 = tpu.memref_slice %arg3[%add3A_135, %dma_wait3A_194] : memref<25000x128xi32, #tpu.memory_space<hbm>> -> memref<1x128xi32, #tpu.memory_space<hbm>>
        tpu.wait_dma2 semaphore(%run_scoped3A_171 : memref<!tpu.dma_semaphore, #tpu.memory_space<semaphore_mem>>) src(%dma_wait3A_195 : memref<1x128xi32, #tpu.memory_space<hbm>>) dst(%dma_wait3A_193 : memref<1x128xi32, #tpu.memory_space<vmem>>)
        tpu.yield
      }) : () -> ()
      %add3A_137 = arith.constant 12500 : i32
      %add3A_138 = arith.addi %add3A_137, %add3A_135 : i32
      %run_scoped3A_139 = arith.constant 0 : i32
      "tpu.region"() ({
        %run_scoped3A_171 = tpu.sem_alloc : memref<!tpu.dma_semaphore, #tpu.memory_space<semaphore_mem>>
        %dma_start3A_172 = arith.constant 0 : i32
        %dma_start3A_173 = arith.constant 0 : i32
        %dma_start3A_174 = tpu.memref_slice %arg7[%run_scoped3A_139, %dma_start3A_172, %dma_start3A_173] : memref<2x6x128xi32, #tpu.memory_space<vmem>> -> memref<1x1x128xi32, #tpu.memory_space<vmem>>
        %dma_start3A_175 = tpu.memref_squeeze %dma_start3A_174 : memref<1x1x128xi32, #tpu.memory_space<vmem>> -> memref<1x128xi32, #tpu.memory_space<vmem>>
        %dma_start3A_176 = arith.constant 0 : i32
        %dma_start3A_177 = tpu.memref_slice %arg3[%add3A_138, %dma_start3A_176] : memref<25000x128xi32, #tpu.memory_space<hbm>> -> memref<1x128xi32, #tpu.memory_space<hbm>>
        %dma_start3A_178 = arith.constant 0 : i32
        %dma_start3A_179 = arith.constant 0 : i32
        %dma_start3A_180 = tpu.memref_slice %arg7[%run_scoped3A_139, %dma_start3A_178, %dma_start3A_179] : memref<2x6x128xi32, #tpu.memory_space<vmem>> -> memref<1x1x128xi32, #tpu.memory_space<vmem>>
        %dma_start3A_181 = tpu.memref_squeeze %dma_start3A_180 : memref<1x1x128xi32, #tpu.memory_space<vmem>> -> memref<1x128xi32, #tpu.memory_space<vmem>>
        %dma_start3A_182 = arith.constant 0 : i32
        %dma_start3A_183 = tpu.memref_slice %arg3[%add3A_138, %dma_start3A_182] : memref<25000x128xi32, #tpu.memory_space<hbm>> -> memref<1x128xi32, #tpu.memory_space<hbm>>
        tpu.enqueue_dma source(%dma_start3A_183 : memref<1x128xi32, #tpu.memory_space<hbm>>) target(%dma_start3A_181 : memref<1x128xi32, #tpu.memory_space<vmem>>) target_semaphore(%run_scoped3A_171 : memref<!tpu.dma_semaphore, #tpu.memory_space<semaphore_mem>>)
        %dma_wait3A_184 = arith.constant 0 : i32
        %dma_wait3A_185 = arith.constant 0 : i32
        %dma_wait3A_186 = tpu.memref_slice %arg7[%run_scoped3A_139, %dma_wait3A_184, %dma_wait3A_185] : memref<2x6x128xi32, #tpu.memory_space<vmem>> -> memref<1x1x128xi32, #tpu.memory_space<vmem>>
        %dma_wait3A_187 = tpu.memref_squeeze %dma_wait3A_186 : memref<1x1x128xi32, #tpu.memory_space<vmem>> -> memref<1x128xi32, #tpu.memory_space<vmem>>
        %dma_wait3A_188 = arith.constant 0 : i32
        %dma_wait3A_189 = tpu.memref_slice %arg3[%add3A_138, %dma_wait3A_188] : memref<25000x128xi32, #tpu.memory_space<hbm>> -> memref<1x128xi32, #tpu.memory_space<hbm>>
        %dma_wait3A_190 = arith.constant 0 : i32
        %dma_wait3A_191 = arith.constant 0 : i32
        %dma_wait3A_192 = tpu.memref_slice %arg7[%run_scoped3A_139, %dma_wait3A_190, %dma_wait3A_191] : memref<2x6x128xi32, #tpu.memory_space<vmem>> -> memref<1x1x128xi32, #tpu.memory_space<vmem>>
        %dma_wait3A_193 = tpu.memref_squeeze %dma_wait3A_192 : memref<1x1x128xi32, #tpu.memory_space<vmem>> -> memref<1x128xi32, #tpu.memory_space<vmem>>
        %dma_wait3A_194 = arith.constant 0 : i32
        %dma_wait3A_195 = tpu.memref_slice %arg3[%add3A_138, %dma_wait3A_194] : memref<25000x128xi32, #tpu.memory_space<hbm>> -> memref<1x128xi32, #tpu.memory_space<hbm>>
        tpu.wait_dma2 semaphore(%run_scoped3A_171 : memref<!tpu.dma_semaphore, #tpu.memory_space<semaphore_mem>>) src(%dma_wait3A_195 : memref<1x128xi32, #tpu.memory_space<hbm>>) dst(%dma_wait3A_193 : memref<1x128xi32, #tpu.memory_space<vmem>>)
        tpu.yield
      }) : () -> ()
      %dma_start3A_140 = arith.constant 0 : i32
      %dma_start3A_141 = arith.constant 0 : i32
      %dma_start3A_142 = arith.constant 0 : i32
      %dma_start3A_143 = arith.constant 0 : i32
      %dma_start3A_144 = arith.constant 0 : i32
      %dma_start3A_145 = arith.constant 0 : i32
      %dma_start3A_146 = tpu.memref_slice %arg8[%dma_start3A_142, %dma_start3A_143, %dma_start3A_144, %dma_start3A_145] : memref<2x6x128x16xf32, #tpu.memory_space<vmem>> -> memref<1x1x128x16xf32, #tpu.memory_space<vmem>>
      %dma_start3A_147 = tpu.memref_squeeze %dma_start3A_146 : memref<1x1x128x16xf32, #tpu.memory_space<vmem>> -> memref<128x16xf32, #tpu.memory_space<vmem>>
      %dma_start3A_148 = arith.constant 0 : i32
      %dma_start3A_149 = tpu.memref_slice %arg6[%dma_start3A_140, %dma_start3A_141, %dma_start3A_148] : memref<2x6x128xi32, #tpu.memory_space<vmem>> -> memref<1x1x128xi32, #tpu.memory_space<vmem>>
      %dma_start3A_150 = tpu.memref_squeeze %dma_start3A_149 : memref<1x1x128xi32, #tpu.memory_space<vmem>> -> memref<128xi32, #tpu.memory_space<vmem>>
      %dma_start3A_151 = arith.constant 0 : i32
      %dma_start3A_152 = arith.constant 0 : i32
      %dma_start3A_153 = tpu.memref_slice %arg2[%dma_start3A_151, %dma_start3A_152] : memref<100352x16xf32, #tpu.memory_space<hbm>> -> memref<100352x16xf32, #tpu.memory_space<hbm>>
      tpu.enqueue_indirect_dma source(%dma_start3A_153 : memref<100352x16xf32, #tpu.memory_space<hbm>>) target(%dma_start3A_147 : memref<128x16xf32, #tpu.memory_space<vmem>>) offsets(%dma_start3A_150 : memref<128xi32, #tpu.memory_space<vmem>>) semaphore(%arg11 : memref<!tpu.dma_semaphore, #tpu.memory_space<semaphore_mem>>)
      %dma_wait3A = arith.constant 0 : i32
      %dma_wait3A_154 = arith.constant 0 : i32
      %dma_wait3A_155 = arith.constant 0 : i32
      %dma_wait3A_156 = arith.constant 0 : i32
      %dma_wait3A_157 = arith.constant 0 : i32
      %dma_wait3A_158 = arith.constant 0 : i32
      %dma_wait3A_159 = tpu.memref_slice %arg8[%dma_wait3A_155, %dma_wait3A_156, %dma_wait3A_157, %dma_wait3A_158] : memref<2x6x128x16xf32, #tpu.memory_space<vmem>> -> memref<1x1x128x16xf32, #tpu.memory_space<vmem>>
      %dma_wait3A_160 = tpu.memref_squeeze %dma_wait3A_159 : memref<1x1x128x16xf32, #tpu.memory_space<vmem>> -> memref<128x16xf32, #tpu.memory_space<vmem>>
      %dma_wait3A_161 = arith.constant 0 : i32
      %dma_wait3A_162 = tpu.memref_slice %arg6[%dma_wait3A, %dma_wait3A_154, %dma_wait3A_161] : memref<2x6x128xi32, #tpu.memory_space<vmem>> -> memref<1x1x128xi32, #tpu.memory_space<vmem>>
      %dma_wait3A_163 = tpu.memref_squeeze %dma_wait3A_162 : memref<1x1x128xi32, #tpu.memory_space<vmem>> -> memref<128xi32, #tpu.memory_space<vmem>>
      %dma_wait3A_164 = arith.constant 0 : i32
      %dma_wait3A_165 = arith.constant 0 : i32
      %dma_wait3A_166 = tpu.memref_slice %arg2[%dma_wait3A_164, %dma_wait3A_165] : memref<100352x16xf32, #tpu.memory_space<hbm>> -> memref<100352x16xf32, #tpu.memory_space<hbm>>
      tpu.wait_indirect_dma semaphore(%arg11 : memref<!tpu.dma_semaphore, #tpu.memory_space<semaphore_mem>>) src(%dma_wait3A_166 : memref<100352x16xf32, #tpu.memory_space<hbm>>) dst(%dma_wait3A_160 : memref<128x16xf32, #tpu.memory_space<vmem>>)
      %run_scoped3A_167 = arith.constant 0 : i32
      %run_scoped3A_168 = arith.constant 0 : i32
      %run_scoped3A_169 = arith.constant 0 : i32
      %run_scoped3A_170 = arith.constant 0 : i32
      "tpu.region"() ({
        %run_scoped3A_171 = tpu.sem_alloc : memref<!tpu.dma_semaphore, #tpu.memory_space<semaphore_mem>>
        %dma_start3A_172 = arith.constant 0 : i32
        %dma_start3A_173 = arith.constant 0 : i32
        %dma_start3A_174 = tpu.memref_slice %arg8[%run_scoped3A_167, %run_scoped3A_168, %dma_start3A_172, %dma_start3A_173] : memref<2x6x128x16xf32, #tpu.memory_space<vmem>> -> memref<1x1x128x16xf32, #tpu.memory_space<vmem>>
        %dma_start3A_175 = tpu.memref_squeeze %dma_start3A_174 : memref<1x1x128x16xf32, #tpu.memory_space<vmem>> -> memref<128x16xf32, #tpu.memory_space<vmem>>
        %dma_start3A_176 = arith.constant 0 : i32
        %dma_start3A_177 = tpu.memref_slice %arg7[%run_scoped3A_169, %run_scoped3A_170, %dma_start3A_176] : memref<2x6x128xi32, #tpu.memory_space<vmem>> -> memref<1x1x128xi32, #tpu.memory_space<vmem>>
        %dma_start3A_178 = tpu.memref_squeeze %dma_start3A_177 : memref<1x1x128xi32, #tpu.memory_space<vmem>> -> memref<128xi32, #tpu.memory_space<vmem>>
        %dma_start3A_179 = arith.constant 0 : i32
        %dma_start3A_180 = arith.constant 0 : i32
        %dma_start3A_181 = tpu.memref_slice %arg10[%dma_start3A_179, %dma_start3A_180] : memref<100352x16xf32, #tpu.memory_space<vmem_shared>> -> memref<100352x16xf32, #tpu.memory_space<vmem_shared>>
        tpu.enqueue_indirect_dma source(%dma_start3A_175 : memref<128x16xf32, #tpu.memory_space<vmem>>) target(%dma_start3A_181 : memref<100352x16xf32, #tpu.memory_space<vmem_shared>>) offsets(%dma_start3A_178 : memref<128xi32, #tpu.memory_space<vmem>>) semaphore(%run_scoped3A_171 : memref<!tpu.dma_semaphore, #tpu.memory_space<semaphore_mem>>) {add = true}
        %dma_wait3A_182 = arith.constant 0 : i32
        %dma_wait3A_183 = arith.constant 0 : i32
        %dma_wait3A_184 = tpu.memref_slice %arg8[%run_scoped3A_167, %run_scoped3A_168, %dma_wait3A_182, %dma_wait3A_183] : memref<2x6x128x16xf32, #tpu.memory_space<vmem>> -> memref<1x1x128x16xf32, #tpu.memory_space<vmem>>
        %dma_wait3A_185 = tpu.memref_squeeze %dma_wait3A_184 : memref<1x1x128x16xf32, #tpu.memory_space<vmem>> -> memref<128x16xf32, #tpu.memory_space<vmem>>
        %dma_wait3A_186 = arith.constant 0 : i32
        %dma_wait3A_187 = tpu.memref_slice %arg7[%run_scoped3A_169, %run_scoped3A_170, %dma_wait3A_186] : memref<2x6x128xi32, #tpu.memory_space<vmem>> -> memref<1x1x128xi32, #tpu.memory_space<vmem>>
        %dma_wait3A_188 = tpu.memref_squeeze %dma_wait3A_187 : memref<1x1x128xi32, #tpu.memory_space<vmem>> -> memref<128xi32, #tpu.memory_space<vmem>>
        %dma_wait3A_189 = arith.constant 0 : i32
        %dma_wait3A_190 = arith.constant 0 : i32
        %dma_wait3A_191 = tpu.memref_slice %arg10[%dma_wait3A_189, %dma_wait3A_190] : memref<100352x16xf32, #tpu.memory_space<vmem_shared>> -> memref<100352x16xf32, #tpu.memory_space<vmem_shared>>
        tpu.wait_indirect_dma semaphore(%run_scoped3A_171 : memref<!tpu.dma_semaphore, #tpu.memory_space<semaphore_mem>>) src(%dma_wait3A_185 : memref<128x16xf32, #tpu.memory_space<vmem>>) dst(%dma_wait3A_191 : memref<100352x16xf32, #tpu.memory_space<vmem_shared>>)
        tpu.yield
      }) : () -> ()
    }
    %barrier3A_123 = arith.constant 0 : index
    tpu.barrier barrier_id(%barrier3A_123)
    %mul3A_124 = arith.constant 6272 : i32
    %mul3A_125 = arith.muli %arg1, %mul3A_124 : i32
    %eq3A = arith.constant 0 : i32
    %eq3A_126 = arith.cmpi eq, %arg0, %eq3A : i32
    %convert_element_type3A = arith.extui %eq3A_126 : i1 to i32
    %cond3A = arith.constant 0 : i32
    %cond3A_127 = arith.cmpi ne, %convert_element_type3A, %cond3A : i32
    scf.if %cond3A_127 {
      "tpu.region"() ({
        %run_scoped3A_132 = tpu.sem_alloc : memref<!tpu.dma_semaphore, #tpu.memory_space<semaphore_mem>>
        %dma_start3A_133 = arith.constant 0 : i32
        %dma_start3A_134 = tpu.memref_slice %arg4[%mul3A_125, %dma_start3A_133] : memref<100352x16xf32, #tpu.memory_space<hbm>> -> memref<6272x16xf32, #tpu.memory_space<hbm>>
        %dma_start3A_135 = arith.constant 0 : i32
        %dma_start3A_136 = tpu.memref_slice %arg10[%mul3A_125, %dma_start3A_135] : memref<100352x16xf32, #tpu.memory_space<vmem_shared>> -> memref<6272x16xf32, #tpu.memory_space<vmem_shared>>
        tpu.enqueue_dma source(%dma_start3A_136 : memref<6272x16xf32, #tpu.memory_space<vmem_shared>>) target(%dma_start3A_134 : memref<6272x16xf32, #tpu.memory_space<hbm>>) target_semaphore(%run_scoped3A_132 : memref<!tpu.dma_semaphore, #tpu.memory_space<semaphore_mem>>)
        %dma_wait3A = arith.constant 0 : i32
        %dma_wait3A_137 = tpu.memref_slice %arg4[%mul3A_125, %dma_wait3A] : memref<100352x16xf32, #tpu.memory_space<hbm>> -> memref<6272x16xf32, #tpu.memory_space<hbm>>
        %dma_wait3A_138 = arith.constant 0 : i32
        %dma_wait3A_139 = tpu.memref_slice %arg10[%mul3A_125, %dma_wait3A_138] : memref<100352x16xf32, #tpu.memory_space<vmem_shared>> -> memref<6272x16xf32, #tpu.memory_space<vmem_shared>>
        tpu.wait_dma2 semaphore(%run_scoped3A_132 : memref<!tpu.dma_semaphore, #tpu.memory_space<semaphore_mem>>) src(%dma_wait3A_139 : memref<6272x16xf32, #tpu.memory_space<vmem_shared>>) dst(%dma_wait3A_137 : memref<6272x16xf32, #tpu.memory_space<hbm>>)
        tpu.yield
      }) : () -> ()
    } else {
    }
    %ne3A = arith.constant 0 : i32
    %ne3A_128 = arith.cmpi ne, %arg0, %ne3A : i32
    %convert_element_type3A_129 = arith.extui %ne3A_128 : i1 to i32
    %cond3A_130 = arith.constant 0 : i32
    %cond3A_131 = arith.cmpi ne, %convert_element_type3A_129, %cond3A_130 : i32
    scf.if %cond3A_131 {
      "tpu.region"() ({
        %run_scoped3A_132 = tpu.sem_alloc : memref<!tpu.dma_semaphore, #tpu.memory_space<semaphore_mem>>
        %dma_start3A_133 = arith.constant 0 : i32
        %dma_start3A_134 = tpu.memref_slice %arg5[%mul3A_125, %dma_start3A_133] : memref<100352x16xf32, #tpu.memory_space<hbm>> -> memref<6272x16xf32, #tpu.memory_space<hbm>>
        %dma_start3A_135 = arith.constant 0 : i32
        %dma_start3A_136 = tpu.memref_slice %arg10[%mul3A_125, %dma_start3A_135] : memref<100352x16xf32, #tpu.memory_space<vmem_shared>> -> memref<6272x16xf32, #tpu.memory_space<vmem_shared>>
        tpu.enqueue_dma source(%dma_start3A_136 : memref<6272x16xf32, #tpu.memory_space<vmem_shared>>) target(%dma_start3A_134 : memref<6272x16xf32, #tpu.memory_space<hbm>>) target_semaphore(%run_scoped3A_132 : memref<!tpu.dma_semaphore, #tpu.memory_space<semaphore_mem>>)
        %dma_wait3A = arith.constant 0 : i32
        %dma_wait3A_137 = tpu.memref_slice %arg5[%mul3A_125, %dma_wait3A] : memref<100352x16xf32, #tpu.memory_space<hbm>> -> memref<6272x16xf32, #tpu.memory_space<hbm>>
        %dma_wait3A_138 = arith.constant 0 : i32
        %dma_wait3A_139 = tpu.memref_slice %arg10[%mul3A_125, %dma_wait3A_138] : memref<100352x16xf32, #tpu.memory_space<vmem_shared>> -> memref<6272x16xf32, #tpu.memory_space<vmem_shared>>
        tpu.wait_dma2 semaphore(%run_scoped3A_132 : memref<!tpu.dma_semaphore, #tpu.memory_space<semaphore_mem>>) src(%dma_wait3A_139 : memref<6272x16xf32, #tpu.memory_space<vmem_shared>>) dst(%dma_wait3A_137 : memref<6272x16xf32, #tpu.memory_space<hbm>>)
        tpu.yield
      }) : () -> ()
    } else {
    }
    return
  }
}

#map = affine_map<(d0, d1) -> (0, 0)>
module attributes {stable_mosaic.version = 14 : i64} {
  func.func @_sc_layer1(%arg0: i32, %arg1: i32, %arg2: memref<100352x16xf32, #tpu.memory_space<hbm>>, %arg3: memref<100352x16xf32, #tpu.memory_space<hbm>>, %arg4: memref<25000x128xi32, #tpu.memory_space<hbm>>, %arg5: memref<100352x16xf32, #tpu.memory_space<hbm>>, %arg6: memref<100352x16xf32, #tpu.memory_space<hbm>>, %arg7: memref<2x6x128xi32, #tpu.memory_space<vmem>>, %arg8: memref<2x6x128xi32, #tpu.memory_space<vmem>>, %arg9: memref<2x6x128x16xf32, #tpu.memory_space<vmem>>, %arg10: memref<128x16xf32, #tpu.memory_space<vmem>>, %arg11: memref<100352x16xf32, #tpu.memory_space<vmem_shared>>, %arg12: memref<!tpu.dma_semaphore, #tpu.memory_space<semaphore_mem>>, %arg13: memref<!tpu.dma_semaphore, #tpu.memory_space<semaphore_mem>>) attributes {dimension_semantics = [#tpu.dimension_semantics<core_parallel>, #tpu.dimension_semantics<subcore_parallel>], iteration_bounds = array<i64: 2, 16>, scalar_prefetch = 0 : i64, scratch_operands = 7 : i64, tpu.core_type = #tpu.core_type<sc_vector_subcore>, window_params = [{transform_indices = #map}, {transform_indices = #map}, {transform_indices = #map}, {transform_indices = #map}, {transform_indices = #map}]} {
    %scan3A = arith.constant 0 : i32
    %scan3A_0 = arith.constant 0 : i32
    %scan3A_1 = arith.constant 128 : i32
    %scan3A_2 = arith.addi %scan3A_0, %scan3A_1 : i32
    %scan3A_3 = arith.constant 1 : i32
    scf.for %scan3A_106 = %scan3A_0 to %scan3A_2 step %scan3A_3  : i32 {
      %broadcast_in_dim3A = arith.constant 0.000000e+00 : f32
      %broadcast_in_dim3A_107 = vector.broadcast %broadcast_in_dim3A : f32 to vector<16xf32>
      %swap3A = arith.index_cast %scan3A_106 : i32 to index
      %swap3A_108 = arith.constant 0 : index
      %swap3A_109 = tpu.vector_load %arg10[%swap3A, %swap3A_108] {strides = array<i32>} : memref<128x16xf32, #tpu.memory_space<vmem>>, vector<1x16xf32>,
      %swap3A_110 = vector.shape_cast %swap3A_109 : vector<1x16xf32> to vector<16xf32>
      %swap3A_111 = vector.shape_cast %broadcast_in_dim3A_107 : vector<16xf32> to vector<1x16xf32>
      tpu.vector_store %arg10[%swap3A, %swap3A_108], %swap3A_111 {strides = array<i32>} : memref<128x16xf32, #tpu.memory_space<vmem>>, vector<1x16xf32>,
    }
    %scan3A_4 = arith.constant 128 : i32
    %mul3A = arith.constant 6272 : i32
    %mul3A_5 = arith.muli %arg1, %mul3A : i32
    %scan3A_6 = arith.constant 0 : i32
    %scan3A_7 = arith.constant 0 : i32
    %scan3A_8 = arith.constant 49 : i32
    %scan3A_9 = arith.addi %scan3A_7, %scan3A_8 : i32
    %scan3A_10 = arith.constant 1 : i32
    scf.for %scan3A_106 = %scan3A_7 to %scan3A_9 step %scan3A_10  : i32 {
      %mul3A_107 = arith.constant 128 : i32
      %mul3A_108 = arith.muli %scan3A_106, %mul3A_107 : i32
      %add3A_109 = arith.addi %mul3A_5, %mul3A_108 : i32
      "tpu.region"() ({
        %run_scoped3A_110 = tpu.sem_alloc : memref<!tpu.dma_semaphore, #tpu.memory_space<semaphore_mem>>
        %dma_start3A = arith.constant 0 : i32
        %dma_start3A_111 = tpu.memref_slice %arg11[%add3A_109, %dma_start3A] : memref<100352x16xf32, #tpu.memory_space<vmem_shared>> -> memref<128x16xf32, #tpu.memory_space<vmem_shared>>
        %dma_start3A_112 = arith.constant 0 : i32
        %dma_start3A_113 = tpu.memref_slice %arg11[%add3A_109, %dma_start3A_112] : memref<100352x16xf32, #tpu.memory_space<vmem_shared>> -> memref<128x16xf32, #tpu.memory_space<vmem_shared>>
        tpu.enqueue_dma source(%arg10 : memref<128x16xf32, #tpu.memory_space<vmem>>) target(%dma_start3A_113 : memref<128x16xf32, #tpu.memory_space<vmem_shared>>) target_semaphore(%run_scoped3A_110 : memref<!tpu.dma_semaphore, #tpu.memory_space<semaphore_mem>>)
        %dma_wait3A = arith.constant 0 : i32
        %dma_wait3A_114 = tpu.memref_slice %arg11[%add3A_109, %dma_wait3A] : memref<100352x16xf32, #tpu.memory_space<vmem_shared>> -> memref<128x16xf32, #tpu.memory_space<vmem_shared>>
        %dma_wait3A_115 = arith.constant 0 : i32
        %dma_wait3A_116 = tpu.memref_slice %arg11[%add3A_109, %dma_wait3A_115] : memref<100352x16xf32, #tpu.memory_space<vmem_shared>> -> memref<128x16xf32, #tpu.memory_space<vmem_shared>>
        tpu.wait_dma2 semaphore(%run_scoped3A_110 : memref<!tpu.dma_semaphore, #tpu.memory_space<semaphore_mem>>) src(%arg10 : memref<128x16xf32, #tpu.memory_space<vmem>>) dst(%dma_wait3A_116 : memref<128x16xf32, #tpu.memory_space<vmem_shared>>)
        tpu.yield
      }) : () -> ()
    }
    %scan3A_11 = arith.constant 49 : i32
    %barrier3A = arith.constant 0 : index
    tpu.barrier barrier_id(%barrier3A)
    %lt3A = arith.constant 4 : i32
    %lt3A_12 = arith.cmpi slt, %arg1, %lt3A : i32
    %jit3A = arith.constant 2 : i32
    %jit3A_13 = arith.constant 1 : i32
    %select_n3A = arith.select %lt3A_12, %jit3A, %jit3A_13 : i32
    %mul3A_14 = arith.constant 780 : i32
    %mul3A_15 = arith.muli %arg1, %mul3A_14 : i32
    %add3A = arith.constant 12480 : i32
    %add3A_16 = arith.addi %add3A, %arg1 : i32
    %add3A_17 = arith.constant 0 : i32
    %add3A_18 = arith.addi %mul3A_15, %add3A_17 : i32
    %run_scoped3A = arith.constant 0 : i32
    "tpu.region"() ({
      %run_scoped3A_106 = tpu.sem_alloc : memref<!tpu.dma_semaphore, #tpu.memory_space<semaphore_mem>>
      %dma_start3A = arith.constant 0 : i32
      %dma_start3A_107 = arith.constant 0 : i32
      %dma_start3A_108 = tpu.memref_slice %arg7[%run_scoped3A, %dma_start3A, %dma_start3A_107] : memref<2x6x128xi32, #tpu.memory_space<vmem>> -> memref<1x6x128xi32, #tpu.memory_space<vmem>>
      %dma_start3A_109 = tpu.memref_squeeze %dma_start3A_108 : memref<1x6x128xi32, #tpu.memory_space<vmem>> -> memref<6x128xi32, #tpu.memory_space<vmem>>
      %dma_start3A_110 = arith.constant 0 : i32
      %dma_start3A_111 = tpu.memref_slice %arg4[%add3A_18, %dma_start3A_110] : memref<25000x128xi32, #tpu.memory_space<hbm>> -> memref<6x128xi32, #tpu.memory_space<hbm>>
      %dma_start3A_112 = arith.constant 0 : i32
      %dma_start3A_113 = arith.constant 0 : i32
      %dma_start3A_114 = tpu.memref_slice %arg7[%run_scoped3A, %dma_start3A_112, %dma_start3A_113] : memref<2x6x128xi32, #tpu.memory_space<vmem>> -> memref<1x6x128xi32, #tpu.memory_space<vmem>>
      %dma_start3A_115 = tpu.memref_squeeze %dma_start3A_114 : memref<1x6x128xi32, #tpu.memory_space<vmem>> -> memref<6x128xi32, #tpu.memory_space<vmem>>
      %dma_start3A_116 = arith.constant 0 : i32
      %dma_start3A_117 = tpu.memref_slice %arg4[%add3A_18, %dma_start3A_116] : memref<25000x128xi32, #tpu.memory_space<hbm>> -> memref<6x128xi32, #tpu.memory_space<hbm>>
      tpu.enqueue_dma source(%dma_start3A_117 : memref<6x128xi32, #tpu.memory_space<hbm>>) target(%dma_start3A_115 : memref<6x128xi32, #tpu.memory_space<vmem>>) target_semaphore(%run_scoped3A_106 : memref<!tpu.dma_semaphore, #tpu.memory_space<semaphore_mem>>)
      %dma_wait3A = arith.constant 0 : i32
      %dma_wait3A_118 = arith.constant 0 : i32
      %dma_wait3A_119 = tpu.memref_slice %arg7[%run_scoped3A, %dma_wait3A, %dma_wait3A_118] : memref<2x6x128xi32, #tpu.memory_space<vmem>> -> memref<1x6x128xi32, #tpu.memory_space<vmem>>
      %dma_wait3A_120 = tpu.memref_squeeze %dma_wait3A_119 : memref<1x6x128xi32, #tpu.memory_space<vmem>> -> memref<6x128xi32, #tpu.memory_space<vmem>>
      %dma_wait3A_121 = arith.constant 0 : i32
      %dma_wait3A_122 = tpu.memref_slice %arg4[%add3A_18, %dma_wait3A_121] : memref<25000x128xi32, #tpu.memory_space<hbm>> -> memref<6x128xi32, #tpu.memory_space<hbm>>
      %dma_wait3A_123 = arith.constant 0 : i32
      %dma_wait3A_124 = arith.constant 0 : i32
      %dma_wait3A_125 = tpu.memref_slice %arg7[%run_scoped3A, %dma_wait3A_123, %dma_wait3A_124] : memref<2x6x128xi32, #tpu.memory_space<vmem>> -> memref<1x6x128xi32, #tpu.memory_space<vmem>>
      %dma_wait3A_126 = tpu.memref_squeeze %dma_wait3A_125 : memref<1x6x128xi32, #tpu.memory_space<vmem>> -> memref<6x128xi32, #tpu.memory_space<vmem>>
      %dma_wait3A_127 = arith.constant 0 : i32
      %dma_wait3A_128 = tpu.memref_slice %arg4[%add3A_18, %dma_wait3A_127] : memref<25000x128xi32, #tpu.memory_space<hbm>> -> memref<6x128xi32, #tpu.memory_space<hbm>>
      tpu.wait_dma2 semaphore(%run_scoped3A_106 : memref<!tpu.dma_semaphore, #tpu.memory_space<semaphore_mem>>) src(%dma_wait3A_128 : memref<6x128xi32, #tpu.memory_space<hbm>>) dst(%dma_wait3A_126 : memref<6x128xi32, #tpu.memory_space<vmem>>)
      tpu.yield
    }) : () -> ()
    %add3A_19 = arith.constant 12500 : i32
    %add3A_20 = arith.addi %add3A_19, %add3A_18 : i32
    %run_scoped3A_21 = arith.constant 0 : i32
    "tpu.region"() ({
      %run_scoped3A_106 = tpu.sem_alloc : memref<!tpu.dma_semaphore, #tpu.memory_space<semaphore_mem>>
      %dma_start3A = arith.constant 0 : i32
      %dma_start3A_107 = arith.constant 0 : i32
      %dma_start3A_108 = tpu.memref_slice %arg8[%run_scoped3A_21, %dma_start3A, %dma_start3A_107] : memref<2x6x128xi32, #tpu.memory_space<vmem>> -> memref<1x6x128xi32, #tpu.memory_space<vmem>>
      %dma_start3A_109 = tpu.memref_squeeze %dma_start3A_108 : memref<1x6x128xi32, #tpu.memory_space<vmem>> -> memref<6x128xi32, #tpu.memory_space<vmem>>
      %dma_start3A_110 = arith.constant 0 : i32
      %dma_start3A_111 = tpu.memref_slice %arg4[%add3A_20, %dma_start3A_110] : memref<25000x128xi32, #tpu.memory_space<hbm>> -> memref<6x128xi32, #tpu.memory_space<hbm>>
      %dma_start3A_112 = arith.constant 0 : i32
      %dma_start3A_113 = arith.constant 0 : i32
      %dma_start3A_114 = tpu.memref_slice %arg8[%run_scoped3A_21, %dma_start3A_112, %dma_start3A_113] : memref<2x6x128xi32, #tpu.memory_space<vmem>> -> memref<1x6x128xi32, #tpu.memory_space<vmem>>
      %dma_start3A_115 = tpu.memref_squeeze %dma_start3A_114 : memref<1x6x128xi32, #tpu.memory_space<vmem>> -> memref<6x128xi32, #tpu.memory_space<vmem>>
      %dma_start3A_116 = arith.constant 0 : i32
      %dma_start3A_117 = tpu.memref_slice %arg4[%add3A_20, %dma_start3A_116] : memref<25000x128xi32, #tpu.memory_space<hbm>> -> memref<6x128xi32, #tpu.memory_space<hbm>>
      tpu.enqueue_dma source(%dma_start3A_117 : memref<6x128xi32, #tpu.memory_space<hbm>>) target(%dma_start3A_115 : memref<6x128xi32, #tpu.memory_space<vmem>>) target_semaphore(%run_scoped3A_106 : memref<!tpu.dma_semaphore, #tpu.memory_space<semaphore_mem>>)
      %dma_wait3A = arith.constant 0 : i32
      %dma_wait3A_118 = arith.constant 0 : i32
      %dma_wait3A_119 = tpu.memref_slice %arg8[%run_scoped3A_21, %dma_wait3A, %dma_wait3A_118] : memref<2x6x128xi32, #tpu.memory_space<vmem>> -> memref<1x6x128xi32, #tpu.memory_space<vmem>>
      %dma_wait3A_120 = tpu.memref_squeeze %dma_wait3A_119 : memref<1x6x128xi32, #tpu.memory_space<vmem>> -> memref<6x128xi32, #tpu.memory_space<vmem>>
      %dma_wait3A_121 = arith.constant 0 : i32
      %dma_wait3A_122 = tpu.memref_slice %arg4[%add3A_20, %dma_wait3A_121] : memref<25000x128xi32, #tpu.memory_space<hbm>> -> memref<6x128xi32, #tpu.memory_space<hbm>>
      %dma_wait3A_123 = arith.constant 0 : i32
      %dma_wait3A_124 = arith.constant 0 : i32
      %dma_wait3A_125 = tpu.memref_slice %arg8[%run_scoped3A_21, %dma_wait3A_123, %dma_wait3A_124] : memref<2x6x128xi32, #tpu.memory_space<vmem>> -> memref<1x6x128xi32, #tpu.memory_space<vmem>>
      %dma_wait3A_126 = tpu.memref_squeeze %dma_wait3A_125 : memref<1x6x128xi32, #tpu.memory_space<vmem>> -> memref<6x128xi32, #tpu.memory_space<vmem>>
      %dma_wait3A_127 = arith.constant 0 : i32
      %dma_wait3A_128 = tpu.memref_slice %arg4[%add3A_20, %dma_wait3A_127] : memref<25000x128xi32, #tpu.memory_space<hbm>> -> memref<6x128xi32, #tpu.memory_space<hbm>>
      tpu.wait_dma2 semaphore(%run_scoped3A_106 : memref<!tpu.dma_semaphore, #tpu.memory_space<semaphore_mem>>) src(%dma_wait3A_128 : memref<6x128xi32, #tpu.memory_space<hbm>>) dst(%dma_wait3A_126 : memref<6x128xi32, #tpu.memory_space<vmem>>)
      tpu.yield
    }) : () -> ()
    %eq3A = arith.constant 0 : i32
    %eq3A_22 = arith.cmpi eq, %arg0, %eq3A : i32
    %convert_element_type3A = arith.extui %eq3A_22 : i1 to i32
    %cond3A = arith.constant 0 : i32
    %cond3A_23 = arith.cmpi ne, %convert_element_type3A, %cond3A : i32
    scf.if %cond3A_23 {
      %dma_start3A = arith.constant 0 : i32
      %dma_start3A_106 = arith.constant 0 : i32
      %dma_start3A_107 = arith.constant 0 : i32
      %dma_start3A_108 = arith.constant 0 : i32
      %dma_start3A_109 = arith.constant 0 : i32
      %dma_start3A_110 = arith.constant 0 : i32
      %dma_start3A_111 = tpu.memref_slice %arg9[%dma_start3A_107, %dma_start3A_108, %dma_start3A_109, %dma_start3A_110] : memref<2x6x128x16xf32, #tpu.memory_space<vmem>> -> memref<1x1x128x16xf32, #tpu.memory_space<vmem>>
      %dma_start3A_112 = tpu.memref_squeeze %dma_start3A_111 : memref<1x1x128x16xf32, #tpu.memory_space<vmem>> -> memref<128x16xf32, #tpu.memory_space<vmem>>
      %dma_start3A_113 = arith.constant 0 : i32
      %dma_start3A_114 = tpu.memref_slice %arg7[%dma_start3A, %dma_start3A_106, %dma_start3A_113] : memref<2x6x128xi32, #tpu.memory_space<vmem>> -> memref<1x1x128xi32, #tpu.memory_space<vmem>>
      %dma_start3A_115 = tpu.memref_squeeze %dma_start3A_114 : memref<1x1x128xi32, #tpu.memory_space<vmem>> -> memref<128xi32, #tpu.memory_space<vmem>>
      %dma_start3A_116 = arith.constant 0 : i32
      %dma_start3A_117 = arith.constant 0 : i32
      %dma_start3A_118 = tpu.memref_slice %arg2[%dma_start3A_116, %dma_start3A_117] : memref<100352x16xf32, #tpu.memory_space<hbm>> -> memref<100352x16xf32, #tpu.memory_space<hbm>>
      tpu.enqueue_indirect_dma source(%dma_start3A_118 : memref<100352x16xf32, #tpu.memory_space<hbm>>) target(%dma_start3A_112 : memref<128x16xf32, #tpu.memory_space<vmem>>) offsets(%dma_start3A_115 : memref<128xi32, #tpu.memory_space<vmem>>) semaphore(%arg12 : memref<!tpu.dma_semaphore, #tpu.memory_space<semaphore_mem>>)
    } else {
    }
    %ne3A = arith.constant 0 : i32
    %ne3A_24 = arith.cmpi ne, %arg0, %ne3A : i32
    %convert_element_type3A_25 = arith.extui %ne3A_24 : i1 to i32
    %cond3A_26 = arith.constant 0 : i32
    %cond3A_27 = arith.cmpi ne, %convert_element_type3A_25, %cond3A_26 : i32
    scf.if %cond3A_27 {
      %dma_start3A = arith.constant 0 : i32
      %dma_start3A_106 = arith.constant 0 : i32
      %dma_start3A_107 = arith.constant 0 : i32
      %dma_start3A_108 = arith.constant 0 : i32
      %dma_start3A_109 = arith.constant 0 : i32
      %dma_start3A_110 = arith.constant 0 : i32
      %dma_start3A_111 = tpu.memref_slice %arg9[%dma_start3A_107, %dma_start3A_108, %dma_start3A_109, %dma_start3A_110] : memref<2x6x128x16xf32, #tpu.memory_space<vmem>> -> memref<1x1x128x16xf32, #tpu.memory_space<vmem>>
      %dma_start3A_112 = tpu.memref_squeeze %dma_start3A_111 : memref<1x1x128x16xf32, #tpu.memory_space<vmem>> -> memref<128x16xf32, #tpu.memory_space<vmem>>
      %dma_start3A_113 = arith.constant 0 : i32
      %dma_start3A_114 = tpu.memref_slice %arg7[%dma_start3A, %dma_start3A_106, %dma_start3A_113] : memref<2x6x128xi32, #tpu.memory_space<vmem>> -> memref<1x1x128xi32, #tpu.memory_space<vmem>>
      %dma_start3A_115 = tpu.memref_squeeze %dma_start3A_114 : memref<1x1x128xi32, #tpu.memory_space<vmem>> -> memref<128xi32, #tpu.memory_space<vmem>>
      %dma_start3A_116 = arith.constant 0 : i32
      %dma_start3A_117 = arith.constant 0 : i32
      %dma_start3A_118 = tpu.memref_slice %arg3[%dma_start3A_116, %dma_start3A_117] : memref<100352x16xf32, #tpu.memory_space<hbm>> -> memref<100352x16xf32, #tpu.memory_space<hbm>>
      tpu.enqueue_indirect_dma source(%dma_start3A_118 : memref<100352x16xf32, #tpu.memory_space<hbm>>) target(%dma_start3A_112 : memref<128x16xf32, #tpu.memory_space<vmem>>) offsets(%dma_start3A_115 : memref<128xi32, #tpu.memory_space<vmem>>) semaphore(%arg12 : memref<!tpu.dma_semaphore, #tpu.memory_space<semaphore_mem>>)
    } else {
    }
    %eq3A_28 = arith.constant 0 : i32
    %eq3A_29 = arith.cmpi eq, %arg0, %eq3A_28 : i32
    %convert_element_type3A_30 = arith.extui %eq3A_29 : i1 to i32
    %cond3A_31 = arith.constant 0 : i32
    %cond3A_32 = arith.cmpi ne, %convert_element_type3A_30, %cond3A_31 : i32
    scf.if %cond3A_32 {
      %dma_start3A = arith.constant 0 : i32
      %dma_start3A_106 = arith.constant 1 : i32
      %dma_start3A_107 = arith.constant 0 : i32
      %dma_start3A_108 = arith.constant 1 : i32
      %dma_start3A_109 = arith.constant 0 : i32
      %dma_start3A_110 = arith.constant 0 : i32
      %dma_start3A_111 = tpu.memref_slice %arg9[%dma_start3A_107, %dma_start3A_108, %dma_start3A_109, %dma_start3A_110] : memref<2x6x128x16xf32, #tpu.memory_space<vmem>> -> memref<1x1x128x16xf32, #tpu.memory_space<vmem>>
      %dma_start3A_112 = tpu.memref_squeeze %dma_start3A_111 : memref<1x1x128x16xf32, #tpu.memory_space<vmem>> -> memref<128x16xf32, #tpu.memory_space<vmem>>
      %dma_start3A_113 = arith.constant 0 : i32
      %dma_start3A_114 = tpu.memref_slice %arg7[%dma_start3A, %dma_start3A_106, %dma_start3A_113] : memref<2x6x128xi32, #tpu.memory_space<vmem>> -> memref<1x1x128xi32, #tpu.memory_space<vmem>>
      %dma_start3A_115 = tpu.memref_squeeze %dma_start3A_114 : memref<1x1x128xi32, #tpu.memory_space<vmem>> -> memref<128xi32, #tpu.memory_space<vmem>>
      %dma_start3A_116 = arith.constant 0 : i32
      %dma_start3A_117 = arith.constant 0 : i32
      %dma_start3A_118 = tpu.memref_slice %arg2[%dma_start3A_116, %dma_start3A_117] : memref<100352x16xf32, #tpu.memory_space<hbm>> -> memref<100352x16xf32, #tpu.memory_space<hbm>>
      tpu.enqueue_indirect_dma source(%dma_start3A_118 : memref<100352x16xf32, #tpu.memory_space<hbm>>) target(%dma_start3A_112 : memref<128x16xf32, #tpu.memory_space<vmem>>) offsets(%dma_start3A_115 : memref<128xi32, #tpu.memory_space<vmem>>) semaphore(%arg12 : memref<!tpu.dma_semaphore, #tpu.memory_space<semaphore_mem>>)
    } else {
    }
    %ne3A_33 = arith.constant 0 : i32
    %ne3A_34 = arith.cmpi ne, %arg0, %ne3A_33 : i32
    %convert_element_type3A_35 = arith.extui %ne3A_34 : i1 to i32
    %cond3A_36 = arith.constant 0 : i32
    %cond3A_37 = arith.cmpi ne, %convert_element_type3A_35, %cond3A_36 : i32
    scf.if %cond3A_37 {
      %dma_start3A = arith.constant 0 : i32
      %dma_start3A_106 = arith.constant 1 : i32
      %dma_start3A_107 = arith.constant 0 : i32
      %dma_start3A_108 = arith.constant 1 : i32
      %dma_start3A_109 = arith.constant 0 : i32
      %dma_start3A_110 = arith.constant 0 : i32
      %dma_start3A_111 = tpu.memref_slice %arg9[%dma_start3A_107, %dma_start3A_108, %dma_start3A_109, %dma_start3A_110] : memref<2x6x128x16xf32, #tpu.memory_space<vmem>> -> memref<1x1x128x16xf32, #tpu.memory_space<vmem>>
      %dma_start3A_112 = tpu.memref_squeeze %dma_start3A_111 : memref<1x1x128x16xf32, #tpu.memory_space<vmem>> -> memref<128x16xf32, #tpu.memory_space<vmem>>
      %dma_start3A_113 = arith.constant 0 : i32
      %dma_start3A_114 = tpu.memref_slice %arg7[%dma_start3A, %dma_start3A_106, %dma_start3A_113] : memref<2x6x128xi32, #tpu.memory_space<vmem>> -> memref<1x1x128xi32, #tpu.memory_space<vmem>>
      %dma_start3A_115 = tpu.memref_squeeze %dma_start3A_114 : memref<1x1x128xi32, #tpu.memory_space<vmem>> -> memref<128xi32, #tpu.memory_space<vmem>>
      %dma_start3A_116 = arith.constant 0 : i32
      %dma_start3A_117 = arith.constant 0 : i32
      %dma_start3A_118 = tpu.memref_slice %arg3[%dma_start3A_116, %dma_start3A_117] : memref<100352x16xf32, #tpu.memory_space<hbm>> -> memref<100352x16xf32, #tpu.memory_space<hbm>>
      tpu.enqueue_indirect_dma source(%dma_start3A_118 : memref<100352x16xf32, #tpu.memory_space<hbm>>) target(%dma_start3A_112 : memref<128x16xf32, #tpu.memory_space<vmem>>) offsets(%dma_start3A_115 : memref<128xi32, #tpu.memory_space<vmem>>) semaphore(%arg12 : memref<!tpu.dma_semaphore, #tpu.memory_space<semaphore_mem>>)
    } else {
    }
    %eq3A_38 = arith.constant 0 : i32
    %eq3A_39 = arith.cmpi eq, %arg0, %eq3A_38 : i32
    %convert_element_type3A_40 = arith.extui %eq3A_39 : i1 to i32
    %cond3A_41 = arith.constant 0 : i32
    %cond3A_42 = arith.cmpi ne, %convert_element_type3A_40, %cond3A_41 : i32
    scf.if %cond3A_42 {
      %dma_start3A = arith.constant 0 : i32
      %dma_start3A_106 = arith.constant 2 : i32
      %dma_start3A_107 = arith.constant 0 : i32
      %dma_start3A_108 = arith.constant 2 : i32
      %dma_start3A_109 = arith.constant 0 : i32
      %dma_start3A_110 = arith.constant 0 : i32
      %dma_start3A_111 = tpu.memref_slice %arg9[%dma_start3A_107, %dma_start3A_108, %dma_start3A_109, %dma_start3A_110] : memref<2x6x128x16xf32, #tpu.memory_space<vmem>> -> memref<1x1x128x16xf32, #tpu.memory_space<vmem>>
      %dma_start3A_112 = tpu.memref_squeeze %dma_start3A_111 : memref<1x1x128x16xf32, #tpu.memory_space<vmem>> -> memref<128x16xf32, #tpu.memory_space<vmem>>
      %dma_start3A_113 = arith.constant 0 : i32
      %dma_start3A_114 = tpu.memref_slice %arg7[%dma_start3A, %dma_start3A_106, %dma_start3A_113] : memref<2x6x128xi32, #tpu.memory_space<vmem>> -> memref<1x1x128xi32, #tpu.memory_space<vmem>>
      %dma_start3A_115 = tpu.memref_squeeze %dma_start3A_114 : memref<1x1x128xi32, #tpu.memory_space<vmem>> -> memref<128xi32, #tpu.memory_space<vmem>>
      %dma_start3A_116 = arith.constant 0 : i32
      %dma_start3A_117 = arith.constant 0 : i32
      %dma_start3A_118 = tpu.memref_slice %arg2[%dma_start3A_116, %dma_start3A_117] : memref<100352x16xf32, #tpu.memory_space<hbm>> -> memref<100352x16xf32, #tpu.memory_space<hbm>>
      tpu.enqueue_indirect_dma source(%dma_start3A_118 : memref<100352x16xf32, #tpu.memory_space<hbm>>) target(%dma_start3A_112 : memref<128x16xf32, #tpu.memory_space<vmem>>) offsets(%dma_start3A_115 : memref<128xi32, #tpu.memory_space<vmem>>) semaphore(%arg12 : memref<!tpu.dma_semaphore, #tpu.memory_space<semaphore_mem>>)
    } else {
    }
    %ne3A_43 = arith.constant 0 : i32
    %ne3A_44 = arith.cmpi ne, %arg0, %ne3A_43 : i32
    %convert_element_type3A_45 = arith.extui %ne3A_44 : i1 to i32
    %cond3A_46 = arith.constant 0 : i32
    %cond3A_47 = arith.cmpi ne, %convert_element_type3A_45, %cond3A_46 : i32
    scf.if %cond3A_47 {
      %dma_start3A = arith.constant 0 : i32
      %dma_start3A_106 = arith.constant 2 : i32
      %dma_start3A_107 = arith.constant 0 : i32
      %dma_start3A_108 = arith.constant 2 : i32
      %dma_start3A_109 = arith.constant 0 : i32
      %dma_start3A_110 = arith.constant 0 : i32
      %dma_start3A_111 = tpu.memref_slice %arg9[%dma_start3A_107, %dma_start3A_108, %dma_start3A_109, %dma_start3A_110] : memref<2x6x128x16xf32, #tpu.memory_space<vmem>> -> memref<1x1x128x16xf32, #tpu.memory_space<vmem>>
      %dma_start3A_112 = tpu.memref_squeeze %dma_start3A_111 : memref<1x1x128x16xf32, #tpu.memory_space<vmem>> -> memref<128x16xf32, #tpu.memory_space<vmem>>
      %dma_start3A_113 = arith.constant 0 : i32
      %dma_start3A_114 = tpu.memref_slice %arg7[%dma_start3A, %dma_start3A_106, %dma_start3A_113] : memref<2x6x128xi32, #tpu.memory_space<vmem>> -> memref<1x1x128xi32, #tpu.memory_space<vmem>>
      %dma_start3A_115 = tpu.memref_squeeze %dma_start3A_114 : memref<1x1x128xi32, #tpu.memory_space<vmem>> -> memref<128xi32, #tpu.memory_space<vmem>>
      %dma_start3A_116 = arith.constant 0 : i32
      %dma_start3A_117 = arith.constant 0 : i32
      %dma_start3A_118 = tpu.memref_slice %arg3[%dma_start3A_116, %dma_start3A_117] : memref<100352x16xf32, #tpu.memory_space<hbm>> -> memref<100352x16xf32, #tpu.memory_space<hbm>>
      tpu.enqueue_indirect_dma source(%dma_start3A_118 : memref<100352x16xf32, #tpu.memory_space<hbm>>) target(%dma_start3A_112 : memref<128x16xf32, #tpu.memory_space<vmem>>) offsets(%dma_start3A_115 : memref<128xi32, #tpu.memory_space<vmem>>) semaphore(%arg12 : memref<!tpu.dma_semaphore, #tpu.memory_space<semaphore_mem>>)
    } else {
    }
    %eq3A_48 = arith.constant 0 : i32
    %eq3A_49 = arith.cmpi eq, %arg0, %eq3A_48 : i32
    %convert_element_type3A_50 = arith.extui %eq3A_49 : i1 to i32
    %cond3A_51 = arith.constant 0 : i32
    %cond3A_52 = arith.cmpi ne, %convert_element_type3A_50, %cond3A_51 : i32
    scf.if %cond3A_52 {
      %dma_start3A = arith.constant 0 : i32
      %dma_start3A_106 = arith.constant 3 : i32
      %dma_start3A_107 = arith.constant 0 : i32
      %dma_start3A_108 = arith.constant 3 : i32
      %dma_start3A_109 = arith.constant 0 : i32
      %dma_start3A_110 = arith.constant 0 : i32
      %dma_start3A_111 = tpu.memref_slice %arg9[%dma_start3A_107, %dma_start3A_108, %dma_start3A_109, %dma_start3A_110] : memref<2x6x128x16xf32, #tpu.memory_space<vmem>> -> memref<1x1x128x16xf32, #tpu.memory_space<vmem>>
      %dma_start3A_112 = tpu.memref_squeeze %dma_start3A_111 : memref<1x1x128x16xf32, #tpu.memory_space<vmem>> -> memref<128x16xf32, #tpu.memory_space<vmem>>
      %dma_start3A_113 = arith.constant 0 : i32
      %dma_start3A_114 = tpu.memref_slice %arg7[%dma_start3A, %dma_start3A_106, %dma_start3A_113] : memref<2x6x128xi32, #tpu.memory_space<vmem>> -> memref<1x1x128xi32, #tpu.memory_space<vmem>>
      %dma_start3A_115 = tpu.memref_squeeze %dma_start3A_114 : memref<1x1x128xi32, #tpu.memory_space<vmem>> -> memref<128xi32, #tpu.memory_space<vmem>>
      %dma_start3A_116 = arith.constant 0 : i32
      %dma_start3A_117 = arith.constant 0 : i32
      %dma_start3A_118 = tpu.memref_slice %arg2[%dma_start3A_116, %dma_start3A_117] : memref<100352x16xf32, #tpu.memory_space<hbm>> -> memref<100352x16xf32, #tpu.memory_space<hbm>>
      tpu.enqueue_indirect_dma source(%dma_start3A_118 : memref<100352x16xf32, #tpu.memory_space<hbm>>) target(%dma_start3A_112 : memref<128x16xf32, #tpu.memory_space<vmem>>) offsets(%dma_start3A_115 : memref<128xi32, #tpu.memory_space<vmem>>) semaphore(%arg12 : memref<!tpu.dma_semaphore, #tpu.memory_space<semaphore_mem>>)
    } else {
    }
    %ne3A_53 = arith.constant 0 : i32
    %ne3A_54 = arith.cmpi ne, %arg0, %ne3A_53 : i32
    %convert_element_type3A_55 = arith.extui %ne3A_54 : i1 to i32
    %cond3A_56 = arith.constant 0 : i32
    %cond3A_57 = arith.cmpi ne, %convert_element_type3A_55, %cond3A_56 : i32
    scf.if %cond3A_57 {
      %dma_start3A = arith.constant 0 : i32
      %dma_start3A_106 = arith.constant 3 : i32
      %dma_start3A_107 = arith.constant 0 : i32
      %dma_start3A_108 = arith.constant 3 : i32
      %dma_start3A_109 = arith.constant 0 : i32
      %dma_start3A_110 = arith.constant 0 : i32
      %dma_start3A_111 = tpu.memref_slice %arg9[%dma_start3A_107, %dma_start3A_108, %dma_start3A_109, %dma_start3A_110] : memref<2x6x128x16xf32, #tpu.memory_space<vmem>> -> memref<1x1x128x16xf32, #tpu.memory_space<vmem>>
      %dma_start3A_112 = tpu.memref_squeeze %dma_start3A_111 : memref<1x1x128x16xf32, #tpu.memory_space<vmem>> -> memref<128x16xf32, #tpu.memory_space<vmem>>
      %dma_start3A_113 = arith.constant 0 : i32
      %dma_start3A_114 = tpu.memref_slice %arg7[%dma_start3A, %dma_start3A_106, %dma_start3A_113] : memref<2x6x128xi32, #tpu.memory_space<vmem>> -> memref<1x1x128xi32, #tpu.memory_space<vmem>>
      %dma_start3A_115 = tpu.memref_squeeze %dma_start3A_114 : memref<1x1x128xi32, #tpu.memory_space<vmem>> -> memref<128xi32, #tpu.memory_space<vmem>>
      %dma_start3A_116 = arith.constant 0 : i32
      %dma_start3A_117 = arith.constant 0 : i32
      %dma_start3A_118 = tpu.memref_slice %arg3[%dma_start3A_116, %dma_start3A_117] : memref<100352x16xf32, #tpu.memory_space<hbm>> -> memref<100352x16xf32, #tpu.memory_space<hbm>>
      tpu.enqueue_indirect_dma source(%dma_start3A_118 : memref<100352x16xf32, #tpu.memory_space<hbm>>) target(%dma_start3A_112 : memref<128x16xf32, #tpu.memory_space<vmem>>) offsets(%dma_start3A_115 : memref<128xi32, #tpu.memory_space<vmem>>) semaphore(%arg12 : memref<!tpu.dma_semaphore, #tpu.memory_space<semaphore_mem>>)
    } else {
    }
    %eq3A_58 = arith.constant 0 : i32
    %eq3A_59 = arith.cmpi eq, %arg0, %eq3A_58 : i32
    %convert_element_type3A_60 = arith.extui %eq3A_59 : i1 to i32
    %cond3A_61 = arith.constant 0 : i32
    %cond3A_62 = arith.cmpi ne, %convert_element_type3A_60, %cond3A_61 : i32
    scf.if %cond3A_62 {
      %dma_start3A = arith.constant 0 : i32
      %dma_start3A_106 = arith.constant 4 : i32
      %dma_start3A_107 = arith.constant 0 : i32
      %dma_start3A_108 = arith.constant 4 : i32
      %dma_start3A_109 = arith.constant 0 : i32
      %dma_start3A_110 = arith.constant 0 : i32
      %dma_start3A_111 = tpu.memref_slice %arg9[%dma_start3A_107, %dma_start3A_108, %dma_start3A_109, %dma_start3A_110] : memref<2x6x128x16xf32, #tpu.memory_space<vmem>> -> memref<1x1x128x16xf32, #tpu.memory_space<vmem>>
      %dma_start3A_112 = tpu.memref_squeeze %dma_start3A_111 : memref<1x1x128x16xf32, #tpu.memory_space<vmem>> -> memref<128x16xf32, #tpu.memory_space<vmem>>
      %dma_start3A_113 = arith.constant 0 : i32
      %dma_start3A_114 = tpu.memref_slice %arg7[%dma_start3A, %dma_start3A_106, %dma_start3A_113] : memref<2x6x128xi32, #tpu.memory_space<vmem>> -> memref<1x1x128xi32, #tpu.memory_space<vmem>>
      %dma_start3A_115 = tpu.memref_squeeze %dma_start3A_114 : memref<1x1x128xi32, #tpu.memory_space<vmem>> -> memref<128xi32, #tpu.memory_space<vmem>>
      %dma_start3A_116 = arith.constant 0 : i32
      %dma_start3A_117 = arith.constant 0 : i32
      %dma_start3A_118 = tpu.memref_slice %arg2[%dma_start3A_116, %dma_start3A_117] : memref<100352x16xf32, #tpu.memory_space<hbm>> -> memref<100352x16xf32, #tpu.memory_space<hbm>>
      tpu.enqueue_indirect_dma source(%dma_start3A_118 : memref<100352x16xf32, #tpu.memory_space<hbm>>) target(%dma_start3A_112 : memref<128x16xf32, #tpu.memory_space<vmem>>) offsets(%dma_start3A_115 : memref<128xi32, #tpu.memory_space<vmem>>) semaphore(%arg12 : memref<!tpu.dma_semaphore, #tpu.memory_space<semaphore_mem>>)
    } else {
    }
    %ne3A_63 = arith.constant 0 : i32
    %ne3A_64 = arith.cmpi ne, %arg0, %ne3A_63 : i32
    %convert_element_type3A_65 = arith.extui %ne3A_64 : i1 to i32
    %cond3A_66 = arith.constant 0 : i32
    %cond3A_67 = arith.cmpi ne, %convert_element_type3A_65, %cond3A_66 : i32
    scf.if %cond3A_67 {
      %dma_start3A = arith.constant 0 : i32
      %dma_start3A_106 = arith.constant 4 : i32
      %dma_start3A_107 = arith.constant 0 : i32
      %dma_start3A_108 = arith.constant 4 : i32
      %dma_start3A_109 = arith.constant 0 : i32
      %dma_start3A_110 = arith.constant 0 : i32
      %dma_start3A_111 = tpu.memref_slice %arg9[%dma_start3A_107, %dma_start3A_108, %dma_start3A_109, %dma_start3A_110] : memref<2x6x128x16xf32, #tpu.memory_space<vmem>> -> memref<1x1x128x16xf32, #tpu.memory_space<vmem>>
      %dma_start3A_112 = tpu.memref_squeeze %dma_start3A_111 : memref<1x1x128x16xf32, #tpu.memory_space<vmem>> -> memref<128x16xf32, #tpu.memory_space<vmem>>
      %dma_start3A_113 = arith.constant 0 : i32
      %dma_start3A_114 = tpu.memref_slice %arg7[%dma_start3A, %dma_start3A_106, %dma_start3A_113] : memref<2x6x128xi32, #tpu.memory_space<vmem>> -> memref<1x1x128xi32, #tpu.memory_space<vmem>>
      %dma_start3A_115 = tpu.memref_squeeze %dma_start3A_114 : memref<1x1x128xi32, #tpu.memory_space<vmem>> -> memref<128xi32, #tpu.memory_space<vmem>>
      %dma_start3A_116 = arith.constant 0 : i32
      %dma_start3A_117 = arith.constant 0 : i32
      %dma_start3A_118 = tpu.memref_slice %arg3[%dma_start3A_116, %dma_start3A_117] : memref<100352x16xf32, #tpu.memory_space<hbm>> -> memref<100352x16xf32, #tpu.memory_space<hbm>>
      tpu.enqueue_indirect_dma source(%dma_start3A_118 : memref<100352x16xf32, #tpu.memory_space<hbm>>) target(%dma_start3A_112 : memref<128x16xf32, #tpu.memory_space<vmem>>) offsets(%dma_start3A_115 : memref<128xi32, #tpu.memory_space<vmem>>) semaphore(%arg12 : memref<!tpu.dma_semaphore, #tpu.memory_space<semaphore_mem>>)
    } else {
    }
    %eq3A_68 = arith.constant 0 : i32
    %eq3A_69 = arith.cmpi eq, %arg0, %eq3A_68 : i32
    %convert_element_type3A_70 = arith.extui %eq3A_69 : i1 to i32
    %cond3A_71 = arith.constant 0 : i32
    %cond3A_72 = arith.cmpi ne, %convert_element_type3A_70, %cond3A_71 : i32
    scf.if %cond3A_72 {
      %dma_start3A = arith.constant 0 : i32
      %dma_start3A_106 = arith.constant 5 : i32
      %dma_start3A_107 = arith.constant 0 : i32
      %dma_start3A_108 = arith.constant 5 : i32
      %dma_start3A_109 = arith.constant 0 : i32
      %dma_start3A_110 = arith.constant 0 : i32
      %dma_start3A_111 = tpu.memref_slice %arg9[%dma_start3A_107, %dma_start3A_108, %dma_start3A_109, %dma_start3A_110] : memref<2x6x128x16xf32, #tpu.memory_space<vmem>> -> memref<1x1x128x16xf32, #tpu.memory_space<vmem>>
      %dma_start3A_112 = tpu.memref_squeeze %dma_start3A_111 : memref<1x1x128x16xf32, #tpu.memory_space<vmem>> -> memref<128x16xf32, #tpu.memory_space<vmem>>
      %dma_start3A_113 = arith.constant 0 : i32
      %dma_start3A_114 = tpu.memref_slice %arg7[%dma_start3A, %dma_start3A_106, %dma_start3A_113] : memref<2x6x128xi32, #tpu.memory_space<vmem>> -> memref<1x1x128xi32, #tpu.memory_space<vmem>>
      %dma_start3A_115 = tpu.memref_squeeze %dma_start3A_114 : memref<1x1x128xi32, #tpu.memory_space<vmem>> -> memref<128xi32, #tpu.memory_space<vmem>>
      %dma_start3A_116 = arith.constant 0 : i32
      %dma_start3A_117 = arith.constant 0 : i32
      %dma_start3A_118 = tpu.memref_slice %arg2[%dma_start3A_116, %dma_start3A_117] : memref<100352x16xf32, #tpu.memory_space<hbm>> -> memref<100352x16xf32, #tpu.memory_space<hbm>>
      tpu.enqueue_indirect_dma source(%dma_start3A_118 : memref<100352x16xf32, #tpu.memory_space<hbm>>) target(%dma_start3A_112 : memref<128x16xf32, #tpu.memory_space<vmem>>) offsets(%dma_start3A_115 : memref<128xi32, #tpu.memory_space<vmem>>) semaphore(%arg12 : memref<!tpu.dma_semaphore, #tpu.memory_space<semaphore_mem>>)
    } else {
    }
    %ne3A_73 = arith.constant 0 : i32
    %ne3A_74 = arith.cmpi ne, %arg0, %ne3A_73 : i32
    %convert_element_type3A_75 = arith.extui %ne3A_74 : i1 to i32
    %cond3A_76 = arith.constant 0 : i32
    %cond3A_77 = arith.cmpi ne, %convert_element_type3A_75, %cond3A_76 : i32
    scf.if %cond3A_77 {
      %dma_start3A = arith.constant 0 : i32
      %dma_start3A_106 = arith.constant 5 : i32
      %dma_start3A_107 = arith.constant 0 : i32
      %dma_start3A_108 = arith.constant 5 : i32
      %dma_start3A_109 = arith.constant 0 : i32
      %dma_start3A_110 = arith.constant 0 : i32
      %dma_start3A_111 = tpu.memref_slice %arg9[%dma_start3A_107, %dma_start3A_108, %dma_start3A_109, %dma_start3A_110] : memref<2x6x128x16xf32, #tpu.memory_space<vmem>> -> memref<1x1x128x16xf32, #tpu.memory_space<vmem>>
      %dma_start3A_112 = tpu.memref_squeeze %dma_start3A_111 : memref<1x1x128x16xf32, #tpu.memory_space<vmem>> -> memref<128x16xf32, #tpu.memory_space<vmem>>
      %dma_start3A_113 = arith.constant 0 : i32
      %dma_start3A_114 = tpu.memref_slice %arg7[%dma_start3A, %dma_start3A_106, %dma_start3A_113] : memref<2x6x128xi32, #tpu.memory_space<vmem>> -> memref<1x1x128xi32, #tpu.memory_space<vmem>>
      %dma_start3A_115 = tpu.memref_squeeze %dma_start3A_114 : memref<1x1x128xi32, #tpu.memory_space<vmem>> -> memref<128xi32, #tpu.memory_space<vmem>>
      %dma_start3A_116 = arith.constant 0 : i32
      %dma_start3A_117 = arith.constant 0 : i32
      %dma_start3A_118 = tpu.memref_slice %arg3[%dma_start3A_116, %dma_start3A_117] : memref<100352x16xf32, #tpu.memory_space<hbm>> -> memref<100352x16xf32, #tpu.memory_space<hbm>>
      tpu.enqueue_indirect_dma source(%dma_start3A_118 : memref<100352x16xf32, #tpu.memory_space<hbm>>) target(%dma_start3A_112 : memref<128x16xf32, #tpu.memory_space<vmem>>) offsets(%dma_start3A_115 : memref<128xi32, #tpu.memory_space<vmem>>) semaphore(%arg12 : memref<!tpu.dma_semaphore, #tpu.memory_space<semaphore_mem>>)
    } else {
    }
    %scan3A_78 = arith.constant 0 : i32
    %scan3A_79 = arith.constant 0 : i32
    %scan3A_80 = arith.constant 130 : i32
    %scan3A_81 = arith.addi %scan3A_79, %scan3A_80 : i32
    %scan3A_82 = arith.constant 1 : i32
    scf.for %scan3A_106 = %scan3A_79 to %scan3A_81 step %scan3A_82  : i32 {
      %rem3A = arith.constant 2 : i32
      %rem3A_107 = arith.remsi %scan3A_106, %rem3A : i32
      %add3A_108 = arith.constant 1 : i32
      %add3A_109 = arith.addi %scan3A_106, %add3A_108 : i32
      %rem3A_110 = arith.constant 2 : i32
      %rem3A_111 = arith.remsi %add3A_109, %rem3A_110 : i32
      %add3A_112 = arith.constant 1 : i32
      %add3A_113 = arith.addi %scan3A_106, %add3A_112 : i32
      %lt3A_114 = arith.constant 130 : i32
      %lt3A_115 = arith.cmpi slt, %add3A_113, %lt3A_114 : i32
      %convert_element_type3A_116 = arith.extui %lt3A_115 : i1 to i32
      %cond3A_117 = arith.constant 0 : i32
      %cond3A_118 = arith.cmpi ne, %convert_element_type3A_116, %cond3A_117 : i32
      scf.if %cond3A_118 {
        %add3A_376 = arith.constant 1 : i32
        %add3A_377 = arith.addi %scan3A_106, %add3A_376 : i32
        %mul3A_378 = arith.constant 6 : i32
        %mul3A_379 = arith.muli %add3A_377, %mul3A_378 : i32
        %add3A_380 = arith.addi %mul3A_15, %mul3A_379 : i32
        "tpu.region"() ({
          %run_scoped3A_383 = tpu.sem_alloc : memref<!tpu.dma_semaphore, #tpu.memory_space<semaphore_mem>>
          %dma_start3A_384 = arith.constant 0 : i32
          %dma_start3A_385 = arith.constant 0 : i32
          %dma_start3A_386 = tpu.memref_slice %arg7[%rem3A_111, %dma_start3A_384, %dma_start3A_385] : memref<2x6x128xi32, #tpu.memory_space<vmem>> -> memref<1x6x128xi32, #tpu.memory_space<vmem>>
          %dma_start3A_387 = tpu.memref_squeeze %dma_start3A_386 : memref<1x6x128xi32, #tpu.memory_space<vmem>> -> memref<6x128xi32, #tpu.memory_space<vmem>>
          %dma_start3A_388 = arith.constant 0 : i32
          %dma_start3A_389 = tpu.memref_slice %arg4[%add3A_380, %dma_start3A_388] : memref<25000x128xi32, #tpu.memory_space<hbm>> -> memref<6x128xi32, #tpu.memory_space<hbm>>
          %dma_start3A_390 = arith.constant 0 : i32
          %dma_start3A_391 = arith.constant 0 : i32
          %dma_start3A_392 = tpu.memref_slice %arg7[%rem3A_111, %dma_start3A_390, %dma_start3A_391] : memref<2x6x128xi32, #tpu.memory_space<vmem>> -> memref<1x6x128xi32, #tpu.memory_space<vmem>>
          %dma_start3A_393 = tpu.memref_squeeze %dma_start3A_392 : memref<1x6x128xi32, #tpu.memory_space<vmem>> -> memref<6x128xi32, #tpu.memory_space<vmem>>
          %dma_start3A_394 = arith.constant 0 : i32
          %dma_start3A_395 = tpu.memref_slice %arg4[%add3A_380, %dma_start3A_394] : memref<25000x128xi32, #tpu.memory_space<hbm>> -> memref<6x128xi32, #tpu.memory_space<hbm>>
          tpu.enqueue_dma source(%dma_start3A_395 : memref<6x128xi32, #tpu.memory_space<hbm>>) target(%dma_start3A_393 : memref<6x128xi32, #tpu.memory_space<vmem>>) target_semaphore(%run_scoped3A_383 : memref<!tpu.dma_semaphore, #tpu.memory_space<semaphore_mem>>)
          %dma_wait3A_396 = arith.constant 0 : i32
          %dma_wait3A_397 = arith.constant 0 : i32
          %dma_wait3A_398 = tpu.memref_slice %arg7[%rem3A_111, %dma_wait3A_396, %dma_wait3A_397] : memref<2x6x128xi32, #tpu.memory_space<vmem>> -> memref<1x6x128xi32, #tpu.memory_space<vmem>>
          %dma_wait3A_399 = tpu.memref_squeeze %dma_wait3A_398 : memref<1x6x128xi32, #tpu.memory_space<vmem>> -> memref<6x128xi32, #tpu.memory_space<vmem>>
          %dma_wait3A_400 = arith.constant 0 : i32
          %dma_wait3A_401 = tpu.memref_slice %arg4[%add3A_380, %dma_wait3A_400] : memref<25000x128xi32, #tpu.memory_space<hbm>> -> memref<6x128xi32, #tpu.memory_space<hbm>>
          %dma_wait3A_402 = arith.constant 0 : i32
          %dma_wait3A_403 = arith.constant 0 : i32
          %dma_wait3A_404 = tpu.memref_slice %arg7[%rem3A_111, %dma_wait3A_402, %dma_wait3A_403] : memref<2x6x128xi32, #tpu.memory_space<vmem>> -> memref<1x6x128xi32, #tpu.memory_space<vmem>>
          %dma_wait3A_405 = tpu.memref_squeeze %dma_wait3A_404 : memref<1x6x128xi32, #tpu.memory_space<vmem>> -> memref<6x128xi32, #tpu.memory_space<vmem>>
          %dma_wait3A_406 = arith.constant 0 : i32
          %dma_wait3A_407 = tpu.memref_slice %arg4[%add3A_380, %dma_wait3A_406] : memref<25000x128xi32, #tpu.memory_space<hbm>> -> memref<6x128xi32, #tpu.memory_space<hbm>>
          tpu.wait_dma2 semaphore(%run_scoped3A_383 : memref<!tpu.dma_semaphore, #tpu.memory_space<semaphore_mem>>) src(%dma_wait3A_407 : memref<6x128xi32, #tpu.memory_space<hbm>>) dst(%dma_wait3A_405 : memref<6x128xi32, #tpu.memory_space<vmem>>)
          tpu.yield
        }) : () -> ()
        %add3A_381 = arith.constant 12500 : i32
        %add3A_382 = arith.addi %add3A_381, %add3A_380 : i32
        "tpu.region"() ({
          %run_scoped3A_383 = tpu.sem_alloc : memref<!tpu.dma_semaphore, #tpu.memory_space<semaphore_mem>>
          %dma_start3A_384 = arith.constant 0 : i32
          %dma_start3A_385 = arith.constant 0 : i32
          %dma_start3A_386 = tpu.memref_slice %arg8[%rem3A_111, %dma_start3A_384, %dma_start3A_385] : memref<2x6x128xi32, #tpu.memory_space<vmem>> -> memref<1x6x128xi32, #tpu.memory_space<vmem>>
          %dma_start3A_387 = tpu.memref_squeeze %dma_start3A_386 : memref<1x6x128xi32, #tpu.memory_space<vmem>> -> memref<6x128xi32, #tpu.memory_space<vmem>>
          %dma_start3A_388 = arith.constant 0 : i32
          %dma_start3A_389 = tpu.memref_slice %arg4[%add3A_382, %dma_start3A_388] : memref<25000x128xi32, #tpu.memory_space<hbm>> -> memref<6x128xi32, #tpu.memory_space<hbm>>
          %dma_start3A_390 = arith.constant 0 : i32
          %dma_start3A_391 = arith.constant 0 : i32
          %dma_start3A_392 = tpu.memref_slice %arg8[%rem3A_111, %dma_start3A_390, %dma_start3A_391] : memref<2x6x128xi32, #tpu.memory_space<vmem>> -> memref<1x6x128xi32, #tpu.memory_space<vmem>>
          %dma_start3A_393 = tpu.memref_squeeze %dma_start3A_392 : memref<1x6x128xi32, #tpu.memory_space<vmem>> -> memref<6x128xi32, #tpu.memory_space<vmem>>
          %dma_start3A_394 = arith.constant 0 : i32
          %dma_start3A_395 = tpu.memref_slice %arg4[%add3A_382, %dma_start3A_394] : memref<25000x128xi32, #tpu.memory_space<hbm>> -> memref<6x128xi32, #tpu.memory_space<hbm>>
          tpu.enqueue_dma source(%dma_start3A_395 : memref<6x128xi32, #tpu.memory_space<hbm>>) target(%dma_start3A_393 : memref<6x128xi32, #tpu.memory_space<vmem>>) target_semaphore(%run_scoped3A_383 : memref<!tpu.dma_semaphore, #tpu.memory_space<semaphore_mem>>)
          %dma_wait3A_396 = arith.constant 0 : i32
          %dma_wait3A_397 = arith.constant 0 : i32
          %dma_wait3A_398 = tpu.memref_slice %arg8[%rem3A_111, %dma_wait3A_396, %dma_wait3A_397] : memref<2x6x128xi32, #tpu.memory_space<vmem>> -> memref<1x6x128xi32, #tpu.memory_space<vmem>>
          %dma_wait3A_399 = tpu.memref_squeeze %dma_wait3A_398 : memref<1x6x128xi32, #tpu.memory_space<vmem>> -> memref<6x128xi32, #tpu.memory_space<vmem>>
          %dma_wait3A_400 = arith.constant 0 : i32
          %dma_wait3A_401 = tpu.memref_slice %arg4[%add3A_382, %dma_wait3A_400] : memref<25000x128xi32, #tpu.memory_space<hbm>> -> memref<6x128xi32, #tpu.memory_space<hbm>>
          %dma_wait3A_402 = arith.constant 0 : i32
          %dma_wait3A_403 = arith.constant 0 : i32
          %dma_wait3A_404 = tpu.memref_slice %arg8[%rem3A_111, %dma_wait3A_402, %dma_wait3A_403] : memref<2x6x128xi32, #tpu.memory_space<vmem>> -> memref<1x6x128xi32, #tpu.memory_space<vmem>>
          %dma_wait3A_405 = tpu.memref_squeeze %dma_wait3A_404 : memref<1x6x128xi32, #tpu.memory_space<vmem>> -> memref<6x128xi32, #tpu.memory_space<vmem>>
          %dma_wait3A_406 = arith.constant 0 : i32
          %dma_wait3A_407 = tpu.memref_slice %arg4[%add3A_382, %dma_wait3A_406] : memref<25000x128xi32, #tpu.memory_space<hbm>> -> memref<6x128xi32, #tpu.memory_space<hbm>>
          tpu.wait_dma2 semaphore(%run_scoped3A_383 : memref<!tpu.dma_semaphore, #tpu.memory_space<semaphore_mem>>) src(%dma_wait3A_407 : memref<6x128xi32, #tpu.memory_space<hbm>>) dst(%dma_wait3A_405 : memref<6x128xi32, #tpu.memory_space<vmem>>)
          tpu.yield
        }) : () -> ()
      } else {
      }
      %dma_wait3A = arith.constant 0 : i32
      %dma_wait3A_119 = arith.constant 0 : i32
      %dma_wait3A_120 = arith.constant 0 : i32
      %dma_wait3A_121 = tpu.memref_slice %arg9[%rem3A_107, %dma_wait3A, %dma_wait3A_119, %dma_wait3A_120] : memref<2x6x128x16xf32, #tpu.memory_space<vmem>> -> memref<1x1x128x16xf32, #tpu.memory_space<vmem>>
      %dma_wait3A_122 = tpu.memref_squeeze %dma_wait3A_121 : memref<1x1x128x16xf32, #tpu.memory_space<vmem>> -> memref<128x16xf32, #tpu.memory_space<vmem>>
      %dma_wait3A_123 = arith.constant 0 : i32
      %dma_wait3A_124 = arith.constant 0 : i32
      %dma_wait3A_125 = tpu.memref_slice %arg2[%dma_wait3A_123, %dma_wait3A_124] : memref<100352x16xf32, #tpu.memory_space<hbm>> -> memref<128x16xf32, #tpu.memory_space<hbm>>
      %dma_wait3A_126 = arith.constant 0 : i32
      %dma_wait3A_127 = arith.constant 0 : i32
      %dma_wait3A_128 = tpu.memref_slice %arg9[%rem3A_107, %dma_wait3A, %dma_wait3A_126, %dma_wait3A_127] : memref<2x6x128x16xf32, #tpu.memory_space<vmem>> -> memref<1x1x128x16xf32, #tpu.memory_space<vmem>>
      %dma_wait3A_129 = tpu.memref_squeeze %dma_wait3A_128 : memref<1x1x128x16xf32, #tpu.memory_space<vmem>> -> memref<128x16xf32, #tpu.memory_space<vmem>>
      %dma_wait3A_130 = arith.constant 0 : i32
      %dma_wait3A_131 = arith.constant 0 : i32
      %dma_wait3A_132 = tpu.memref_slice %arg2[%dma_wait3A_130, %dma_wait3A_131] : memref<100352x16xf32, #tpu.memory_space<hbm>> -> memref<128x16xf32, #tpu.memory_space<hbm>>
      tpu.wait_dma2 semaphore(%arg12 : memref<!tpu.dma_semaphore, #tpu.memory_space<semaphore_mem>>) src(%dma_wait3A_132 : memref<128x16xf32, #tpu.memory_space<hbm>>) dst(%dma_wait3A_129 : memref<128x16xf32, #tpu.memory_space<vmem>>)
      %dma_wait3A_133 = arith.constant 1 : i32
      %dma_wait3A_134 = arith.constant 0 : i32
      %dma_wait3A_135 = arith.constant 0 : i32
      %dma_wait3A_136 = tpu.memref_slice %arg9[%rem3A_107, %dma_wait3A_133, %dma_wait3A_134, %dma_wait3A_135] : memref<2x6x128x16xf32, #tpu.memory_space<vmem>> -> memref<1x1x128x16xf32, #tpu.memory_space<vmem>>
      %dma_wait3A_137 = tpu.memref_squeeze %dma_wait3A_136 : memref<1x1x128x16xf32, #tpu.memory_space<vmem>> -> memref<128x16xf32, #tpu.memory_space<vmem>>
      %dma_wait3A_138 = arith.constant 0 : i32
      %dma_wait3A_139 = arith.constant 0 : i32
      %dma_wait3A_140 = tpu.memref_slice %arg2[%dma_wait3A_138, %dma_wait3A_139] : memref<100352x16xf32, #tpu.memory_space<hbm>> -> memref<128x16xf32, #tpu.memory_space<hbm>>
      %dma_wait3A_141 = arith.constant 0 : i32
      %dma_wait3A_142 = arith.constant 0 : i32
      %dma_wait3A_143 = tpu.memref_slice %arg9[%rem3A_107, %dma_wait3A_133, %dma_wait3A_141, %dma_wait3A_142] : memref<2x6x128x16xf32, #tpu.memory_space<vmem>> -> memref<1x1x128x16xf32, #tpu.memory_space<vmem>>
      %dma_wait3A_144 = tpu.memref_squeeze %dma_wait3A_143 : memref<1x1x128x16xf32, #tpu.memory_space<vmem>> -> memref<128x16xf32, #tpu.memory_space<vmem>>
      %dma_wait3A_145 = arith.constant 0 : i32
      %dma_wait3A_146 = arith.constant 0 : i32
      %dma_wait3A_147 = tpu.memref_slice %arg2[%dma_wait3A_145, %dma_wait3A_146] : memref<100352x16xf32, #tpu.memory_space<hbm>> -> memref<128x16xf32, #tpu.memory_space<hbm>>
      tpu.wait_dma2 semaphore(%arg12 : memref<!tpu.dma_semaphore, #tpu.memory_space<semaphore_mem>>) src(%dma_wait3A_147 : memref<128x16xf32, #tpu.memory_space<hbm>>) dst(%dma_wait3A_144 : memref<128x16xf32, #tpu.memory_space<vmem>>)
      %dma_wait3A_148 = arith.constant 2 : i32
      %dma_wait3A_149 = arith.constant 0 : i32
      %dma_wait3A_150 = arith.constant 0 : i32
      %dma_wait3A_151 = tpu.memref_slice %arg9[%rem3A_107, %dma_wait3A_148, %dma_wait3A_149, %dma_wait3A_150] : memref<2x6x128x16xf32, #tpu.memory_space<vmem>> -> memref<1x1x128x16xf32, #tpu.memory_space<vmem>>
      %dma_wait3A_152 = tpu.memref_squeeze %dma_wait3A_151 : memref<1x1x128x16xf32, #tpu.memory_space<vmem>> -> memref<128x16xf32, #tpu.memory_space<vmem>>
      %dma_wait3A_153 = arith.constant 0 : i32
      %dma_wait3A_154 = arith.constant 0 : i32
      %dma_wait3A_155 = tpu.memref_slice %arg2[%dma_wait3A_153, %dma_wait3A_154] : memref<100352x16xf32, #tpu.memory_space<hbm>> -> memref<128x16xf32, #tpu.memory_space<hbm>>
      %dma_wait3A_156 = arith.constant 0 : i32
      %dma_wait3A_157 = arith.constant 0 : i32
      %dma_wait3A_158 = tpu.memref_slice %arg9[%rem3A_107, %dma_wait3A_148, %dma_wait3A_156, %dma_wait3A_157] : memref<2x6x128x16xf32, #tpu.memory_space<vmem>> -> memref<1x1x128x16xf32, #tpu.memory_space<vmem>>
      %dma_wait3A_159 = tpu.memref_squeeze %dma_wait3A_158 : memref<1x1x128x16xf32, #tpu.memory_space<vmem>> -> memref<128x16xf32, #tpu.memory_space<vmem>>
      %dma_wait3A_160 = arith.constant 0 : i32
      %dma_wait3A_161 = arith.constant 0 : i32
      %dma_wait3A_162 = tpu.memref_slice %arg2[%dma_wait3A_160, %dma_wait3A_161] : memref<100352x16xf32, #tpu.memory_space<hbm>> -> memref<128x16xf32, #tpu.memory_space<hbm>>
      tpu.wait_dma2 semaphore(%arg12 : memref<!tpu.dma_semaphore, #tpu.memory_space<semaphore_mem>>) src(%dma_wait3A_162 : memref<128x16xf32, #tpu.memory_space<hbm>>) dst(%dma_wait3A_159 : memref<128x16xf32, #tpu.memory_space<vmem>>)
      %dma_wait3A_163 = arith.constant 3 : i32
      %dma_wait3A_164 = arith.constant 0 : i32
      %dma_wait3A_165 = arith.constant 0 : i32
      %dma_wait3A_166 = tpu.memref_slice %arg9[%rem3A_107, %dma_wait3A_163, %dma_wait3A_164, %dma_wait3A_165] : memref<2x6x128x16xf32, #tpu.memory_space<vmem>> -> memref<1x1x128x16xf32, #tpu.memory_space<vmem>>
      %dma_wait3A_167 = tpu.memref_squeeze %dma_wait3A_166 : memref<1x1x128x16xf32, #tpu.memory_space<vmem>> -> memref<128x16xf32, #tpu.memory_space<vmem>>
      %dma_wait3A_168 = arith.constant 0 : i32
      %dma_wait3A_169 = arith.constant 0 : i32
      %dma_wait3A_170 = tpu.memref_slice %arg2[%dma_wait3A_168, %dma_wait3A_169] : memref<100352x16xf32, #tpu.memory_space<hbm>> -> memref<128x16xf32, #tpu.memory_space<hbm>>
      %dma_wait3A_171 = arith.constant 0 : i32
      %dma_wait3A_172 = arith.constant 0 : i32
      %dma_wait3A_173 = tpu.memref_slice %arg9[%rem3A_107, %dma_wait3A_163, %dma_wait3A_171, %dma_wait3A_172] : memref<2x6x128x16xf32, #tpu.memory_space<vmem>> -> memref<1x1x128x16xf32, #tpu.memory_space<vmem>>
      %dma_wait3A_174 = tpu.memref_squeeze %dma_wait3A_173 : memref<1x1x128x16xf32, #tpu.memory_space<vmem>> -> memref<128x16xf32, #tpu.memory_space<vmem>>
      %dma_wait3A_175 = arith.constant 0 : i32
      %dma_wait3A_176 = arith.constant 0 : i32
      %dma_wait3A_177 = tpu.memref_slice %arg2[%dma_wait3A_175, %dma_wait3A_176] : memref<100352x16xf32, #tpu.memory_space<hbm>> -> memref<128x16xf32, #tpu.memory_space<hbm>>
      tpu.wait_dma2 semaphore(%arg12 : memref<!tpu.dma_semaphore, #tpu.memory_space<semaphore_mem>>) src(%dma_wait3A_177 : memref<128x16xf32, #tpu.memory_space<hbm>>) dst(%dma_wait3A_174 : memref<128x16xf32, #tpu.memory_space<vmem>>)
      %dma_wait3A_178 = arith.constant 4 : i32
      %dma_wait3A_179 = arith.constant 0 : i32
      %dma_wait3A_180 = arith.constant 0 : i32
      %dma_wait3A_181 = tpu.memref_slice %arg9[%rem3A_107, %dma_wait3A_178, %dma_wait3A_179, %dma_wait3A_180] : memref<2x6x128x16xf32, #tpu.memory_space<vmem>> -> memref<1x1x128x16xf32, #tpu.memory_space<vmem>>
      %dma_wait3A_182 = tpu.memref_squeeze %dma_wait3A_181 : memref<1x1x128x16xf32, #tpu.memory_space<vmem>> -> memref<128x16xf32, #tpu.memory_space<vmem>>
      %dma_wait3A_183 = arith.constant 0 : i32
      %dma_wait3A_184 = arith.constant 0 : i32
      %dma_wait3A_185 = tpu.memref_slice %arg2[%dma_wait3A_183, %dma_wait3A_184] : memref<100352x16xf32, #tpu.memory_space<hbm>> -> memref<128x16xf32, #tpu.memory_space<hbm>>
      %dma_wait3A_186 = arith.constant 0 : i32
      %dma_wait3A_187 = arith.constant 0 : i32
      %dma_wait3A_188 = tpu.memref_slice %arg9[%rem3A_107, %dma_wait3A_178, %dma_wait3A_186, %dma_wait3A_187] : memref<2x6x128x16xf32, #tpu.memory_space<vmem>> -> memref<1x1x128x16xf32, #tpu.memory_space<vmem>>
      %dma_wait3A_189 = tpu.memref_squeeze %dma_wait3A_188 : memref<1x1x128x16xf32, #tpu.memory_space<vmem>> -> memref<128x16xf32, #tpu.memory_space<vmem>>
      %dma_wait3A_190 = arith.constant 0 : i32
      %dma_wait3A_191 = arith.constant 0 : i32
      %dma_wait3A_192 = tpu.memref_slice %arg2[%dma_wait3A_190, %dma_wait3A_191] : memref<100352x16xf32, #tpu.memory_space<hbm>> -> memref<128x16xf32, #tpu.memory_space<hbm>>
      tpu.wait_dma2 semaphore(%arg12 : memref<!tpu.dma_semaphore, #tpu.memory_space<semaphore_mem>>) src(%dma_wait3A_192 : memref<128x16xf32, #tpu.memory_space<hbm>>) dst(%dma_wait3A_189 : memref<128x16xf32, #tpu.memory_space<vmem>>)
      %dma_wait3A_193 = arith.constant 5 : i32
      %dma_wait3A_194 = arith.constant 0 : i32
      %dma_wait3A_195 = arith.constant 0 : i32
      %dma_wait3A_196 = tpu.memref_slice %arg9[%rem3A_107, %dma_wait3A_193, %dma_wait3A_194, %dma_wait3A_195] : memref<2x6x128x16xf32, #tpu.memory_space<vmem>> -> memref<1x1x128x16xf32, #tpu.memory_space<vmem>>
      %dma_wait3A_197 = tpu.memref_squeeze %dma_wait3A_196 : memref<1x1x128x16xf32, #tpu.memory_space<vmem>> -> memref<128x16xf32, #tpu.memory_space<vmem>>
      %dma_wait3A_198 = arith.constant 0 : i32
      %dma_wait3A_199 = arith.constant 0 : i32
      %dma_wait3A_200 = tpu.memref_slice %arg2[%dma_wait3A_198, %dma_wait3A_199] : memref<100352x16xf32, #tpu.memory_space<hbm>> -> memref<128x16xf32, #tpu.memory_space<hbm>>
      %dma_wait3A_201 = arith.constant 0 : i32
      %dma_wait3A_202 = arith.constant 0 : i32
      %dma_wait3A_203 = tpu.memref_slice %arg9[%rem3A_107, %dma_wait3A_193, %dma_wait3A_201, %dma_wait3A_202] : memref<2x6x128x16xf32, #tpu.memory_space<vmem>> -> memref<1x1x128x16xf32, #tpu.memory_space<vmem>>
      %dma_wait3A_204 = tpu.memref_squeeze %dma_wait3A_203 : memref<1x1x128x16xf32, #tpu.memory_space<vmem>> -> memref<128x16xf32, #tpu.memory_space<vmem>>
      %dma_wait3A_205 = arith.constant 0 : i32
      %dma_wait3A_206 = arith.constant 0 : i32
      %dma_wait3A_207 = tpu.memref_slice %arg2[%dma_wait3A_205, %dma_wait3A_206] : memref<100352x16xf32, #tpu.memory_space<hbm>> -> memref<128x16xf32, #tpu.memory_space<hbm>>
      tpu.wait_dma2 semaphore(%arg12 : memref<!tpu.dma_semaphore, #tpu.memory_space<semaphore_mem>>) src(%dma_wait3A_207 : memref<128x16xf32, #tpu.memory_space<hbm>>) dst(%dma_wait3A_204 : memref<128x16xf32, #tpu.memory_space<vmem>>)
      %dma_start3A = arith.constant 0 : i32
      %dma_start3A_208 = arith.constant 0 : i32
      %dma_start3A_209 = arith.constant 0 : i32
      %dma_start3A_210 = arith.constant 0 : i32
      %dma_start3A_211 = tpu.memref_slice %arg9[%rem3A_107, %dma_start3A, %dma_start3A_209, %dma_start3A_210] : memref<2x6x128x16xf32, #tpu.memory_space<vmem>> -> memref<1x1x128x16xf32, #tpu.memory_space<vmem>>
      %dma_start3A_212 = tpu.memref_squeeze %dma_start3A_211 : memref<1x1x128x16xf32, #tpu.memory_space<vmem>> -> memref<128x16xf32, #tpu.memory_space<vmem>>
      %dma_start3A_213 = arith.constant 0 : i32
      %dma_start3A_214 = tpu.memref_slice %arg8[%rem3A_107, %dma_start3A_208, %dma_start3A_213] : memref<2x6x128xi32, #tpu.memory_space<vmem>> -> memref<1x1x128xi32, #tpu.memory_space<vmem>>
      %dma_start3A_215 = tpu.memref_squeeze %dma_start3A_214 : memref<1x1x128xi32, #tpu.memory_space<vmem>> -> memref<128xi32, #tpu.memory_space<vmem>>
      %dma_start3A_216 = arith.constant 0 : i32
      %dma_start3A_217 = arith.constant 0 : i32
      %dma_start3A_218 = tpu.memref_slice %arg11[%dma_start3A_216, %dma_start3A_217] : memref<100352x16xf32, #tpu.memory_space<vmem_shared>> -> memref<100352x16xf32, #tpu.memory_space<vmem_shared>>
      tpu.enqueue_indirect_dma source(%dma_start3A_212 : memref<128x16xf32, #tpu.memory_space<vmem>>) target(%dma_start3A_218 : memref<100352x16xf32, #tpu.memory_space<vmem_shared>>) offsets(%dma_start3A_215 : memref<128xi32, #tpu.memory_space<vmem>>) semaphore(%arg13 : memref<!tpu.dma_semaphore, #tpu.memory_space<semaphore_mem>>) {add = true}
      %dma_start3A_219 = arith.constant 1 : i32
      %dma_start3A_220 = arith.constant 1 : i32
      %dma_start3A_221 = arith.constant 0 : i32
      %dma_start3A_222 = arith.constant 0 : i32
      %dma_start3A_223 = tpu.memref_slice %arg9[%rem3A_107, %dma_start3A_219, %dma_start3A_221, %dma_start3A_222] : memref<2x6x128x16xf32, #tpu.memory_space<vmem>> -> memref<1x1x128x16xf32, #tpu.memory_space<vmem>>
      %dma_start3A_224 = tpu.memref_squeeze %dma_start3A_223 : memref<1x1x128x16xf32, #tpu.memory_space<vmem>> -> memref<128x16xf32, #tpu.memory_space<vmem>>
      %dma_start3A_225 = arith.constant 0 : i32
      %dma_start3A_226 = tpu.memref_slice %arg8[%rem3A_107, %dma_start3A_220, %dma_start3A_225] : memref<2x6x128xi32, #tpu.memory_space<vmem>> -> memref<1x1x128xi32, #tpu.memory_space<vmem>>
      %dma_start3A_227 = tpu.memref_squeeze %dma_start3A_226 : memref<1x1x128xi32, #tpu.memory_space<vmem>> -> memref<128xi32, #tpu.memory_space<vmem>>
      %dma_start3A_228 = arith.constant 0 : i32
      %dma_start3A_229 = arith.constant 0 : i32
      %dma_start3A_230 = tpu.memref_slice %arg11[%dma_start3A_228, %dma_start3A_229] : memref<100352x16xf32, #tpu.memory_space<vmem_shared>> -> memref<100352x16xf32, #tpu.memory_space<vmem_shared>>
      tpu.enqueue_indirect_dma source(%dma_start3A_224 : memref<128x16xf32, #tpu.memory_space<vmem>>) target(%dma_start3A_230 : memref<100352x16xf32, #tpu.memory_space<vmem_shared>>) offsets(%dma_start3A_227 : memref<128xi32, #tpu.memory_space<vmem>>) semaphore(%arg13 : memref<!tpu.dma_semaphore, #tpu.memory_space<semaphore_mem>>) {add = true}
      %dma_start3A_231 = arith.constant 2 : i32
      %dma_start3A_232 = arith.constant 2 : i32
      %dma_start3A_233 = arith.constant 0 : i32
      %dma_start3A_234 = arith.constant 0 : i32
      %dma_start3A_235 = tpu.memref_slice %arg9[%rem3A_107, %dma_start3A_231, %dma_start3A_233, %dma_start3A_234] : memref<2x6x128x16xf32, #tpu.memory_space<vmem>> -> memref<1x1x128x16xf32, #tpu.memory_space<vmem>>
      %dma_start3A_236 = tpu.memref_squeeze %dma_start3A_235 : memref<1x1x128x16xf32, #tpu.memory_space<vmem>> -> memref<128x16xf32, #tpu.memory_space<vmem>>
      %dma_start3A_237 = arith.constant 0 : i32
      %dma_start3A_238 = tpu.memref_slice %arg8[%rem3A_107, %dma_start3A_232, %dma_start3A_237] : memref<2x6x128xi32, #tpu.memory_space<vmem>> -> memref<1x1x128xi32, #tpu.memory_space<vmem>>
      %dma_start3A_239 = tpu.memref_squeeze %dma_start3A_238 : memref<1x1x128xi32, #tpu.memory_space<vmem>> -> memref<128xi32, #tpu.memory_space<vmem>>
      %dma_start3A_240 = arith.constant 0 : i32
      %dma_start3A_241 = arith.constant 0 : i32
      %dma_start3A_242 = tpu.memref_slice %arg11[%dma_start3A_240, %dma_start3A_241] : memref<100352x16xf32, #tpu.memory_space<vmem_shared>> -> memref<100352x16xf32, #tpu.memory_space<vmem_shared>>
      tpu.enqueue_indirect_dma source(%dma_start3A_236 : memref<128x16xf32, #tpu.memory_space<vmem>>) target(%dma_start3A_242 : memref<100352x16xf32, #tpu.memory_space<vmem_shared>>) offsets(%dma_start3A_239 : memref<128xi32, #tpu.memory_space<vmem>>) semaphore(%arg13 : memref<!tpu.dma_semaphore, #tpu.memory_space<semaphore_mem>>) {add = true}
      %dma_start3A_243 = arith.constant 3 : i32
      %dma_start3A_244 = arith.constant 3 : i32
      %dma_start3A_245 = arith.constant 0 : i32
      %dma_start3A_246 = arith.constant 0 : i32
      %dma_start3A_247 = tpu.memref_slice %arg9[%rem3A_107, %dma_start3A_243, %dma_start3A_245, %dma_start3A_246] : memref<2x6x128x16xf32, #tpu.memory_space<vmem>> -> memref<1x1x128x16xf32, #tpu.memory_space<vmem>>
      %dma_start3A_248 = tpu.memref_squeeze %dma_start3A_247 : memref<1x1x128x16xf32, #tpu.memory_space<vmem>> -> memref<128x16xf32, #tpu.memory_space<vmem>>
      %dma_start3A_249 = arith.constant 0 : i32
      %dma_start3A_250 = tpu.memref_slice %arg8[%rem3A_107, %dma_start3A_244, %dma_start3A_249] : memref<2x6x128xi32, #tpu.memory_space<vmem>> -> memref<1x1x128xi32, #tpu.memory_space<vmem>>
      %dma_start3A_251 = tpu.memref_squeeze %dma_start3A_250 : memref<1x1x128xi32, #tpu.memory_space<vmem>> -> memref<128xi32, #tpu.memory_space<vmem>>
      %dma_start3A_252 = arith.constant 0 : i32
      %dma_start3A_253 = arith.constant 0 : i32
      %dma_start3A_254 = tpu.memref_slice %arg11[%dma_start3A_252, %dma_start3A_253] : memref<100352x16xf32, #tpu.memory_space<vmem_shared>> -> memref<100352x16xf32, #tpu.memory_space<vmem_shared>>
      tpu.enqueue_indirect_dma source(%dma_start3A_248 : memref<128x16xf32, #tpu.memory_space<vmem>>) target(%dma_start3A_254 : memref<100352x16xf32, #tpu.memory_space<vmem_shared>>) offsets(%dma_start3A_251 : memref<128xi32, #tpu.memory_space<vmem>>) semaphore(%arg13 : memref<!tpu.dma_semaphore, #tpu.memory_space<semaphore_mem>>) {add = true}
      %dma_start3A_255 = arith.constant 4 : i32
      %dma_start3A_256 = arith.constant 4 : i32
      %dma_start3A_257 = arith.constant 0 : i32
      %dma_start3A_258 = arith.constant 0 : i32
      %dma_start3A_259 = tpu.memref_slice %arg9[%rem3A_107, %dma_start3A_255, %dma_start3A_257, %dma_start3A_258] : memref<2x6x128x16xf32, #tpu.memory_space<vmem>> -> memref<1x1x128x16xf32, #tpu.memory_space<vmem>>
      %dma_start3A_260 = tpu.memref_squeeze %dma_start3A_259 : memref<1x1x128x16xf32, #tpu.memory_space<vmem>> -> memref<128x16xf32, #tpu.memory_space<vmem>>
      %dma_start3A_261 = arith.constant 0 : i32
      %dma_start3A_262 = tpu.memref_slice %arg8[%rem3A_107, %dma_start3A_256, %dma_start3A_261] : memref<2x6x128xi32, #tpu.memory_space<vmem>> -> memref<1x1x128xi32, #tpu.memory_space<vmem>>
      %dma_start3A_263 = tpu.memref_squeeze %dma_start3A_262 : memref<1x1x128xi32, #tpu.memory_space<vmem>> -> memref<128xi32, #tpu.memory_space<vmem>>
      %dma_start3A_264 = arith.constant 0 : i32
      %dma_start3A_265 = arith.constant 0 : i32
      %dma_start3A_266 = tpu.memref_slice %arg11[%dma_start3A_264, %dma_start3A_265] : memref<100352x16xf32, #tpu.memory_space<vmem_shared>> -> memref<100352x16xf32, #tpu.memory_space<vmem_shared>>
      tpu.enqueue_indirect_dma source(%dma_start3A_260 : memref<128x16xf32, #tpu.memory_space<vmem>>) target(%dma_start3A_266 : memref<100352x16xf32, #tpu.memory_space<vmem_shared>>) offsets(%dma_start3A_263 : memref<128xi32, #tpu.memory_space<vmem>>) semaphore(%arg13 : memref<!tpu.dma_semaphore, #tpu.memory_space<semaphore_mem>>) {add = true}
      %dma_start3A_267 = arith.constant 5 : i32
      %dma_start3A_268 = arith.constant 5 : i32
      %dma_start3A_269 = arith.constant 0 : i32
      %dma_start3A_270 = arith.constant 0 : i32
      %dma_start3A_271 = tpu.memref_slice %arg9[%rem3A_107, %dma_start3A_267, %dma_start3A_269, %dma_start3A_270] : memref<2x6x128x16xf32, #tpu.memory_space<vmem>> -> memref<1x1x128x16xf32, #tpu.memory_space<vmem>>
      %dma_start3A_272 = tpu.memref_squeeze %dma_start3A_271 : memref<1x1x128x16xf32, #tpu.memory_space<vmem>> -> memref<128x16xf32, #tpu.memory_space<vmem>>
      %dma_start3A_273 = arith.constant 0 : i32
      %dma_start3A_274 = tpu.memref_slice %arg8[%rem3A_107, %dma_start3A_268, %dma_start3A_273] : memref<2x6x128xi32, #tpu.memory_space<vmem>> -> memref<1x1x128xi32, #tpu.memory_space<vmem>>
      %dma_start3A_275 = tpu.memref_squeeze %dma_start3A_274 : memref<1x1x128xi32, #tpu.memory_space<vmem>> -> memref<128xi32, #tpu.memory_space<vmem>>
      %dma_start3A_276 = arith.constant 0 : i32
      %dma_start3A_277 = arith.constant 0 : i32
      %dma_start3A_278 = tpu.memref_slice %arg11[%dma_start3A_276, %dma_start3A_277] : memref<100352x16xf32, #tpu.memory_space<vmem_shared>> -> memref<100352x16xf32, #tpu.memory_space<vmem_shared>>
      tpu.enqueue_indirect_dma source(%dma_start3A_272 : memref<128x16xf32, #tpu.memory_space<vmem>>) target(%dma_start3A_278 : memref<100352x16xf32, #tpu.memory_space<vmem_shared>>) offsets(%dma_start3A_275 : memref<128xi32, #tpu.memory_space<vmem>>) semaphore(%arg13 : memref<!tpu.dma_semaphore, #tpu.memory_space<semaphore_mem>>) {add = true}
      %add3A_279 = arith.constant 1 : i32
      %add3A_280 = arith.addi %scan3A_106, %add3A_279 : i32
      %lt3A_281 = arith.constant 130 : i32
      %lt3A_282 = arith.cmpi slt, %add3A_280, %lt3A_281 : i32
      %convert_element_type3A_283 = arith.extui %lt3A_282 : i1 to i32
      %cond3A_284 = arith.constant 0 : i32
      %cond3A_285 = arith.cmpi ne, %convert_element_type3A_283, %cond3A_284 : i32
      scf.if %cond3A_285 {
        %eq3A_376 = arith.constant 0 : i32
        %eq3A_377 = arith.cmpi eq, %arg0, %eq3A_376 : i32
        %convert_element_type3A_378 = arith.extui %eq3A_377 : i1 to i32
        %cond3A_379 = arith.constant 0 : i32
        %cond3A_380 = arith.cmpi ne, %convert_element_type3A_378, %cond3A_379 : i32
        scf.if %cond3A_380 {
          %dma_start3A_436 = arith.constant 0 : i32
          %dma_start3A_437 = arith.constant 0 : i32
          %dma_start3A_438 = arith.constant 0 : i32
          %dma_start3A_439 = arith.constant 0 : i32
          %dma_start3A_440 = tpu.memref_slice %arg9[%rem3A_111, %dma_start3A_437, %dma_start3A_438, %dma_start3A_439] : memref<2x6x128x16xf32, #tpu.memory_space<vmem>> -> memref<1x1x128x16xf32, #tpu.memory_space<vmem>>
          %dma_start3A_441 = tpu.memref_squeeze %dma_start3A_440 : memref<1x1x128x16xf32, #tpu.memory_space<vmem>> -> memref<128x16xf32, #tpu.memory_space<vmem>>
          %dma_start3A_442 = arith.constant 0 : i32
          %dma_start3A_443 = tpu.memref_slice %arg7[%rem3A_111, %dma_start3A_436, %dma_start3A_442] : memref<2x6x128xi32, #tpu.memory_space<vmem>> -> memref<1x1x128xi32, #tpu.memory_space<vmem>>
          %dma_start3A_444 = tpu.memref_squeeze %dma_start3A_443 : memref<1x1x128xi32, #tpu.memory_space<vmem>> -> memref<128xi32, #tpu.memory_space<vmem>>
          %dma_start3A_445 = arith.constant 0 : i32
          %dma_start3A_446 = arith.constant 0 : i32
          %dma_start3A_447 = tpu.memref_slice %arg2[%dma_start3A_445, %dma_start3A_446] : memref<100352x16xf32, #tpu.memory_space<hbm>> -> memref<100352x16xf32, #tpu.memory_space<hbm>>
          tpu.enqueue_indirect_dma source(%dma_start3A_447 : memref<100352x16xf32, #tpu.memory_space<hbm>>) target(%dma_start3A_441 : memref<128x16xf32, #tpu.memory_space<vmem>>) offsets(%dma_start3A_444 : memref<128xi32, #tpu.memory_space<vmem>>) semaphore(%arg12 : memref<!tpu.dma_semaphore, #tpu.memory_space<semaphore_mem>>)
        } else {
        }
        %ne3A_381 = arith.constant 0 : i32
        %ne3A_382 = arith.cmpi ne, %arg0, %ne3A_381 : i32
        %convert_element_type3A_383 = arith.extui %ne3A_382 : i1 to i32
        %cond3A_384 = arith.constant 0 : i32
        %cond3A_385 = arith.cmpi ne, %convert_element_type3A_383, %cond3A_384 : i32
        scf.if %cond3A_385 {
          %dma_start3A_436 = arith.constant 0 : i32
          %dma_start3A_437 = arith.constant 0 : i32
          %dma_start3A_438 = arith.constant 0 : i32
          %dma_start3A_439 = arith.constant 0 : i32
          %dma_start3A_440 = tpu.memref_slice %arg9[%rem3A_111, %dma_start3A_437, %dma_start3A_438, %dma_start3A_439] : memref<2x6x128x16xf32, #tpu.memory_space<vmem>> -> memref<1x1x128x16xf32, #tpu.memory_space<vmem>>
          %dma_start3A_441 = tpu.memref_squeeze %dma_start3A_440 : memref<1x1x128x16xf32, #tpu.memory_space<vmem>> -> memref<128x16xf32, #tpu.memory_space<vmem>>
          %dma_start3A_442 = arith.constant 0 : i32
          %dma_start3A_443 = tpu.memref_slice %arg7[%rem3A_111, %dma_start3A_436, %dma_start3A_442] : memref<2x6x128xi32, #tpu.memory_space<vmem>> -> memref<1x1x128xi32, #tpu.memory_space<vmem>>
          %dma_start3A_444 = tpu.memref_squeeze %dma_start3A_443 : memref<1x1x128xi32, #tpu.memory_space<vmem>> -> memref<128xi32, #tpu.memory_space<vmem>>
          %dma_start3A_445 = arith.constant 0 : i32
          %dma_start3A_446 = arith.constant 0 : i32
          %dma_start3A_447 = tpu.memref_slice %arg3[%dma_start3A_445, %dma_start3A_446] : memref<100352x16xf32, #tpu.memory_space<hbm>> -> memref<100352x16xf32, #tpu.memory_space<hbm>>
          tpu.enqueue_indirect_dma source(%dma_start3A_447 : memref<100352x16xf32, #tpu.memory_space<hbm>>) target(%dma_start3A_441 : memref<128x16xf32, #tpu.memory_space<vmem>>) offsets(%dma_start3A_444 : memref<128xi32, #tpu.memory_space<vmem>>) semaphore(%arg12 : memref<!tpu.dma_semaphore, #tpu.memory_space<semaphore_mem>>)
        } else {
        }
        %eq3A_386 = arith.constant 0 : i32
        %eq3A_387 = arith.cmpi eq, %arg0, %eq3A_386 : i32
        %convert_element_type3A_388 = arith.extui %eq3A_387 : i1 to i32
        %cond3A_389 = arith.constant 0 : i32
        %cond3A_390 = arith.cmpi ne, %convert_element_type3A_388, %cond3A_389 : i32
        scf.if %cond3A_390 {
          %dma_start3A_436 = arith.constant 1 : i32
          %dma_start3A_437 = arith.constant 1 : i32
          %dma_start3A_438 = arith.constant 0 : i32
          %dma_start3A_439 = arith.constant 0 : i32
          %dma_start3A_440 = tpu.memref_slice %arg9[%rem3A_111, %dma_start3A_437, %dma_start3A_438, %dma_start3A_439] : memref<2x6x128x16xf32, #tpu.memory_space<vmem>> -> memref<1x1x128x16xf32, #tpu.memory_space<vmem>>
          %dma_start3A_441 = tpu.memref_squeeze %dma_start3A_440 : memref<1x1x128x16xf32, #tpu.memory_space<vmem>> -> memref<128x16xf32, #tpu.memory_space<vmem>>
          %dma_start3A_442 = arith.constant 0 : i32
          %dma_start3A_443 = tpu.memref_slice %arg7[%rem3A_111, %dma_start3A_436, %dma_start3A_442] : memref<2x6x128xi32, #tpu.memory_space<vmem>> -> memref<1x1x128xi32, #tpu.memory_space<vmem>>
          %dma_start3A_444 = tpu.memref_squeeze %dma_start3A_443 : memref<1x1x128xi32, #tpu.memory_space<vmem>> -> memref<128xi32, #tpu.memory_space<vmem>>
          %dma_start3A_445 = arith.constant 0 : i32
          %dma_start3A_446 = arith.constant 0 : i32
          %dma_start3A_447 = tpu.memref_slice %arg2[%dma_start3A_445, %dma_start3A_446] : memref<100352x16xf32, #tpu.memory_space<hbm>> -> memref<100352x16xf32, #tpu.memory_space<hbm>>
          tpu.enqueue_indirect_dma source(%dma_start3A_447 : memref<100352x16xf32, #tpu.memory_space<hbm>>) target(%dma_start3A_441 : memref<128x16xf32, #tpu.memory_space<vmem>>) offsets(%dma_start3A_444 : memref<128xi32, #tpu.memory_space<vmem>>) semaphore(%arg12 : memref<!tpu.dma_semaphore, #tpu.memory_space<semaphore_mem>>)
        } else {
        }
        %ne3A_391 = arith.constant 0 : i32
        %ne3A_392 = arith.cmpi ne, %arg0, %ne3A_391 : i32
        %convert_element_type3A_393 = arith.extui %ne3A_392 : i1 to i32
        %cond3A_394 = arith.constant 0 : i32
        %cond3A_395 = arith.cmpi ne, %convert_element_type3A_393, %cond3A_394 : i32
        scf.if %cond3A_395 {
          %dma_start3A_436 = arith.constant 1 : i32
          %dma_start3A_437 = arith.constant 1 : i32
          %dma_start3A_438 = arith.constant 0 : i32
          %dma_start3A_439 = arith.constant 0 : i32
          %dma_start3A_440 = tpu.memref_slice %arg9[%rem3A_111, %dma_start3A_437, %dma_start3A_438, %dma_start3A_439] : memref<2x6x128x16xf32, #tpu.memory_space<vmem>> -> memref<1x1x128x16xf32, #tpu.memory_space<vmem>>
          %dma_start3A_441 = tpu.memref_squeeze %dma_start3A_440 : memref<1x1x128x16xf32, #tpu.memory_space<vmem>> -> memref<128x16xf32, #tpu.memory_space<vmem>>
          %dma_start3A_442 = arith.constant 0 : i32
          %dma_start3A_443 = tpu.memref_slice %arg7[%rem3A_111, %dma_start3A_436, %dma_start3A_442] : memref<2x6x128xi32, #tpu.memory_space<vmem>> -> memref<1x1x128xi32, #tpu.memory_space<vmem>>
          %dma_start3A_444 = tpu.memref_squeeze %dma_start3A_443 : memref<1x1x128xi32, #tpu.memory_space<vmem>> -> memref<128xi32, #tpu.memory_space<vmem>>
          %dma_start3A_445 = arith.constant 0 : i32
          %dma_start3A_446 = arith.constant 0 : i32
          %dma_start3A_447 = tpu.memref_slice %arg3[%dma_start3A_445, %dma_start3A_446] : memref<100352x16xf32, #tpu.memory_space<hbm>> -> memref<100352x16xf32, #tpu.memory_space<hbm>>
          tpu.enqueue_indirect_dma source(%dma_start3A_447 : memref<100352x16xf32, #tpu.memory_space<hbm>>) target(%dma_start3A_441 : memref<128x16xf32, #tpu.memory_space<vmem>>) offsets(%dma_start3A_444 : memref<128xi32, #tpu.memory_space<vmem>>) semaphore(%arg12 : memref<!tpu.dma_semaphore, #tpu.memory_space<semaphore_mem>>)
        } else {
        }
        %eq3A_396 = arith.constant 0 : i32
        %eq3A_397 = arith.cmpi eq, %arg0, %eq3A_396 : i32
        %convert_element_type3A_398 = arith.extui %eq3A_397 : i1 to i32
        %cond3A_399 = arith.constant 0 : i32
        %cond3A_400 = arith.cmpi ne, %convert_element_type3A_398, %cond3A_399 : i32
        scf.if %cond3A_400 {
          %dma_start3A_436 = arith.constant 2 : i32
          %dma_start3A_437 = arith.constant 2 : i32
          %dma_start3A_438 = arith.constant 0 : i32
          %dma_start3A_439 = arith.constant 0 : i32
          %dma_start3A_440 = tpu.memref_slice %arg9[%rem3A_111, %dma_start3A_437, %dma_start3A_438, %dma_start3A_439] : memref<2x6x128x16xf32, #tpu.memory_space<vmem>> -> memref<1x1x128x16xf32, #tpu.memory_space<vmem>>
          %dma_start3A_441 = tpu.memref_squeeze %dma_start3A_440 : memref<1x1x128x16xf32, #tpu.memory_space<vmem>> -> memref<128x16xf32, #tpu.memory_space<vmem>>
          %dma_start3A_442 = arith.constant 0 : i32
          %dma_start3A_443 = tpu.memref_slice %arg7[%rem3A_111, %dma_start3A_436, %dma_start3A_442] : memref<2x6x128xi32, #tpu.memory_space<vmem>> -> memref<1x1x128xi32, #tpu.memory_space<vmem>>
          %dma_start3A_444 = tpu.memref_squeeze %dma_start3A_443 : memref<1x1x128xi32, #tpu.memory_space<vmem>> -> memref<128xi32, #tpu.memory_space<vmem>>
          %dma_start3A_445 = arith.constant 0 : i32
          %dma_start3A_446 = arith.constant 0 : i32
          %dma_start3A_447 = tpu.memref_slice %arg2[%dma_start3A_445, %dma_start3A_446] : memref<100352x16xf32, #tpu.memory_space<hbm>> -> memref<100352x16xf32, #tpu.memory_space<hbm>>
          tpu.enqueue_indirect_dma source(%dma_start3A_447 : memref<100352x16xf32, #tpu.memory_space<hbm>>) target(%dma_start3A_441 : memref<128x16xf32, #tpu.memory_space<vmem>>) offsets(%dma_start3A_444 : memref<128xi32, #tpu.memory_space<vmem>>) semaphore(%arg12 : memref<!tpu.dma_semaphore, #tpu.memory_space<semaphore_mem>>)
        } else {
        }
        %ne3A_401 = arith.constant 0 : i32
        %ne3A_402 = arith.cmpi ne, %arg0, %ne3A_401 : i32
        %convert_element_type3A_403 = arith.extui %ne3A_402 : i1 to i32
        %cond3A_404 = arith.constant 0 : i32
        %cond3A_405 = arith.cmpi ne, %convert_element_type3A_403, %cond3A_404 : i32
        scf.if %cond3A_405 {
          %dma_start3A_436 = arith.constant 2 : i32
          %dma_start3A_437 = arith.constant 2 : i32
          %dma_start3A_438 = arith.constant 0 : i32
          %dma_start3A_439 = arith.constant 0 : i32
          %dma_start3A_440 = tpu.memref_slice %arg9[%rem3A_111, %dma_start3A_437, %dma_start3A_438, %dma_start3A_439] : memref<2x6x128x16xf32, #tpu.memory_space<vmem>> -> memref<1x1x128x16xf32, #tpu.memory_space<vmem>>
          %dma_start3A_441 = tpu.memref_squeeze %dma_start3A_440 : memref<1x1x128x16xf32, #tpu.memory_space<vmem>> -> memref<128x16xf32, #tpu.memory_space<vmem>>
          %dma_start3A_442 = arith.constant 0 : i32
          %dma_start3A_443 = tpu.memref_slice %arg7[%rem3A_111, %dma_start3A_436, %dma_start3A_442] : memref<2x6x128xi32, #tpu.memory_space<vmem>> -> memref<1x1x128xi32, #tpu.memory_space<vmem>>
          %dma_start3A_444 = tpu.memref_squeeze %dma_start3A_443 : memref<1x1x128xi32, #tpu.memory_space<vmem>> -> memref<128xi32, #tpu.memory_space<vmem>>
          %dma_start3A_445 = arith.constant 0 : i32
          %dma_start3A_446 = arith.constant 0 : i32
          %dma_start3A_447 = tpu.memref_slice %arg3[%dma_start3A_445, %dma_start3A_446] : memref<100352x16xf32, #tpu.memory_space<hbm>> -> memref<100352x16xf32, #tpu.memory_space<hbm>>
          tpu.enqueue_indirect_dma source(%dma_start3A_447 : memref<100352x16xf32, #tpu.memory_space<hbm>>) target(%dma_start3A_441 : memref<128x16xf32, #tpu.memory_space<vmem>>) offsets(%dma_start3A_444 : memref<128xi32, #tpu.memory_space<vmem>>) semaphore(%arg12 : memref<!tpu.dma_semaphore, #tpu.memory_space<semaphore_mem>>)
        } else {
        }
        %eq3A_406 = arith.constant 0 : i32
        %eq3A_407 = arith.cmpi eq, %arg0, %eq3A_406 : i32
        %convert_element_type3A_408 = arith.extui %eq3A_407 : i1 to i32
        %cond3A_409 = arith.constant 0 : i32
        %cond3A_410 = arith.cmpi ne, %convert_element_type3A_408, %cond3A_409 : i32
        scf.if %cond3A_410 {
          %dma_start3A_436 = arith.constant 3 : i32
          %dma_start3A_437 = arith.constant 3 : i32
          %dma_start3A_438 = arith.constant 0 : i32
          %dma_start3A_439 = arith.constant 0 : i32
          %dma_start3A_440 = tpu.memref_slice %arg9[%rem3A_111, %dma_start3A_437, %dma_start3A_438, %dma_start3A_439] : memref<2x6x128x16xf32, #tpu.memory_space<vmem>> -> memref<1x1x128x16xf32, #tpu.memory_space<vmem>>
          %dma_start3A_441 = tpu.memref_squeeze %dma_start3A_440 : memref<1x1x128x16xf32, #tpu.memory_space<vmem>> -> memref<128x16xf32, #tpu.memory_space<vmem>>
          %dma_start3A_442 = arith.constant 0 : i32
          %dma_start3A_443 = tpu.memref_slice %arg7[%rem3A_111, %dma_start3A_436, %dma_start3A_442] : memref<2x6x128xi32, #tpu.memory_space<vmem>> -> memref<1x1x128xi32, #tpu.memory_space<vmem>>
          %dma_start3A_444 = tpu.memref_squeeze %dma_start3A_443 : memref<1x1x128xi32, #tpu.memory_space<vmem>> -> memref<128xi32, #tpu.memory_space<vmem>>
          %dma_start3A_445 = arith.constant 0 : i32
          %dma_start3A_446 = arith.constant 0 : i32
          %dma_start3A_447 = tpu.memref_slice %arg2[%dma_start3A_445, %dma_start3A_446] : memref<100352x16xf32, #tpu.memory_space<hbm>> -> memref<100352x16xf32, #tpu.memory_space<hbm>>
          tpu.enqueue_indirect_dma source(%dma_start3A_447 : memref<100352x16xf32, #tpu.memory_space<hbm>>) target(%dma_start3A_441 : memref<128x16xf32, #tpu.memory_space<vmem>>) offsets(%dma_start3A_444 : memref<128xi32, #tpu.memory_space<vmem>>) semaphore(%arg12 : memref<!tpu.dma_semaphore, #tpu.memory_space<semaphore_mem>>)
        } else {
        }
        %ne3A_411 = arith.constant 0 : i32
        %ne3A_412 = arith.cmpi ne, %arg0, %ne3A_411 : i32
        %convert_element_type3A_413 = arith.extui %ne3A_412 : i1 to i32
        %cond3A_414 = arith.constant 0 : i32
        %cond3A_415 = arith.cmpi ne, %convert_element_type3A_413, %cond3A_414 : i32
        scf.if %cond3A_415 {
          %dma_start3A_436 = arith.constant 3 : i32
          %dma_start3A_437 = arith.constant 3 : i32
          %dma_start3A_438 = arith.constant 0 : i32
          %dma_start3A_439 = arith.constant 0 : i32
          %dma_start3A_440 = tpu.memref_slice %arg9[%rem3A_111, %dma_start3A_437, %dma_start3A_438, %dma_start3A_439] : memref<2x6x128x16xf32, #tpu.memory_space<vmem>> -> memref<1x1x128x16xf32, #tpu.memory_space<vmem>>
          %dma_start3A_441 = tpu.memref_squeeze %dma_start3A_440 : memref<1x1x128x16xf32, #tpu.memory_space<vmem>> -> memref<128x16xf32, #tpu.memory_space<vmem>>
          %dma_start3A_442 = arith.constant 0 : i32
          %dma_start3A_443 = tpu.memref_slice %arg7[%rem3A_111, %dma_start3A_436, %dma_start3A_442] : memref<2x6x128xi32, #tpu.memory_space<vmem>> -> memref<1x1x128xi32, #tpu.memory_space<vmem>>
          %dma_start3A_444 = tpu.memref_squeeze %dma_start3A_443 : memref<1x1x128xi32, #tpu.memory_space<vmem>> -> memref<128xi32, #tpu.memory_space<vmem>>
          %dma_start3A_445 = arith.constant 0 : i32
          %dma_start3A_446 = arith.constant 0 : i32
          %dma_start3A_447 = tpu.memref_slice %arg3[%dma_start3A_445, %dma_start3A_446] : memref<100352x16xf32, #tpu.memory_space<hbm>> -> memref<100352x16xf32, #tpu.memory_space<hbm>>
          tpu.enqueue_indirect_dma source(%dma_start3A_447 : memref<100352x16xf32, #tpu.memory_space<hbm>>) target(%dma_start3A_441 : memref<128x16xf32, #tpu.memory_space<vmem>>) offsets(%dma_start3A_444 : memref<128xi32, #tpu.memory_space<vmem>>) semaphore(%arg12 : memref<!tpu.dma_semaphore, #tpu.memory_space<semaphore_mem>>)
        } else {
        }
        %eq3A_416 = arith.constant 0 : i32
        %eq3A_417 = arith.cmpi eq, %arg0, %eq3A_416 : i32
        %convert_element_type3A_418 = arith.extui %eq3A_417 : i1 to i32
        %cond3A_419 = arith.constant 0 : i32
        %cond3A_420 = arith.cmpi ne, %convert_element_type3A_418, %cond3A_419 : i32
        scf.if %cond3A_420 {
          %dma_start3A_436 = arith.constant 4 : i32
          %dma_start3A_437 = arith.constant 4 : i32
          %dma_start3A_438 = arith.constant 0 : i32
          %dma_start3A_439 = arith.constant 0 : i32
          %dma_start3A_440 = tpu.memref_slice %arg9[%rem3A_111, %dma_start3A_437, %dma_start3A_438, %dma_start3A_439] : memref<2x6x128x16xf32, #tpu.memory_space<vmem>> -> memref<1x1x128x16xf32, #tpu.memory_space<vmem>>
          %dma_start3A_441 = tpu.memref_squeeze %dma_start3A_440 : memref<1x1x128x16xf32, #tpu.memory_space<vmem>> -> memref<128x16xf32, #tpu.memory_space<vmem>>
          %dma_start3A_442 = arith.constant 0 : i32
          %dma_start3A_443 = tpu.memref_slice %arg7[%rem3A_111, %dma_start3A_436, %dma_start3A_442] : memref<2x6x128xi32, #tpu.memory_space<vmem>> -> memref<1x1x128xi32, #tpu.memory_space<vmem>>
          %dma_start3A_444 = tpu.memref_squeeze %dma_start3A_443 : memref<1x1x128xi32, #tpu.memory_space<vmem>> -> memref<128xi32, #tpu.memory_space<vmem>>
          %dma_start3A_445 = arith.constant 0 : i32
          %dma_start3A_446 = arith.constant 0 : i32
          %dma_start3A_447 = tpu.memref_slice %arg2[%dma_start3A_445, %dma_start3A_446] : memref<100352x16xf32, #tpu.memory_space<hbm>> -> memref<100352x16xf32, #tpu.memory_space<hbm>>
          tpu.enqueue_indirect_dma source(%dma_start3A_447 : memref<100352x16xf32, #tpu.memory_space<hbm>>) target(%dma_start3A_441 : memref<128x16xf32, #tpu.memory_space<vmem>>) offsets(%dma_start3A_444 : memref<128xi32, #tpu.memory_space<vmem>>) semaphore(%arg12 : memref<!tpu.dma_semaphore, #tpu.memory_space<semaphore_mem>>)
        } else {
        }
        %ne3A_421 = arith.constant 0 : i32
        %ne3A_422 = arith.cmpi ne, %arg0, %ne3A_421 : i32
        %convert_element_type3A_423 = arith.extui %ne3A_422 : i1 to i32
        %cond3A_424 = arith.constant 0 : i32
        %cond3A_425 = arith.cmpi ne, %convert_element_type3A_423, %cond3A_424 : i32
        scf.if %cond3A_425 {
          %dma_start3A_436 = arith.constant 4 : i32
          %dma_start3A_437 = arith.constant 4 : i32
          %dma_start3A_438 = arith.constant 0 : i32
          %dma_start3A_439 = arith.constant 0 : i32
          %dma_start3A_440 = tpu.memref_slice %arg9[%rem3A_111, %dma_start3A_437, %dma_start3A_438, %dma_start3A_439] : memref<2x6x128x16xf32, #tpu.memory_space<vmem>> -> memref<1x1x128x16xf32, #tpu.memory_space<vmem>>
          %dma_start3A_441 = tpu.memref_squeeze %dma_start3A_440 : memref<1x1x128x16xf32, #tpu.memory_space<vmem>> -> memref<128x16xf32, #tpu.memory_space<vmem>>
          %dma_start3A_442 = arith.constant 0 : i32
          %dma_start3A_443 = tpu.memref_slice %arg7[%rem3A_111, %dma_start3A_436, %dma_start3A_442] : memref<2x6x128xi32, #tpu.memory_space<vmem>> -> memref<1x1x128xi32, #tpu.memory_space<vmem>>
          %dma_start3A_444 = tpu.memref_squeeze %dma_start3A_443 : memref<1x1x128xi32, #tpu.memory_space<vmem>> -> memref<128xi32, #tpu.memory_space<vmem>>
          %dma_start3A_445 = arith.constant 0 : i32
          %dma_start3A_446 = arith.constant 0 : i32
          %dma_start3A_447 = tpu.memref_slice %arg3[%dma_start3A_445, %dma_start3A_446] : memref<100352x16xf32, #tpu.memory_space<hbm>> -> memref<100352x16xf32, #tpu.memory_space<hbm>>
          tpu.enqueue_indirect_dma source(%dma_start3A_447 : memref<100352x16xf32, #tpu.memory_space<hbm>>) target(%dma_start3A_441 : memref<128x16xf32, #tpu.memory_space<vmem>>) offsets(%dma_start3A_444 : memref<128xi32, #tpu.memory_space<vmem>>) semaphore(%arg12 : memref<!tpu.dma_semaphore, #tpu.memory_space<semaphore_mem>>)
        } else {
        }
        %eq3A_426 = arith.constant 0 : i32
        %eq3A_427 = arith.cmpi eq, %arg0, %eq3A_426 : i32
        %convert_element_type3A_428 = arith.extui %eq3A_427 : i1 to i32
        %cond3A_429 = arith.constant 0 : i32
        %cond3A_430 = arith.cmpi ne, %convert_element_type3A_428, %cond3A_429 : i32
        scf.if %cond3A_430 {
          %dma_start3A_436 = arith.constant 5 : i32
          %dma_start3A_437 = arith.constant 5 : i32
          %dma_start3A_438 = arith.constant 0 : i32
          %dma_start3A_439 = arith.constant 0 : i32
          %dma_start3A_440 = tpu.memref_slice %arg9[%rem3A_111, %dma_start3A_437, %dma_start3A_438, %dma_start3A_439] : memref<2x6x128x16xf32, #tpu.memory_space<vmem>> -> memref<1x1x128x16xf32, #tpu.memory_space<vmem>>
          %dma_start3A_441 = tpu.memref_squeeze %dma_start3A_440 : memref<1x1x128x16xf32, #tpu.memory_space<vmem>> -> memref<128x16xf32, #tpu.memory_space<vmem>>
          %dma_start3A_442 = arith.constant 0 : i32
          %dma_start3A_443 = tpu.memref_slice %arg7[%rem3A_111, %dma_start3A_436, %dma_start3A_442] : memref<2x6x128xi32, #tpu.memory_space<vmem>> -> memref<1x1x128xi32, #tpu.memory_space<vmem>>
          %dma_start3A_444 = tpu.memref_squeeze %dma_start3A_443 : memref<1x1x128xi32, #tpu.memory_space<vmem>> -> memref<128xi32, #tpu.memory_space<vmem>>
          %dma_start3A_445 = arith.constant 0 : i32
          %dma_start3A_446 = arith.constant 0 : i32
          %dma_start3A_447 = tpu.memref_slice %arg2[%dma_start3A_445, %dma_start3A_446] : memref<100352x16xf32, #tpu.memory_space<hbm>> -> memref<100352x16xf32, #tpu.memory_space<hbm>>
          tpu.enqueue_indirect_dma source(%dma_start3A_447 : memref<100352x16xf32, #tpu.memory_space<hbm>>) target(%dma_start3A_441 : memref<128x16xf32, #tpu.memory_space<vmem>>) offsets(%dma_start3A_444 : memref<128xi32, #tpu.memory_space<vmem>>) semaphore(%arg12 : memref<!tpu.dma_semaphore, #tpu.memory_space<semaphore_mem>>)
        } else {
        }
        %ne3A_431 = arith.constant 0 : i32
        %ne3A_432 = arith.cmpi ne, %arg0, %ne3A_431 : i32
        %convert_element_type3A_433 = arith.extui %ne3A_432 : i1 to i32
        %cond3A_434 = arith.constant 0 : i32
        %cond3A_435 = arith.cmpi ne, %convert_element_type3A_433, %cond3A_434 : i32
        scf.if %cond3A_435 {
          %dma_start3A_436 = arith.constant 5 : i32
          %dma_start3A_437 = arith.constant 5 : i32
          %dma_start3A_438 = arith.constant 0 : i32
          %dma_start3A_439 = arith.constant 0 : i32
          %dma_start3A_440 = tpu.memref_slice %arg9[%rem3A_111, %dma_start3A_437, %dma_start3A_438, %dma_start3A_439] : memref<2x6x128x16xf32, #tpu.memory_space<vmem>> -> memref<1x1x128x16xf32, #tpu.memory_space<vmem>>
          %dma_start3A_441 = tpu.memref_squeeze %dma_start3A_440 : memref<1x1x128x16xf32, #tpu.memory_space<vmem>> -> memref<128x16xf32, #tpu.memory_space<vmem>>
          %dma_start3A_442 = arith.constant 0 : i32
          %dma_start3A_443 = tpu.memref_slice %arg7[%rem3A_111, %dma_start3A_436, %dma_start3A_442] : memref<2x6x128xi32, #tpu.memory_space<vmem>> -> memref<1x1x128xi32, #tpu.memory_space<vmem>>
          %dma_start3A_444 = tpu.memref_squeeze %dma_start3A_443 : memref<1x1x128xi32, #tpu.memory_space<vmem>> -> memref<128xi32, #tpu.memory_space<vmem>>
          %dma_start3A_445 = arith.constant 0 : i32
          %dma_start3A_446 = arith.constant 0 : i32
          %dma_start3A_447 = tpu.memref_slice %arg3[%dma_start3A_445, %dma_start3A_446] : memref<100352x16xf32, #tpu.memory_space<hbm>> -> memref<100352x16xf32, #tpu.memory_space<hbm>>
          tpu.enqueue_indirect_dma source(%dma_start3A_447 : memref<100352x16xf32, #tpu.memory_space<hbm>>) target(%dma_start3A_441 : memref<128x16xf32, #tpu.memory_space<vmem>>) offsets(%dma_start3A_444 : memref<128xi32, #tpu.memory_space<vmem>>) semaphore(%arg12 : memref<!tpu.dma_semaphore, #tpu.memory_space<semaphore_mem>>)
        } else {
        }
      } else {
      }
      %dma_wait3A_286 = arith.constant 0 : i32
      %dma_wait3A_287 = arith.constant 0 : i32
      %dma_wait3A_288 = arith.constant 0 : i32
      %dma_wait3A_289 = tpu.memref_slice %arg9[%rem3A_107, %dma_wait3A_286, %dma_wait3A_287, %dma_wait3A_288] : memref<2x6x128x16xf32, #tpu.memory_space<vmem>> -> memref<1x1x128x16xf32, #tpu.memory_space<vmem>>
      %dma_wait3A_290 = tpu.memref_squeeze %dma_wait3A_289 : memref<1x1x128x16xf32, #tpu.memory_space<vmem>> -> memref<128x16xf32, #tpu.memory_space<vmem>>
      %dma_wait3A_291 = arith.constant 0 : i32
      %dma_wait3A_292 = arith.constant 0 : i32
      %dma_wait3A_293 = tpu.memref_slice %arg2[%dma_wait3A_291, %dma_wait3A_292] : memref<100352x16xf32, #tpu.memory_space<hbm>> -> memref<128x16xf32, #tpu.memory_space<hbm>>
      %dma_wait3A_294 = arith.constant 0 : i32
      %dma_wait3A_295 = arith.constant 0 : i32
      %dma_wait3A_296 = tpu.memref_slice %arg9[%rem3A_107, %dma_wait3A_286, %dma_wait3A_294, %dma_wait3A_295] : memref<2x6x128x16xf32, #tpu.memory_space<vmem>> -> memref<1x1x128x16xf32, #tpu.memory_space<vmem>>
      %dma_wait3A_297 = tpu.memref_squeeze %dma_wait3A_296 : memref<1x1x128x16xf32, #tpu.memory_space<vmem>> -> memref<128x16xf32, #tpu.memory_space<vmem>>
      %dma_wait3A_298 = arith.constant 0 : i32
      %dma_wait3A_299 = arith.constant 0 : i32
      %dma_wait3A_300 = tpu.memref_slice %arg2[%dma_wait3A_298, %dma_wait3A_299] : memref<100352x16xf32, #tpu.memory_space<hbm>> -> memref<128x16xf32, #tpu.memory_space<hbm>>
      tpu.wait_dma2 semaphore(%arg13 : memref<!tpu.dma_semaphore, #tpu.memory_space<semaphore_mem>>) src(%dma_wait3A_300 : memref<128x16xf32, #tpu.memory_space<hbm>>) dst(%dma_wait3A_297 : memref<128x16xf32, #tpu.memory_space<vmem>>)
      %dma_wait3A_301 = arith.constant 1 : i32
      %dma_wait3A_302 = arith.constant 0 : i32
      %dma_wait3A_303 = arith.constant 0 : i32
      %dma_wait3A_304 = tpu.memref_slice %arg9[%rem3A_107, %dma_wait3A_301, %dma_wait3A_302, %dma_wait3A_303] : memref<2x6x128x16xf32, #tpu.memory_space<vmem>> -> memref<1x1x128x16xf32, #tpu.memory_space<vmem>>
      %dma_wait3A_305 = tpu.memref_squeeze %dma_wait3A_304 : memref<1x1x128x16xf32, #tpu.memory_space<vmem>> -> memref<128x16xf32, #tpu.memory_space<vmem>>
      %dma_wait3A_306 = arith.constant 0 : i32
      %dma_wait3A_307 = arith.constant 0 : i32
      %dma_wait3A_308 = tpu.memref_slice %arg2[%dma_wait3A_306, %dma_wait3A_307] : memref<100352x16xf32, #tpu.memory_space<hbm>> -> memref<128x16xf32, #tpu.memory_space<hbm>>
      %dma_wait3A_309 = arith.constant 0 : i32
      %dma_wait3A_310 = arith.constant 0 : i32
      %dma_wait3A_311 = tpu.memref_slice %arg9[%rem3A_107, %dma_wait3A_301, %dma_wait3A_309, %dma_wait3A_310] : memref<2x6x128x16xf32, #tpu.memory_space<vmem>> -> memref<1x1x128x16xf32, #tpu.memory_space<vmem>>
      %dma_wait3A_312 = tpu.memref_squeeze %dma_wait3A_311 : memref<1x1x128x16xf32, #tpu.memory_space<vmem>> -> memref<128x16xf32, #tpu.memory_space<vmem>>
      %dma_wait3A_313 = arith.constant 0 : i32
      %dma_wait3A_314 = arith.constant 0 : i32
      %dma_wait3A_315 = tpu.memref_slice %arg2[%dma_wait3A_313, %dma_wait3A_314] : memref<100352x16xf32, #tpu.memory_space<hbm>> -> memref<128x16xf32, #tpu.memory_space<hbm>>
      tpu.wait_dma2 semaphore(%arg13 : memref<!tpu.dma_semaphore, #tpu.memory_space<semaphore_mem>>) src(%dma_wait3A_315 : memref<128x16xf32, #tpu.memory_space<hbm>>) dst(%dma_wait3A_312 : memref<128x16xf32, #tpu.memory_space<vmem>>)
      %dma_wait3A_316 = arith.constant 2 : i32
      %dma_wait3A_317 = arith.constant 0 : i32
      %dma_wait3A_318 = arith.constant 0 : i32
      %dma_wait3A_319 = tpu.memref_slice %arg9[%rem3A_107, %dma_wait3A_316, %dma_wait3A_317, %dma_wait3A_318] : memref<2x6x128x16xf32, #tpu.memory_space<vmem>> -> memref<1x1x128x16xf32, #tpu.memory_space<vmem>>
      %dma_wait3A_320 = tpu.memref_squeeze %dma_wait3A_319 : memref<1x1x128x16xf32, #tpu.memory_space<vmem>> -> memref<128x16xf32, #tpu.memory_space<vmem>>
      %dma_wait3A_321 = arith.constant 0 : i32
      %dma_wait3A_322 = arith.constant 0 : i32
      %dma_wait3A_323 = tpu.memref_slice %arg2[%dma_wait3A_321, %dma_wait3A_322] : memref<100352x16xf32, #tpu.memory_space<hbm>> -> memref<128x16xf32, #tpu.memory_space<hbm>>
      %dma_wait3A_324 = arith.constant 0 : i32
      %dma_wait3A_325 = arith.constant 0 : i32
      %dma_wait3A_326 = tpu.memref_slice %arg9[%rem3A_107, %dma_wait3A_316, %dma_wait3A_324, %dma_wait3A_325] : memref<2x6x128x16xf32, #tpu.memory_space<vmem>> -> memref<1x1x128x16xf32, #tpu.memory_space<vmem>>
      %dma_wait3A_327 = tpu.memref_squeeze %dma_wait3A_326 : memref<1x1x128x16xf32, #tpu.memory_space<vmem>> -> memref<128x16xf32, #tpu.memory_space<vmem>>
      %dma_wait3A_328 = arith.constant 0 : i32
      %dma_wait3A_329 = arith.constant 0 : i32
      %dma_wait3A_330 = tpu.memref_slice %arg2[%dma_wait3A_328, %dma_wait3A_329] : memref<100352x16xf32, #tpu.memory_space<hbm>> -> memref<128x16xf32, #tpu.memory_space<hbm>>
      tpu.wait_dma2 semaphore(%arg13 : memref<!tpu.dma_semaphore, #tpu.memory_space<semaphore_mem>>) src(%dma_wait3A_330 : memref<128x16xf32, #tpu.memory_space<hbm>>) dst(%dma_wait3A_327 : memref<128x16xf32, #tpu.memory_space<vmem>>)
      %dma_wait3A_331 = arith.constant 3 : i32
      %dma_wait3A_332 = arith.constant 0 : i32
      %dma_wait3A_333 = arith.constant 0 : i32
      %dma_wait3A_334 = tpu.memref_slice %arg9[%rem3A_107, %dma_wait3A_331, %dma_wait3A_332, %dma_wait3A_333] : memref<2x6x128x16xf32, #tpu.memory_space<vmem>> -> memref<1x1x128x16xf32, #tpu.memory_space<vmem>>
      %dma_wait3A_335 = tpu.memref_squeeze %dma_wait3A_334 : memref<1x1x128x16xf32, #tpu.memory_space<vmem>> -> memref<128x16xf32, #tpu.memory_space<vmem>>
      %dma_wait3A_336 = arith.constant 0 : i32
      %dma_wait3A_337 = arith.constant 0 : i32
      %dma_wait3A_338 = tpu.memref_slice %arg2[%dma_wait3A_336, %dma_wait3A_337] : memref<100352x16xf32, #tpu.memory_space<hbm>> -> memref<128x16xf32, #tpu.memory_space<hbm>>
      %dma_wait3A_339 = arith.constant 0 : i32
      %dma_wait3A_340 = arith.constant 0 : i32
      %dma_wait3A_341 = tpu.memref_slice %arg9[%rem3A_107, %dma_wait3A_331, %dma_wait3A_339, %dma_wait3A_340] : memref<2x6x128x16xf32, #tpu.memory_space<vmem>> -> memref<1x1x128x16xf32, #tpu.memory_space<vmem>>
      %dma_wait3A_342 = tpu.memref_squeeze %dma_wait3A_341 : memref<1x1x128x16xf32, #tpu.memory_space<vmem>> -> memref<128x16xf32, #tpu.memory_space<vmem>>
      %dma_wait3A_343 = arith.constant 0 : i32
      %dma_wait3A_344 = arith.constant 0 : i32
      %dma_wait3A_345 = tpu.memref_slice %arg2[%dma_wait3A_343, %dma_wait3A_344] : memref<100352x16xf32, #tpu.memory_space<hbm>> -> memref<128x16xf32, #tpu.memory_space<hbm>>
      tpu.wait_dma2 semaphore(%arg13 : memref<!tpu.dma_semaphore, #tpu.memory_space<semaphore_mem>>) src(%dma_wait3A_345 : memref<128x16xf32, #tpu.memory_space<hbm>>) dst(%dma_wait3A_342 : memref<128x16xf32, #tpu.memory_space<vmem>>)
      %dma_wait3A_346 = arith.constant 4 : i32
      %dma_wait3A_347 = arith.constant 0 : i32
      %dma_wait3A_348 = arith.constant 0 : i32
      %dma_wait3A_349 = tpu.memref_slice %arg9[%rem3A_107, %dma_wait3A_346, %dma_wait3A_347, %dma_wait3A_348] : memref<2x6x128x16xf32, #tpu.memory_space<vmem>> -> memref<1x1x128x16xf32, #tpu.memory_space<vmem>>
      %dma_wait3A_350 = tpu.memref_squeeze %dma_wait3A_349 : memref<1x1x128x16xf32, #tpu.memory_space<vmem>> -> memref<128x16xf32, #tpu.memory_space<vmem>>
      %dma_wait3A_351 = arith.constant 0 : i32
      %dma_wait3A_352 = arith.constant 0 : i32
      %dma_wait3A_353 = tpu.memref_slice %arg2[%dma_wait3A_351, %dma_wait3A_352] : memref<100352x16xf32, #tpu.memory_space<hbm>> -> memref<128x16xf32, #tpu.memory_space<hbm>>
      %dma_wait3A_354 = arith.constant 0 : i32
      %dma_wait3A_355 = arith.constant 0 : i32
      %dma_wait3A_356 = tpu.memref_slice %arg9[%rem3A_107, %dma_wait3A_346, %dma_wait3A_354, %dma_wait3A_355] : memref<2x6x128x16xf32, #tpu.memory_space<vmem>> -> memref<1x1x128x16xf32, #tpu.memory_space<vmem>>
      %dma_wait3A_357 = tpu.memref_squeeze %dma_wait3A_356 : memref<1x1x128x16xf32, #tpu.memory_space<vmem>> -> memref<128x16xf32, #tpu.memory_space<vmem>>
      %dma_wait3A_358 = arith.constant 0 : i32
      %dma_wait3A_359 = arith.constant 0 : i32
      %dma_wait3A_360 = tpu.memref_slice %arg2[%dma_wait3A_358, %dma_wait3A_359] : memref<100352x16xf32, #tpu.memory_space<hbm>> -> memref<128x16xf32, #tpu.memory_space<hbm>>
      tpu.wait_dma2 semaphore(%arg13 : memref<!tpu.dma_semaphore, #tpu.memory_space<semaphore_mem>>) src(%dma_wait3A_360 : memref<128x16xf32, #tpu.memory_space<hbm>>) dst(%dma_wait3A_357 : memref<128x16xf32, #tpu.memory_space<vmem>>)
      %dma_wait3A_361 = arith.constant 5 : i32
      %dma_wait3A_362 = arith.constant 0 : i32
      %dma_wait3A_363 = arith.constant 0 : i32
      %dma_wait3A_364 = tpu.memref_slice %arg9[%rem3A_107, %dma_wait3A_361, %dma_wait3A_362, %dma_wait3A_363] : memref<2x6x128x16xf32, #tpu.memory_space<vmem>> -> memref<1x1x128x16xf32, #tpu.memory_space<vmem>>
      %dma_wait3A_365 = tpu.memref_squeeze %dma_wait3A_364 : memref<1x1x128x16xf32, #tpu.memory_space<vmem>> -> memref<128x16xf32, #tpu.memory_space<vmem>>
      %dma_wait3A_366 = arith.constant 0 : i32
      %dma_wait3A_367 = arith.constant 0 : i32
      %dma_wait3A_368 = tpu.memref_slice %arg2[%dma_wait3A_366, %dma_wait3A_367] : memref<100352x16xf32, #tpu.memory_space<hbm>> -> memref<128x16xf32, #tpu.memory_space<hbm>>
      %dma_wait3A_369 = arith.constant 0 : i32
      %dma_wait3A_370 = arith.constant 0 : i32
      %dma_wait3A_371 = tpu.memref_slice %arg9[%rem3A_107, %dma_wait3A_361, %dma_wait3A_369, %dma_wait3A_370] : memref<2x6x128x16xf32, #tpu.memory_space<vmem>> -> memref<1x1x128x16xf32, #tpu.memory_space<vmem>>
      %dma_wait3A_372 = tpu.memref_squeeze %dma_wait3A_371 : memref<1x1x128x16xf32, #tpu.memory_space<vmem>> -> memref<128x16xf32, #tpu.memory_space<vmem>>
      %dma_wait3A_373 = arith.constant 0 : i32
      %dma_wait3A_374 = arith.constant 0 : i32
      %dma_wait3A_375 = tpu.memref_slice %arg2[%dma_wait3A_373, %dma_wait3A_374] : memref<100352x16xf32, #tpu.memory_space<hbm>> -> memref<128x16xf32, #tpu.memory_space<hbm>>
      tpu.wait_dma2 semaphore(%arg13 : memref<!tpu.dma_semaphore, #tpu.memory_space<semaphore_mem>>) src(%dma_wait3A_375 : memref<128x16xf32, #tpu.memory_space<hbm>>) dst(%dma_wait3A_372 : memref<128x16xf32, #tpu.memory_space<vmem>>)
    }
    %scan3A_83 = arith.constant 130 : i32
    %while3A = arith.constant 0 : i32
    %while3A_84 = arith.constant 0 : i32
    %while3A_85 = arith.subi %select_n3A, %while3A_84 : i32
    %while3A_86 = arith.addi %while3A_84, %while3A_85 : i32
    %while3A_87 = arith.constant 1 : i32
    %while3A_88 = arith.divsi %while3A_85, %while3A_87 : i32
    %while3A_89 = arith.muli %while3A_88, %while3A_87 : i32
    %while3A_90 = arith.addi %while3A_84, %while3A_89 : i32
    %while3A_91 = arith.constant 1 : i32
    scf.for %while3A_106 = %while3A_84 to %while3A_90 step %while3A_91  : i32 {
      %mul3A_107 = arith.constant 16 : i32
      %mul3A_108 = arith.muli %mul3A_107, %while3A_106 : i32
      %add3A_109 = arith.addi %add3A_16, %mul3A_108 : i32
      %run_scoped3A_110 = arith.constant 0 : i32
      "tpu.region"() ({
        %run_scoped3A_128 = tpu.sem_alloc : memref<!tpu.dma_semaphore, #tpu.memory_space<semaphore_mem>>
        %dma_start3A = arith.constant 0 : i32
        %dma_start3A_129 = arith.constant 0 : i32
        %dma_start3A_130 = tpu.memref_slice %arg7[%run_scoped3A_110, %dma_start3A, %dma_start3A_129] : memref<2x6x128xi32, #tpu.memory_space<vmem>> -> memref<1x1x128xi32, #tpu.memory_space<vmem>>
        %dma_start3A_131 = tpu.memref_squeeze %dma_start3A_130 : memref<1x1x128xi32, #tpu.memory_space<vmem>> -> memref<1x128xi32, #tpu.memory_space<vmem>>
        %dma_start3A_132 = arith.constant 0 : i32
        %dma_start3A_133 = tpu.memref_slice %arg4[%add3A_109, %dma_start3A_132] : memref<25000x128xi32, #tpu.memory_space<hbm>> -> memref<1x128xi32, #tpu.memory_space<hbm>>
        %dma_start3A_134 = arith.constant 0 : i32
        %dma_start3A_135 = arith.constant 0 : i32
        %dma_start3A_136 = tpu.memref_slice %arg7[%run_scoped3A_110, %dma_start3A_134, %dma_start3A_135] : memref<2x6x128xi32, #tpu.memory_space<vmem>> -> memref<1x1x128xi32, #tpu.memory_space<vmem>>
        %dma_start3A_137 = tpu.memref_squeeze %dma_start3A_136 : memref<1x1x128xi32, #tpu.memory_space<vmem>> -> memref<1x128xi32, #tpu.memory_space<vmem>>
        %dma_start3A_138 = arith.constant 0 : i32
        %dma_start3A_139 = tpu.memref_slice %arg4[%add3A_109, %dma_start3A_138] : memref<25000x128xi32, #tpu.memory_space<hbm>> -> memref<1x128xi32, #tpu.memory_space<hbm>>
        tpu.enqueue_dma source(%dma_start3A_139 : memref<1x128xi32, #tpu.memory_space<hbm>>) target(%dma_start3A_137 : memref<1x128xi32, #tpu.memory_space<vmem>>) target_semaphore(%run_scoped3A_128 : memref<!tpu.dma_semaphore, #tpu.memory_space<semaphore_mem>>)
        %dma_wait3A = arith.constant 0 : i32
        %dma_wait3A_140 = arith.constant 0 : i32
        %dma_wait3A_141 = tpu.memref_slice %arg7[%run_scoped3A_110, %dma_wait3A, %dma_wait3A_140] : memref<2x6x128xi32, #tpu.memory_space<vmem>> -> memref<1x1x128xi32, #tpu.memory_space<vmem>>
        %dma_wait3A_142 = tpu.memref_squeeze %dma_wait3A_141 : memref<1x1x128xi32, #tpu.memory_space<vmem>> -> memref<1x128xi32, #tpu.memory_space<vmem>>
        %dma_wait3A_143 = arith.constant 0 : i32
        %dma_wait3A_144 = tpu.memref_slice %arg4[%add3A_109, %dma_wait3A_143] : memref<25000x128xi32, #tpu.memory_space<hbm>> -> memref<1x128xi32, #tpu.memory_space<hbm>>
        %dma_wait3A_145 = arith.constant 0 : i32
        %dma_wait3A_146 = arith.constant 0 : i32
        %dma_wait3A_147 = tpu.memref_slice %arg7[%run_scoped3A_110, %dma_wait3A_145, %dma_wait3A_146] : memref<2x6x128xi32, #tpu.memory_space<vmem>> -> memref<1x1x128xi32, #tpu.memory_space<vmem>>
        %dma_wait3A_148 = tpu.memref_squeeze %dma_wait3A_147 : memref<1x1x128xi32, #tpu.memory_space<vmem>> -> memref<1x128xi32, #tpu.memory_space<vmem>>
        %dma_wait3A_149 = arith.constant 0 : i32
        %dma_wait3A_150 = tpu.memref_slice %arg4[%add3A_109, %dma_wait3A_149] : memref<25000x128xi32, #tpu.memory_space<hbm>> -> memref<1x128xi32, #tpu.memory_space<hbm>>
        tpu.wait_dma2 semaphore(%run_scoped3A_128 : memref<!tpu.dma_semaphore, #tpu.memory_space<semaphore_mem>>) src(%dma_wait3A_150 : memref<1x128xi32, #tpu.memory_space<hbm>>) dst(%dma_wait3A_148 : memref<1x128xi32, #tpu.memory_space<vmem>>)
        tpu.yield
      }) : () -> ()
      %add3A_111 = arith.constant 12500 : i32
      %add3A_112 = arith.addi %add3A_111, %add3A_109 : i32
      %run_scoped3A_113 = arith.constant 0 : i32
      "tpu.region"() ({
        %run_scoped3A_128 = tpu.sem_alloc : memref<!tpu.dma_semaphore, #tpu.memory_space<semaphore_mem>>
        %dma_start3A = arith.constant 0 : i32
        %dma_start3A_129 = arith.constant 0 : i32
        %dma_start3A_130 = tpu.memref_slice %arg8[%run_scoped3A_113, %dma_start3A, %dma_start3A_129] : memref<2x6x128xi32, #tpu.memory_space<vmem>> -> memref<1x1x128xi32, #tpu.memory_space<vmem>>
        %dma_start3A_131 = tpu.memref_squeeze %dma_start3A_130 : memref<1x1x128xi32, #tpu.memory_space<vmem>> -> memref<1x128xi32, #tpu.memory_space<vmem>>
        %dma_start3A_132 = arith.constant 0 : i32
        %dma_start3A_133 = tpu.memref_slice %arg4[%add3A_112, %dma_start3A_132] : memref<25000x128xi32, #tpu.memory_space<hbm>> -> memref<1x128xi32, #tpu.memory_space<hbm>>
        %dma_start3A_134 = arith.constant 0 : i32
        %dma_start3A_135 = arith.constant 0 : i32
        %dma_start3A_136 = tpu.memref_slice %arg8[%run_scoped3A_113, %dma_start3A_134, %dma_start3A_135] : memref<2x6x128xi32, #tpu.memory_space<vmem>> -> memref<1x1x128xi32, #tpu.memory_space<vmem>>
        %dma_start3A_137 = tpu.memref_squeeze %dma_start3A_136 : memref<1x1x128xi32, #tpu.memory_space<vmem>> -> memref<1x128xi32, #tpu.memory_space<vmem>>
        %dma_start3A_138 = arith.constant 0 : i32
        %dma_start3A_139 = tpu.memref_slice %arg4[%add3A_112, %dma_start3A_138] : memref<25000x128xi32, #tpu.memory_space<hbm>> -> memref<1x128xi32, #tpu.memory_space<hbm>>
        tpu.enqueue_dma source(%dma_start3A_139 : memref<1x128xi32, #tpu.memory_space<hbm>>) target(%dma_start3A_137 : memref<1x128xi32, #tpu.memory_space<vmem>>) target_semaphore(%run_scoped3A_128 : memref<!tpu.dma_semaphore, #tpu.memory_space<semaphore_mem>>)
        %dma_wait3A = arith.constant 0 : i32
        %dma_wait3A_140 = arith.constant 0 : i32
        %dma_wait3A_141 = tpu.memref_slice %arg8[%run_scoped3A_113, %dma_wait3A, %dma_wait3A_140] : memref<2x6x128xi32, #tpu.memory_space<vmem>> -> memref<1x1x128xi32, #tpu.memory_space<vmem>>
        %dma_wait3A_142 = tpu.memref_squeeze %dma_wait3A_141 : memref<1x1x128xi32, #tpu.memory_space<vmem>> -> memref<1x128xi32, #tpu.memory_space<vmem>>
        %dma_wait3A_143 = arith.constant 0 : i32
        %dma_wait3A_144 = tpu.memref_slice %arg4[%add3A_112, %dma_wait3A_143] : memref<25000x128xi32, #tpu.memory_space<hbm>> -> memref<1x128xi32, #tpu.memory_space<hbm>>
        %dma_wait3A_145 = arith.constant 0 : i32
        %dma_wait3A_146 = arith.constant 0 : i32
        %dma_wait3A_147 = tpu.memref_slice %arg8[%run_scoped3A_113, %dma_wait3A_145, %dma_wait3A_146] : memref<2x6x128xi32, #tpu.memory_space<vmem>> -> memref<1x1x128xi32, #tpu.memory_space<vmem>>
        %dma_wait3A_148 = tpu.memref_squeeze %dma_wait3A_147 : memref<1x1x128xi32, #tpu.memory_space<vmem>> -> memref<1x128xi32, #tpu.memory_space<vmem>>
        %dma_wait3A_149 = arith.constant 0 : i32
        %dma_wait3A_150 = tpu.memref_slice %arg4[%add3A_112, %dma_wait3A_149] : memref<25000x128xi32, #tpu.memory_space<hbm>> -> memref<1x128xi32, #tpu.memory_space<hbm>>
        tpu.wait_dma2 semaphore(%run_scoped3A_128 : memref<!tpu.dma_semaphore, #tpu.memory_space<semaphore_mem>>) src(%dma_wait3A_150 : memref<1x128xi32, #tpu.memory_space<hbm>>) dst(%dma_wait3A_148 : memref<1x128xi32, #tpu.memory_space<vmem>>)
        tpu.yield
      }) : () -> ()
      %eq3A_114 = arith.constant 0 : i32
      %eq3A_115 = arith.cmpi eq, %arg0, %eq3A_114 : i32
      %convert_element_type3A_116 = arith.extui %eq3A_115 : i1 to i32
      %cond3A_117 = arith.constant 0 : i32
      %cond3A_118 = arith.cmpi ne, %convert_element_type3A_116, %cond3A_117 : i32
      scf.if %cond3A_118 {
        %dma_start3A = arith.constant 0 : i32
        %dma_start3A_128 = arith.constant 0 : i32
        %dma_start3A_129 = arith.constant 0 : i32
        %dma_start3A_130 = arith.constant 0 : i32
        %dma_start3A_131 = arith.constant 0 : i32
        %dma_start3A_132 = arith.constant 0 : i32
        %dma_start3A_133 = tpu.memref_slice %arg9[%dma_start3A_129, %dma_start3A_130, %dma_start3A_131, %dma_start3A_132] : memref<2x6x128x16xf32, #tpu.memory_space<vmem>> -> memref<1x1x128x16xf32, #tpu.memory_space<vmem>>
        %dma_start3A_134 = tpu.memref_squeeze %dma_start3A_133 : memref<1x1x128x16xf32, #tpu.memory_space<vmem>> -> memref<128x16xf32, #tpu.memory_space<vmem>>
        %dma_start3A_135 = arith.constant 0 : i32
        %dma_start3A_136 = tpu.memref_slice %arg7[%dma_start3A, %dma_start3A_128, %dma_start3A_135] : memref<2x6x128xi32, #tpu.memory_space<vmem>> -> memref<1x1x128xi32, #tpu.memory_space<vmem>>
        %dma_start3A_137 = tpu.memref_squeeze %dma_start3A_136 : memref<1x1x128xi32, #tpu.memory_space<vmem>> -> memref<128xi32, #tpu.memory_space<vmem>>
        %dma_start3A_138 = arith.constant 0 : i32
        %dma_start3A_139 = arith.constant 0 : i32
        %dma_start3A_140 = tpu.memref_slice %arg2[%dma_start3A_138, %dma_start3A_139] : memref<100352x16xf32, #tpu.memory_space<hbm>> -> memref<100352x16xf32, #tpu.memory_space<hbm>>
        tpu.enqueue_indirect_dma source(%dma_start3A_140 : memref<100352x16xf32, #tpu.memory_space<hbm>>) target(%dma_start3A_134 : memref<128x16xf32, #tpu.memory_space<vmem>>) offsets(%dma_start3A_137 : memref<128xi32, #tpu.memory_space<vmem>>) semaphore(%arg12 : memref<!tpu.dma_semaphore, #tpu.memory_space<semaphore_mem>>)
        %dma_wait3A = arith.constant 0 : i32
        %dma_wait3A_141 = arith.constant 0 : i32
        %dma_wait3A_142 = arith.constant 0 : i32
        %dma_wait3A_143 = arith.constant 0 : i32
        %dma_wait3A_144 = arith.constant 0 : i32
        %dma_wait3A_145 = arith.constant 0 : i32
        %dma_wait3A_146 = tpu.memref_slice %arg9[%dma_wait3A_142, %dma_wait3A_143, %dma_wait3A_144, %dma_wait3A_145] : memref<2x6x128x16xf32, #tpu.memory_space<vmem>> -> memref<1x1x128x16xf32, #tpu.memory_space<vmem>>
        %dma_wait3A_147 = tpu.memref_squeeze %dma_wait3A_146 : memref<1x1x128x16xf32, #tpu.memory_space<vmem>> -> memref<128x16xf32, #tpu.memory_space<vmem>>
        %dma_wait3A_148 = arith.constant 0 : i32
        %dma_wait3A_149 = tpu.memref_slice %arg7[%dma_wait3A, %dma_wait3A_141, %dma_wait3A_148] : memref<2x6x128xi32, #tpu.memory_space<vmem>> -> memref<1x1x128xi32, #tpu.memory_space<vmem>>
        %dma_wait3A_150 = tpu.memref_squeeze %dma_wait3A_149 : memref<1x1x128xi32, #tpu.memory_space<vmem>> -> memref<128xi32, #tpu.memory_space<vmem>>
        %dma_wait3A_151 = arith.constant 0 : i32
        %dma_wait3A_152 = arith.constant 0 : i32
        %dma_wait3A_153 = tpu.memref_slice %arg2[%dma_wait3A_151, %dma_wait3A_152] : memref<100352x16xf32, #tpu.memory_space<hbm>> -> memref<100352x16xf32, #tpu.memory_space<hbm>>
        tpu.wait_indirect_dma semaphore(%arg12 : memref<!tpu.dma_semaphore, #tpu.memory_space<semaphore_mem>>) src(%dma_wait3A_153 : memref<100352x16xf32, #tpu.memory_space<hbm>>) dst(%dma_wait3A_147 : memref<128x16xf32, #tpu.memory_space<vmem>>)
      } else {
      }
      %ne3A_119 = arith.constant 0 : i32
      %ne3A_120 = arith.cmpi ne, %arg0, %ne3A_119 : i32
      %convert_element_type3A_121 = arith.extui %ne3A_120 : i1 to i32
      %cond3A_122 = arith.constant 0 : i32
      %cond3A_123 = arith.cmpi ne, %convert_element_type3A_121, %cond3A_122 : i32
      scf.if %cond3A_123 {
        %dma_start3A = arith.constant 0 : i32
        %dma_start3A_128 = arith.constant 0 : i32
        %dma_start3A_129 = arith.constant 0 : i32
        %dma_start3A_130 = arith.constant 0 : i32
        %dma_start3A_131 = arith.constant 0 : i32
        %dma_start3A_132 = arith.constant 0 : i32
        %dma_start3A_133 = tpu.memref_slice %arg9[%dma_start3A_129, %dma_start3A_130, %dma_start3A_131, %dma_start3A_132] : memref<2x6x128x16xf32, #tpu.memory_space<vmem>> -> memref<1x1x128x16xf32, #tpu.memory_space<vmem>>
        %dma_start3A_134 = tpu.memref_squeeze %dma_start3A_133 : memref<1x1x128x16xf32, #tpu.memory_space<vmem>> -> memref<128x16xf32, #tpu.memory_space<vmem>>
        %dma_start3A_135 = arith.constant 0 : i32
        %dma_start3A_136 = tpu.memref_slice %arg7[%dma_start3A, %dma_start3A_128, %dma_start3A_135] : memref<2x6x128xi32, #tpu.memory_space<vmem>> -> memref<1x1x128xi32, #tpu.memory_space<vmem>>
        %dma_start3A_137 = tpu.memref_squeeze %dma_start3A_136 : memref<1x1x128xi32, #tpu.memory_space<vmem>> -> memref<128xi32, #tpu.memory_space<vmem>>
        %dma_start3A_138 = arith.constant 0 : i32
        %dma_start3A_139 = arith.constant 0 : i32
        %dma_start3A_140 = tpu.memref_slice %arg3[%dma_start3A_138, %dma_start3A_139] : memref<100352x16xf32, #tpu.memory_space<hbm>> -> memref<100352x16xf32, #tpu.memory_space<hbm>>
        tpu.enqueue_indirect_dma source(%dma_start3A_140 : memref<100352x16xf32, #tpu.memory_space<hbm>>) target(%dma_start3A_134 : memref<128x16xf32, #tpu.memory_space<vmem>>) offsets(%dma_start3A_137 : memref<128xi32, #tpu.memory_space<vmem>>) semaphore(%arg12 : memref<!tpu.dma_semaphore, #tpu.memory_space<semaphore_mem>>)
        %dma_wait3A = arith.constant 0 : i32
        %dma_wait3A_141 = arith.constant 0 : i32
        %dma_wait3A_142 = arith.constant 0 : i32
        %dma_wait3A_143 = arith.constant 0 : i32
        %dma_wait3A_144 = arith.constant 0 : i32
        %dma_wait3A_145 = arith.constant 0 : i32
        %dma_wait3A_146 = tpu.memref_slice %arg9[%dma_wait3A_142, %dma_wait3A_143, %dma_wait3A_144, %dma_wait3A_145] : memref<2x6x128x16xf32, #tpu.memory_space<vmem>> -> memref<1x1x128x16xf32, #tpu.memory_space<vmem>>
        %dma_wait3A_147 = tpu.memref_squeeze %dma_wait3A_146 : memref<1x1x128x16xf32, #tpu.memory_space<vmem>> -> memref<128x16xf32, #tpu.memory_space<vmem>>
        %dma_wait3A_148 = arith.constant 0 : i32
        %dma_wait3A_149 = tpu.memref_slice %arg7[%dma_wait3A, %dma_wait3A_141, %dma_wait3A_148] : memref<2x6x128xi32, #tpu.memory_space<vmem>> -> memref<1x1x128xi32, #tpu.memory_space<vmem>>
        %dma_wait3A_150 = tpu.memref_squeeze %dma_wait3A_149 : memref<1x1x128xi32, #tpu.memory_space<vmem>> -> memref<128xi32, #tpu.memory_space<vmem>>
        %dma_wait3A_151 = arith.constant 0 : i32
        %dma_wait3A_152 = arith.constant 0 : i32
        %dma_wait3A_153 = tpu.memref_slice %arg3[%dma_wait3A_151, %dma_wait3A_152] : memref<100352x16xf32, #tpu.memory_space<hbm>> -> memref<100352x16xf32, #tpu.memory_space<hbm>>
        tpu.wait_indirect_dma semaphore(%arg12 : memref<!tpu.dma_semaphore, #tpu.memory_space<semaphore_mem>>) src(%dma_wait3A_153 : memref<100352x16xf32, #tpu.memory_space<hbm>>) dst(%dma_wait3A_147 : memref<128x16xf32, #tpu.memory_space<vmem>>)
      } else {
      }
      %run_scoped3A_124 = arith.constant 0 : i32
      %run_scoped3A_125 = arith.constant 0 : i32
      %run_scoped3A_126 = arith.constant 0 : i32
      %run_scoped3A_127 = arith.constant 0 : i32
      "tpu.region"() ({
        %run_scoped3A_128 = tpu.sem_alloc : memref<!tpu.dma_semaphore, #tpu.memory_space<semaphore_mem>>
        %dma_start3A = arith.constant 0 : i32
        %dma_start3A_129 = arith.constant 0 : i32
        %dma_start3A_130 = tpu.memref_slice %arg9[%run_scoped3A_124, %run_scoped3A_125, %dma_start3A, %dma_start3A_129] : memref<2x6x128x16xf32, #tpu.memory_space<vmem>> -> memref<1x1x128x16xf32, #tpu.memory_space<vmem>>
        %dma_start3A_131 = tpu.memref_squeeze %dma_start3A_130 : memref<1x1x128x16xf32, #tpu.memory_space<vmem>> -> memref<128x16xf32, #tpu.memory_space<vmem>>
        %dma_start3A_132 = arith.constant 0 : i32
        %dma_start3A_133 = tpu.memref_slice %arg8[%run_scoped3A_126, %run_scoped3A_127, %dma_start3A_132] : memref<2x6x128xi32, #tpu.memory_space<vmem>> -> memref<1x1x128xi32, #tpu.memory_space<vmem>>
        %dma_start3A_134 = tpu.memref_squeeze %dma_start3A_133 : memref<1x1x128xi32, #tpu.memory_space<vmem>> -> memref<128xi32, #tpu.memory_space<vmem>>
        %dma_start3A_135 = arith.constant 0 : i32
        %dma_start3A_136 = arith.constant 0 : i32
        %dma_start3A_137 = tpu.memref_slice %arg11[%dma_start3A_135, %dma_start3A_136] : memref<100352x16xf32, #tpu.memory_space<vmem_shared>> -> memref<100352x16xf32, #tpu.memory_space<vmem_shared>>
        tpu.enqueue_indirect_dma source(%dma_start3A_131 : memref<128x16xf32, #tpu.memory_space<vmem>>) target(%dma_start3A_137 : memref<100352x16xf32, #tpu.memory_space<vmem_shared>>) offsets(%dma_start3A_134 : memref<128xi32, #tpu.memory_space<vmem>>) semaphore(%run_scoped3A_128 : memref<!tpu.dma_semaphore, #tpu.memory_space<semaphore_mem>>) {add = true}
        %dma_wait3A = arith.constant 0 : i32
        %dma_wait3A_138 = arith.constant 0 : i32
        %dma_wait3A_139 = tpu.memref_slice %arg9[%run_scoped3A_124, %run_scoped3A_125, %dma_wait3A, %dma_wait3A_138] : memref<2x6x128x16xf32, #tpu.memory_space<vmem>> -> memref<1x1x128x16xf32, #tpu.memory_space<vmem>>
        %dma_wait3A_140 = tpu.memref_squeeze %dma_wait3A_139 : memref<1x1x128x16xf32, #tpu.memory_space<vmem>> -> memref<128x16xf32, #tpu.memory_space<vmem>>
        %dma_wait3A_141 = arith.constant 0 : i32
        %dma_wait3A_142 = tpu.memref_slice %arg8[%run_scoped3A_126, %run_scoped3A_127, %dma_wait3A_141] : memref<2x6x128xi32, #tpu.memory_space<vmem>> -> memref<1x1x128xi32, #tpu.memory_space<vmem>>
        %dma_wait3A_143 = tpu.memref_squeeze %dma_wait3A_142 : memref<1x1x128xi32, #tpu.memory_space<vmem>> -> memref<128xi32, #tpu.memory_space<vmem>>
        %dma_wait3A_144 = arith.constant 0 : i32
        %dma_wait3A_145 = arith.constant 0 : i32
        %dma_wait3A_146 = tpu.memref_slice %arg11[%dma_wait3A_144, %dma_wait3A_145] : memref<100352x16xf32, #tpu.memory_space<vmem_shared>> -> memref<100352x16xf32, #tpu.memory_space<vmem_shared>>
        tpu.wait_indirect_dma semaphore(%run_scoped3A_128 : memref<!tpu.dma_semaphore, #tpu.memory_space<semaphore_mem>>) src(%dma_wait3A_140 : memref<128x16xf32, #tpu.memory_space<vmem>>) dst(%dma_wait3A_146 : memref<100352x16xf32, #tpu.memory_space<vmem_shared>>)
        tpu.yield
      }) : () -> ()
    }
    %while3A_92 = arith.constant 1 : i32
    scf.for %while3A_106 = %while3A_90 to %while3A_86 step %while3A_92  : i32 {
      %mul3A_107 = arith.constant 16 : i32
      %mul3A_108 = arith.muli %mul3A_107, %while3A_106 : i32
      %add3A_109 = arith.addi %add3A_16, %mul3A_108 : i32
      %run_scoped3A_110 = arith.constant 0 : i32
      "tpu.region"() ({
        %run_scoped3A_128 = tpu.sem_alloc : memref<!tpu.dma_semaphore, #tpu.memory_space<semaphore_mem>>
        %dma_start3A = arith.constant 0 : i32
        %dma_start3A_129 = arith.constant 0 : i32
        %dma_start3A_130 = tpu.memref_slice %arg7[%run_scoped3A_110, %dma_start3A, %dma_start3A_129] : memref<2x6x128xi32, #tpu.memory_space<vmem>> -> memref<1x1x128xi32, #tpu.memory_space<vmem>>
        %dma_start3A_131 = tpu.memref_squeeze %dma_start3A_130 : memref<1x1x128xi32, #tpu.memory_space<vmem>> -> memref<1x128xi32, #tpu.memory_space<vmem>>
        %dma_start3A_132 = arith.constant 0 : i32
        %dma_start3A_133 = tpu.memref_slice %arg4[%add3A_109, %dma_start3A_132] : memref<25000x128xi32, #tpu.memory_space<hbm>> -> memref<1x128xi32, #tpu.memory_space<hbm>>
        %dma_start3A_134 = arith.constant 0 : i32
        %dma_start3A_135 = arith.constant 0 : i32
        %dma_start3A_136 = tpu.memref_slice %arg7[%run_scoped3A_110, %dma_start3A_134, %dma_start3A_135] : memref<2x6x128xi32, #tpu.memory_space<vmem>> -> memref<1x1x128xi32, #tpu.memory_space<vmem>>
        %dma_start3A_137 = tpu.memref_squeeze %dma_start3A_136 : memref<1x1x128xi32, #tpu.memory_space<vmem>> -> memref<1x128xi32, #tpu.memory_space<vmem>>
        %dma_start3A_138 = arith.constant 0 : i32
        %dma_start3A_139 = tpu.memref_slice %arg4[%add3A_109, %dma_start3A_138] : memref<25000x128xi32, #tpu.memory_space<hbm>> -> memref<1x128xi32, #tpu.memory_space<hbm>>
        tpu.enqueue_dma source(%dma_start3A_139 : memref<1x128xi32, #tpu.memory_space<hbm>>) target(%dma_start3A_137 : memref<1x128xi32, #tpu.memory_space<vmem>>) target_semaphore(%run_scoped3A_128 : memref<!tpu.dma_semaphore, #tpu.memory_space<semaphore_mem>>)
        %dma_wait3A = arith.constant 0 : i32
        %dma_wait3A_140 = arith.constant 0 : i32
        %dma_wait3A_141 = tpu.memref_slice %arg7[%run_scoped3A_110, %dma_wait3A, %dma_wait3A_140] : memref<2x6x128xi32, #tpu.memory_space<vmem>> -> memref<1x1x128xi32, #tpu.memory_space<vmem>>
        %dma_wait3A_142 = tpu.memref_squeeze %dma_wait3A_141 : memref<1x1x128xi32, #tpu.memory_space<vmem>> -> memref<1x128xi32, #tpu.memory_space<vmem>>
        %dma_wait3A_143 = arith.constant 0 : i32
        %dma_wait3A_144 = tpu.memref_slice %arg4[%add3A_109, %dma_wait3A_143] : memref<25000x128xi32, #tpu.memory_space<hbm>> -> memref<1x128xi32, #tpu.memory_space<hbm>>
        %dma_wait3A_145 = arith.constant 0 : i32
        %dma_wait3A_146 = arith.constant 0 : i32
        %dma_wait3A_147 = tpu.memref_slice %arg7[%run_scoped3A_110, %dma_wait3A_145, %dma_wait3A_146] : memref<2x6x128xi32, #tpu.memory_space<vmem>> -> memref<1x1x128xi32, #tpu.memory_space<vmem>>
        %dma_wait3A_148 = tpu.memref_squeeze %dma_wait3A_147 : memref<1x1x128xi32, #tpu.memory_space<vmem>> -> memref<1x128xi32, #tpu.memory_space<vmem>>
        %dma_wait3A_149 = arith.constant 0 : i32
        %dma_wait3A_150 = tpu.memref_slice %arg4[%add3A_109, %dma_wait3A_149] : memref<25000x128xi32, #tpu.memory_space<hbm>> -> memref<1x128xi32, #tpu.memory_space<hbm>>
        tpu.wait_dma2 semaphore(%run_scoped3A_128 : memref<!tpu.dma_semaphore, #tpu.memory_space<semaphore_mem>>) src(%dma_wait3A_150 : memref<1x128xi32, #tpu.memory_space<hbm>>) dst(%dma_wait3A_148 : memref<1x128xi32, #tpu.memory_space<vmem>>)
        tpu.yield
      }) : () -> ()
      %add3A_111 = arith.constant 12500 : i32
      %add3A_112 = arith.addi %add3A_111, %add3A_109 : i32
      %run_scoped3A_113 = arith.constant 0 : i32
      "tpu.region"() ({
        %run_scoped3A_128 = tpu.sem_alloc : memref<!tpu.dma_semaphore, #tpu.memory_space<semaphore_mem>>
        %dma_start3A = arith.constant 0 : i32
        %dma_start3A_129 = arith.constant 0 : i32
        %dma_start3A_130 = tpu.memref_slice %arg8[%run_scoped3A_113, %dma_start3A, %dma_start3A_129] : memref<2x6x128xi32, #tpu.memory_space<vmem>> -> memref<1x1x128xi32, #tpu.memory_space<vmem>>
        %dma_start3A_131 = tpu.memref_squeeze %dma_start3A_130 : memref<1x1x128xi32, #tpu.memory_space<vmem>> -> memref<1x128xi32, #tpu.memory_space<vmem>>
        %dma_start3A_132 = arith.constant 0 : i32
        %dma_start3A_133 = tpu.memref_slice %arg4[%add3A_112, %dma_start3A_132] : memref<25000x128xi32, #tpu.memory_space<hbm>> -> memref<1x128xi32, #tpu.memory_space<hbm>>
        %dma_start3A_134 = arith.constant 0 : i32
        %dma_start3A_135 = arith.constant 0 : i32
        %dma_start3A_136 = tpu.memref_slice %arg8[%run_scoped3A_113, %dma_start3A_134, %dma_start3A_135] : memref<2x6x128xi32, #tpu.memory_space<vmem>> -> memref<1x1x128xi32, #tpu.memory_space<vmem>>
        %dma_start3A_137 = tpu.memref_squeeze %dma_start3A_136 : memref<1x1x128xi32, #tpu.memory_space<vmem>> -> memref<1x128xi32, #tpu.memory_space<vmem>>
        %dma_start3A_138 = arith.constant 0 : i32
        %dma_start3A_139 = tpu.memref_slice %arg4[%add3A_112, %dma_start3A_138] : memref<25000x128xi32, #tpu.memory_space<hbm>> -> memref<1x128xi32, #tpu.memory_space<hbm>>
        tpu.enqueue_dma source(%dma_start3A_139 : memref<1x128xi32, #tpu.memory_space<hbm>>) target(%dma_start3A_137 : memref<1x128xi32, #tpu.memory_space<vmem>>) target_semaphore(%run_scoped3A_128 : memref<!tpu.dma_semaphore, #tpu.memory_space<semaphore_mem>>)
        %dma_wait3A = arith.constant 0 : i32
        %dma_wait3A_140 = arith.constant 0 : i32
        %dma_wait3A_141 = tpu.memref_slice %arg8[%run_scoped3A_113, %dma_wait3A, %dma_wait3A_140] : memref<2x6x128xi32, #tpu.memory_space<vmem>> -> memref<1x1x128xi32, #tpu.memory_space<vmem>>
        %dma_wait3A_142 = tpu.memref_squeeze %dma_wait3A_141 : memref<1x1x128xi32, #tpu.memory_space<vmem>> -> memref<1x128xi32, #tpu.memory_space<vmem>>
        %dma_wait3A_143 = arith.constant 0 : i32
        %dma_wait3A_144 = tpu.memref_slice %arg4[%add3A_112, %dma_wait3A_143] : memref<25000x128xi32, #tpu.memory_space<hbm>> -> memref<1x128xi32, #tpu.memory_space<hbm>>
        %dma_wait3A_145 = arith.constant 0 : i32
        %dma_wait3A_146 = arith.constant 0 : i32
        %dma_wait3A_147 = tpu.memref_slice %arg8[%run_scoped3A_113, %dma_wait3A_145, %dma_wait3A_146] : memref<2x6x128xi32, #tpu.memory_space<vmem>> -> memref<1x1x128xi32, #tpu.memory_space<vmem>>
        %dma_wait3A_148 = tpu.memref_squeeze %dma_wait3A_147 : memref<1x1x128xi32, #tpu.memory_space<vmem>> -> memref<1x128xi32, #tpu.memory_space<vmem>>
        %dma_wait3A_149 = arith.constant 0 : i32
        %dma_wait3A_150 = tpu.memref_slice %arg4[%add3A_112, %dma_wait3A_149] : memref<25000x128xi32, #tpu.memory_space<hbm>> -> memref<1x128xi32, #tpu.memory_space<hbm>>
        tpu.wait_dma2 semaphore(%run_scoped3A_128 : memref<!tpu.dma_semaphore, #tpu.memory_space<semaphore_mem>>) src(%dma_wait3A_150 : memref<1x128xi32, #tpu.memory_space<hbm>>) dst(%dma_wait3A_148 : memref<1x128xi32, #tpu.memory_space<vmem>>)
        tpu.yield
      }) : () -> ()
      %eq3A_114 = arith.constant 0 : i32
      %eq3A_115 = arith.cmpi eq, %arg0, %eq3A_114 : i32
      %convert_element_type3A_116 = arith.extui %eq3A_115 : i1 to i32
      %cond3A_117 = arith.constant 0 : i32
      %cond3A_118 = arith.cmpi ne, %convert_element_type3A_116, %cond3A_117 : i32
      scf.if %cond3A_118 {
        %dma_start3A = arith.constant 0 : i32
        %dma_start3A_128 = arith.constant 0 : i32
        %dma_start3A_129 = arith.constant 0 : i32
        %dma_start3A_130 = arith.constant 0 : i32
        %dma_start3A_131 = arith.constant 0 : i32
        %dma_start3A_132 = arith.constant 0 : i32
        %dma_start3A_133 = tpu.memref_slice %arg9[%dma_start3A_129, %dma_start3A_130, %dma_start3A_131, %dma_start3A_132] : memref<2x6x128x16xf32, #tpu.memory_space<vmem>> -> memref<1x1x128x16xf32, #tpu.memory_space<vmem>>
        %dma_start3A_134 = tpu.memref_squeeze %dma_start3A_133 : memref<1x1x128x16xf32, #tpu.memory_space<vmem>> -> memref<128x16xf32, #tpu.memory_space<vmem>>
        %dma_start3A_135 = arith.constant 0 : i32
        %dma_start3A_136 = tpu.memref_slice %arg7[%dma_start3A, %dma_start3A_128, %dma_start3A_135] : memref<2x6x128xi32, #tpu.memory_space<vmem>> -> memref<1x1x128xi32, #tpu.memory_space<vmem>>
        %dma_start3A_137 = tpu.memref_squeeze %dma_start3A_136 : memref<1x1x128xi32, #tpu.memory_space<vmem>> -> memref<128xi32, #tpu.memory_space<vmem>>
        %dma_start3A_138 = arith.constant 0 : i32
        %dma_start3A_139 = arith.constant 0 : i32
        %dma_start3A_140 = tpu.memref_slice %arg2[%dma_start3A_138, %dma_start3A_139] : memref<100352x16xf32, #tpu.memory_space<hbm>> -> memref<100352x16xf32, #tpu.memory_space<hbm>>
        tpu.enqueue_indirect_dma source(%dma_start3A_140 : memref<100352x16xf32, #tpu.memory_space<hbm>>) target(%dma_start3A_134 : memref<128x16xf32, #tpu.memory_space<vmem>>) offsets(%dma_start3A_137 : memref<128xi32, #tpu.memory_space<vmem>>) semaphore(%arg12 : memref<!tpu.dma_semaphore, #tpu.memory_space<semaphore_mem>>)
        %dma_wait3A = arith.constant 0 : i32
        %dma_wait3A_141 = arith.constant 0 : i32
        %dma_wait3A_142 = arith.constant 0 : i32
        %dma_wait3A_143 = arith.constant 0 : i32
        %dma_wait3A_144 = arith.constant 0 : i32
        %dma_wait3A_145 = arith.constant 0 : i32
        %dma_wait3A_146 = tpu.memref_slice %arg9[%dma_wait3A_142, %dma_wait3A_143, %dma_wait3A_144, %dma_wait3A_145] : memref<2x6x128x16xf32, #tpu.memory_space<vmem>> -> memref<1x1x128x16xf32, #tpu.memory_space<vmem>>
        %dma_wait3A_147 = tpu.memref_squeeze %dma_wait3A_146 : memref<1x1x128x16xf32, #tpu.memory_space<vmem>> -> memref<128x16xf32, #tpu.memory_space<vmem>>
        %dma_wait3A_148 = arith.constant 0 : i32
        %dma_wait3A_149 = tpu.memref_slice %arg7[%dma_wait3A, %dma_wait3A_141, %dma_wait3A_148] : memref<2x6x128xi32, #tpu.memory_space<vmem>> -> memref<1x1x128xi32, #tpu.memory_space<vmem>>
        %dma_wait3A_150 = tpu.memref_squeeze %dma_wait3A_149 : memref<1x1x128xi32, #tpu.memory_space<vmem>> -> memref<128xi32, #tpu.memory_space<vmem>>
        %dma_wait3A_151 = arith.constant 0 : i32
        %dma_wait3A_152 = arith.constant 0 : i32
        %dma_wait3A_153 = tpu.memref_slice %arg2[%dma_wait3A_151, %dma_wait3A_152] : memref<100352x16xf32, #tpu.memory_space<hbm>> -> memref<100352x16xf32, #tpu.memory_space<hbm>>
        tpu.wait_indirect_dma semaphore(%arg12 : memref<!tpu.dma_semaphore, #tpu.memory_space<semaphore_mem>>) src(%dma_wait3A_153 : memref<100352x16xf32, #tpu.memory_space<hbm>>) dst(%dma_wait3A_147 : memref<128x16xf32, #tpu.memory_space<vmem>>)
      } else {
      }
      %ne3A_119 = arith.constant 0 : i32
      %ne3A_120 = arith.cmpi ne, %arg0, %ne3A_119 : i32
      %convert_element_type3A_121 = arith.extui %ne3A_120 : i1 to i32
      %cond3A_122 = arith.constant 0 : i32
      %cond3A_123 = arith.cmpi ne, %convert_element_type3A_121, %cond3A_122 : i32
      scf.if %cond3A_123 {
        %dma_start3A = arith.constant 0 : i32
        %dma_start3A_128 = arith.constant 0 : i32
        %dma_start3A_129 = arith.constant 0 : i32
        %dma_start3A_130 = arith.constant 0 : i32
        %dma_start3A_131 = arith.constant 0 : i32
        %dma_start3A_132 = arith.constant 0 : i32
        %dma_start3A_133 = tpu.memref_slice %arg9[%dma_start3A_129, %dma_start3A_130, %dma_start3A_131, %dma_start3A_132] : memref<2x6x128x16xf32, #tpu.memory_space<vmem>> -> memref<1x1x128x16xf32, #tpu.memory_space<vmem>>
        %dma_start3A_134 = tpu.memref_squeeze %dma_start3A_133 : memref<1x1x128x16xf32, #tpu.memory_space<vmem>> -> memref<128x16xf32, #tpu.memory_space<vmem>>
        %dma_start3A_135 = arith.constant 0 : i32
        %dma_start3A_136 = tpu.memref_slice %arg7[%dma_start3A, %dma_start3A_128, %dma_start3A_135] : memref<2x6x128xi32, #tpu.memory_space<vmem>> -> memref<1x1x128xi32, #tpu.memory_space<vmem>>
        %dma_start3A_137 = tpu.memref_squeeze %dma_start3A_136 : memref<1x1x128xi32, #tpu.memory_space<vmem>> -> memref<128xi32, #tpu.memory_space<vmem>>
        %dma_start3A_138 = arith.constant 0 : i32
        %dma_start3A_139 = arith.constant 0 : i32
        %dma_start3A_140 = tpu.memref_slice %arg3[%dma_start3A_138, %dma_start3A_139] : memref<100352x16xf32, #tpu.memory_space<hbm>> -> memref<100352x16xf32, #tpu.memory_space<hbm>>
        tpu.enqueue_indirect_dma source(%dma_start3A_140 : memref<100352x16xf32, #tpu.memory_space<hbm>>) target(%dma_start3A_134 : memref<128x16xf32, #tpu.memory_space<vmem>>) offsets(%dma_start3A_137 : memref<128xi32, #tpu.memory_space<vmem>>) semaphore(%arg12 : memref<!tpu.dma_semaphore, #tpu.memory_space<semaphore_mem>>)
        %dma_wait3A = arith.constant 0 : i32
        %dma_wait3A_141 = arith.constant 0 : i32
        %dma_wait3A_142 = arith.constant 0 : i32
        %dma_wait3A_143 = arith.constant 0 : i32
        %dma_wait3A_144 = arith.constant 0 : i32
        %dma_wait3A_145 = arith.constant 0 : i32
        %dma_wait3A_146 = tpu.memref_slice %arg9[%dma_wait3A_142, %dma_wait3A_143, %dma_wait3A_144, %dma_wait3A_145] : memref<2x6x128x16xf32, #tpu.memory_space<vmem>> -> memref<1x1x128x16xf32, #tpu.memory_space<vmem>>
        %dma_wait3A_147 = tpu.memref_squeeze %dma_wait3A_146 : memref<1x1x128x16xf32, #tpu.memory_space<vmem>> -> memref<128x16xf32, #tpu.memory_space<vmem>>
        %dma_wait3A_148 = arith.constant 0 : i32
        %dma_wait3A_149 = tpu.memref_slice %arg7[%dma_wait3A, %dma_wait3A_141, %dma_wait3A_148] : memref<2x6x128xi32, #tpu.memory_space<vmem>> -> memref<1x1x128xi32, #tpu.memory_space<vmem>>
        %dma_wait3A_150 = tpu.memref_squeeze %dma_wait3A_149 : memref<1x1x128xi32, #tpu.memory_space<vmem>> -> memref<128xi32, #tpu.memory_space<vmem>>
        %dma_wait3A_151 = arith.constant 0 : i32
        %dma_wait3A_152 = arith.constant 0 : i32
        %dma_wait3A_153 = tpu.memref_slice %arg3[%dma_wait3A_151, %dma_wait3A_152] : memref<100352x16xf32, #tpu.memory_space<hbm>> -> memref<100352x16xf32, #tpu.memory_space<hbm>>
        tpu.wait_indirect_dma semaphore(%arg12 : memref<!tpu.dma_semaphore, #tpu.memory_space<semaphore_mem>>) src(%dma_wait3A_153 : memref<100352x16xf32, #tpu.memory_space<hbm>>) dst(%dma_wait3A_147 : memref<128x16xf32, #tpu.memory_space<vmem>>)
      } else {
      }
      %run_scoped3A_124 = arith.constant 0 : i32
      %run_scoped3A_125 = arith.constant 0 : i32
      %run_scoped3A_126 = arith.constant 0 : i32
      %run_scoped3A_127 = arith.constant 0 : i32
      "tpu.region"() ({
        %run_scoped3A_128 = tpu.sem_alloc : memref<!tpu.dma_semaphore, #tpu.memory_space<semaphore_mem>>
        %dma_start3A = arith.constant 0 : i32
        %dma_start3A_129 = arith.constant 0 : i32
        %dma_start3A_130 = tpu.memref_slice %arg9[%run_scoped3A_124, %run_scoped3A_125, %dma_start3A, %dma_start3A_129] : memref<2x6x128x16xf32, #tpu.memory_space<vmem>> -> memref<1x1x128x16xf32, #tpu.memory_space<vmem>>
        %dma_start3A_131 = tpu.memref_squeeze %dma_start3A_130 : memref<1x1x128x16xf32, #tpu.memory_space<vmem>> -> memref<128x16xf32, #tpu.memory_space<vmem>>
        %dma_start3A_132 = arith.constant 0 : i32
        %dma_start3A_133 = tpu.memref_slice %arg8[%run_scoped3A_126, %run_scoped3A_127, %dma_start3A_132] : memref<2x6x128xi32, #tpu.memory_space<vmem>> -> memref<1x1x128xi32, #tpu.memory_space<vmem>>
        %dma_start3A_134 = tpu.memref_squeeze %dma_start3A_133 : memref<1x1x128xi32, #tpu.memory_space<vmem>> -> memref<128xi32, #tpu.memory_space<vmem>>
        %dma_start3A_135 = arith.constant 0 : i32
        %dma_start3A_136 = arith.constant 0 : i32
        %dma_start3A_137 = tpu.memref_slice %arg11[%dma_start3A_135, %dma_start3A_136] : memref<100352x16xf32, #tpu.memory_space<vmem_shared>> -> memref<100352x16xf32, #tpu.memory_space<vmem_shared>>
        tpu.enqueue_indirect_dma source(%dma_start3A_131 : memref<128x16xf32, #tpu.memory_space<vmem>>) target(%dma_start3A_137 : memref<100352x16xf32, #tpu.memory_space<vmem_shared>>) offsets(%dma_start3A_134 : memref<128xi32, #tpu.memory_space<vmem>>) semaphore(%run_scoped3A_128 : memref<!tpu.dma_semaphore, #tpu.memory_space<semaphore_mem>>) {add = true}
        %dma_wait3A = arith.constant 0 : i32
        %dma_wait3A_138 = arith.constant 0 : i32
        %dma_wait3A_139 = tpu.memref_slice %arg9[%run_scoped3A_124, %run_scoped3A_125, %dma_wait3A, %dma_wait3A_138] : memref<2x6x128x16xf32, #tpu.memory_space<vmem>> -> memref<1x1x128x16xf32, #tpu.memory_space<vmem>>
        %dma_wait3A_140 = tpu.memref_squeeze %dma_wait3A_139 : memref<1x1x128x16xf32, #tpu.memory_space<vmem>> -> memref<128x16xf32, #tpu.memory_space<vmem>>
        %dma_wait3A_141 = arith.constant 0 : i32
        %dma_wait3A_142 = tpu.memref_slice %arg8[%run_scoped3A_126, %run_scoped3A_127, %dma_wait3A_141] : memref<2x6x128xi32, #tpu.memory_space<vmem>> -> memref<1x1x128xi32, #tpu.memory_space<vmem>>
        %dma_wait3A_143 = tpu.memref_squeeze %dma_wait3A_142 : memref<1x1x128xi32, #tpu.memory_space<vmem>> -> memref<128xi32, #tpu.memory_space<vmem>>
        %dma_wait3A_144 = arith.constant 0 : i32
        %dma_wait3A_145 = arith.constant 0 : i32
        %dma_wait3A_146 = tpu.memref_slice %arg11[%dma_wait3A_144, %dma_wait3A_145] : memref<100352x16xf32, #tpu.memory_space<vmem_shared>> -> memref<100352x16xf32, #tpu.memory_space<vmem_shared>>
        tpu.wait_indirect_dma semaphore(%run_scoped3A_128 : memref<!tpu.dma_semaphore, #tpu.memory_space<semaphore_mem>>) src(%dma_wait3A_140 : memref<128x16xf32, #tpu.memory_space<vmem>>) dst(%dma_wait3A_146 : memref<100352x16xf32, #tpu.memory_space<vmem_shared>>)
        tpu.yield
      }) : () -> ()
    }
    %barrier3A_93 = arith.constant 0 : index
    tpu.barrier barrier_id(%barrier3A_93)
    %mul3A_94 = arith.constant 6272 : i32
    %mul3A_95 = arith.muli %arg1, %mul3A_94 : i32
    %eq3A_96 = arith.constant 0 : i32
    %eq3A_97 = arith.cmpi eq, %arg0, %eq3A_96 : i32
    %convert_element_type3A_98 = arith.extui %eq3A_97 : i1 to i32
    %cond3A_99 = arith.constant 0 : i32
    %cond3A_100 = arith.cmpi ne, %convert_element_type3A_98, %cond3A_99 : i32
    scf.if %cond3A_100 {
      "tpu.region"() ({
        %run_scoped3A_106 = tpu.sem_alloc : memref<!tpu.dma_semaphore, #tpu.memory_space<semaphore_mem>>
        %dma_start3A = arith.constant 0 : i32
        %dma_start3A_107 = tpu.memref_slice %arg5[%mul3A_95, %dma_start3A] : memref<100352x16xf32, #tpu.memory_space<hbm>> -> memref<6272x16xf32, #tpu.memory_space<hbm>>
        %dma_start3A_108 = arith.constant 0 : i32
        %dma_start3A_109 = tpu.memref_slice %arg11[%mul3A_95, %dma_start3A_108] : memref<100352x16xf32, #tpu.memory_space<vmem_shared>> -> memref<6272x16xf32, #tpu.memory_space<vmem_shared>>
        tpu.enqueue_dma source(%dma_start3A_109 : memref<6272x16xf32, #tpu.memory_space<vmem_shared>>) target(%dma_start3A_107 : memref<6272x16xf32, #tpu.memory_space<hbm>>) target_semaphore(%run_scoped3A_106 : memref<!tpu.dma_semaphore, #tpu.memory_space<semaphore_mem>>)
        %dma_wait3A = arith.constant 0 : i32
        %dma_wait3A_110 = tpu.memref_slice %arg5[%mul3A_95, %dma_wait3A] : memref<100352x16xf32, #tpu.memory_space<hbm>> -> memref<6272x16xf32, #tpu.memory_space<hbm>>
        %dma_wait3A_111 = arith.constant 0 : i32
        %dma_wait3A_112 = tpu.memref_slice %arg11[%mul3A_95, %dma_wait3A_111] : memref<100352x16xf32, #tpu.memory_space<vmem_shared>> -> memref<6272x16xf32, #tpu.memory_space<vmem_shared>>
        tpu.wait_dma2 semaphore(%run_scoped3A_106 : memref<!tpu.dma_semaphore, #tpu.memory_space<semaphore_mem>>) src(%dma_wait3A_112 : memref<6272x16xf32, #tpu.memory_space<vmem_shared>>) dst(%dma_wait3A_110 : memref<6272x16xf32, #tpu.memory_space<hbm>>)
        tpu.yield
      }) : () -> ()
    } else {
    }
    %ne3A_101 = arith.constant 0 : i32
    %ne3A_102 = arith.cmpi ne, %arg0, %ne3A_101 : i32
    %convert_element_type3A_103 = arith.extui %ne3A_102 : i1 to i32
    %cond3A_104 = arith.constant 0 : i32
    %cond3A_105 = arith.cmpi ne, %convert_element_type3A_103, %cond3A_104 : i32
    scf.if %cond3A_105 {
      "tpu.region"() ({
        %run_scoped3A_106 = tpu.sem_alloc : memref<!tpu.dma_semaphore, #tpu.memory_space<semaphore_mem>>
        %dma_start3A = arith.constant 0 : i32
        %dma_start3A_107 = tpu.memref_slice %arg6[%mul3A_95, %dma_start3A] : memref<100352x16xf32, #tpu.memory_space<hbm>> -> memref<6272x16xf32, #tpu.memory_space<hbm>>
        %dma_start3A_108 = arith.constant 0 : i32
        %dma_start3A_109 = tpu.memref_slice %arg11[%mul3A_95, %dma_start3A_108] : memref<100352x16xf32, #tpu.memory_space<vmem_shared>> -> memref<6272x16xf32, #tpu.memory_space<vmem_shared>>
        tpu.enqueue_dma source(%dma_start3A_109 : memref<6272x16xf32, #tpu.memory_space<vmem_shared>>) target(%dma_start3A_107 : memref<6272x16xf32, #tpu.memory_space<hbm>>) target_semaphore(%run_scoped3A_106 : memref<!tpu.dma_semaphore, #tpu.memory_space<semaphore_mem>>)
        %dma_wait3A = arith.constant 0 : i32
        %dma_wait3A_110 = tpu.memref_slice %arg6[%mul3A_95, %dma_wait3A] : memref<100352x16xf32, #tpu.memory_space<hbm>> -> memref<6272x16xf32, #tpu.memory_space<hbm>>
        %dma_wait3A_111 = arith.constant 0 : i32
        %dma_wait3A_112 = tpu.memref_slice %arg11[%mul3A_95, %dma_wait3A_111] : memref<100352x16xf32, #tpu.memory_space<vmem_shared>> -> memref<6272x16xf32, #tpu.memory_space<vmem_shared>>
        tpu.wait_dma2 semaphore(%run_scoped3A_106 : memref<!tpu.dma_semaphore, #tpu.memory_space<semaphore_mem>>) src(%dma_wait3A_112 : memref<6272x16xf32, #tpu.memory_space<vmem_shared>>) dst(%dma_wait3A_110 : memref<6272x16xf32, #tpu.memory_space<hbm>>)
        tpu.yield
      }) : () -> ()
    } else {
    }
    return
  }
}

module attributes {stable_mosaic.version = 14 : i64} {
  func.func @_tc_a_body(%arg0: i32, %arg1: memref<256x256xf32, #tpu.memory_space<vmem>>, %arg2: memref<2x256x128xf32, #tpu.memory_space<vmem>>, %arg3: memref<4x128x128xf32, #tpu.memory_space<vmem>>, %arg4: memref<4x128x128xf32, #tpu.memory_space<vmem>>, %arg5: memref<4x128xf32, #tpu.memory_space<vmem>>, %arg6: memref<256x128xf32, #tpu.memory_space<vmem>>, %arg7: memref<256x128xf32, #tpu.memory_space<vmem>>, %arg8: memref<256x128xf32, #tpu.memory_space<vmem>>, %arg9: memref<256x128xf32, #tpu.memory_space<vmem>>) attributes {dimension_semantics = [#tpu.dimension_semantics<arbitrary>], iteration_bounds = array<i64: 49>, scalar_prefetch = 0 : i64, scratch_operands = 0 : i64, tpu.core_type = #tpu.core_type<tc>, window_params = [{transform_indices = @transform_0, window_bounds = array<i64: 256, 256>}, {pipeline_mode = #tpu.pipeline_mode<synchronous>, transform_indices = @transform_1, window_bounds = array<i64: 2, 256, 128>}, {pipeline_mode = #tpu.pipeline_mode<synchronous>, transform_indices = @transform_2, window_bounds = array<i64: 4, 128, 128>}, {pipeline_mode = #tpu.pipeline_mode<synchronous>, transform_indices = @transform_3, window_bounds = array<i64: 4, 128, 128>}, {pipeline_mode = #tpu.pipeline_mode<synchronous>, transform_indices = @transform_4, window_bounds = array<i64: 4, 128>}, {transform_indices = @transform_5, window_bounds = array<i64: 256, 128>}, {transform_indices = @transform_6, window_bounds = array<i64: 256, 128>}, {transform_indices = @transform_7, window_bounds = array<i64: 256, 128>}, {transform_indices = @transform_8, window_bounds = array<i64: 256, 128>}]} {
    %get3A = arith.constant 0 : index
    %get3A_0 = arith.constant 0 : index
    %get3A_1 = vector.load %arg1[%get3A, %get3A_0] : memref<256x256xf32, #tpu.memory_space<vmem>>, vector<256x256xf32>
    %get3A_2 = arith.constant 0 : index
    %get3A_3 = arith.constant 0 : index
    %get3A_4 = arith.constant 0 : index
    %get3A_5 = vector.load %arg2[%get3A_2, %get3A_3, %get3A_4] : memref<2x256x128xf32, #tpu.memory_space<vmem>>, vector<1x256x128xf32>
    %get3A_6 = vector.shape_cast %get3A_5 : vector<1x256x128xf32> to vector<256x128xf32>
    %dot_general3A = arith.constant dense<0.000000e+00> : vector<256x128xf32>
    %dot_general3A_7 = tpu.matmul %get3A_1, %get3A_6, %dot_general3A {dimension_numbers = #tpu.dot_dimension_numbers<[1], [0], [0], [1], [0, 0, 1, 1], [], []>, transpose_lhs_hint = false} : vector<256x256xf32>, vector<256x128xf32>, vector<256x128xf32> -> vector<256x128xf32>
    %get3A_8 = arith.constant 1 : index
    %get3A_9 = arith.constant 0 : index
    %get3A_10 = arith.constant 0 : index
    %get3A_11 = vector.load %arg2[%get3A_8, %get3A_9, %get3A_10] : memref<2x256x128xf32, #tpu.memory_space<vmem>>, vector<1x256x128xf32>
    %get3A_12 = vector.shape_cast %get3A_11 : vector<1x256x128xf32> to vector<256x128xf32>
    %dot_general3A_13 = arith.constant dense<0.000000e+00> : vector<256x128xf32>
    %dot_general3A_14 = tpu.matmul %get3A_1, %get3A_12, %dot_general3A_13 {dimension_numbers = #tpu.dot_dimension_numbers<[1], [0], [0], [1], [0, 0, 1, 1], [], []>, transpose_lhs_hint = false} : vector<256x256xf32>, vector<256x128xf32>, vector<256x128xf32> -> vector<256x128xf32>
    %get3A_15 = arith.constant 0 : index
    %get3A_16 = arith.constant 0 : index
    %get3A_17 = arith.constant 0 : index
    %get3A_18 = vector.load %arg3[%get3A_15, %get3A_16, %get3A_17] : memref<4x128x128xf32, #tpu.memory_space<vmem>>, vector<1x128x128xf32>
    %get3A_19 = vector.shape_cast %get3A_18 : vector<1x128x128xf32> to vector<128x128xf32>
    %dot_general3A_20 = arith.constant dense<0.000000e+00> : vector<256x128xf32>
    %dot_general3A_21 = tpu.matmul %dot_general3A_7, %get3A_19, %dot_general3A_20 {dimension_numbers = #tpu.dot_dimension_numbers<[1], [0], [0], [1], [0, 0, 1, 1], [], []>, transpose_lhs_hint = false} : vector<256x128xf32>, vector<128x128xf32>, vector<256x128xf32> -> vector<256x128xf32>
    %get3A_22 = arith.constant 0 : index
    %get3A_23 = arith.constant 0 : index
    %get3A_24 = arith.constant 0 : index
    %get3A_25 = vector.load %arg4[%get3A_22, %get3A_23, %get3A_24] : memref<4x128x128xf32, #tpu.memory_space<vmem>>, vector<1x128x128xf32>
    %get3A_26 = vector.shape_cast %get3A_25 : vector<1x128x128xf32> to vector<128x128xf32>
    %dot_general3A_27 = arith.constant dense<0.000000e+00> : vector<256x128xf32>
    %dot_general3A_28 = tpu.matmul %dot_general3A_14, %get3A_26, %dot_general3A_27 {dimension_numbers = #tpu.dot_dimension_numbers<[1], [0], [0], [1], [0, 0, 1, 1], [], []>, transpose_lhs_hint = false} : vector<256x128xf32>, vector<128x128xf32>, vector<256x128xf32> -> vector<256x128xf32>
    %add3A = arith.addf %dot_general3A_21, %dot_general3A_28 : vector<256x128xf32>
    %get3A_29 = arith.constant 0 : index
    %get3A_30 = arith.constant 0 : index
    %get3A_31 = vector.load %arg5[%get3A_29, %get3A_30] : memref<4x128xf32, #tpu.memory_space<vmem>>, vector<1x128xf32>
    %add3A_32 = vector.broadcast %get3A_31 : vector<1x128xf32> to vector<256x128xf32>
    %add3A_33 = arith.addf %add3A, %add3A_32 : vector<256x128xf32>
    %swap3A = arith.constant 0 : index
    %swap3A_34 = arith.constant 0 : index
    %swap3A_35 = vector.load %arg6[%swap3A, %swap3A_34] : memref<256x128xf32, #tpu.memory_space<vmem>>, vector<256x128xf32>
    tpu.vector_store %arg6[%swap3A, %swap3A_34], %add3A_33 {strides = array<i32>} : memref<256x128xf32, #tpu.memory_space<vmem>>, vector<256x128xf32>,
    %get3A_36 = arith.constant 1 : index
    %get3A_37 = arith.constant 0 : index
    %get3A_38 = arith.constant 0 : index
    %get3A_39 = vector.load %arg3[%get3A_36, %get3A_37, %get3A_38] : memref<4x128x128xf32, #tpu.memory_space<vmem>>, vector<1x128x128xf32>
    %get3A_40 = vector.shape_cast %get3A_39 : vector<1x128x128xf32> to vector<128x128xf32>
    %dot_general3A_41 = arith.constant dense<0.000000e+00> : vector<256x128xf32>
    %dot_general3A_42 = tpu.matmul %dot_general3A_7, %get3A_40, %dot_general3A_41 {dimension_numbers = #tpu.dot_dimension_numbers<[1], [0], [0], [1], [0, 0, 1, 1], [], []>, transpose_lhs_hint = false} : vector<256x128xf32>, vector<128x128xf32>, vector<256x128xf32> -> vector<256x128xf32>
    %get3A_43 = arith.constant 1 : index
    %get3A_44 = arith.constant 0 : index
    %get3A_45 = arith.constant 0 : index
    %get3A_46 = vector.load %arg4[%get3A_43, %get3A_44, %get3A_45] : memref<4x128x128xf32, #tpu.memory_space<vmem>>, vector<1x128x128xf32>
    %get3A_47 = vector.shape_cast %get3A_46 : vector<1x128x128xf32> to vector<128x128xf32>
    %dot_general3A_48 = arith.constant dense<0.000000e+00> : vector<256x128xf32>
    %dot_general3A_49 = tpu.matmul %dot_general3A_14, %get3A_47, %dot_general3A_48 {dimension_numbers = #tpu.dot_dimension_numbers<[1], [0], [0], [1], [0, 0, 1, 1], [], []>, transpose_lhs_hint = false} : vector<256x128xf32>, vector<128x128xf32>, vector<256x128xf32> -> vector<256x128xf32>
    %add3A_50 = arith.addf %dot_general3A_42, %dot_general3A_49 : vector<256x128xf32>
    %get3A_51 = arith.constant 1 : index
    %get3A_52 = arith.constant 0 : index
    %get3A_53 = vector.load %arg5[%get3A_51, %get3A_52] : memref<4x128xf32, #tpu.memory_space<vmem>>, vector<1x128xf32>
    %add3A_54 = vector.broadcast %get3A_53 : vector<1x128xf32> to vector<256x128xf32>
    %add3A_55 = arith.addf %add3A_50, %add3A_54 : vector<256x128xf32>
    %swap3A_56 = arith.constant 0 : index
    %swap3A_57 = arith.constant 0 : index
    %swap3A_58 = vector.load %arg7[%swap3A_56, %swap3A_57] : memref<256x128xf32, #tpu.memory_space<vmem>>, vector<256x128xf32>
    tpu.vector_store %arg7[%swap3A_56, %swap3A_57], %add3A_55 {strides = array<i32>} : memref<256x128xf32, #tpu.memory_space<vmem>>, vector<256x128xf32>,
    %get3A_59 = arith.constant 2 : index
    %get3A_60 = arith.constant 0 : index
    %get3A_61 = arith.constant 0 : index
    %get3A_62 = vector.load %arg3[%get3A_59, %get3A_60, %get3A_61] : memref<4x128x128xf32, #tpu.memory_space<vmem>>, vector<1x128x128xf32>
    %get3A_63 = vector.shape_cast %get3A_62 : vector<1x128x128xf32> to vector<128x128xf32>
    %dot_general3A_64 = arith.constant dense<0.000000e+00> : vector<256x128xf32>
    %dot_general3A_65 = tpu.matmul %dot_general3A_7, %get3A_63, %dot_general3A_64 {dimension_numbers = #tpu.dot_dimension_numbers<[1], [0], [0], [1], [0, 0, 1, 1], [], []>, transpose_lhs_hint = false} : vector<256x128xf32>, vector<128x128xf32>, vector<256x128xf32> -> vector<256x128xf32>
    %get3A_66 = arith.constant 2 : index
    %get3A_67 = arith.constant 0 : index
    %get3A_68 = arith.constant 0 : index
    %get3A_69 = vector.load %arg4[%get3A_66, %get3A_67, %get3A_68] : memref<4x128x128xf32, #tpu.memory_space<vmem>>, vector<1x128x128xf32>
    %get3A_70 = vector.shape_cast %get3A_69 : vector<1x128x128xf32> to vector<128x128xf32>
    %dot_general3A_71 = arith.constant dense<0.000000e+00> : vector<256x128xf32>
    %dot_general3A_72 = tpu.matmul %dot_general3A_14, %get3A_70, %dot_general3A_71 {dimension_numbers = #tpu.dot_dimension_numbers<[1], [0], [0], [1], [0, 0, 1, 1], [], []>, transpose_lhs_hint = false} : vector<256x128xf32>, vector<128x128xf32>, vector<256x128xf32> -> vector<256x128xf32>
    %add3A_73 = arith.addf %dot_general3A_65, %dot_general3A_72 : vector<256x128xf32>
    %get3A_74 = arith.constant 2 : index
    %get3A_75 = arith.constant 0 : index
    %get3A_76 = vector.load %arg5[%get3A_74, %get3A_75] : memref<4x128xf32, #tpu.memory_space<vmem>>, vector<1x128xf32>
    %add3A_77 = vector.broadcast %get3A_76 : vector<1x128xf32> to vector<256x128xf32>
    %add3A_78 = arith.addf %add3A_73, %add3A_77 : vector<256x128xf32>
    %swap3A_79 = arith.constant 0 : index
    %swap3A_80 = arith.constant 0 : index
    %swap3A_81 = vector.load %arg8[%swap3A_79, %swap3A_80] : memref<256x128xf32, #tpu.memory_space<vmem>>, vector<256x128xf32>
    tpu.vector_store %arg8[%swap3A_79, %swap3A_80], %add3A_78 {strides = array<i32>} : memref<256x128xf32, #tpu.memory_space<vmem>>, vector<256x128xf32>,
    %get3A_82 = arith.constant 3 : index
    %get3A_83 = arith.constant 0 : index
    %get3A_84 = arith.constant 0 : index
    %get3A_85 = vector.load %arg3[%get3A_82, %get3A_83, %get3A_84] : memref<4x128x128xf32, #tpu.memory_space<vmem>>, vector<1x128x128xf32>
    %get3A_86 = vector.shape_cast %get3A_85 : vector<1x128x128xf32> to vector<128x128xf32>
    %dot_general3A_87 = arith.constant dense<0.000000e+00> : vector<256x128xf32>
    %dot_general3A_88 = tpu.matmul %dot_general3A_7, %get3A_86, %dot_general3A_87 {dimension_numbers = #tpu.dot_dimension_numbers<[1], [0], [0], [1], [0, 0, 1, 1], [], []>, transpose_lhs_hint = false} : vector<256x128xf32>, vector<128x128xf32>, vector<256x128xf32> -> vector<256x128xf32>
    %get3A_89 = arith.constant 3 : index
    %get3A_90 = arith.constant 0 : index
    %get3A_91 = arith.constant 0 : index
    %get3A_92 = vector.load %arg4[%get3A_89, %get3A_90, %get3A_91] : memref<4x128x128xf32, #tpu.memory_space<vmem>>, vector<1x128x128xf32>
    %get3A_93 = vector.shape_cast %get3A_92 : vector<1x128x128xf32> to vector<128x128xf32>
    %dot_general3A_94 = arith.constant dense<0.000000e+00> : vector<256x128xf32>
    %dot_general3A_95 = tpu.matmul %dot_general3A_14, %get3A_93, %dot_general3A_94 {dimension_numbers = #tpu.dot_dimension_numbers<[1], [0], [0], [1], [0, 0, 1, 1], [], []>, transpose_lhs_hint = false} : vector<256x128xf32>, vector<128x128xf32>, vector<256x128xf32> -> vector<256x128xf32>
    %add3A_96 = arith.addf %dot_general3A_88, %dot_general3A_95 : vector<256x128xf32>
    %get3A_97 = arith.constant 3 : index
    %get3A_98 = arith.constant 0 : index
    %get3A_99 = vector.load %arg5[%get3A_97, %get3A_98] : memref<4x128xf32, #tpu.memory_space<vmem>>, vector<1x128xf32>
    %add3A_100 = vector.broadcast %get3A_99 : vector<1x128xf32> to vector<256x128xf32>
    %add3A_101 = arith.addf %add3A_96, %add3A_100 : vector<256x128xf32>
    %swap3A_102 = arith.constant 0 : index
    %swap3A_103 = arith.constant 0 : index
    %swap3A_104 = vector.load %arg9[%swap3A_102, %swap3A_103] : memref<256x128xf32, #tpu.memory_space<vmem>>, vector<256x128xf32>
    tpu.vector_store %arg9[%swap3A_102, %swap3A_103], %add3A_101 {strides = array<i32>} : memref<256x128xf32, #tpu.memory_space<vmem>>, vector<256x128xf32>,
    return
  }
  func.func @transform_0(%arg0: i32) -> (i32, i32) {
    %c0_i32 = arith.constant 0 : i32
    %c0_i32_0 = arith.constant 0 : i32
    return %arg0, %c0_i32 : i32, i32
  }
  func.func @transform_1(%arg0: i32) -> (i32, i32, i32) {
    %c0_i32 = arith.constant 0 : i32
    %c0_i32_0 = arith.constant 0 : i32
    %c0_i32_1 = arith.constant 0 : i32
    %c0_i32_2 = arith.constant 0 : i32
    return %c0_i32, %c0_i32_0, %c0_i32_1 : i32, i32, i32
  }
  func.func @transform_2(%arg0: i32) -> (i32, i32, i32) {
    %c0_i32 = arith.constant 0 : i32
    %c0_i32_0 = arith.constant 0 : i32
    %c0_i32_1 = arith.constant 0 : i32
    %c0_i32_2 = arith.constant 0 : i32
    return %c0_i32, %c0_i32_0, %c0_i32_1 : i32, i32, i32
  }
  func.func @transform_3(%arg0: i32) -> (i32, i32, i32) {
    %c0_i32 = arith.constant 0 : i32
    %c0_i32_0 = arith.constant 0 : i32
    %c0_i32_1 = arith.constant 0 : i32
    %c0_i32_2 = arith.constant 0 : i32
    return %c0_i32, %c0_i32_0, %c0_i32_1 : i32, i32, i32
  }
  func.func @transform_4(%arg0: i32) -> (i32, i32) {
    %c0_i32 = arith.constant 0 : i32
    %c0_i32_0 = arith.constant 0 : i32
    %c0_i32_1 = arith.constant 0 : i32
    return %c0_i32, %c0_i32_0 : i32, i32
  }
  func.func @transform_5(%arg0: i32) -> (i32, i32) {
    %c0_i32 = arith.constant 0 : i32
    %c0_i32_0 = arith.constant 0 : i32
    return %arg0, %c0_i32 : i32, i32
  }
  func.func @transform_6(%arg0: i32) -> (i32, i32) {
    %c0_i32 = arith.constant 0 : i32
    %c0_i32_0 = arith.constant 0 : i32
    return %arg0, %c0_i32 : i32, i32
  }
  func.func @transform_7(%arg0: i32) -> (i32, i32) {
    %c0_i32 = arith.constant 0 : i32
    %c0_i32_0 = arith.constant 0 : i32
    return %arg0, %c0_i32 : i32, i32
  }
  func.func @transform_8(%arg0: i32) -> (i32, i32) {
    %c0_i32 = arith.constant 0 : i32
    %c0_i32_0 = arith.constant 0 : i32
    return %arg0, %c0_i32 : i32, i32
  }
}

module attributes {stable_mosaic.version = 14 : i64} {
  func.func @_tc_b_body(%arg0: i32, %arg1: memref<256x128xf32, #tpu.memory_space<vmem>>, %arg2: memref<256x128xf32, #tpu.memory_space<vmem>>, %arg3: memref<256x128xf32, #tpu.memory_space<vmem>>, %arg4: memref<256x128xf32, #tpu.memory_space<vmem>>, %arg5: memref<128x128xf32, #tpu.memory_space<vmem>>, %arg6: memref<4x128x128xf32, #tpu.memory_space<vmem>>, %arg7: memref<1x128xf32, #tpu.memory_space<vmem>>, %arg8: memref<256x128xf32, #tpu.memory_space<vmem>>, %arg9: memref<256x128xf32, #tpu.memory_space<vmem>>) attributes {dimension_semantics = [#tpu.dimension_semantics<arbitrary>], iteration_bounds = array<i64: 49>, scalar_prefetch = 0 : i64, scratch_operands = 0 : i64, tpu.core_type = #tpu.core_type<tc>, window_params = [{transform_indices = @transform_0, window_bounds = array<i64: 256, 128>}, {transform_indices = @transform_1, window_bounds = array<i64: 256, 128>}, {transform_indices = @transform_2, window_bounds = array<i64: 256, 128>}, {transform_indices = @transform_3, window_bounds = array<i64: 256, 128>}, {pipeline_mode = #tpu.pipeline_mode<synchronous>, transform_indices = @transform_4, window_bounds = array<i64: 128, 128>}, {pipeline_mode = #tpu.pipeline_mode<synchronous>, transform_indices = @transform_5, window_bounds = array<i64: 4, 128, 128>}, {pipeline_mode = #tpu.pipeline_mode<synchronous>, transform_indices = @transform_6, window_bounds = array<i64: 1, 128>}, {transform_indices = @transform_7, window_bounds = array<i64: 256, 128>}, {transform_indices = @transform_8, window_bounds = array<i64: 256, 128>}]} {
    %get3A = arith.constant 0 : index
    %get3A_0 = arith.constant 0 : index
    %get3A_1 = vector.load %arg1[%get3A, %get3A_0] : memref<256x128xf32, #tpu.memory_space<vmem>>, vector<256x128xf32>
    %get3A_2 = arith.constant 0 : index
    %get3A_3 = arith.constant 0 : index
    %get3A_4 = vector.load %arg2[%get3A_2, %get3A_3] : memref<256x128xf32, #tpu.memory_space<vmem>>, vector<256x128xf32>
    %get3A_5 = arith.constant 0 : index
    %get3A_6 = arith.constant 0 : index
    %get3A_7 = vector.load %arg5[%get3A_5, %get3A_6] : memref<128x128xf32, #tpu.memory_space<vmem>>, vector<128x128xf32>
    %dot_general3A = arith.constant dense<0.000000e+00> : vector<256x128xf32>
    %dot_general3A_8 = tpu.matmul %get3A_4, %get3A_7, %dot_general3A {dimension_numbers = #tpu.dot_dimension_numbers<[1], [0], [0], [1], [0, 0, 1, 1], [], []>, transpose_lhs_hint = false} : vector<256x128xf32>, vector<128x128xf32>, vector<256x128xf32> -> vector<256x128xf32>
    %max3A = arith.constant 1.000000e+00 : f32
    %max3A_9 = vector.broadcast %max3A : f32 to vector<256x128xf32>
    %max3A_10 = arith.maximumf %dot_general3A_8, %max3A_9 : vector<256x128xf32>
    %div3A = arith.constant 1.000000e+00 : f32
    %div3A_11 = vector.broadcast %div3A : f32 to vector<256x128xf32>
    %div3A_12 = arith.divf %div3A_11, %max3A_10 : vector<256x128xf32>
    %mul3A = arith.mulf %get3A_1, %div3A_12 : vector<256x128xf32>
    %get3A_13 = arith.constant 0 : index
    %get3A_14 = arith.constant 0 : index
    %get3A_15 = vector.load %arg3[%get3A_13, %get3A_14] : memref<256x128xf32, #tpu.memory_space<vmem>>, vector<256x128xf32>
    %add3A = arith.addf %mul3A, %get3A_15 : vector<256x128xf32>
    %max3A_16 = arith.constant 0.000000e+00 : f32
    %max3A_17 = vector.broadcast %max3A_16 : f32 to vector<256x128xf32>
    %max3A_18 = arith.maximumf %add3A, %max3A_17 : vector<256x128xf32>
    %mul3A_19 = arith.mulf %get3A_4, %div3A_12 : vector<256x128xf32>
    %get3A_20 = arith.constant 0 : index
    %get3A_21 = arith.constant 0 : index
    %get3A_22 = vector.load %arg4[%get3A_20, %get3A_21] : memref<256x128xf32, #tpu.memory_space<vmem>>, vector<256x128xf32>
    %add3A_23 = arith.addf %mul3A_19, %get3A_22 : vector<256x128xf32>
    %max3A_24 = arith.constant 0.000000e+00 : f32
    %max3A_25 = vector.broadcast %max3A_24 : f32 to vector<256x128xf32>
    %max3A_26 = arith.maximumf %add3A_23, %max3A_25 : vector<256x128xf32>
    %get3A_27 = arith.constant 0 : index
    %get3A_28 = arith.constant 0 : index
    %get3A_29 = arith.constant 0 : index
    %get3A_30 = vector.load %arg6[%get3A_27, %get3A_28, %get3A_29] : memref<4x128x128xf32, #tpu.memory_space<vmem>>, vector<1x128x128xf32>
    %get3A_31 = vector.shape_cast %get3A_30 : vector<1x128x128xf32> to vector<128x128xf32>
    %dot_general3A_32 = arith.constant dense<0.000000e+00> : vector<256x128xf32>
    %dot_general3A_33 = tpu.matmul %max3A_18, %get3A_31, %dot_general3A_32 {dimension_numbers = #tpu.dot_dimension_numbers<[1], [0], [0], [1], [0, 0, 1, 1], [], []>, transpose_lhs_hint = false} : vector<256x128xf32>, vector<128x128xf32>, vector<256x128xf32> -> vector<256x128xf32>
    %get3A_34 = arith.constant 1 : index
    %get3A_35 = arith.constant 0 : index
    %get3A_36 = arith.constant 0 : index
    %get3A_37 = vector.load %arg6[%get3A_34, %get3A_35, %get3A_36] : memref<4x128x128xf32, #tpu.memory_space<vmem>>, vector<1x128x128xf32>
    %get3A_38 = vector.shape_cast %get3A_37 : vector<1x128x128xf32> to vector<128x128xf32>
    %dot_general3A_39 = arith.constant dense<0.000000e+00> : vector<256x128xf32>
    %dot_general3A_40 = tpu.matmul %max3A_26, %get3A_38, %dot_general3A_39 {dimension_numbers = #tpu.dot_dimension_numbers<[1], [0], [0], [1], [0, 0, 1, 1], [], []>, transpose_lhs_hint = false} : vector<256x128xf32>, vector<128x128xf32>, vector<256x128xf32> -> vector<256x128xf32>
    %add3A_41 = arith.addf %dot_general3A_33, %dot_general3A_40 : vector<256x128xf32>
    %swap3A = arith.constant 0 : index
    %swap3A_42 = arith.constant 0 : index
    %swap3A_43 = vector.load %arg8[%swap3A, %swap3A_42] : memref<256x128xf32, #tpu.memory_space<vmem>>, vector<256x128xf32>
    tpu.vector_store %arg8[%swap3A, %swap3A_42], %add3A_41 {strides = array<i32>} : memref<256x128xf32, #tpu.memory_space<vmem>>, vector<256x128xf32>,
    %get3A_44 = arith.constant 2 : index
    %get3A_45 = arith.constant 0 : index
    %get3A_46 = arith.constant 0 : index
    %get3A_47 = vector.load %arg6[%get3A_44, %get3A_45, %get3A_46] : memref<4x128x128xf32, #tpu.memory_space<vmem>>, vector<1x128x128xf32>
    %get3A_48 = vector.shape_cast %get3A_47 : vector<1x128x128xf32> to vector<128x128xf32>
    %dot_general3A_49 = arith.constant dense<0.000000e+00> : vector<256x128xf32>
    %dot_general3A_50 = tpu.matmul %max3A_18, %get3A_48, %dot_general3A_49 {dimension_numbers = #tpu.dot_dimension_numbers<[1], [0], [0], [1], [0, 0, 1, 1], [], []>, transpose_lhs_hint = false} : vector<256x128xf32>, vector<128x128xf32>, vector<256x128xf32> -> vector<256x128xf32>
    %get3A_51 = arith.constant 3 : index
    %get3A_52 = arith.constant 0 : index
    %get3A_53 = arith.constant 0 : index
    %get3A_54 = vector.load %arg6[%get3A_51, %get3A_52, %get3A_53] : memref<4x128x128xf32, #tpu.memory_space<vmem>>, vector<1x128x128xf32>
    %get3A_55 = vector.shape_cast %get3A_54 : vector<1x128x128xf32> to vector<128x128xf32>
    %dot_general3A_56 = arith.constant dense<0.000000e+00> : vector<256x128xf32>
    %dot_general3A_57 = tpu.matmul %max3A_26, %get3A_55, %dot_general3A_56 {dimension_numbers = #tpu.dot_dimension_numbers<[1], [0], [0], [1], [0, 0, 1, 1], [], []>, transpose_lhs_hint = false} : vector<256x128xf32>, vector<128x128xf32>, vector<256x128xf32> -> vector<256x128xf32>
    %add3A_58 = arith.addf %dot_general3A_50, %dot_general3A_57 : vector<256x128xf32>
    %get3A_59 = arith.constant 0 : index
    %get3A_60 = arith.constant 0 : index
    %get3A_61 = vector.load %arg7[%get3A_59, %get3A_60] : memref<1x128xf32, #tpu.memory_space<vmem>>, vector<1x128xf32>
    %add3A_62 = vector.broadcast %get3A_61 : vector<1x128xf32> to vector<256x128xf32>
    %add3A_63 = arith.addf %add3A_58, %add3A_62 : vector<256x128xf32>
    %swap3A_64 = arith.constant 0 : index
    %swap3A_65 = arith.constant 0 : index
    %swap3A_66 = vector.load %arg9[%swap3A_64, %swap3A_65] : memref<256x128xf32, #tpu.memory_space<vmem>>, vector<256x128xf32>
    tpu.vector_store %arg9[%swap3A_64, %swap3A_65], %add3A_63 {strides = array<i32>} : memref<256x128xf32, #tpu.memory_space<vmem>>, vector<256x128xf32>,
    return
  }
  func.func @transform_0(%arg0: i32) -> (i32, i32) {
    %c0_i32 = arith.constant 0 : i32
    %c0_i32_0 = arith.constant 0 : i32
    return %arg0, %c0_i32 : i32, i32
  }
  func.func @transform_1(%arg0: i32) -> (i32, i32) {
    %c0_i32 = arith.constant 0 : i32
    %c0_i32_0 = arith.constant 0 : i32
    return %arg0, %c0_i32 : i32, i32
  }
  func.func @transform_2(%arg0: i32) -> (i32, i32) {
    %c0_i32 = arith.constant 0 : i32
    %c0_i32_0 = arith.constant 0 : i32
    return %arg0, %c0_i32 : i32, i32
  }
  func.func @transform_3(%arg0: i32) -> (i32, i32) {
    %c0_i32 = arith.constant 0 : i32
    %c0_i32_0 = arith.constant 0 : i32
    return %arg0, %c0_i32 : i32, i32
  }
  func.func @transform_4(%arg0: i32) -> (i32, i32) {
    %c0_i32 = arith.constant 0 : i32
    %c0_i32_0 = arith.constant 0 : i32
    %c0_i32_1 = arith.constant 0 : i32
    return %c0_i32, %c0_i32_0 : i32, i32
  }
  func.func @transform_5(%arg0: i32) -> (i32, i32, i32) {
    %c0_i32 = arith.constant 0 : i32
    %c0_i32_0 = arith.constant 0 : i32
    %c0_i32_1 = arith.constant 0 : i32
    %c0_i32_2 = arith.constant 0 : i32
    return %c0_i32, %c0_i32_0, %c0_i32_1 : i32, i32, i32
  }
  func.func @transform_6(%arg0: i32) -> (i32, i32) {
    %c0_i32 = arith.constant 0 : i32
    %c0_i32_0 = arith.constant 0 : i32
    %c0_i32_1 = arith.constant 0 : i32
    return %c0_i32, %c0_i32_0 : i32, i32
  }
  func.func @transform_7(%arg0: i32) -> (i32, i32) {
    %c0_i32 = arith.constant 0 : i32
    %c0_i32_0 = arith.constant 0 : i32
    return %arg0, %c0_i32 : i32, i32
  }
  func.func @transform_8(%arg0: i32) -> (i32, i32) {
    %c0_i32 = arith.constant 0 : i32
    %c0_i32_0 = arith.constant 0 : i32
    return %arg0, %c0_i32 : i32, i32
  }
}

module attributes {stable_mosaic.version = 14 : i64} {
  func.func @_tc_c_body(%arg0: i32, %arg1: memref<256x128xf32, #tpu.memory_space<vmem>>, %arg2: memref<256x128xf32, #tpu.memory_space<vmem>>, %arg3: memref<256x128xf32, #tpu.memory_space<vmem>>, %arg4: memref<256x128xf32, #tpu.memory_space<vmem>>, %arg5: memref<128x128xf32, #tpu.memory_space<vmem>>, %arg6: memref<256x128xf32, #tpu.memory_space<vmem>>) attributes {dimension_semantics = [#tpu.dimension_semantics<arbitrary>], iteration_bounds = array<i64: 49>, scalar_prefetch = 0 : i64, scratch_operands = 0 : i64, tpu.core_type = #tpu.core_type<tc>, window_params = [{transform_indices = @transform_0, window_bounds = array<i64: 256, 128>}, {transform_indices = @transform_1, window_bounds = array<i64: 256, 128>}, {transform_indices = @transform_2, window_bounds = array<i64: 256, 128>}, {transform_indices = @transform_3, window_bounds = array<i64: 256, 128>}, {pipeline_mode = #tpu.pipeline_mode<synchronous>, transform_indices = @transform_4, window_bounds = array<i64: 128, 128>}, {transform_indices = @transform_5, window_bounds = array<i64: 256, 128>}]} {
    %get3A = arith.constant 0 : index
    %get3A_0 = arith.constant 0 : index
    %get3A_1 = vector.load %arg4[%get3A, %get3A_0] : memref<256x128xf32, #tpu.memory_space<vmem>>, vector<256x128xf32>
    %get3A_2 = arith.constant 0 : index
    %get3A_3 = arith.constant 0 : index
    %get3A_4 = vector.load %arg5[%get3A_2, %get3A_3] : memref<128x128xf32, #tpu.memory_space<vmem>>, vector<128x128xf32>
    %dot_general3A = arith.constant dense<0.000000e+00> : vector<256x128xf32>
    %dot_general3A_5 = tpu.matmul %get3A_1, %get3A_4, %dot_general3A {dimension_numbers = #tpu.dot_dimension_numbers<[1], [0], [0], [1], [0, 0, 1, 1], [], []>, transpose_lhs_hint = false} : vector<256x128xf32>, vector<128x128xf32>, vector<256x128xf32> -> vector<256x128xf32>
    %max3A = arith.constant 1.000000e+00 : f32
    %max3A_6 = vector.broadcast %max3A : f32 to vector<256x128xf32>
    %max3A_7 = arith.maximumf %dot_general3A_5, %max3A_6 : vector<256x128xf32>
    %div3A = arith.constant 1.000000e+00 : f32
    %div3A_8 = vector.broadcast %div3A : f32 to vector<256x128xf32>
    %div3A_9 = arith.divf %div3A_8, %max3A_7 : vector<256x128xf32>
    %get3A_10 = arith.constant 0 : index
    %get3A_11 = arith.constant 0 : index
    %get3A_12 = vector.load %arg1[%get3A_10, %get3A_11] : memref<256x128xf32, #tpu.memory_space<vmem>>, vector<256x128xf32>
    %get3A_13 = arith.constant 0 : index
    %get3A_14 = arith.constant 0 : index
    %get3A_15 = vector.load %arg2[%get3A_13, %get3A_14] : memref<256x128xf32, #tpu.memory_space<vmem>>, vector<256x128xf32>
    %add3A = arith.addf %get3A_12, %get3A_15 : vector<256x128xf32>
    %mul3A = arith.mulf %add3A, %div3A_9 : vector<256x128xf32>
    %get3A_16 = arith.constant 0 : index
    %get3A_17 = arith.constant 0 : index
    %get3A_18 = vector.load %arg3[%get3A_16, %get3A_17] : memref<256x128xf32, #tpu.memory_space<vmem>>, vector<256x128xf32>
    %add3A_19 = arith.addf %mul3A, %get3A_18 : vector<256x128xf32>
    %max3A_20 = arith.constant 0.000000e+00 : f32
    %max3A_21 = vector.broadcast %max3A_20 : f32 to vector<256x128xf32>
    %max3A_22 = arith.maximumf %add3A_19, %max3A_21 : vector<256x128xf32>
    %swap3A = arith.constant 0 : index
    %swap3A_23 = arith.constant 0 : index
    %swap3A_24 = vector.load %arg6[%swap3A, %swap3A_23] : memref<256x128xf32, #tpu.memory_space<vmem>>, vector<256x128xf32>
    tpu.vector_store %arg6[%swap3A, %swap3A_23], %max3A_22 {strides = array<i32>} : memref<256x128xf32, #tpu.memory_space<vmem>>, vector<256x128xf32>,
    return
  }
  func.func @transform_0(%arg0: i32) -> (i32, i32) {
    %c0_i32 = arith.constant 0 : i32
    %c0_i32_0 = arith.constant 0 : i32
    return %arg0, %c0_i32 : i32, i32
  }
  func.func @transform_1(%arg0: i32) -> (i32, i32) {
    %c0_i32 = arith.constant 0 : i32
    %c0_i32_0 = arith.constant 0 : i32
    return %arg0, %c0_i32 : i32, i32
  }
  func.func @transform_2(%arg0: i32) -> (i32, i32) {
    %c0_i32 = arith.constant 0 : i32
    %c0_i32_0 = arith.constant 0 : i32
    return %arg0, %c0_i32 : i32, i32
  }
  func.func @transform_3(%arg0: i32) -> (i32, i32) {
    %c0_i32 = arith.constant 0 : i32
    %c0_i32_0 = arith.constant 0 : i32
    return %arg0, %c0_i32 : i32, i32
  }
  func.func @transform_4(%arg0: i32) -> (i32, i32) {
    %c0_i32 = arith.constant 0 : i32
    %c0_i32_0 = arith.constant 0 : i32
    %c0_i32_1 = arith.constant 0 : i32
    return %c0_i32, %c0_i32_0 : i32, i32
  }
  func.func @transform_5(%arg0: i32) -> (i32, i32) {
    %c0_i32 = arith.constant 0 : i32
    %c0_i32_0 = arith.constant 0 : i32
    return %arg0, %c0_i32 : i32, i32
  }
}

</mosaic_0001>

<sc_bundles>
// kernel: kernel.10.cloned.1.call-start
scs
__scs_entry_jumppad:
0x0: {  	(pc) =	sbr.rel $0x88, $3  }
0x1: {  	(tag) =	ssettag $0x0;
	lr =	simm.s32 $0x1  }
0x2: {  	[smem:$0x3F99] =	sst lr;
	_ =	strace $0xD0000000  }
0x3: {  	_ = 	snop  }
0x4: {  	_ = 	snop  }
0x5: {  	_ = 	snop  }
0x6: {  	_ = 	snop  }
0x7: {  	_ = 	snop  }
__scs_overlays_trampoline_lowered:
0x8: {  	[smem:$0x3FA8] =	sst s0  }
0x9: {  	[smem:$0x3FA9] =	sst s1  }
0xa: {  	[smem:$0x3FAA] =	sst s2  }
0xb: {  	[smem:$0x3FAB] =	sst s3  }
0xc: {  	[smem:$0x3FAC] =	sst s4  }
0xd: {  	[smem:$0x3FAD] =	sst s5  }
0xe: {  	[smem:$0x3FAE] =	sst s6  }
0xf: {  	[smem:$0x3FAF] =	sst s7  }
0x10: {  	[smem:$0x3FB0] =	sst s8  }
0x11: {  	[smem:$0x3FB1] =	sst s9;
	s0 =	simm.s32 @!p0 $0x0  }
0x12: {  	s1 =	sld [smem:$0x3F97];
	s0 =	simm.s32 @p0 $0x1  }
0x13: {  	[smem:$0x3FB2] =	sst s0;
	s0 =	simm.s32 @!p1 $0x0  }
0x14: {  	s2 =	sld [smem:$0x3F96];
	s0 =	simm.s32 @p1 $0x1  }
0x15: {  	[smem:$0x3FB3] =	sst s0;
	s0 =	simm.s32 @!p2 $0x0  }
0x16: {  	s3 =	sld [smem:$0x3FDB];
	s0 =	simm.s32 @p2 $0x1  }
0x17: {  	s4 =	simm.s32 $0x1BF5;
	[smem:$0x3FB5] =	sst s0  }
0x18: {  	s0 =	sld [smem:$0x3F98];
	_ =	swait.ge [sflag:s4], $0x0  }
0x19: {  	s7 =	sld [smem:$0x3F99]  }
0x1a: {  	s8 =	sadd.s32 $0xFFFFE003, lr  }
0x1b: {  	s9 =	sadd.s32 $0xFFFFFEF7, lr;
	s5 =	simm.s32 $0xFFFFFFFF;
	p2 =	slt.u32 s8, $0xFFFFF086  }
0x1c: {  	p1 =	slt.u32 s9, $0xF7A;
	s5 =	simm.s32 @!p2 $0x0  }
0x1d: {  	s5 =	simm.s32 @p1 $0x1;
	p0 =	seq.s32 s7, s2  }
0x1e: {  	s7 =	smul.u32 @!p0 $0xF7A, s2;
	p2 =	seq.s32 @!p0 s5, $0x0  }
0x1f: {  	s9 =	smul.u32 $0xF7A, s1;
	s8 =	simm.s32 @!p0 $0x1BF5;
	p2 =	por !p2, p0  }
0x20: {  	[sflag:s8] =	ssyncset.s32 @!p0 $0xFFFFF086;
	s6 =	sadd.s32 @!p0 s3, s7;
	s7 =	simm.s32 @!p0 $0x108  }
0x21: {  	s3 =	sadd.s32 s3, s9;
	s6 =	sadd.s32 @!p0 $0x88, s6;
	s7 =	simm.s32 @p2 $0x1082  }
0x22: {  	[simem:s7], [sflag:s8] =	dma.local @!p0 [hbm:s6], $0xF7A  }
0x23: {  	s9 =	sor.u32 $0xD0000000, s2;
	s6 =	simm.s32 $0x108;
	_ =	swait.ge @!p0 [sflag:s8], $0x0  }
0x24: {  	s3 =	sadd.s32 $0x88, s3;
	s6 =	simm.s32 @!p1 $0x1082;
	[sflag:s4] =	ssyncset.s32 $0xFFFFF086  }
0x25: {  	[simem:s6], [sflag:s4] =	dma.local [hbm:s3], $0xF7A  }
0x26: {  	[smem:$0x3F99] =	sst s1;
	(tag) =	ssettag s2;
	_ =	strace s9  }
0x27: {  	s1 =	sld [smem:$0x3FA9]  }
0x28: {  	s2 =	sld [smem:$0x3FAA]  }
0x29: {  	s4 =	sld [smem:$0x3FAC]  }
0x2a: {  	p0 =	seq.s32 s5, $0x0;
	s5 =	sld [smem:$0x3FAD]  }
0x2b: {  	s6 =	sld [smem:$0x3FAE]  }
0x2c: {  	s7 =	sld [smem:$0x3FAF]  }
0x2d: {  	s3 =	simm.s32 $0x108;
	s8 =	sld [smem:$0x3FB0]  }
0x2e: {  	s3 =	simm.s32 @!p0 $0x1082;
	s9 =	sld [smem:$0x3FB1]  }
0x2f: {  	lr =	sadd.s32 s0, s3;
	s0 =	sld [smem:$0x3FA8]  }
0x30: {  	s3 =	sld [smem:$0x3FAB]  }
0x31: {  	[smem:$0x3FB4] =	sst s10  }
0x32: {  	s10 =	sld [smem:$0x3FB2];
	_ =	sdelay $0x3  }
0x33: {  	p0 =	seq.s32 s10, $0x1;
	s10 =	sld [smem:$0x3FB4];
	_ =	sdelay $0x3  }
0x34: {  	[smem:$0x3FB4] =	sst s10  }
0x35: {  	s10 =	sld [smem:$0x3FB3];
	_ =	sdelay $0x3  }
0x36: {  	p1 =	seq.s32 s10, $0x1;
	s10 =	sld [smem:$0x3FB4];
	_ =	sdelay $0x3  }
0x37: {  	[smem:$0x3FB4] =	sst s10  }
0x38: {  	s10 =	sld [smem:$0x3FB5]  }
0x39: {  	_ = 	snop;
	(pc) =	sbr.ind lr, $3  }
0x3a: {  	_ = 	snop  }
0x3b: {  	_ = 	snop  }
0x3c: {  	p2 =	seq.s32 s10, $0x1;
	s10 =	sld [smem:$0x3FB4]  }
0x3d: {  	_ =	shalt  }
0x3e: {  	_ =	shalt  }
0x3f: {  	_ =	shalt  }
0x40: {  	_ =	shalt  }
0x41: {  	_ =	shalt  }
0x42: {  	_ =	shalt  }
0x43: {  	_ =	shalt  }
0x44: {  	_ =	shalt  }
0x45: {  	_ =	shalt  }
0x46: {  	_ =	shalt  }
0x47: {  	_ =	shalt  }
0x48: {  	_ =	shalt  }
0x49: {  	_ =	shalt  }
0x4a: {  	_ =	shalt  }
0x4b: {  	_ =	shalt  }
0x4c: {  	_ =	shalt  }
0x4d: {  	_ =	shalt  }
0x4e: {  	_ =	shalt  }
0x4f: {  	_ =	shalt  }
0x50: {  	_ =	shalt  }
0x51: {  	_ =	shalt  }
0x52: {  	_ =	shalt  }
0x53: {  	_ =	shalt  }
0x54: {  	_ =	shalt  }
0x55: {  	_ =	shalt  }
0x56: {  	_ =	shalt  }
0x57: {  	_ =	shalt  }
0x58: {  	_ =	shalt  }
0x59: {  	_ =	shalt  }
0x5a: {  	_ =	shalt  }
0x5b: {  	_ =	shalt  }
0x5c: {  	_ =	shalt  }
0x5d: {  	_ =	shalt  }
0x5e: {  	_ =	shalt  }
0x5f: {  	_ =	shalt  }
0x60: {  	_ =	shalt  }
0x61: {  	_ =	shalt  }
0x62: {  	_ =	shalt  }
0x63: {  	_ =	shalt  }
0x64: {  	_ =	shalt  }
0x65: {  	_ =	shalt  }
0x66: {  	_ =	shalt  }
0x67: {  	_ =	shalt  }
0x68: {  	_ =	shalt  }
0x69: {  	_ =	shalt  }
0x6a: {  	_ =	shalt  }
0x6b: {  	_ =	shalt  }
0x6c: {  	_ =	shalt  }
0x6d: {  	_ =	shalt  }
0x6e: {  	_ =	shalt  }
0x6f: {  	_ =	shalt  }
0x70: {  	_ =	shalt  }
0x71: {  	_ =	shalt  }
0x72: {  	_ =	shalt  }
0x73: {  	_ =	shalt  }
0x74: {  	_ =	shalt  }
0x75: {  	_ =	shalt  }
0x76: {  	_ =	shalt  }
0x77: {  	_ =	shalt  }
0x78: {  	_ =	shalt  }
0x79: {  	_ =	shalt  }
0x7a: {  	_ =	shalt  }
0x7b: {  	_ =	shalt  }
0x7c: {  	_ =	shalt  }
0x7d: {  	_ =	shalt  }
0x7e: {  	_ =	shalt  }
0x7f: {  	_ =	shalt  }
0x80: {  	_ =	shalt  }
0x81: {  	_ =	shalt  }
0x82: {  	_ =	shalt  }
0x83: {  	_ =	shalt  }
0x84: {  	_ =	shalt  }
0x85: {  	_ =	shalt  }
0x86: {  	_ =	shalt  }
0x87: {  	_ =	shalt  }
.Lfunc_end0:
.L_simem_size_0:
called_computation.1_lowered:
.L_overlay_start_0:
0x88: {  	s2 =	sld [smem:$0x3FD9]  }
0x89: {  	s3 =	sld [smem:$0x3FFE];
	_ =	sdelay $0x1  }
0x8a: {  	s1 =	srdreg.scid  }
0x8b: {  	s0 =	sand.u32 $0x1, s1  }
0x8c: {  	s16 =	sshll.u32 s0, $0xA;
	s2 =	sadd.s32 s3, s2  }
0x8d: {  	s2 =	sadd.s32 s2, s16  }
0x8e: {  	[smem:$0x3FC0] =	sst s2  }
0x8f: {  	_ = 	snop  }
0x90: {  	(tm) =	ssettm $0x1  }
0x91: {  	s17 =	sld [smem:$0x3FFB];
	_ =	sdelay $0x3  }
0x92: {  	_ =	strace s17  }
0x93: {  	s2 =	sld [smem:$0x3FFC];
	_ =	sdelay $0x3  }
0x94: {  	_ =	strace s2  }
0x95: {  	s2 =	sld [smem:$0x3FFD];
	_ =	sdelay $0x3  }
0x96: {  	_ =	strace s2  }
0x97: {  	_ =	strace $0x8FFFFFFF  }
0x98: {  	s18 =	sld [smem:$0x3FDB];
	_ =	sdelay $0x1  }
0x99: {  	s19 =	simm.s32 $_scs_section_size  }
0x9a: {  	s4 =	simm.s32 $_size__tile_overlayer_lowered;
	s5 =	simm.s32 $_tile_overlayer_lowered  }
0x9b: {  	s22 =	simm.s32 $0x1BFF;
	s21 =	sshll.u32 s5, $0x1;
	s2 =	sadd.s32 s19, s18  }
0x9c: {  	s6 =	simm.s32 $0x0;
	s20 =	sshll.u32 s4, $0x1;
	s4 =	sadd.s32 s21, s2  }
0x9d: {  	[timem:s6], [sflag:s22] =	dma.local [hbm:s4], s20  }
0x9e: {  	_ =	swait.ge [sflag:s22], s20  }
0x9f: {  	s3 =	ssub.s32 $0x0, s20;
	[sflag:s22] =	ssyncset.done $0x0  }
0xa0: {  	[sflag:s22] =	ssyncadd.s32 s3;
	_ =	sdelay $0x1  }
0xa1: {  	s23 =	simm.s32 $0x1B8B  }
0xa2: {  	_ =	swait.ge [sflag:s23], $0x1  }
0xa3: {  	[sflag:s23] =	ssyncset.done $0x0  }
0xa4: {  	s25 =	simm.s32 $0x1B8E;
	s24 =	sld [smem:$0x3FFE];
	[sflag:s23] =	ssyncadd.s32 $0xFFFFFFFF  }
0xa5: {  	s26 =	simm.s32 $execute0_lowered;
	[smem:$0x3FD2] =	sst s25  }
0xa6: {  	s4 =	sshll.u32 s26, $0x1;
	_ =	strace $0x80000049;
	[dreg:$0x1] =	wrdreg $0xFFFFFFFF  }
0xa7: {  	s28 =	simm.s32 $_size_execute0_lowered;
	s2 =	sadd.s32 s2, s4;
	[dreg:$0x0] =	wrdreg $0x0  }
0xa8: {  	s4 =	sshll.u32 s28, $0x1;
	[dreg:$0x2] =	wrdreg s2  }
0xa9: {  	[dreg:$0x3] =	wrdreg s4  }
0xaa: {  	[dreg:$0x4] =	wrdreg $0xC0  }
0xab: {  	_ =	task [dreg:s6], $0x5FFFF  }
0xac: {  	[dreg:$0x1] =	wrdreg $0xFFFFFFFF  }
0xad: {  	[dreg:$0x0] =	wrdreg $0x60  }
0xae: {  	[dreg:$0x2] =	wrdreg s24  }
0xaf: {  	[dreg:$0x3] =	wrdreg $0x74000  }
0xb0: {  	[dreg:$0x4] =	wrdreg $0x9  }
0xb1: {  	_ =	task.clear_ibuf [dreg:s6], $0x5FFFF;
	_ =	strace $0x90000049  }
0xb2: {  	s29 =	simm.s32 $0x9;
	_ =	strace $0x8000004B  }
0xb3: {  	_ =	swait.ge [sflag:s29], $0x1  }
0xb4: {  	[sflag:s29] =	ssyncadd.s32 $0xFFFFFFFF  }
0xb5: {  	_ =	strace $0x9000004B  }
0xb6: {  	_ =	sfence  }
0xb7: {  	s30 =	sld [smem:$0x0];
	_ =	sdelay $0x2  }
0xb8: {  	s31 =	sshll.u32 s1, $0xD;
	s1 =	sshrl.u32 s1, $0x2  }
0xb9: {  	s3 =	sand.u32 $0x4000, s31;
	s1 =	sadd.s32 s1, s30  }
0xba: {  	s0 =	sor.u32 s3, s0;
	s1 =	sshll.u32 s1, $0x11  }
0xbb: {  	s0 =	sor.u32 s1, s0  }
0xbc: {  	s0 =	sadd.s32 $0x8F2B, s0  }
0xbd: {  	[sflag:s0] =	ssyncadd.remote.s32 $0x1  }
0xbe: {  	_ =	sfence.sel $0xFFFF  }
0xbf: {  	[dreg:$0x0] =	wrdreg $0xFFFFFFFF;
	(pc) =	sbr.abs _section_cstart, $3  }
0xc0: {  	[dreg:$0x1] =	wrdreg $0xFFFFFFFF  }
0xc1: {  	_ =	task.clear_ibuf [dreg:s6], $0x2FFFF;
	_ =	strace $0x9FFFFFFF  }
0xc2: {  	(tm) =	ssettm $0x7FFFFFFF  }
0xc3: {  	_ =	shalt  }
tec
execute0_lowered:
.L_overlay_start_1:
0x0: {  	(tag) =	ssettag $0x1  }
0x1: {  	s0 =	rddreg [dreg:$0x0]  }
0x2: {  	s1 =	rddreg [dreg:$0x1];
	s2 =	simm.s32 $0x0  }
0x3: {  	s3 =	srdreg.scid;
	s14 =	stileid.u32;
	s15 =	simm.s32 $0x3  }
0x4: {  	s17 =	simm.s32 $0x80;
	s30 =	simm.s32 $0x1;
	s20 =	smul.u32 $0x62000, s14  }
0x5: {  	s31 =	simm.s32 $0x2;
	[smem:$0x7FF] =	sst s2;
	s24 =	smul.u32 $0x18800, s14  }
0x6: {  	s3 =	sand.u32 $0x1, s3;
	s4 =	sadd.s32 $0x66600, s0;
	s13 =	smul.u32 $0x186, s14  }
0x7: {  	s7 =	sadd.s32 $0x4A00, s0;
	s5 =	sshll.u32 s3, $0x4;
	s26 =	smul.u32 $0x1860, s3  }
0x8: {  	s8 =	ssub.s32 $0x2, s3;
	p0 =	seq.s32 s3, $0x0;
	s3 =	smul.u32 $0x18600, s3  }
0x9: {  	_ =	strace $0x8000004A;
	s6 =	sor.u32 s14, s5;
	s14 =	smul.u32 $0x1860, s14  }
0xa: {  	s10 =	sshrl.u32 s8, $0x1;
	s5 =	sshrl.u32 s20, $0x2;
	s9 =	smul.u32 $0xC300, s6  }
0xb: {  	s12 =	sshrl.u32 s24, $0x3;
	s19 =	sadd.s32 s24, s1;
	s11 =	smul.u32 $0x1860, s6  }
0xc: {  	s8 =	ssub.s32 s8, s10;
	s5 =	sadd.s32 s5, s1;
	s22 =	sshll.u32 s6, $0x4  }
0xd: {  	s3 =	sadd.s32 s3, s7;
	s29 =	sshrl.u32 s19, $0x3;
	s23 =	sadd.s32 s22, s7  }
0xe: {  	s8 =	smax.u32 s8, $0x1;
	s3 =	sadd.s32 s14, s3;
	s14 =	simm.s32 $0x6C00  }
0xf: {  	[dreg:$0xa] =	wrdreg s29;
	s9 =	sshrl.u32 s9, $0x3;
	s21 =	sadd.s32 s7, s11  }
0x10: {  	s25 =	sadd.s32 $0x30C00, s23;
	[dreg:$0x7] =	wrdreg s8;
	s8 =	simm.s32 $0xC8600  }
0x11: {  	s11 =	sadd.s32 s13, s26;
	s28 =	sadd.s32 $0x30DA0, s3;
	[dreg:$0x3] =	wrdreg s21  }
0x12: {  	s9 =	sadd.s32 s7, s9;
	[dreg:$0x5] =	wrdreg s25;
	s8 =	simm.s32 @!p0 $0xF9600  }
0x13: {  	s11 =	sshll.u32 s11, $0x4;
	[dreg:$0x9] =	wrdreg s28;
	s9 =	sadd.s32 $0x30D40, s9  }
0x14: {  	s0 =	sadd.s32 s8, s0;
	[dreg:$0x4] =	wrdreg s9;
	s9 =	sadd.s32 $0x61940, s23  }
0x15: {  	s7 =	sadd.s32 s7, s11;
	s0 =	sadd.s32 s0, s12;
	[dreg:$0x6] =	wrdreg s9  }
0x16: {  	v0 =	vimm.f32 $0.0e+00;
	p0 =	sgt.u32 s6, $0x13;
	s18 =	sadd.s32 $0x60, s7;
	[dreg:$0x8] =	wrdreg s0  }
.LBB2_1:
0x17: {  	s0 =	simm.s32 $0x0  }
.LBB2_2:
0x18: {  	p1 =	sne.s32 s0, $0x1FC0  }
.Ltmp0:
0x19: {  	_ = 	snop;
	(pc) =	sbr.rel @p1 .LBB2_2-.Ltmp0, $3  }
0x1a: {  	_ =	sdelay $0x1  }
0x1b: {  	s3 =	sshra.s32 s0, $0x2  }
0x1c: {  	s0 =	sadd.s32 $0x40, s0;
	[tilespmem:s3+$0x6C00] =	vst v0  }
0x1d: {  	s0 =	sadd.s32 $0x0, s5  }
0x1e: {  	[spmem:s0] =	stream.linear.scatter [tilespmem:s14], [sflag:$0x3], $0x800, $0x38;
	[tilespmem:$0x1FC00] =	vst v63  }
0x1f: {  	s0 =	simm.s32 $0x2000;
	_ =	swait.ge [sflag:s15], $0x800  }
.LBB2_4:
0x20: {  	s3 =	sshra.s32 s0, $0x2;
	[sflag:s15] =	ssyncset.done $0x0;
	p1 =	sne.s32 s0, $0x60000  }
.Ltmp1:
0x21: {  	s3 =	sadd.s32 s3, s5;
	[sflag:s15] =	ssyncadd.s32 $0xFFFFF800;
	(pc) =	sbr.rel @p1 .LBB2_4-.Ltmp1, $3  }
0x22: {  	[spmem:s3] =	stream.linear.scatter [tilespmem:s14], [sflag:$0x3], $0x800, $0x38;
	[tilespmem:$0x1FC00] =	vst v63  }
0x23: {  	s0 =	sadd.s32 $0x2000, s0;
	_ =	sdelay $0x1  }
0x24: {  	_ =	swait.ge [sflag:s15], $0x800  }
0x25: {  	[sflag:s15] =	ssyncset.done $0x0  }
0x26: {  	[sflag:s15] =	ssyncadd.s32 $0xFFFFF800  }
0x27: {  	[bflag:$0x0] =	sbarrier.arrive $0xFFFF  }
0x28: {  	s3 =	simm.s32 $0x0;
	s0 =	rddreg [dreg:$0x3]  }
0x29: {  	[tilespmem:s3], [sflag:$0x3] =	stream.linear.gather [hbm4b:s0+s3], $0x300, $0x38;
	[tilespmem:$0x1FC00] =	vst v63  }
0x2a: {  	_ =	swait.ge [sflag:s15], $0x300  }
0x2b: {  	[sflag:s15] =	ssyncset.done $0x0  }
0x2c: {  	s6 =	simm.s32 $0x600;
	s28 =	rddreg [dreg:$0x4];
	[sflag:s15] =	ssyncadd.s32 $0xFFFFFD00  }
0x2d: {  	[tilespmem:s6], [sflag:$0x3] =	stream.linear.gather [hbm4b:s28+s3], $0x300, $0x38;
	[tilespmem:$0x1FC00] =	vst v63  }
0x2e: {  	_ =	swait.ge [sflag:s15], $0x300  }
0x2f: {  	[sflag:s15] =	ssyncset.done $0x0  }
0x30: {  	s29 =	simm.s32 $0xC00;
	[sflag:s15] =	ssyncadd.s32 $0xFFFFFD00  }
0x31: {  	[tilespmem:s29], [sflag:$0x1] =	stream.indirect.gather [hbm4b:s4+s17], $0x10, s3, s17, $0xb8;
	[tilespmem:$0x1FC00] =	vst v63  }
0x32: {  	s6 =	simm.s32 $0x1400  }
0x33: {  	[tilespmem:s6], [sflag:$0x1] =	stream.indirect.gather [hbm4b:s4+s17], $0x10, s17, s17, $0xb8;
	[tilespmem:$0x1FC00] =	vst v63  }
0x34: {  	s7 =	simm.s32 $0x100;
	s8 =	simm.s32 $0x1C00;
	s9 =	simm.s32 $0x180  }
0x35: {  	[tilespmem:s8], [sflag:$0x1] =	stream.indirect.gather [hbm4b:s4+s17], $0x10, s7, s17, $0xb8;
	[tilespmem:$0x1FC00] =	vst v63  }
0x36: {  	s10 =	simm.s32 $0x2400;
	s11 =	simm.s32 $0x200;
	s0 =	simm.s32 $0x1  }
0x37: {  	[tilespmem:s10], [sflag:$0x1] =	stream.indirect.gather [hbm4b:s4+s17], $0x10, s9, s17, $0xb8;
	[tilespmem:$0x1FC00] =	vst v63  }
0x38: {  	s12 =	simm.s32 $0x2C00;
	p1 =	por $0x0, $0x0;
	s6 =	sand.u32 $0x1, s0  }
0x39: {  	[tilespmem:s12], [sflag:$0x1] =	stream.indirect.gather [hbm4b:s4+s17], $0x10, s11, s17, $0xb8;
	[tilespmem:$0x1FC00] =	vst v63  }
0x3a: {  	s13 =	simm.s32 $0x280;
	s16 =	simm.s32 $0x3400;
	s7 =	smul.u32 @!p1 $0x300, s6  }
0x3b: {  	[tilespmem:s16], [sflag:$0x1] =	stream.indirect.gather [hbm4b:s4+s17], $0x10, s13, s17, $0xb8;
	[tilespmem:$0x1FC00] =	vst v63  }
0x3c: {  	s8 =	simm.s32 @!p1 $0x0;
	s12 =	simm.s32 @!p1 $0x3  }
0x3d: {  	[tilespmem:s7], [sflag:$0x3] =	stream.linear.gather @!p1 [hbm4b:s18+s8], $0x300, $0x38;
	[tilespmem:$0x1FC00] =	vst v63  }
0x3e: {  	_ =	swait.ge @!p1 [sflag:s12], $0x300  }
0x3f: {  	[sflag:s12] =	ssyncset.done @!p1 $0x0  }
0x40: {  	s7 =	sadd.s32 @!p1 $0x600, s7;
	s9 =	rddreg [dreg:$0x9];
	[sflag:s12] =	ssyncadd.s32 @!p1 $0xFFFFFD00  }
0x41: {  	[tilespmem:s7], [sflag:$0x3] =	stream.linear.gather @!p1 [hbm4b:s9+s8], $0x300, $0x38;
	[tilespmem:$0x1FC00] =	vst v63  }
0x42: {  	_ =	swait.ge @!p1 [sflag:s12], $0x300  }
0x43: {  	[sflag:s12] =	ssyncset.done @!p1 $0x0  }
0x44: {  	[sflag:s12] =	ssyncadd.s32 @!p1 $0xFFFFFD00  }
0x45: {  	_ =	swait.ge [sflag:s30], $0x800  }
0x46: {  	[sflag:s30] =	ssyncset.done $0x0  }
0x47: {  	[sflag:s30] =	ssyncadd.s32 $0xFFFFF800  }
0x48: {  	_ =	swait.ge [sflag:s30], $0x800  }
0x49: {  	[sflag:s30] =	ssyncset.done $0x0  }
0x4a: {  	[sflag:s30] =	ssyncadd.s32 $0xFFFFF800  }
0x4b: {  	_ =	swait.ge [sflag:s30], $0x800  }
0x4c: {  	[sflag:s30] =	ssyncset.done $0x0  }
0x4d: {  	[sflag:s30] =	ssyncadd.s32 $0xFFFFF800  }
0x4e: {  	_ =	swait.ge [sflag:s30], $0x800  }
0x4f: {  	[sflag:s30] =	ssyncset.done $0x0  }
0x50: {  	[sflag:s30] =	ssyncadd.s32 $0xFFFFF800  }
0x51: {  	s3 =	sand.u32 $0x1, s3;
	_ =	swait.ge [sflag:s30], $0x800  }
0x52: {  	s19 =	smul.u32 $0xC000, s3;
	[sflag:s30] =	ssyncset.done $0x0  }
0x53: {  	s3 =	smul.u32 $0xC00, s3;
	[sflag:s30] =	ssyncadd.s32 $0xFFFFF800  }
0x54: {  	_ =	swait.ge [sflag:s30], $0x800  }
0x55: {  	s3 =	sshrl.u32 s3, $0x2;
	s7 =	sshrl.u32 s19, $0x2;
	[sflag:s30] =	ssyncset.done $0x0  }
0x56: {  	s21 =	sadd.s32 $0x600, s3;
	s20 =	sor.u32 $0xC00, s7;
	[sflag:s30] =	ssyncadd.s32 $0xFFFFF800  }
0x57: {  	[spmem:s1] =	stream.indirect.scatter.add.f32 [tilespmem:s20], [sflag:$0x2], $0x10, s21, s17, $0xb8;
	[tilespmem:$0x1FC00] =	vst v63  }
0x58: {  	s22 =	sadd.s32 $0x680, s3;
	s23 =	sadd.s32 $0x1400, s7  }
0x59: {  	[spmem:s1] =	stream.indirect.scatter.add.f32 [tilespmem:s23], [sflag:$0x2], $0x10, s22, s17, $0xb8;
	[tilespmem:$0x1FC00] =	vst v63  }
0x5a: {  	s25 =	sadd.s32 $0x700, s3;
	s24 =	sadd.s32 $0x1C00, s7  }
0x5b: {  	[spmem:s1] =	stream.indirect.scatter.add.f32 [tilespmem:s24], [sflag:$0x2], $0x10, s25, s17, $0xb8;
	[tilespmem:$0x1FC00] =	vst v63  }
0x5c: {  	s29 =	sor.u32 $0x800, s3;
	s13 =	sadd.s32 $0x780, s3;
	s26 =	sadd.s32 $0x2400, s7  }
0x5d: {  	[spmem:s1] =	stream.indirect.scatter.add.f32 [tilespmem:s26], [sflag:$0x2], $0x10, s13, s17, $0xb8;
	[tilespmem:$0x1FC00] =	vst v63  }
0x5e: {  	s3 =	sor.u32 $0x880, s3;
	s8 =	smul.u32 @!p1 $0xC000, s6;
	s28 =	sadd.s32 $0x2C00, s7  }
0x5f: {  	[spmem:s1] =	stream.indirect.scatter.add.f32 [tilespmem:s28], [sflag:$0x2], $0x10, s29, s17, $0xb8;
	[tilespmem:$0x1FC00] =	vst v63  }
0x60: {  	s6 =	smul.u32 @!p1 $0xC00, s6;
	s7 =	sadd.s32 $0x3400, s7;
	s8 =	sshrl.u32 @!p1 s8, $0x2  }
0x61: {  	[spmem:s1] =	stream.indirect.scatter.add.f32 [tilespmem:s7], [sflag:$0x2], $0x10, s3, s17, $0xb8;
	[tilespmem:$0x1FC00] =	vst v63  }
0x62: {  	s6 =	sshrl.u32 @!p1 s6, $0x2;
	s3 =	sor.u32 @!p1 $0xC00, s8;
	s7 =	simm.s32 @!p1 $0x80  }
0x63: {  	[tilespmem:s3], [sflag:$0x1] =	stream.indirect.gather @!p1 [hbm4b:s4+s7], $0x10, s6, s7, $0xb8;
	[tilespmem:$0x1FC00] =	vst v63  }
0x64: {  	s12 =	sor.u32 @!p1 $0x80, s6;
	s3 =	sadd.s32 @!p1 $0x1400, s8  }
0x65: {  	[tilespmem:s3], [sflag:$0x1] =	stream.indirect.gather @!p1 [hbm4b:s4+s7], $0x10, s12, s7, $0xb8;
	[tilespmem:$0x1FC00] =	vst v63  }
0x66: {  	s3 =	sadd.s32 @!p1 $0x1C00, s8;
	s12 =	sadd.s32 @!p1 $0x100, s6  }
0x67: {  	[tilespmem:s3], [sflag:$0x1] =	stream.indirect.gather @!p1 [hbm4b:s4+s7], $0x10, s12, s7, $0xb8;
	[tilespmem:$0x1FC00] =	vst v63  }
0x68: {  	s3 =	sadd.s32 @!p1 $0x2400, s8;
	s12 =	sadd.s32 @!p1 $0x180, s6  }
0x69: {  	[tilespmem:s3], [sflag:$0x1] =	stream.indirect.gather @!p1 [hbm4b:s4+s7], $0x10, s12, s7, $0xb8;
	[tilespmem:$0x1FC00] =	vst v63  }
0x6a: {  	s3 =	sadd.s32 @!p1 $0x2C00, s8;
	s12 =	sadd.s32 @!p1 $0x200, s6  }
0x6b: {  	[tilespmem:s3], [sflag:$0x1] =	stream.indirect.gather @!p1 [hbm4b:s4+s7], $0x10, s12, s7, $0xb8;
	[tilespmem:$0x1FC00] =	vst v63  }
0x6c: {  	s6 =	sadd.s32 @!p1 $0x280, s6;
	s3 =	sadd.s32 @!p1 $0x3400, s8  }
0x6d: {  	[tilespmem:s3], [sflag:$0x1] =	stream.indirect.gather @!p1 [hbm4b:s4+s7], $0x10, s6, s7, $0xb8;
	[tilespmem:$0x1FC00] =	vst v63  }
0x6e: {  	_ =	swait.ge [sflag:s31], $0x800  }
0x6f: {  	[sflag:s31] =	ssyncset.done $0x0  }
0x70: {  	[sflag:s31] =	ssyncadd.s32 $0xFFFFF800  }
0x71: {  	_ =	swait.ge [sflag:s31], $0x800  }
0x72: {  	[sflag:s31] =	ssyncset.done $0x0  }
0x73: {  	[sflag:s31] =	ssyncadd.s32 $0xFFFFF800  }
0x74: {  	_ =	swait.ge [sflag:s31], $0x800  }
0x75: {  	[sflag:s31] =	ssyncset.done $0x0  }
0x76: {  	[sflag:s31] =	ssyncadd.s32 $0xFFFFF800  }
0x77: {  	_ =	swait.ge [sflag:s31], $0x800  }
0x78: {  	[sflag:s31] =	ssyncset.done $0x0  }
0x79: {  	[sflag:s31] =	ssyncadd.s32 $0xFFFFF800  }
0x7a: {  	s13 =	smov.u32 s18;
	s12 =	smov.u32 s9;
	_ =	swait.ge [sflag:s31], $0x800  }
.LBB2_6:
0x7b: {  	[sflag:s31] =	ssyncset.done $0x0  }
0x7c: {  	s12 =	sadd.s32 $0x60, s12;
	s8 =	smov.u32 s0;
	s0 =	sadd.s32 $0x1, s0  }
0x7d: {  	s3 =	sand.u32 $0x1, s0;
	p1 =	seq.s32 s8, $0x40;
	[sflag:s31] =	ssyncadd.s32 $0xFFFFF800  }
0x7e: {  	s13 =	sadd.s32 $0x60, s13;
	s6 =	smul.u32 @!p1 $0x300, s3;
	_ =	swait.ge [sflag:s31], $0x800  }
0x7f: {  	s7 =	simm.s32 @!p1 $0x0;
	s28 =	simm.s32 @!p1 $0x3;
	[sflag:s31] =	ssyncset.done $0x0  }
0x80: {  	s19 =	smul.u32 @!p1 $0xC000, s3;
	s23 =	sadd.s32 @!p1 $0x600, s6;
	[sflag:s31] =	ssyncadd.s32 $0xFFFFF800  }
0x81: {  	[tilespmem:s6], [sflag:$0x3] =	stream.linear.gather @!p1 [hbm4b:s13+s7], $0x300, $0x38;
	[tilespmem:$0x1FC00] =	vst v63  }
0x82: {  	s3 =	smul.u32 @!p1 $0xC00, s3;
	s6 =	sshrl.u32 @!p1 s19, $0x2;
	_ =	swait.ge @!p1 [sflag:s28], $0x300  }
0x83: {  	s21 =	sor.u32 @!p1 $0xC00, s6;
	s19 =	sadd.s32 @!p1 $0x1400, s6;
	[sflag:s28] =	ssyncset.done @!p1 $0x0  }
0x84: {  	s22 =	sshrl.u32 @!p1 s3, $0x2;
	s20 =	sadd.s32 @!p1 $0x1C00, s6;
	[sflag:s28] =	ssyncadd.s32 @!p1 $0xFFFFFD00  }
0x85: {  	[tilespmem:s23], [sflag:$0x3] =	stream.linear.gather @!p1 [hbm4b:s12+s7], $0x300, $0x38;
	[tilespmem:$0x1FC00] =	vst v63  }
0x86: {  	s29 =	sor.u32 @!p1 $0x80, s22;
	s23 =	sadd.s32 @!p1 $0x100, s22;
	_ =	swait.ge @!p1 [sflag:s28], $0x300  }
0x87: {  	s26 =	sadd.s32 @!p1 $0x180, s22;
	s24 =	sadd.s32 @!p1 $0x2400, s6;
	[sflag:s28] =	ssyncset.done @!p1 $0x0  }
0x88: {  	s3 =	sadd.s32 @!p1 $0x200, s22;
	[sflag:s28] =	ssyncadd.s32 @!p1 $0xFFFFFD00;
	s28 =	sadd.s32 @!p1 $0x2C00, s6  }
0x89: {  	s7 =	sadd.s32 @!p1 $0x280, s22;
	s6 =	sadd.s32 @!p1 $0x3400, s6;
	_ =	swait.ge [sflag:s30], $0x800  }
0x8a: {  	p2 =	seq.s32 s0, $0x41;
	[sflag:s30] =	ssyncset.done $0x0  }
0x8b: {  	[sflag:s30] =	ssyncadd.s32 $0xFFFFF800  }
0x8c: {  	_ =	swait.ge [sflag:s30], $0x800  }
0x8d: {  	[sflag:s30] =	ssyncset.done $0x0  }
0x8e: {  	[sflag:s30] =	ssyncadd.s32 $0xFFFFF800  }
0x8f: {  	_ =	swait.ge [sflag:s30], $0x800  }
0x90: {  	[sflag:s30] =	ssyncset.done $0x0  }
0x91: {  	[sflag:s30] =	ssyncadd.s32 $0xFFFFF800  }
0x92: {  	_ =	swait.ge [sflag:s30], $0x800  }
0x93: {  	[sflag:s30] =	ssyncset.done $0x0  }
0x94: {  	[sflag:s30] =	ssyncadd.s32 $0xFFFFF800  }
0x95: {  	s8 =	sand.u32 $0x1, s8;
	_ =	swait.ge [sflag:s30], $0x800  }
0x96: {  	s9 =	smul.u32 $0xC000, s8;
	[sflag:s30] =	ssyncset.done $0x0  }
0x97: {  	s8 =	smul.u32 $0xC00, s8;
	[sflag:s30] =	ssyncadd.s32 $0xFFFFF800  }
0x98: {  	s9 =	sshrl.u32 s9, $0x2;
	_ =	swait.ge [sflag:s30], $0x800  }
0x99: {  	s8 =	sshrl.u32 s8, $0x2;
	s10 =	sor.u32 $0xC00, s9;
	[sflag:s30] =	ssyncset.done $0x0  }
0x9a: {  	s11 =	sadd.s32 $0x600, s8;
	s25 =	sadd.s32 $0x680, s8;
	[sflag:s30] =	ssyncadd.s32 $0xFFFFF800  }
0x9b: {  	[spmem:s1] =	stream.indirect.scatter.add.f32 [tilespmem:s10], [sflag:$0x2], $0x10, s11, s17, $0xb8;
	[tilespmem:$0x1FC00] =	vst v63  }
0x9c: {  	s16 =	sadd.s32 $0x700, s8;
	s10 =	sadd.s32 $0x1400, s9;
	s11 =	sadd.s32 $0x1C00, s9  }
0x9d: {  	[spmem:s1] =	stream.indirect.scatter.add.f32 [tilespmem:s10], [sflag:$0x2], $0x10, s25, s17, $0xb8;
	[tilespmem:$0x1FC00] =	vst v63  }
0x9e: {  	s10 =	sadd.s32 $0x2400, s9;
	s25 =	sadd.s32 $0x780, s8  }
0x9f: {  	[spmem:s1] =	stream.indirect.scatter.add.f32 [tilespmem:s11], [sflag:$0x2], $0x10, s16, s17, $0xb8;
	[tilespmem:$0x1FC00] =	vst v63  }
0xa0: {  	s11 =	sadd.s32 $0x2C00, s9;
	s16 =	sor.u32 $0x800, s8  }
0xa1: {  	[spmem:s1] =	stream.indirect.scatter.add.f32 [tilespmem:s10], [sflag:$0x2], $0x10, s25, s17, $0xb8;
	[tilespmem:$0x1FC00] =	vst v63  }
0xa2: {  	s9 =	sadd.s32 $0x3400, s9;
	s8 =	sor.u32 $0x880, s8  }
0xa3: {  	[spmem:s1] =	stream.indirect.scatter.add.f32 [tilespmem:s11], [sflag:$0x2], $0x10, s16, s17, $0xb8;
	[tilespmem:$0x1FC00] =	vst v63  }
0xa4: {  	s10 =	simm.s32 @!p1 $0x80  }
0xa5: {  	[spmem:s1] =	stream.indirect.scatter.add.f32 [tilespmem:s9], [sflag:$0x2], $0x10, s8, s17, $0xb8;
	[tilespmem:$0x1FC00] =	vst v63  }
0xa6: {  	_ = 	snop  }
0xa7: {  	[tilespmem:s21], [sflag:$0x1] =	stream.indirect.gather @!p1 [hbm4b:s4+s10], $0x10, s22, s10, $0xb8;
	[tilespmem:$0x1FC00] =	vst v63  }
0xa8: {  	_ = 	snop  }
0xa9: {  	[tilespmem:s19], [sflag:$0x1] =	stream.indirect.gather @!p1 [hbm4b:s4+s10], $0x10, s29, s10, $0xb8;
	[tilespmem:$0x1FC00] =	vst v63  }
0xaa: {  	_ = 	snop  }
0xab: {  	[tilespmem:s20], [sflag:$0x1] =	stream.indirect.gather @!p1 [hbm4b:s4+s10], $0x10, s23, s10, $0xb8;
	[tilespmem:$0x1FC00] =	vst v63  }
0xac: {  	_ = 	snop  }
0xad: {  	[tilespmem:s24], [sflag:$0x1] =	stream.indirect.gather @!p1 [hbm4b:s4+s10], $0x10, s26, s10, $0xb8;
	[tilespmem:$0x1FC00] =	vst v63  }
0xae: {  	_ = 	snop  }
0xaf: {  	[tilespmem:s28], [sflag:$0x1] =	stream.indirect.gather @!p1 [hbm4b:s4+s10], $0x10, s3, s10, $0xb8;
	[tilespmem:$0x1FC00] =	vst v63  }
0xb0: {  	_ = 	snop  }
0xb1: {  	[tilespmem:s6], [sflag:$0x1] =	stream.indirect.gather @!p1 [hbm4b:s4+s10], $0x10, s7, s10, $0xb8;
	[tilespmem:$0x1FC00] =	vst v63  }
0xb2: {  	_ =	swait.ge [sflag:s31], $0x800  }
0xb3: {  	[sflag:s31] =	ssyncset.done $0x0  }
0xb4: {  	[sflag:s31] =	ssyncadd.s32 $0xFFFFF800  }
0xb5: {  	_ =	swait.ge [sflag:s31], $0x800  }
0xb6: {  	[sflag:s31] =	ssyncset.done $0x0  }
0xb7: {  	[sflag:s31] =	ssyncadd.s32 $0xFFFFF800  }
0xb8: {  	_ =	swait.ge [sflag:s31], $0x800  }
0xb9: {  	[sflag:s31] =	ssyncset.done $0x0  }
.Ltmp2:
0xba: {  	[sflag:s31] =	ssyncadd.s32 $0xFFFFF800;
	(pc) =	sbr.rel @!p2 .LBB2_6-.Ltmp2, $4  }
0xbb: {  	_ =	swait.ge [sflag:s31], $0x800  }
0xbc: {  	[sflag:s31] =	ssyncset.done $0x0  }
0xbd: {  	[sflag:s31] =	ssyncadd.s32 $0xFFFFF800  }
0xbe: {  	_ =	swait.ge [sflag:s31], $0x800  }
0xbf: {  	[sflag:s31] =	ssyncset.done $0x0  }
0xc0: {  	[sflag:s31] =	ssyncadd.s32 $0xFFFFF800  }
0xc1: {  	_ =	swait.ge [sflag:s31], $0x800  }
0xc2: {  	[sflag:s31] =	ssyncset.done $0x0  }
0xc3: {  	s0 =	simm.s32 @!p0 $0x0;
	s3 =	rddreg [dreg:$0x5];
	[sflag:s31] =	ssyncadd.s32 $0xFFFFF800  }
0xc4: {  	[tilespmem:s0], [sflag:$0x3] =	stream.linear.gather @!p0 [hbm4b:s3+s0], $0x80, $0x38;
	[tilespmem:$0x1FC00] =	vst v63  }
0xc5: {  	s3 =	simm.s32 @!p0 $0x3  }
0xc6: {  	_ =	swait.ge @!p0 [sflag:s3], $0x80  }
0xc7: {  	[sflag:s3] =	ssyncset.done @!p0 $0x0  }
0xc8: {  	s6 =	simm.s32 @!p0 $0x600;
	s7 =	rddreg [dreg:$0x6];
	[sflag:s3] =	ssyncadd.s32 @!p0 $0xFFFFFF80  }
0xc9: {  	[tilespmem:s6], [sflag:$0x3] =	stream.linear.gather @!p0 [hbm4b:s7+s0], $0x80, $0x38;
	[tilespmem:$0x1FC00] =	vst v63  }
0xca: {  	_ =	swait.ge @!p0 [sflag:s3], $0x80  }
0xcb: {  	[sflag:s3] =	ssyncset.done @!p0 $0x0  }
0xcc: {  	s8 =	simm.s32 @!p0 $0xC00;
	s7 =	simm.s32 @!p0 $0x80;
	[sflag:s3] =	ssyncadd.s32 @!p0 $0xFFFFFF80  }
0xcd: {  	[tilespmem:s8], [sflag:$0x1] =	stream.indirect.gather @!p0 [hbm4b:s4+s7], $0x10, s0, s7, $0xb8;
	[tilespmem:$0x1FC00] =	vst v63  }
0xce: {  	s0 =	simm.s32 @!p0 $0x1  }
0xcf: {  	_ =	swait.ge @!p0 [sflag:s0], $0x800  }
0xd0: {  	[sflag:s0] =	ssyncset.done @!p0 $0x0  }
0xd1: {  	[sflag:s0] =	ssyncadd.s32 @!p0 $0xFFFFF800  }
0xd2: {  	[spmem:s1] =	stream.indirect.scatter.add.f32 @!p0 [tilespmem:s8], [sflag:$0x3], $0x10, s6, s7, $0xb8;
	[tilespmem:$0x1FC00] =	vst v63  }
0xd3: {  	_ =	swait.ge @!p0 [sflag:s3], $0x800  }
0xd4: {  	[sflag:s3] =	ssyncset.done @!p0 $0x0  }
0xd5: {  	[sflag:s3] =	ssyncadd.s32 @!p0 $0xFFFFF800  }
0xd6: {  	s25 =	stileid.u32;
	[bflag:$0x0] =	sbarrier.arrive $0xFFFF  }
0xd7: {  	s0 =	sshll.u32 s25, $0x6;
	s26 =	rddreg [dreg:$0x8]  }
0xd8: {  	s0 =	sor.u32 $0x1C03, s0;
	s28 =	rddreg [dreg:$0xa]  }
0xd9: {  	[hbm:s26], [sflag:s0] =	dma.local [spmem:s28], $0x3100  }
0xda: {  	_ =	swait.ge [sflag:s15], $0x3100  }
0xdb: {  	s2 =	sadd.s32 $0x1, s2;
	s29 =	rddreg [dreg:$0x7]  }
0xdc: {  	p1 =	sne.s32 s2, s29  }
.Ltmp3:
0xdd: {  	_ = 	snop;
	(pc) =	sbr.rel @p1 .LBB2_1-.Ltmp3, $3  }
0xde: {  	_ =	sdelay $0x1  }
0xdf: {  	[sflag:s15] =	ssyncset.done $0x0  }
0xe0: {  	[sflag:s15] =	ssyncadd.s32 $0xFFFFCF00  }
0xe1: {  	_ =	sfence.sel $0x180000  }
0xe2: {  	[bflag:$0x0] =	sbarrier.arrive $0xFFFF  }
0xe3: {  	_ =	strace $0x9000004A  }
0xe4: {  	s0 =	stileid.u32;
	[bflag:$0x2] =	sbarrier.arrive $0xFFFF  }
0xe5: {  	p0 =	sne.s32 s0, $0x0;
	s0 =	rddreg [dreg:$0x2]  }
0xe6: {  	s0 =	sadd.s32 @!p0 $0x100000, s0  }
0xe7: {  	[sflag:s0] =	ssyncadd.tile.s32 @!p0 $0x1;
	_ =	shalt  }
.Lfunc_end2:
_tile_overlayer_lowered:
.L_overlay_start_2:
0xe8: {  	(tag) =	ssettag $0x2  }
0xe9: {  	s0 =	rddreg [dreg:$0x0];
	s2 =	stileid.u32  }
0xea: {  	s1 =	rddreg [dreg:$0x1];
	p0 =	sne.s32 s2, $0x0  }
0xeb: {  	s3 =	rddreg [dreg:$0x2];
	[bflag:$0x3] =	sbarrier.arrive $0xFFFF;
	s2 =	simm.s32 @!p0 $0x1C03  }
0xec: {  	[timem:s3], [sflag:s2] =	dma.local @!p0 [hbm:s0], s1  }
0xed: {  	s0 =	simm.s32 @!p0 $0x3  }
0xee: {  	_ =	swait.ge @!p0 [sflag:s0], s1  }
0xef: {  	s1 =	ssub.s32 @!p0 $0x0, s1;
	[sflag:s0] =	ssyncset.done @!p0 $0x0  }
0xf0: {  	[sflag:s0] =	ssyncadd.s32 @!p0 s1  }
0xf1: {  	[bflag:$0x3] =	sbarrier.arrive $0xFFFF  }
0xf2: {  	_ =	shalt  }

// kernel: kernel.7.cloned.1.call-start
scs
__scs_entry_jumppad:
0x0: {  	(pc) =	sbr.rel $0x88, $3  }
0x1: {  	(tag) =	ssettag $0x0;
	lr =	simm.s32 $0x1  }
0x2: {  	[smem:$0x3F99] =	sst lr;
	_ =	strace $0xD0000000  }
0x3: {  	_ = 	snop  }
0x4: {  	_ = 	snop  }
0x5: {  	_ = 	snop  }
0x6: {  	_ = 	snop  }
0x7: {  	_ = 	snop  }
__scs_overlays_trampoline_lowered:
0x8: {  	[smem:$0x3FA8] =	sst s0  }
0x9: {  	[smem:$0x3FA9] =	sst s1  }
0xa: {  	[smem:$0x3FAA] =	sst s2  }
0xb: {  	[smem:$0x3FAB] =	sst s3  }
0xc: {  	[smem:$0x3FAC] =	sst s4  }
0xd: {  	[smem:$0x3FAD] =	sst s5  }
0xe: {  	[smem:$0x3FAE] =	sst s6  }
0xf: {  	[smem:$0x3FAF] =	sst s7  }
0x10: {  	[smem:$0x3FB0] =	sst s8  }
0x11: {  	[smem:$0x3FB1] =	sst s9;
	s0 =	simm.s32 @!p0 $0x0  }
0x12: {  	s1 =	sld [smem:$0x3F97];
	s0 =	simm.s32 @p0 $0x1  }
0x13: {  	[smem:$0x3FB2] =	sst s0;
	s0 =	simm.s32 @!p1 $0x0  }
0x14: {  	s2 =	sld [smem:$0x3F96];
	s0 =	simm.s32 @p1 $0x1  }
0x15: {  	[smem:$0x3FB3] =	sst s0;
	s0 =	simm.s32 @!p2 $0x0  }
0x16: {  	s3 =	sld [smem:$0x3FDB];
	s0 =	simm.s32 @p2 $0x1  }
0x17: {  	s4 =	simm.s32 $0x1BF5;
	[smem:$0x3FB5] =	sst s0  }
0x18: {  	s0 =	sld [smem:$0x3F98];
	_ =	swait.ge [sflag:s4], $0x0  }
0x19: {  	s7 =	sld [smem:$0x3F99]  }
0x1a: {  	s8 =	sadd.s32 $0xFFFFE003, lr  }
0x1b: {  	s9 =	sadd.s32 $0xFFFFFEF7, lr;
	s5 =	simm.s32 $0xFFFFFFFF;
	p2 =	slt.u32 s8, $0xFFFFF086  }
0x1c: {  	p1 =	slt.u32 s9, $0xF7A;
	s5 =	simm.s32 @!p2 $0x0  }
0x1d: {  	s5 =	simm.s32 @p1 $0x1;
	p0 =	seq.s32 s7, s2  }
0x1e: {  	s7 =	smul.u32 @!p0 $0xF7A, s2;
	p2 =	seq.s32 @!p0 s5, $0x0  }
0x1f: {  	s9 =	smul.u32 $0xF7A, s1;
	s8 =	simm.s32 @!p0 $0x1BF5;
	p2 =	por !p2, p0  }
0x20: {  	[sflag:s8] =	ssyncset.s32 @!p0 $0xFFFFF086;
	s6 =	sadd.s32 @!p0 s3, s7;
	s7 =	simm.s32 @!p0 $0x108  }
0x21: {  	s3 =	sadd.s32 s3, s9;
	s6 =	sadd.s32 @!p0 $0x88, s6;
	s7 =	simm.s32 @p2 $0x1082  }
0x22: {  	[simem:s7], [sflag:s8] =	dma.local @!p0 [hbm:s6], $0xF7A  }
0x23: {  	s9 =	sor.u32 $0xD0000000, s2;
	s6 =	simm.s32 $0x108;
	_ =	swait.ge @!p0 [sflag:s8], $0x0  }
0x24: {  	s3 =	sadd.s32 $0x88, s3;
	s6 =	simm.s32 @!p1 $0x1082;
	[sflag:s4] =	ssyncset.s32 $0xFFFFF086  }
0x25: {  	[simem:s6], [sflag:s4] =	dma.local [hbm:s3], $0xF7A  }
0x26: {  	[smem:$0x3F99] =	sst s1;
	(tag) =	ssettag s2;
	_ =	strace s9  }
0x27: {  	s1 =	sld [smem:$0x3FA9]  }
0x28: {  	s2 =	sld [smem:$0x3FAA]  }
0x29: {  	s4 =	sld [smem:$0x3FAC]  }
0x2a: {  	p0 =	seq.s32 s5, $0x0;
	s5 =	sld [smem:$0x3FAD]  }
0x2b: {  	s6 =	sld [smem:$0x3FAE]  }
0x2c: {  	s7 =	sld [smem:$0x3FAF]  }
0x2d: {  	s3 =	simm.s32 $0x108;
	s8 =	sld [smem:$0x3FB0]  }
0x2e: {  	s3 =	simm.s32 @!p0 $0x1082;
	s9 =	sld [smem:$0x3FB1]  }
0x2f: {  	lr =	sadd.s32 s0, s3;
	s0 =	sld [smem:$0x3FA8]  }
0x30: {  	s3 =	sld [smem:$0x3FAB]  }
0x31: {  	[smem:$0x3FB4] =	sst s10  }
0x32: {  	s10 =	sld [smem:$0x3FB2];
	_ =	sdelay $0x3  }
0x33: {  	p0 =	seq.s32 s10, $0x1;
	s10 =	sld [smem:$0x3FB4];
	_ =	sdelay $0x3  }
0x34: {  	[smem:$0x3FB4] =	sst s10  }
0x35: {  	s10 =	sld [smem:$0x3FB3];
	_ =	sdelay $0x3  }
0x36: {  	p1 =	seq.s32 s10, $0x1;
	s10 =	sld [smem:$0x3FB4];
	_ =	sdelay $0x3  }
0x37: {  	[smem:$0x3FB4] =	sst s10  }
0x38: {  	s10 =	sld [smem:$0x3FB5]  }
0x39: {  	_ = 	snop;
	(pc) =	sbr.ind lr, $3  }
0x3a: {  	_ = 	snop  }
0x3b: {  	_ = 	snop  }
0x3c: {  	p2 =	seq.s32 s10, $0x1;
	s10 =	sld [smem:$0x3FB4]  }
0x3d: {  	_ =	shalt  }
0x3e: {  	_ =	shalt  }
0x3f: {  	_ =	shalt  }
0x40: {  	_ =	shalt  }
0x41: {  	_ =	shalt  }
0x42: {  	_ =	shalt  }
0x43: {  	_ =	shalt  }
0x44: {  	_ =	shalt  }
0x45: {  	_ =	shalt  }
0x46: {  	_ =	shalt  }
0x47: {  	_ =	shalt  }
0x48: {  	_ =	shalt  }
0x49: {  	_ =	shalt  }
0x4a: {  	_ =	shalt  }
0x4b: {  	_ =	shalt  }
0x4c: {  	_ =	shalt  }
0x4d: {  	_ =	shalt  }
0x4e: {  	_ =	shalt  }
0x4f: {  	_ =	shalt  }
0x50: {  	_ =	shalt  }
0x51: {  	_ =	shalt  }
0x52: {  	_ =	shalt  }
0x53: {  	_ =	shalt  }
0x54: {  	_ =	shalt  }
0x55: {  	_ =	shalt  }
0x56: {  	_ =	shalt  }
0x57: {  	_ =	shalt  }
0x58: {  	_ =	shalt  }
0x59: {  	_ =	shalt  }
0x5a: {  	_ =	shalt  }
0x5b: {  	_ =	shalt  }
0x5c: {  	_ =	shalt  }
0x5d: {  	_ =	shalt  }
0x5e: {  	_ =	shalt  }
0x5f: {  	_ =	shalt  }
0x60: {  	_ =	shalt  }
0x61: {  	_ =	shalt  }
0x62: {  	_ =	shalt  }
0x63: {  	_ =	shalt  }
0x64: {  	_ =	shalt  }
0x65: {  	_ =	shalt  }
0x66: {  	_ =	shalt  }
0x67: {  	_ =	shalt  }
0x68: {  	_ =	shalt  }
0x69: {  	_ =	shalt  }
0x6a: {  	_ =	shalt  }
0x6b: {  	_ =	shalt  }
0x6c: {  	_ =	shalt  }
0x6d: {  	_ =	shalt  }
0x6e: {  	_ =	shalt  }
0x6f: {  	_ =	shalt  }
0x70: {  	_ =	shalt  }
0x71: {  	_ =	shalt  }
0x72: {  	_ =	shalt  }
0x73: {  	_ =	shalt  }
0x74: {  	_ =	shalt  }
0x75: {  	_ =	shalt  }
0x76: {  	_ =	shalt  }
0x77: {  	_ =	shalt  }
0x78: {  	_ =	shalt  }
0x79: {  	_ =	shalt  }
0x7a: {  	_ =	shalt  }
0x7b: {  	_ =	shalt  }
0x7c: {  	_ =	shalt  }
0x7d: {  	_ =	shalt  }
0x7e: {  	_ =	shalt  }
0x7f: {  	_ =	shalt  }
0x80: {  	_ =	shalt  }
0x81: {  	_ =	shalt  }
0x82: {  	_ =	shalt  }
0x83: {  	_ =	shalt  }
0x84: {  	_ =	shalt  }
0x85: {  	_ =	shalt  }
0x86: {  	_ =	shalt  }
0x87: {  	_ =	shalt  }
.Lfunc_end0:
.L_simem_size_0:
called_computation_lowered:
.L_overlay_start_0:
0x88: {  	s2 =	sld [smem:$0x3FD9]  }
0x89: {  	s3 =	sld [smem:$0x3FFE];
	_ =	sdelay $0x1  }
0x8a: {  	s1 =	srdreg.scid  }
0x8b: {  	s0 =	sand.u32 $0x1, s1  }
0x8c: {  	s16 =	sshll.u32 s0, $0xA;
	s2 =	sadd.s32 s3, s2  }
0x8d: {  	s2 =	sadd.s32 s2, s16  }
0x8e: {  	[smem:$0x3FC0] =	sst s2  }
0x8f: {  	_ = 	snop  }
0x90: {  	(tm) =	ssettm $0x1  }
0x91: {  	s17 =	sld [smem:$0x3FFB];
	_ =	sdelay $0x3  }
0x92: {  	_ =	strace s17  }
0x93: {  	s2 =	sld [smem:$0x3FFC];
	_ =	sdelay $0x3  }
0x94: {  	_ =	strace s2  }
0x95: {  	s2 =	sld [smem:$0x3FFD];
	_ =	sdelay $0x3  }
0x96: {  	_ =	strace s2  }
0x97: {  	_ =	strace $0x8FFFFFFF  }
0x98: {  	s18 =	sld [smem:$0x3FDB];
	_ =	sdelay $0x1  }
0x99: {  	s19 =	simm.s32 $_scs_section_size  }
0x9a: {  	s4 =	simm.s32 $_size__tile_overlayer_lowered;
	s5 =	simm.s32 $_tile_overlayer_lowered  }
0x9b: {  	s22 =	simm.s32 $0x1BFF;
	s21 =	sshll.u32 s5, $0x1;
	s2 =	sadd.s32 s19, s18  }
0x9c: {  	s6 =	simm.s32 $0x0;
	s20 =	sshll.u32 s4, $0x1;
	s4 =	sadd.s32 s21, s2  }
0x9d: {  	[timem:s6], [sflag:s22] =	dma.local [hbm:s4], s20  }
0x9e: {  	_ =	swait.ge [sflag:s22], s20  }
0x9f: {  	s3 =	ssub.s32 $0x0, s20;
	[sflag:s22] =	ssyncset.done $0x0  }
0xa0: {  	[sflag:s22] =	ssyncadd.s32 s3;
	_ =	sdelay $0x1  }
0xa1: {  	s23 =	simm.s32 $0x1B8B  }
0xa2: {  	_ =	swait.ge [sflag:s23], $0x1  }
0xa3: {  	[sflag:s23] =	ssyncset.done $0x0  }
0xa4: {  	s25 =	simm.s32 $0x1B8E;
	s24 =	sld [smem:$0x3FFE];
	[sflag:s23] =	ssyncadd.s32 $0xFFFFFFFF  }
0xa5: {  	s26 =	simm.s32 $execute0_lowered;
	[smem:$0x3FD2] =	sst s25  }
0xa6: {  	s4 =	sshll.u32 s26, $0x1;
	_ =	strace $0x80000046;
	[dreg:$0x1] =	wrdreg $0xFFFFFFFF  }
0xa7: {  	s28 =	simm.s32 $_size_execute0_lowered;
	s2 =	sadd.s32 s2, s4;
	[dreg:$0x0] =	wrdreg $0x0  }
0xa8: {  	s4 =	sshll.u32 s28, $0x1;
	[dreg:$0x2] =	wrdreg s2  }
0xa9: {  	[dreg:$0x3] =	wrdreg s4  }
0xaa: {  	[dreg:$0x4] =	wrdreg $0xC0  }
0xab: {  	_ =	task [dreg:s6], $0x5FFFF  }
0xac: {  	[dreg:$0x1] =	wrdreg $0xFFFFFFFF  }
0xad: {  	[dreg:$0x0] =	wrdreg $0x60  }
0xae: {  	[dreg:$0x2] =	wrdreg s24  }
0xaf: {  	[dreg:$0x3] =	wrdreg $0x74000  }
0xb0: {  	[dreg:$0x4] =	wrdreg $0x9  }
0xb1: {  	_ =	task.clear_ibuf [dreg:s6], $0x5FFFF;
	_ =	strace $0x90000046  }
0xb2: {  	s29 =	simm.s32 $0x9;
	_ =	strace $0x80000048  }
0xb3: {  	_ =	swait.ge [sflag:s29], $0x1  }
0xb4: {  	[sflag:s29] =	ssyncadd.s32 $0xFFFFFFFF  }
0xb5: {  	_ =	strace $0x90000048  }
0xb6: {  	_ =	sfence  }
0xb7: {  	s30 =	sld [smem:$0x0];
	_ =	sdelay $0x2  }
0xb8: {  	s31 =	sshll.u32 s1, $0xD;
	s1 =	sshrl.u32 s1, $0x2  }
0xb9: {  	s3 =	sand.u32 $0x4000, s31;
	s1 =	sadd.s32 s1, s30  }
0xba: {  	s0 =	sor.u32 s3, s0;
	s1 =	sshll.u32 s1, $0x11  }
0xbb: {  	s0 =	sor.u32 s1, s0  }
0xbc: {  	s0 =	sadd.s32 $0x8F2B, s0  }
0xbd: {  	[sflag:s0] =	ssyncadd.remote.s32 $0x1  }
0xbe: {  	_ =	sfence.sel $0xFFFF  }
0xbf: {  	[dreg:$0x0] =	wrdreg $0xFFFFFFFF;
	(pc) =	sbr.abs _section_cstart, $3  }
0xc0: {  	[dreg:$0x1] =	wrdreg $0xFFFFFFFF  }
0xc1: {  	_ =	task.clear_ibuf [dreg:s6], $0x2FFFF;
	_ =	strace $0x9FFFFFFF  }
0xc2: {  	(tm) =	ssettm $0x7FFFFFFF  }
0xc3: {  	_ =	shalt  }
tec
execute0_lowered:
.L_overlay_start_1:
0x0: {  	(tag) =	ssettag $0x1  }
0x1: {  	s0 =	rddreg [dreg:$0x0]  }
0x2: {  	s1 =	rddreg [dreg:$0x1]  }
0x3: {  	s2 =	simm.s32 $0x0;
	s5 =	srdreg.scid;
	s17 =	stileid.u32  }
0x4: {  	s15 =	simm.s32 $0x6C00;
	s16 =	simm.s32 $0x3;
	s31 =	simm.s32 $0x1  }
0x5: {  	[smem:$0x7FF] =	sst s2;
	s3 =	sadd.s32 $0x97600, s0;
	s6 =	smul.u32 $0x18600, s17  }
0x6: {  	s4 =	sadd.s32 $0xC8600, s0;
	s7 =	sadd.s32 $0x4A00, s0;
	s11 =	smul.u32 $0x62000, s17  }
0x7: {  	s8 =	sand.u32 $0x1, s5;
	s9 =	sadd.s32 $0x12A600, s0;
	s12 =	smul.u32 $0x30C0, s17  }
0x8: {  	s0 =	sadd.s32 $0x15B600, s0;
	s13 =	smul.u32 $0x18800, s17;
	s23 =	sshll.u32 s17, $0x4  }
0x9: {  	_ =	strace $0x80000047;
	s5 =	ssub.s32 $0x2, s8;
	p0 =	seq.s32 s8, $0x0  }
0xa: {  	s10 =	sshrl.u32 s5, $0x1;
	s18 =	sshrl.u32 s6, $0x3;
	s19 =	sshrl.u32 s11, $0x2  }
0xb: {  	s21 =	sadd.s32 s7, s12;
	s22 =	sshrl.u32 s13, $0x3;
	s24 =	sadd.s32 s13, s1  }
0xc: {  	s4 =	smov.u32 @p0 s3;
	s0 =	smov.u32 @p0 s9;
	s9 =	simm.s32 $0x600  }
0xd: {  	p0 =	sgt.u32 s17, $0x3;
	s0 =	sadd.s32 s0, s22;
	[dreg:$0x3] =	wrdreg s21  }
0xe: {  	s20 =	sadd.s32 s7, s18;
	s30 =	sshrl.u32 s24, $0x3;
	[dreg:$0xa] =	wrdreg s0  }
0xf: {  	s10 =	ssub.s32 s5, s10;
	s11 =	sadd.s32 $0x30D40, s20;
	[dreg:$0xb] =	wrdreg s30  }
0x10: {  	s7 =	sadd.s32 s7, s23;
	s10 =	smax.u32 s10, $0x1;
	[dreg:$0x4] =	wrdreg s11  }
0x11: {  	s5 =	sadd.s32 s19, s1;
	s25 =	sadd.s32 $0x30C00, s7;
	[dreg:$0x5] =	wrdreg s10  }
0x12: {  	s22 =	sadd.s32 $0x30DA0, s21;
	s26 =	sadd.s32 $0x61940, s7;
	[dreg:$0x6] =	wrdreg s25  }
0x13: {  	s18 =	simm.s32 $0x80;
	s28 =	sadd.s32 $0x30D00, s7;
	[dreg:$0x7] =	wrdreg s26  }
0x14: {  	s19 =	simm.s32 $0xC00;
	s29 =	sadd.s32 $0x61A40, s7;
	[dreg:$0x8] =	wrdreg s28  }
0x15: {  	v0 =	vimm.f32 $0.0e+00;
	s0 =	simm.s32 $0x2;
	s20 =	simm.s32 $0x0;
	[dreg:$0x9] =	wrdreg s29  }
.LBB2_1:
0x16: {  	s3 =	simm.s32 $0x0  }
.LBB2_2:
0x17: {  	p1 =	sne.s32 s3, $0x1FC0  }
.Ltmp0:
0x18: {  	_ = 	snop;
	(pc) =	sbr.rel @p1 .LBB2_2-.Ltmp0, $3  }
0x19: {  	_ =	sdelay $0x1  }
0x1a: {  	s7 =	sshra.s32 s3, $0x2  }
0x1b: {  	s3 =	sadd.s32 $0x40, s3;
	[tilespmem:s7+$0x6C00] =	vst v0  }
0x1c: {  	s3 =	sadd.s32 $0x0, s5  }
0x1d: {  	[spmem:s3] =	stream.linear.scatter [tilespmem:s15], [sflag:$0x3], $0x800, $0x38;
	[tilespmem:$0x1FC00] =	vst v63  }
0x1e: {  	s3 =	simm.s32 $0x2000;
	_ =	swait.ge [sflag:s16], $0x800  }
.LBB2_4:
0x1f: {  	s7 =	sshra.s32 s3, $0x2;
	[sflag:s16] =	ssyncset.done $0x0;
	p1 =	sne.s32 s3, $0x60000  }
.Ltmp1:
0x20: {  	s7 =	sadd.s32 s7, s5;
	[sflag:s16] =	ssyncadd.s32 $0xFFFFF800;
	(pc) =	sbr.rel @p1 .LBB2_4-.Ltmp1, $3  }
0x21: {  	[spmem:s7] =	stream.linear.scatter [tilespmem:s15], [sflag:$0x3], $0x800, $0x38;
	[tilespmem:$0x1FC00] =	vst v63  }
0x22: {  	s3 =	sadd.s32 $0x2000, s3;
	_ =	sdelay $0x1  }
0x23: {  	_ =	swait.ge [sflag:s16], $0x800  }
0x24: {  	[sflag:s16] =	ssyncset.done $0x0  }
0x25: {  	[sflag:s16] =	ssyncadd.s32 $0xFFFFF800  }
0x26: {  	[bflag:$0x0] =	sbarrier.arrive $0xFFFF  }
0x27: {  	s3 =	simm.s32 $0x0;
	s2 =	rddreg [dreg:$0x3]  }
0x28: {  	[tilespmem:s3], [sflag:$0x3] =	stream.linear.gather [hbm4b:s2+s3], $0x300, $0x38;
	[tilespmem:$0x1FC00] =	vst v63  }
0x29: {  	_ =	swait.ge [sflag:s16], $0x300  }
0x2a: {  	[sflag:s16] =	ssyncset.done $0x0  }
0x2b: {  	s28 =	rddreg [dreg:$0x4];
	[sflag:s16] =	ssyncadd.s32 $0xFFFFFD00  }
0x2c: {  	[tilespmem:s9], [sflag:$0x3] =	stream.linear.gather [hbm4b:s28+s3], $0x300, $0x38;
	[tilespmem:$0x1FC00] =	vst v63  }
0x2d: {  	_ =	swait.ge [sflag:s16], $0x300  }
0x2e: {  	[sflag:s16] =	ssyncset.done $0x0  }
0x2f: {  	[sflag:s16] =	ssyncadd.s32 $0xFFFFFD00  }
0x30: {  	[tilespmem:s19], [sflag:$0x1] =	stream.indirect.gather [hbm4b:s4+s18], $0x10, s3, s18, $0xb8;
	[tilespmem:$0x1FC00] =	vst v63  }
0x31: {  	s29 =	simm.s32 $0x1400  }
0x32: {  	[tilespmem:s29], [sflag:$0x1] =	stream.indirect.gather [hbm4b:s4+s18], $0x10, s18, s18, $0xb8;
	[tilespmem:$0x1FC00] =	vst v63  }
0x33: {  	s30 =	simm.s32 $0x100;
	s6 =	simm.s32 $0x1C00;
	s7 =	simm.s32 $0x2400  }
0x34: {  	[tilespmem:s6], [sflag:$0x1] =	stream.indirect.gather [hbm4b:s4+s18], $0x10, s30, s18, $0xb8;
	[tilespmem:$0x1FC00] =	vst v63  }
0x35: {  	s8 =	simm.s32 $0x200;
	s21 =	simm.s32 $0x1;
	s6 =	simm.s32 $0x180  }
0x36: {  	[tilespmem:s7], [sflag:$0x1] =	stream.indirect.gather [hbm4b:s4+s18], $0x10, s6, s18, $0xb8;
	[tilespmem:$0x1FC00] =	vst v63  }
0x37: {  	p1 =	por $0x0, $0x0;
	s9 =	simm.s32 $0x2C00;
	s7 =	sand.u32 $0x1, s21  }
0x38: {  	[tilespmem:s9], [sflag:$0x1] =	stream.indirect.gather [hbm4b:s4+s18], $0x10, s8, s18, $0xb8;
	[tilespmem:$0x1FC00] =	vst v63  }
0x39: {  	s10 =	simm.s32 $0x280;
	s11 =	simm.s32 $0x3400;
	s8 =	smul.u32 @!p1 $0x300, s7  }
0x3a: {  	[tilespmem:s11], [sflag:$0x1] =	stream.indirect.gather [hbm4b:s4+s18], $0x10, s10, s18, $0xb8;
	[tilespmem:$0x1FC00] =	vst v63  }
0x3b: {  	s9 =	simm.s32 @!p1 $0x3;
	s10 =	sadd.s32 @!p1 $0xFFFCF2C0, s22;
	s11 =	simm.s32 @!p1 $0x0  }
0x3c: {  	[tilespmem:s8], [sflag:$0x3] =	stream.linear.gather @!p1 [hbm4b:s10+s11], $0x300, $0x38;
	[tilespmem:$0x1FC00] =	vst v63  }
0x3d: {  	_ =	swait.ge @!p1 [sflag:s9], $0x300  }
0x3e: {  	[sflag:s9] =	ssyncset.done @!p1 $0x0  }
0x3f: {  	s8 =	sadd.s32 @!p1 $0x600, s8;
	[sflag:s9] =	ssyncadd.s32 @!p1 $0xFFFFFD00  }
0x40: {  	[tilespmem:s8], [sflag:$0x3] =	stream.linear.gather @!p1 [hbm4b:s22+s11], $0x300, $0x38;
	[tilespmem:$0x1FC00] =	vst v63  }
0x41: {  	_ =	swait.ge @!p1 [sflag:s9], $0x300  }
0x42: {  	[sflag:s9] =	ssyncset.done @!p1 $0x0  }
0x43: {  	[sflag:s9] =	ssyncadd.s32 @!p1 $0xFFFFFD00  }
0x44: {  	_ =	swait.ge [sflag:s31], $0x800  }
0x45: {  	[sflag:s31] =	ssyncset.done $0x0  }
0x46: {  	[sflag:s31] =	ssyncadd.s32 $0xFFFFF800  }
0x47: {  	_ =	swait.ge [sflag:s31], $0x800  }
0x48: {  	[sflag:s31] =	ssyncset.done $0x0  }
0x49: {  	[sflag:s31] =	ssyncadd.s32 $0xFFFFF800  }
0x4a: {  	_ =	swait.ge [sflag:s31], $0x800  }
0x4b: {  	[sflag:s31] =	ssyncset.done $0x0  }
0x4c: {  	[sflag:s31] =	ssyncadd.s32 $0xFFFFF800  }
0x4d: {  	_ =	swait.ge [sflag:s31], $0x800  }
0x4e: {  	[sflag:s31] =	ssyncset.done $0x0  }
0x4f: {  	[sflag:s31] =	ssyncadd.s32 $0xFFFFF800  }
0x50: {  	s3 =	sand.u32 $0x1, s3;
	_ =	swait.ge [sflag:s31], $0x800  }
0x51: {  	s12 =	smul.u32 $0xC000, s3;
	[sflag:s31] =	ssyncset.done $0x0  }
0x52: {  	s3 =	smul.u32 $0xC00, s3;
	[sflag:s31] =	ssyncadd.s32 $0xFFFFF800  }
0x53: {  	_ =	swait.ge [sflag:s31], $0x800  }
0x54: {  	s3 =	sshrl.u32 s3, $0x2;
	s8 =	sshrl.u32 s12, $0x2;
	[sflag:s31] =	ssyncset.done $0x0  }
0x55: {  	s14 =	sadd.s32 $0x600, s3;
	s13 =	sor.u32 $0xC00, s8;
	[sflag:s31] =	ssyncadd.s32 $0xFFFFF800  }
0x56: {  	[spmem:s1] =	stream.indirect.scatter.add.f32 [tilespmem:s13], [sflag:$0x2], $0x10, s14, s18, $0xb8;
	[tilespmem:$0x1FC00] =	vst v63  }
0x57: {  	s17 =	sadd.s32 $0x680, s3;
	s23 =	sadd.s32 $0x1400, s8  }
0x58: {  	[spmem:s1] =	stream.indirect.scatter.add.f32 [tilespmem:s23], [sflag:$0x2], $0x10, s17, s18, $0xb8;
	[tilespmem:$0x1FC00] =	vst v63  }
0x59: {  	s25 =	sadd.s32 $0x700, s3;
	s24 =	sadd.s32 $0x1C00, s8  }
0x5a: {  	[spmem:s1] =	stream.indirect.scatter.add.f32 [tilespmem:s24], [sflag:$0x2], $0x10, s25, s18, $0xb8;
	[tilespmem:$0x1FC00] =	vst v63  }
0x5b: {  	s28 =	sadd.s32 $0x780, s3;
	s30 =	sor.u32 $0x800, s3;
	s26 =	sadd.s32 $0x2400, s8  }
0x5c: {  	[spmem:s1] =	stream.indirect.scatter.add.f32 [tilespmem:s26], [sflag:$0x2], $0x10, s28, s18, $0xb8;
	[tilespmem:$0x1FC00] =	vst v63  }
0x5d: {  	s3 =	sor.u32 $0x880, s3;
	s29 =	sadd.s32 $0x2C00, s8;
	s9 =	smul.u32 @!p1 $0xC000, s7  }
0x5e: {  	[spmem:s1] =	stream.indirect.scatter.add.f32 [tilespmem:s29], [sflag:$0x2], $0x10, s30, s18, $0xb8;
	[tilespmem:$0x1FC00] =	vst v63  }
0x5f: {  	s8 =	sadd.s32 $0x3400, s8;
	s7 =	smul.u32 @!p1 $0xC00, s7;
	s9 =	sshrl.u32 @!p1 s9, $0x2  }
0x60: {  	[spmem:s1] =	stream.indirect.scatter.add.f32 [tilespmem:s8], [sflag:$0x2], $0x10, s3, s18, $0xb8;
	[tilespmem:$0x1FC00] =	vst v63  }
0x61: {  	s7 =	sshrl.u32 @!p1 s7, $0x2;
	s3 =	sor.u32 @!p1 $0xC00, s9;
	s8 =	simm.s32 @!p1 $0x80  }
0x62: {  	[tilespmem:s3], [sflag:$0x1] =	stream.indirect.gather @!p1 [hbm4b:s4+s8], $0x10, s7, s8, $0xb8;
	[tilespmem:$0x1FC00] =	vst v63  }
0x63: {  	s10 =	sor.u32 @!p1 $0x80, s7;
	s3 =	sadd.s32 @!p1 $0x1400, s9  }
0x64: {  	[tilespmem:s3], [sflag:$0x1] =	stream.indirect.gather @!p1 [hbm4b:s4+s8], $0x10, s10, s8, $0xb8;
	[tilespmem:$0x1FC00] =	vst v63  }
0x65: {  	s3 =	sadd.s32 @!p1 $0x1C00, s9;
	s10 =	sadd.s32 @!p1 $0x100, s7  }
0x66: {  	[tilespmem:s3], [sflag:$0x1] =	stream.indirect.gather @!p1 [hbm4b:s4+s8], $0x10, s10, s8, $0xb8;
	[tilespmem:$0x1FC00] =	vst v63  }
0x67: {  	s3 =	sadd.s32 @!p1 $0x2400, s9;
	s10 =	sadd.s32 @!p1 $0x180, s7  }
0x68: {  	[tilespmem:s3], [sflag:$0x1] =	stream.indirect.gather @!p1 [hbm4b:s4+s8], $0x10, s10, s8, $0xb8;
	[tilespmem:$0x1FC00] =	vst v63  }
0x69: {  	s3 =	sadd.s32 @!p1 $0x2C00, s9;
	s10 =	sadd.s32 @!p1 $0x200, s7  }
0x6a: {  	[tilespmem:s3], [sflag:$0x1] =	stream.indirect.gather @!p1 [hbm4b:s4+s8], $0x10, s10, s8, $0xb8;
	[tilespmem:$0x1FC00] =	vst v63  }
0x6b: {  	s7 =	sadd.s32 @!p1 $0x280, s7;
	s3 =	sadd.s32 @!p1 $0x3400, s9  }
0x6c: {  	[tilespmem:s3], [sflag:$0x1] =	stream.indirect.gather @!p1 [hbm4b:s4+s8], $0x10, s7, s8, $0xb8;
	[tilespmem:$0x1FC00] =	vst v63  }
0x6d: {  	_ =	swait.ge [sflag:s0], $0x800  }
0x6e: {  	[sflag:s0] =	ssyncset.done $0x0  }
0x6f: {  	[sflag:s0] =	ssyncadd.s32 $0xFFFFF800  }
0x70: {  	_ =	swait.ge [sflag:s0], $0x800  }
0x71: {  	[sflag:s0] =	ssyncset.done $0x0  }
0x72: {  	[sflag:s0] =	ssyncadd.s32 $0xFFFFF800  }
0x73: {  	_ =	swait.ge [sflag:s0], $0x800  }
0x74: {  	[sflag:s0] =	ssyncset.done $0x0  }
0x75: {  	[sflag:s0] =	ssyncadd.s32 $0xFFFFF800  }
0x76: {  	_ =	swait.ge [sflag:s0], $0x800  }
0x77: {  	[sflag:s0] =	ssyncset.done $0x0  }
0x78: {  	[sflag:s0] =	ssyncadd.s32 $0xFFFFF800  }
0x79: {  	s14 =	smov.u32 s22;
	_ =	swait.ge [sflag:s0], $0x800  }
.LBB2_6:
0x7a: {  	[sflag:s0] =	ssyncset.done $0x0  }
0x7b: {  	s14 =	sadd.s32 $0x60, s14;
	s12 =	smov.u32 s21;
	s21 =	sadd.s32 $0x1, s21  }
0x7c: {  	s3 =	sand.u32 $0x1, s21;
	p1 =	seq.s32 s12, $0x81;
	[sflag:s0] =	ssyncadd.s32 $0xFFFFF800  }
0x7d: {  	s7 =	smul.u32 @!p1 $0x300, s3;
	s9 =	simm.s32 @!p1 $0x3;
	_ =	swait.ge [sflag:s0], $0x800  }
0x7e: {  	s8 =	sadd.s32 @!p1 $0xFFFCF2C0, s14;
	s10 =	simm.s32 @!p1 $0x0;
	[sflag:s0] =	ssyncset.done $0x0  }
0x7f: {  	s23 =	smul.u32 @!p1 $0xC000, s3;
	s11 =	sadd.s32 @!p1 $0x600, s7;
	[sflag:s0] =	ssyncadd.s32 $0xFFFFF800  }
0x80: {  	[tilespmem:s7], [sflag:$0x3] =	stream.linear.gather @!p1 [hbm4b:s8+s10], $0x300, $0x38;
	[tilespmem:$0x1FC00] =	vst v63  }
0x81: {  	s3 =	smul.u32 @!p1 $0xC00, s3;
	s6 =	sshrl.u32 @!p1 s23, $0x2;
	_ =	swait.ge @!p1 [sflag:s9], $0x300  }
0x82: {  	s26 =	sor.u32 @!p1 $0xC00, s6;
	s23 =	sadd.s32 @!p1 $0x1400, s6;
	[sflag:s9] =	ssyncset.done @!p1 $0x0  }
0x83: {  	s28 =	sshrl.u32 @!p1 s3, $0x2;
	s24 =	sadd.s32 @!p1 $0x1C00, s6;
	[sflag:s9] =	ssyncadd.s32 @!p1 $0xFFFFFD00  }
0x84: {  	[tilespmem:s11], [sflag:$0x3] =	stream.linear.gather @!p1 [hbm4b:s14+s10], $0x300, $0x38;
	[tilespmem:$0x1FC00] =	vst v63  }
0x85: {  	s8 =	sor.u32 @!p1 $0x80, s28;
	s29 =	sadd.s32 @!p1 $0x100, s28;
	_ =	swait.ge @!p1 [sflag:s9], $0x300  }
0x86: {  	s30 =	sadd.s32 @!p1 $0x2400, s6;
	s3 =	sadd.s32 @!p1 $0x180, s28;
	[sflag:s9] =	ssyncset.done @!p1 $0x0  }
0x87: {  	s7 =	sadd.s32 @!p1 $0x2C00, s6;
	[sflag:s9] =	ssyncadd.s32 @!p1 $0xFFFFFD00;
	s9 =	sadd.s32 @!p1 $0x200, s28  }
0x88: {  	s10 =	sadd.s32 @!p1 $0x3400, s6;
	s11 =	sadd.s32 @!p1 $0x280, s28;
	_ =	swait.ge [sflag:s31], $0x800  }
0x89: {  	p2 =	sne.s32 s21, $0x82;
	[sflag:s31] =	ssyncset.done $0x0  }
0x8a: {  	[sflag:s31] =	ssyncadd.s32 $0xFFFFF800  }
0x8b: {  	_ =	swait.ge [sflag:s31], $0x800  }
0x8c: {  	[sflag:s31] =	ssyncset.done $0x0  }
0x8d: {  	[sflag:s31] =	ssyncadd.s32 $0xFFFFF800  }
0x8e: {  	_ =	swait.ge [sflag:s31], $0x800  }
0x8f: {  	[sflag:s31] =	ssyncset.done $0x0  }
0x90: {  	[sflag:s31] =	ssyncadd.s32 $0xFFFFF800  }
0x91: {  	_ =	swait.ge [sflag:s31], $0x800  }
0x92: {  	[sflag:s31] =	ssyncset.done $0x0  }
0x93: {  	[sflag:s31] =	ssyncadd.s32 $0xFFFFF800  }
0x94: {  	s6 =	sand.u32 $0x1, s12;
	_ =	swait.ge [sflag:s31], $0x800  }
0x95: {  	s12 =	smul.u32 $0xC000, s6;
	[sflag:s31] =	ssyncset.done $0x0  }
0x96: {  	s6 =	smul.u32 $0xC00, s6;
	[sflag:s31] =	ssyncadd.s32 $0xFFFFF800  }
0x97: {  	s12 =	sshrl.u32 s12, $0x2;
	_ =	swait.ge [sflag:s31], $0x800  }
0x98: {  	s6 =	sshrl.u32 s6, $0x2;
	s13 =	sor.u32 $0xC00, s12;
	[sflag:s31] =	ssyncset.done $0x0  }
0x99: {  	s25 =	sadd.s32 $0x600, s6;
	s2 =	sadd.s32 $0x680, s6;
	[sflag:s31] =	ssyncadd.s32 $0xFFFFF800  }
0x9a: {  	[spmem:s1] =	stream.indirect.scatter.add.f32 [tilespmem:s13], [sflag:$0x2], $0x10, s25, s18, $0xb8;
	[tilespmem:$0x1FC00] =	vst v63  }
0x9b: {  	s17 =	sadd.s32 $0x700, s6;
	s13 =	sadd.s32 $0x1400, s12;
	s25 =	sadd.s32 $0x1C00, s12  }
0x9c: {  	[spmem:s1] =	stream.indirect.scatter.add.f32 [tilespmem:s13], [sflag:$0x2], $0x10, s2, s18, $0xb8;
	[tilespmem:$0x1FC00] =	vst v63  }
0x9d: {  	s2 =	sadd.s32 $0x2400, s12;
	s13 =	sadd.s32 $0x780, s6  }
0x9e: {  	[spmem:s1] =	stream.indirect.scatter.add.f32 [tilespmem:s25], [sflag:$0x2], $0x10, s17, s18, $0xb8;
	[tilespmem:$0x1FC00] =	vst v63  }
0x9f: {  	s17 =	sadd.s32 $0x2C00, s12;
	s25 =	sor.u32 $0x800, s6  }
0xa0: {  	[spmem:s1] =	stream.indirect.scatter.add.f32 [tilespmem:s2], [sflag:$0x2], $0x10, s13, s18, $0xb8;
	[tilespmem:$0x1FC00] =	vst v63  }
0xa1: {  	s6 =	sor.u32 $0x880, s6;
	s2 =	sadd.s32 $0x3400, s12  }
0xa2: {  	[spmem:s1] =	stream.indirect.scatter.add.f32 [tilespmem:s17], [sflag:$0x2], $0x10, s25, s18, $0xb8;
	[tilespmem:$0x1FC00] =	vst v63  }
0xa3: {  	s12 =	simm.s32 @!p1 $0x80  }
0xa4: {  	[spmem:s1] =	stream.indirect.scatter.add.f32 [tilespmem:s2], [sflag:$0x2], $0x10, s6, s18, $0xb8;
	[tilespmem:$0x1FC00] =	vst v63  }
0xa5: {  	_ = 	snop  }
0xa6: {  	[tilespmem:s26], [sflag:$0x1] =	stream.indirect.gather @!p1 [hbm4b:s4+s12], $0x10, s28, s12, $0xb8;
	[tilespmem:$0x1FC00] =	vst v63  }
0xa7: {  	_ = 	snop  }
0xa8: {  	[tilespmem:s23], [sflag:$0x1] =	stream.indirect.gather @!p1 [hbm4b:s4+s12], $0x10, s8, s12, $0xb8;
	[tilespmem:$0x1FC00] =	vst v63  }
0xa9: {  	_ = 	snop  }
0xaa: {  	[tilespmem:s24], [sflag:$0x1] =	stream.indirect.gather @!p1 [hbm4b:s4+s12], $0x10, s29, s12, $0xb8;
	[tilespmem:$0x1FC00] =	vst v63  }
0xab: {  	_ = 	snop  }
0xac: {  	[tilespmem:s30], [sflag:$0x1] =	stream.indirect.gather @!p1 [hbm4b:s4+s12], $0x10, s3, s12, $0xb8;
	[tilespmem:$0x1FC00] =	vst v63  }
0xad: {  	_ = 	snop  }
0xae: {  	[tilespmem:s7], [sflag:$0x1] =	stream.indirect.gather @!p1 [hbm4b:s4+s12], $0x10, s9, s12, $0xb8;
	[tilespmem:$0x1FC00] =	vst v63  }
0xaf: {  	_ = 	snop  }
0xb0: {  	[tilespmem:s10], [sflag:$0x1] =	stream.indirect.gather @!p1 [hbm4b:s4+s12], $0x10, s11, s12, $0xb8;
	[tilespmem:$0x1FC00] =	vst v63  }
0xb1: {  	_ =	swait.ge [sflag:s0], $0x800  }
0xb2: {  	[sflag:s0] =	ssyncset.done $0x0  }
0xb3: {  	[sflag:s0] =	ssyncadd.s32 $0xFFFFF800  }
0xb4: {  	_ =	swait.ge [sflag:s0], $0x800  }
0xb5: {  	[sflag:s0] =	ssyncset.done $0x0  }
0xb6: {  	[sflag:s0] =	ssyncadd.s32 $0xFFFFF800  }
0xb7: {  	_ =	swait.ge [sflag:s0], $0x800  }
0xb8: {  	[sflag:s0] =	ssyncset.done $0x0  }
.Ltmp2:
0xb9: {  	[sflag:s0] =	ssyncadd.s32 $0xFFFFF800;
	(pc) =	sbr.rel @p2 .LBB2_6-.Ltmp2, $4  }
0xba: {  	_ =	swait.ge [sflag:s0], $0x800  }
0xbb: {  	[sflag:s0] =	ssyncset.done $0x0  }
0xbc: {  	[sflag:s0] =	ssyncadd.s32 $0xFFFFF800  }
0xbd: {  	_ =	swait.ge [sflag:s0], $0x800  }
0xbe: {  	[sflag:s0] =	ssyncset.done $0x0  }
0xbf: {  	[sflag:s0] =	ssyncadd.s32 $0xFFFFF800  }
0xc0: {  	_ =	swait.ge [sflag:s0], $0x800  }
0xc1: {  	[sflag:s0] =	ssyncset.done $0x0  }
0xc2: {  	s2 =	simm.s32 $0x0;
	s3 =	rddreg [dreg:$0x6];
	[sflag:s0] =	ssyncadd.s32 $0xFFFFF800  }
0xc3: {  	[tilespmem:s2], [sflag:$0x3] =	stream.linear.gather [hbm4b:s3+s2], $0x80, $0x38;
	[tilespmem:$0x1FC00] =	vst v63  }
0xc4: {  	_ =	swait.ge [sflag:s16], $0x80  }
0xc5: {  	[sflag:s16] =	ssyncset.done $0x0  }
0xc6: {  	s9 =	simm.s32 $0x600;
	s25 =	rddreg [dreg:$0x7];
	[sflag:s16] =	ssyncadd.s32 $0xFFFFFF80  }
0xc7: {  	[tilespmem:s9], [sflag:$0x3] =	stream.linear.gather [hbm4b:s25+s2], $0x80, $0x38;
	[tilespmem:$0x1FC00] =	vst v63  }
0xc8: {  	_ =	swait.ge [sflag:s16], $0x80  }
0xc9: {  	[sflag:s16] =	ssyncset.done $0x0  }
0xca: {  	[sflag:s16] =	ssyncadd.s32 $0xFFFFFF80  }
0xcb: {  	[tilespmem:s19], [sflag:$0x1] =	stream.indirect.gather [hbm4b:s4+s18], $0x10, s2, s18, $0xb8;
	[tilespmem:$0x1FC00] =	vst v63  }
0xcc: {  	_ =	swait.ge [sflag:s31], $0x800  }
0xcd: {  	[sflag:s31] =	ssyncset.done $0x0  }
0xce: {  	[sflag:s31] =	ssyncadd.s32 $0xFFFFF800  }
0xcf: {  	[spmem:s1] =	stream.indirect.scatter.add.f32 [tilespmem:s19], [sflag:$0x3], $0x10, s9, s18, $0xb8;
	[tilespmem:$0x1FC00] =	vst v63  }
0xd0: {  	_ =	swait.ge [sflag:s16], $0x800  }
0xd1: {  	[sflag:s16] =	ssyncset.done $0x0  }
0xd2: {  	s2 =	simm.s32 @!p0 $0x0;
	s3 =	rddreg [dreg:$0x8];
	[sflag:s16] =	ssyncadd.s32 $0xFFFFF800  }
0xd3: {  	[tilespmem:s2], [sflag:$0x3] =	stream.linear.gather @!p0 [hbm4b:s3+s2], $0x80, $0x38;
	[tilespmem:$0x1FC00] =	vst v63  }
0xd4: {  	s3 =	simm.s32 @!p0 $0x3  }
0xd5: {  	_ =	swait.ge @!p0 [sflag:s3], $0x80  }
0xd6: {  	[sflag:s3] =	ssyncset.done @!p0 $0x0  }
0xd7: {  	s6 =	simm.s32 @!p0 $0x600;
	s7 =	rddreg [dreg:$0x9];
	[sflag:s3] =	ssyncadd.s32 @!p0 $0xFFFFFF80  }
0xd8: {  	[tilespmem:s6], [sflag:$0x3] =	stream.linear.gather @!p0 [hbm4b:s7+s2], $0x80, $0x38;
	[tilespmem:$0x1FC00] =	vst v63  }
0xd9: {  	_ =	swait.ge @!p0 [sflag:s3], $0x80  }
0xda: {  	[sflag:s3] =	ssyncset.done @!p0 $0x0  }
0xdb: {  	s8 =	simm.s32 @!p0 $0xC00;
	s7 =	simm.s32 @!p0 $0x80;
	[sflag:s3] =	ssyncadd.s32 @!p0 $0xFFFFFF80  }
0xdc: {  	[tilespmem:s8], [sflag:$0x1] =	stream.indirect.gather @!p0 [hbm4b:s4+s7], $0x10, s2, s7, $0xb8;
	[tilespmem:$0x1FC00] =	vst v63  }
0xdd: {  	s2 =	simm.s32 @!p0 $0x1  }
0xde: {  	_ =	swait.ge @!p0 [sflag:s2], $0x800  }
0xdf: {  	[sflag:s2] =	ssyncset.done @!p0 $0x0  }
0xe0: {  	[sflag:s2] =	ssyncadd.s32 @!p0 $0xFFFFF800  }
0xe1: {  	[spmem:s1] =	stream.indirect.scatter.add.f32 @!p0 [tilespmem:s8], [sflag:$0x3], $0x10, s6, s7, $0xb8;
	[tilespmem:$0x1FC00] =	vst v63  }
0xe2: {  	_ =	swait.ge @!p0 [sflag:s3], $0x800  }
0xe3: {  	[sflag:s3] =	ssyncset.done @!p0 $0x0  }
0xe4: {  	[sflag:s3] =	ssyncadd.s32 @!p0 $0xFFFFF800  }
0xe5: {  	s26 =	stileid.u32;
	[bflag:$0x0] =	sbarrier.arrive $0xFFFF  }
0xe6: {  	s2 =	sshll.u32 s26, $0x6;
	s28 =	rddreg [dreg:$0xa]  }
0xe7: {  	s2 =	sor.u32 $0x1C03, s2;
	s29 =	rddreg [dreg:$0xb]  }
0xe8: {  	[hbm:s28], [sflag:s2] =	dma.local [spmem:s29], $0x3100  }
0xe9: {  	_ =	swait.ge [sflag:s16], $0x3100  }
0xea: {  	s20 =	sadd.s32 $0x1, s20;
	s30 =	rddreg [dreg:$0x5]  }
0xeb: {  	p1 =	sne.s32 s20, s30  }
.Ltmp3:
0xec: {  	_ = 	snop;
	(pc) =	sbr.rel @p1 .LBB2_1-.Ltmp3, $3  }
0xed: {  	_ =	sdelay $0x1  }
0xee: {  	[sflag:s16] =	ssyncset.done $0x0  }
0xef: {  	[sflag:s16] =	ssyncadd.s32 $0xFFFFCF00  }
0xf0: {  	_ =	sfence.sel $0x180000  }
0xf1: {  	[bflag:$0x0] =	sbarrier.arrive $0xFFFF  }
0xf2: {  	_ =	strace $0x90000047  }
0xf3: {  	s0 =	stileid.u32;
	[bflag:$0x2] =	sbarrier.arrive $0xFFFF  }
0xf4: {  	p0 =	sne.s32 s0, $0x0;
	s0 =	rddreg [dreg:$0x2]  }
0xf5: {  	s0 =	sadd.s32 @!p0 $0x100000, s0  }
0xf6: {  	[sflag:s0] =	ssyncadd.tile.s32 @!p0 $0x1;
	_ =	shalt  }
.Lfunc_end2:
_tile_overlayer_lowered:
.L_overlay_start_2:
0xf7: {  	(tag) =	ssettag $0x2  }
0xf8: {  	s0 =	rddreg [dreg:$0x0];
	s2 =	stileid.u32  }
0xf9: {  	s1 =	rddreg [dreg:$0x1];
	p0 =	sne.s32 s2, $0x0  }
0xfa: {  	s3 =	rddreg [dreg:$0x2];
	[bflag:$0x3] =	sbarrier.arrive $0xFFFF;
	s2 =	simm.s32 @!p0 $0x1C03  }
0xfb: {  	[timem:s3], [sflag:s2] =	dma.local @!p0 [hbm:s0], s1  }
0xfc: {  	s0 =	simm.s32 @!p0 $0x3  }
0xfd: {  	_ =	swait.ge @!p0 [sflag:s0], s1  }
0xfe: {  	s1 =	ssub.s32 @!p0 $0x0, s1;
	[sflag:s0] =	ssyncset.done @!p0 $0x0  }
0xff: {  	[sflag:s0] =	ssyncadd.s32 @!p0 s1  }
0x100: {  	[bflag:$0x3] =	sbarrier.arrive $0xFFFF  }
0x101: {  	_ =	shalt  }

</sc_bundles>
